<compile_context>
chip_gen: v7x
topology: tpu7x:2x2x1
jax: 0.10.2.dev20260603
libtpu: 0.0.44.dev20260713+nightly
codegen_flags: <defaults>
</compile_context>

<pallas_src>
import functools

import jax
import jax.numpy as jnp
from jax import lax
from jax.experimental import pallas as pl
from jax.experimental.pallas import tpu as pltpu
from jax.experimental.pallas import tpu_sc as plsc

N = 10000
H, C = 4, 64
HC = H * C
L = 16
NW = 32
NPW = 320
NPAD = NW * NPW
EB = 64
PTRP = NPAD + 16



def _lane_sum(v):
    lane = lax.iota(jnp.int32, L)
    for sh in (8, 4, 2, 1):
        v = v + jnp.take_along_axis(v, lane ^ sh, axis=0,
                                    mode="promise_in_bounds")
    return v


def _sc_gat_body(xl_hbm, xr_hbm, src_hbm, dst_hbm, ptr_hbm, att_hbm, bias_hbm,
                 out_hbm, ptr_v, att_v, bias_v, srcv, dstv, dsts, xjb, xib,
                 outb, sb, sem1, sem2):
    wid = lax.axis_index("s") * 2 + lax.axis_index("c")
    base = wid * NPW

    pltpu.sync_copy(ptr_hbm.at[pl.ds(base, NPW + 16)], ptr_v)
    pltpu.sync_copy(att_hbm, att_v)
    pltpu.sync_copy(bias_hbm, bias_v)

    zero = jnp.zeros((L,), jnp.float32)

    def zbody(n, _):
        for j in range(HC // L):
            outb[n, pl.ds(L * j, L)] = zero
        sb[pl.ds(n * L, L)] = zero
        return 0

    lax.fori_loop(0, NPW, zbody, 0)

    e0 = ptr_v[pl.ds(0, L)][0]
    e1 = ptr_v[pl.ds(NPW, L)][0]
    estart = (e0 // EB) * EB
    nblk = (e1 - estart + EB - 1) // EB

    def blk(b, _):
        off = estart + b * EB
        pltpu.sync_copy(src_hbm.at[pl.ds(off, EB)], srcv)
        pltpu.sync_copy(dst_hbm.at[pl.ds(off, EB)], dstv)
        pltpu.sync_copy(dst_hbm.at[pl.ds(off, EB)], dsts.at[pl.ds(0, EB)])
        cp1 = pltpu.async_copy(xl_hbm.at[srcv], xjb, sem1)
        cp2 = pltpu.async_copy(xr_hbm.at[dstv], xib, sem2)
        cp1.wait()
        cp2.wait()

        def edge(e, _):
            eg = off + e

            @pl.when(jnp.logical_and(eg >= e0, eg < e1))
            def _():
                nloc = dsts[pl.ds(e, L)][0] - base
                xjs = [xjb[e, pl.ds(L * j, L)] for j in range(HC // L)]
                ws = []
                for j in range(HC // L):
                    t = xib[e, pl.ds(L * j, L)] + xjs[j]
                    lr = jnp.where(t >= 0.0, t, t * 0.2)
                    ws.append(lr * att_v[pl.ds(L * j, L)])
                ps = []
                for h in range(H):
                    hs = (ws[4 * h] + ws[4 * h + 1]) + (ws[4 * h + 2] + ws[4 * h + 3])
                    ps.append(jnp.exp(_lane_sum(hs)))
                for j in range(HC // L):
                    plsc.addupdate(outb.at[nloc, pl.ds(L * j, L)], ps[j // 4] * xjs[j])
                lane = lax.iota(jnp.int32, L)
                psel = jnp.where(lane < 4, ps[0],
                                 jnp.where(lane < 8, ps[1],
                                           jnp.where(lane < 12, ps[2], ps[3])))
                plsc.addupdate(sb.at[pl.ds(nloc * L, L)], psel)

            return 0

        lax.fori_loop(0, EB, edge, 0)
        return 0

    lax.fori_loop(0, nblk, blk, 0)

    def fin(n, _):
        srow = sb[pl.ds(n * L, L)]
        for h in range(H):
            inv = 1.0 / (jnp.full((L,), srow[4 * h], jnp.float32) + 1e-16)
            for j in range(4):
                c = 4 * h + j
                t = outb[n, pl.ds(L * c, L)] * inv + bias_v[pl.ds(L * c, L)]
                outb[n, pl.ds(L * c, L)] = jnp.where(t > 0.0, t, jnp.exp(t) - 1.0)
        return 0

    lax.fori_loop(0, NPW, fin, 0)
    pltpu.sync_copy(outb, out_hbm.at[pl.ds(base, NPW)])


_sc_gat = functools.partial(
    pl.kernel,
    out_type=jax.ShapeDtypeStruct((NPAD, HC), jnp.float32),
    mesh=plsc.VectorSubcoreMesh(core_axis_name="c", subcore_axis_name="s",
                                num_cores=2, num_subcores=16),
    scratch_types=[
        pltpu.VMEM((NPW + 16,), jnp.int32),
        pltpu.VMEM((HC,), jnp.float32),
        pltpu.VMEM((HC,), jnp.float32),
        pltpu.VMEM((EB,), jnp.int32),
        pltpu.VMEM((EB,), jnp.int32),
        pltpu.VMEM((EB + L,), jnp.int32),
        pltpu.VMEM((EB, HC), jnp.float32),
        pltpu.VMEM((EB, HC), jnp.float32),
        pltpu.VMEM((NPW, HC), jnp.float32),
        pltpu.VMEM((NPW * L,), jnp.float32),
        pltpu.SemaphoreType.DMA,
        pltpu.SemaphoreType.DMA,
    ],
)(_sc_gat_body)



_RB = 1000


def _proj_body(x_ref, wl_ref, bl_ref, wr_ref, br_ref, pw_ref, xl_ref, xr_ref,
               pool_ref, *, mean_pool):
    xb = x_ref[...]
    xl_ref[...] = jnp.dot(xb, wl_ref[...],
                          preferred_element_type=jnp.float32) + bl_ref[...]
    xr_ref[...] = jnp.dot(xb, wr_ref[...],
                          preferred_element_type=jnp.float32) + br_ref[...]
    if mean_pool:
        pool_ref[...] = jnp.mean(xb, axis=1, keepdims=True)
    else:
        pool_ref[...] = jnp.dot(xb, pw_ref[...],
                                preferred_element_type=jnp.float32)


def _proj(x, wl, bl, wr, br, pw, mean_pool):
    d = x.shape[1]
    grid = (N // _RB,)
    return pl.pallas_call(
        functools.partial(_proj_body, mean_pool=mean_pool),
        grid=grid,
        in_specs=[
            pl.BlockSpec((_RB, d), lambda i: (i, 0)),
            pl.BlockSpec((d, HC), lambda i: (0, 0)),
            pl.BlockSpec((1, HC), lambda i: (0, 0)),
            pl.BlockSpec((d, HC), lambda i: (0, 0)),
            pl.BlockSpec((1, HC), lambda i: (0, 0)),
            pl.BlockSpec((d, 1), lambda i: (0, 0)),
        ],
        out_specs=[
            pl.BlockSpec((_RB, HC), lambda i: (i, 0)),
            pl.BlockSpec((_RB, HC), lambda i: (i, 0)),
            pl.BlockSpec((_RB, 1), lambda i: (i, 0)),
        ],
        out_shape=[
            jax.ShapeDtypeStruct((N, HC), jnp.float32),
            jax.ShapeDtypeStruct((N, HC), jnp.float32),
            jax.ShapeDtypeStruct((N, 1), jnp.float32),
        ],
    )(x, wl, bl.reshape(1, HC), wr, br.reshape(1, HC), pw)


def _pool_body(h_ref, pw_ref, o_ref):
    o_ref[...] = jnp.dot(h_ref[...], pw_ref[...],
                         preferred_element_type=jnp.float32)


def _pool(h, pw):
    return pl.pallas_call(
        _pool_body,
        grid=(N // _RB,),
        in_specs=[
            pl.BlockSpec((_RB, HC), lambda i: (i, 0)),
            pl.BlockSpec((HC, 1), lambda i: (0, 0)),
        ],
        out_specs=pl.BlockSpec((_RB, 1), lambda i: (i, 0)),
        out_shape=jax.ShapeDtypeStruct((N, 1), jnp.float32),
    )(h, pw)


def _head_body(xs_ref, g_ref, b_ref, w_ref, eb1_ref, ew2_ref, eb2_ref,
               lno_ref, pred_ref, acc_ref):
    i = pl.program_id(0)
    v = xs_ref[...].reshape(1, N)
    mu = jnp.mean(v)
    var = jnp.mean((v - mu) ** 2)
    ln = (v - mu) / jnp.sqrt(var + 1e-5) * g_ref[...] + b_ref[...]
    lno_ref[...] = ln.reshape(1, 1, N)
    w = w_ref[...].reshape(N, HC)
    contrib = jnp.dot(ln, w, preferred_element_type=jnp.float32)

    @pl.when(i == 0)
    def _():
        acc_ref[...] = contrib

    @pl.when(i > 0)
    def _():
        acc_ref[...] += contrib

    @pl.when(i == 2)
    def _():
        hfc = jnp.maximum(acc_ref[...] + eb1_ref[...], 0.0)
        pred_ref[...] = jnp.dot(hfc, ew2_ref[...],
                                preferred_element_type=jnp.float32) + eb2_ref[...]


def _head(xs, gamma, beta, ew1, eb1, ew2, eb2):
    return pl.pallas_call(
        _head_body,
        grid=(3,),
        in_specs=[
            pl.BlockSpec((1, 1, N), lambda i: (i, 0, 0)),
            pl.BlockSpec((1, N), lambda i: (0, 0)),
            pl.BlockSpec((1, N), lambda i: (0, 0)),
            pl.BlockSpec((1, N, HC), lambda i: (i, 0, 0)),
            pl.BlockSpec((1, HC), lambda i: (0, 0)),
            pl.BlockSpec((HC, 2), lambda i: (0, 0)),
            pl.BlockSpec((1, 2), lambda i: (0, 0)),
        ],
        out_specs=[
            pl.BlockSpec((1, 1, N), lambda i: (i, 0, 0)),
            pl.BlockSpec((1, 2), lambda i: (0, 0)),
        ],
        out_shape=[
            jax.ShapeDtypeStruct((3, 1, N), jnp.float32),
            jax.ShapeDtypeStruct((1, 2), jnp.float32),
        ],
        scratch_shapes=[pltpu.VMEM((1, HC), jnp.float32)],
    )(xs.reshape(3, 1, N), gamma.reshape(1, N), beta.reshape(1, N),
      ew1.reshape(3, N, HC), eb1.reshape(1, HC), ew2, eb2.reshape(1, 2))



def kernel(x, edge_index, batch, sex, mutation, age,
           Wl1, bl1, Wr1, br1, att1, bias1,
           Wl2, bl2, Wr2, br2, att2, bias2,
           pw1, pb1, pw2, pb2, gamma, beta,
           ew1, eb1, ew2, eb2):
    loops = jnp.arange(N, dtype=edge_index.dtype)
    src = jnp.concatenate([edge_index[0], loops])
    dst = jnp.concatenate([edge_index[1], loops])
    order = jnp.argsort(dst)
    src_s = src[order]
    dst_s = dst[order]
    ptr = jnp.searchsorted(dst_s, jnp.arange(PTRP, dtype=jnp.int32)
                           ).astype(jnp.int32)
    pad = jnp.zeros((EB + L,), jnp.int32)
    src_p = jnp.concatenate([src_s, pad])
    dst_p = jnp.concatenate([dst_s, pad])

    xl1, xr1, x0col = _proj(x, Wl1, bl1, Wr1, br1,
                            jnp.zeros((x.shape[1], 1), jnp.float32), True)
    h1 = _sc_gat(xl1, xr1, src_p, dst_p, ptr,
                 att1.reshape(HC), bias1)[:N]
    xl2, xr2, x1col = _proj(h1, Wl2, bl2, Wr2, br2, pw1, False)
    x1col = x1col + pb1
    h2 = _sc_gat(xl2, xr2, src_p, dst_p, ptr,
                 att2.reshape(HC), bias2)[:N]
    x2col = _pool(h2, pw2) + pb2

    xs = jnp.concatenate([x0col.reshape(1, N), x1col.reshape(1, N),
                          x2col.reshape(1, N)], axis=0)
    lno, pred = _head(xs, gamma, beta, ew1, eb1, ew2, eb2)
    lno = lno.reshape(3, N)
    x0 = lno[0:1]
    x1 = lno[1:2]
    x2 = lno[2:3]
    ms = lno.reshape(1, 3 * N)
    return (pred, x0, x1, x2, ms)

# --- scband reference (transcript-rebuilt; emitter-appended) ---
"""Pipeline reference for scband-gatv4-40209483825152 (READ-ONLY COPY).

The authoritative reference and input builder live on the scoring server;
editing this copy changes nothing except your own understanding.
"""

import jax, jax.numpy as jnp
import numpy as np

H, C = 4, 64

def _gatv2(x, src, dst, Wl, bl, Wr, br, att, bias):
    N = x.shape[0]
    xl = (x @ Wl + bl).reshape(N, H, C)
    xr = (x @ Wr + br).reshape(N, H, C)
    xj = xl[src]            # messages from source nodes (lin_l)
    xi = xr[dst]            # destination transform (lin_r)
    e = jax.nn.leaky_relu(xi + xj, 0.2)
    logits = (e * att[None, :, :]).sum(-1)          # [E, H]
    m = jax.ops.segment_max(logits, dst, num_segments=N)
    m = jnp.where(jnp.isfinite(m), m, 0.0)
    p = jnp.exp(logits - m[dst])
    s = jax.ops.segment_sum(p, dst, num_segments=N)
    alpha = p / (s[dst] + 1e-16)
    out = jax.ops.segment_sum(xj * alpha[:, :, None], dst, num_segments=N)
    return out.reshape(N, H * C) + bias

def _ln(v, g, b, eps=1e-5):
    mu = v.mean(-1, keepdims=True)
    var = ((v - mu) ** 2).mean(-1, keepdims=True)
    return (v - mu) / jnp.sqrt(var + eps) * g + b

def setup_inputs(seed: int = 0) -> dict:
    key = jax.random.key(seed)
    ks = jax.random.split(key, 20)
    N, E, D = 10000, 320000, 128
    HC = H * C
    def w(k, shape, s=0.05):
        return jax.random.normal(k, shape, dtype=jnp.float32) * s
    return {
        'x': jax.random.normal(ks[0], (N, D), dtype=jnp.float32),
        'edge_index': jax.random.randint(ks[1], (2, E), 0, N, dtype=jnp.int32),
        'batch': jnp.zeros((N,), dtype=jnp.int32),
        'sex': jax.random.uniform(ks[2], (1,), dtype=jnp.float32),
        'mutation': jax.random.uniform(ks[3], (1,), dtype=jnp.float32),
        'age': jax.random.uniform(ks[4], (1,), dtype=jnp.float32),
        'Wl1': w(ks[5], (D, HC)), 'bl1': jnp.zeros((HC,), jnp.float32),
        'Wr1': w(ks[6], (D, HC)), 'br1': jnp.zeros((HC,), jnp.float32),
        'att1': w(ks[7], (H, C)), 'bias1': jnp.zeros((HC,), jnp.float32),
        'Wl2': w(ks[8], (HC, HC)), 'bl2': jnp.zeros((HC,), jnp.float32),
        'Wr2': w(ks[9], (HC, HC)), 'br2': jnp.zeros((HC,), jnp.float32),
        'att2': w(ks[10], (H, C)), 'bias2': jnp.zeros((HC,), jnp.float32),
        'pw1': w(ks[11], (HC, 1)), 'pb1': jnp.zeros((1,), jnp.float32),
        'pw2': w(ks[12], (HC, 1)), 'pb2': jnp.zeros((1,), jnp.float32),
        'gamma': jnp.ones((N,), jnp.float32), 'beta': jnp.zeros((N,), jnp.float32),
        'ew1': w(ks[13], (3 * N, 256), 0.01), 'eb1': jnp.zeros((256,), jnp.float32),
        'ew2': w(ks[14], (256, 2)), 'eb2': jnp.zeros((2,), jnp.float32),
    }

def reference(x, edge_index, batch, sex, mutation, age,
              Wl1, bl1, Wr1, br1, att1, bias1,
              Wl2, bl2, Wr2, br2, att2, bias2,
              pw1, pb1, pw2, pb2, gamma, beta,
              ew1, eb1, ew2, eb2):
    N = x.shape[0]
    loops = jnp.arange(N, dtype=edge_index.dtype)
    src = jnp.concatenate([edge_index[0], loops])   # add_self_loops=True
    dst = jnp.concatenate([edge_index[1], loops])
    # single-graph batch: to_dense_batch(v, batch) == v.reshape(1, N)
    x0 = x.mean(-1).reshape(1, N)
    h1 = jax.nn.elu(_gatv2(x, src, dst, Wl1, bl1, Wr1, br1, att1, bias1))
    x1 = (h1 @ pw1 + pb1)[:, 0].reshape(1, N)
    h2 = jax.nn.elu(_gatv2(h1, src, dst, Wl2, bl2, Wr2, br2, att2, bias2))
    x2 = (h2 @ pw2 + pb2)[:, 0].reshape(1, N)
    x0 = _ln(x0, gamma, beta); x1 = _ln(x1, gamma, beta); x2 = _ln(x2, gamma, beta)
    ms = jnp.concatenate([x0, x1, x2], axis=1)      # [1, 3*N]
    hfc = jax.nn.relu(ms @ ew1 + eb1)               # AlphaDropout p=0 -> identity
    pred = hfc @ ew2 + eb2                          # [1, 2]
    return (pred, x0, x1, x2, ms)

if __name__ == "__main__":
    import jax
    _d = setup_inputs()
    print(jax.jit(kernel)(*tuple(_d.values())))

</pallas_src>

<mosaic_0001>
#map = affine_map<(d0, d1) -> (0, 0)>
#map1 = affine_map<(d0, d1) -> (0)>
module attributes {stable_mosaic.version = 14 : i64} {
  func.func @_sc_gat_body(%arg0: i32, %arg1: i32, %arg2: memref<10000x256xf32, #tpu.memory_space<hbm>>, %arg3: memref<10000x256xf32, #tpu.memory_space<hbm>>, %arg4: memref<330080xi32, #tpu.memory_space<hbm>>, %arg5: memref<330080xi32, #tpu.memory_space<hbm>>, %arg6: memref<10256xi32, #tpu.memory_space<hbm>>, %arg7: memref<256xf32, #tpu.memory_space<hbm>>, %arg8: memref<256xf32, #tpu.memory_space<hbm>>, %arg9: memref<10240x256xf32, #tpu.memory_space<hbm>>, %arg10: memref<336xi32, #tpu.memory_space<vmem>>, %arg11: memref<256xf32, #tpu.memory_space<vmem>>, %arg12: memref<256xf32, #tpu.memory_space<vmem>>, %arg13: memref<64xi32, #tpu.memory_space<vmem>>, %arg14: memref<64xi32, #tpu.memory_space<vmem>>, %arg15: memref<80xi32, #tpu.memory_space<vmem>>, %arg16: memref<64x256xf32, #tpu.memory_space<vmem>>, %arg17: memref<64x256xf32, #tpu.memory_space<vmem>>, %arg18: memref<320x256xf32, #tpu.memory_space<vmem>>, %arg19: memref<5120xf32, #tpu.memory_space<vmem>>, %arg20: memref<!tpu.dma_semaphore, #tpu.memory_space<semaphore_mem>>, %arg21: memref<!tpu.dma_semaphore, #tpu.memory_space<semaphore_mem>>) attributes {dimension_semantics = [#tpu.dimension_semantics<core_parallel>, #tpu.dimension_semantics<subcore_parallel>], iteration_bounds = array<i64: 2, 16>, scalar_prefetch = 0 : i64, scratch_operands = 12 : i64, tpu.core_type = #tpu.core_type<sc_vector_subcore>, window_params = [{transform_indices = #map}, {transform_indices = #map}, {transform_indices = #map1}, {transform_indices = #map1}, {transform_indices = #map1}, {transform_indices = #map1}, {transform_indices = #map1}, {transform_indices = #map}]} {
    %mul3A = arith.constant 2 : i32
    %mul3A_0 = arith.muli %arg1, %mul3A : i32
    %add3A = arith.addi %mul3A_0, %arg0 : i32
    %mul3A_1 = arith.constant 320 : i32
    %mul3A_2 = arith.muli %add3A, %mul3A_1 : i32
    "tpu.region"() ({
      %run_scoped3A = tpu.sem_alloc : memref<!tpu.dma_semaphore, #tpu.memory_space<semaphore_mem>>
      %dma_start3A = tpu.memref_slice %arg6[%mul3A_2] : memref<10256xi32, #tpu.memory_space<hbm>> -> memref<336xi32, #tpu.memory_space<hbm>>
      %dma_start3A_82 = tpu.memref_slice %arg6[%mul3A_2] : memref<10256xi32, #tpu.memory_space<hbm>> -> memref<336xi32, #tpu.memory_space<hbm>>
      tpu.enqueue_dma source(%dma_start3A_82 : memref<336xi32, #tpu.memory_space<hbm>>) target(%arg10 : memref<336xi32, #tpu.memory_space<vmem>>) target_semaphore(%run_scoped3A : memref<!tpu.dma_semaphore, #tpu.memory_space<semaphore_mem>>)
      %dma_wait3A = tpu.memref_slice %arg6[%mul3A_2] : memref<10256xi32, #tpu.memory_space<hbm>> -> memref<336xi32, #tpu.memory_space<hbm>>
      %dma_wait3A_83 = tpu.memref_slice %arg6[%mul3A_2] : memref<10256xi32, #tpu.memory_space<hbm>> -> memref<336xi32, #tpu.memory_space<hbm>>
      tpu.wait_dma2 semaphore(%run_scoped3A : memref<!tpu.dma_semaphore, #tpu.memory_space<semaphore_mem>>) src(%dma_wait3A_83 : memref<336xi32, #tpu.memory_space<hbm>>) dst(%arg10 : memref<336xi32, #tpu.memory_space<vmem>>)
      tpu.yield
    }) : () -> ()
    "tpu.region"() ({
      %run_scoped3A = tpu.sem_alloc : memref<!tpu.dma_semaphore, #tpu.memory_space<semaphore_mem>>
      tpu.enqueue_dma source(%arg7 : memref<256xf32, #tpu.memory_space<hbm>>) target(%arg11 : memref<256xf32, #tpu.memory_space<vmem>>) target_semaphore(%run_scoped3A : memref<!tpu.dma_semaphore, #tpu.memory_space<semaphore_mem>>)
      tpu.wait_dma2 semaphore(%run_scoped3A : memref<!tpu.dma_semaphore, #tpu.memory_space<semaphore_mem>>) src(%arg7 : memref<256xf32, #tpu.memory_space<hbm>>) dst(%arg11 : memref<256xf32, #tpu.memory_space<vmem>>)
      tpu.yield
    }) : () -> ()
    "tpu.region"() ({
      %run_scoped3A = tpu.sem_alloc : memref<!tpu.dma_semaphore, #tpu.memory_space<semaphore_mem>>
      tpu.enqueue_dma source(%arg8 : memref<256xf32, #tpu.memory_space<hbm>>) target(%arg12 : memref<256xf32, #tpu.memory_space<vmem>>) target_semaphore(%run_scoped3A : memref<!tpu.dma_semaphore, #tpu.memory_space<semaphore_mem>>)
      tpu.wait_dma2 semaphore(%run_scoped3A : memref<!tpu.dma_semaphore, #tpu.memory_space<semaphore_mem>>) src(%arg8 : memref<256xf32, #tpu.memory_space<hbm>>) dst(%arg12 : memref<256xf32, #tpu.memory_space<vmem>>)
      tpu.yield
    }) : () -> ()
    %broadcast_in_dim3A = arith.constant 0.000000e+00 : f32
    %broadcast_in_dim3A_3 = vector.broadcast %broadcast_in_dim3A : f32 to vector<16xf32>
    %scan3A = arith.constant 0 : i32
    %scan3A_4 = arith.constant 0 : i32
    %scan3A_5 = arith.constant 320 : i32
    %scan3A_6 = arith.addi %scan3A_4, %scan3A_5 : i32
    %scan3A_7 = arith.constant 1 : i32
    %scan3A_8 = scf.for %scan3A_82 = %scan3A_4 to %scan3A_6 step %scan3A_7 iter_args(%scan3A_83 = %scan3A) -> (i32)  : i32 {
      %swap3A = arith.index_cast %scan3A_82 : i32 to index
      %swap3A_84 = arith.constant 0 : index
      %swap3A_85 = tpu.vector_load %arg18[%swap3A, %swap3A_84] {strides = array<i32>} : memref<320x256xf32, #tpu.memory_space<vmem>>, vector<1x16xf32>,
      %swap3A_86 = vector.shape_cast %swap3A_85 : vector<1x16xf32> to vector<16xf32>
      %swap3A_87 = vector.shape_cast %broadcast_in_dim3A_3 : vector<16xf32> to vector<1x16xf32>
      tpu.vector_store %arg18[%swap3A, %swap3A_84], %swap3A_87 {strides = array<i32>} : memref<320x256xf32, #tpu.memory_space<vmem>>, vector<1x16xf32>,
      %swap3A_88 = arith.index_cast %scan3A_82 : i32 to index
      %swap3A_89 = arith.constant 16 : index
      %swap3A_90 = tpu.vector_load %arg18[%swap3A_88, %swap3A_89] {strides = array<i32>} : memref<320x256xf32, #tpu.memory_space<vmem>>, vector<1x16xf32>,
      %swap3A_91 = vector.shape_cast %swap3A_90 : vector<1x16xf32> to vector<16xf32>
      %swap3A_92 = vector.shape_cast %broadcast_in_dim3A_3 : vector<16xf32> to vector<1x16xf32>
      tpu.vector_store %arg18[%swap3A_88, %swap3A_89], %swap3A_92 {strides = array<i32>} : memref<320x256xf32, #tpu.memory_space<vmem>>, vector<1x16xf32>,
      %swap3A_93 = arith.index_cast %scan3A_82 : i32 to index
      %swap3A_94 = arith.constant 32 : index
      %swap3A_95 = tpu.vector_load %arg18[%swap3A_93, %swap3A_94] {strides = array<i32>} : memref<320x256xf32, #tpu.memory_space<vmem>>, vector<1x16xf32>,
      %swap3A_96 = vector.shape_cast %swap3A_95 : vector<1x16xf32> to vector<16xf32>
      %swap3A_97 = vector.shape_cast %broadcast_in_dim3A_3 : vector<16xf32> to vector<1x16xf32>
      tpu.vector_store %arg18[%swap3A_93, %swap3A_94], %swap3A_97 {strides = array<i32>} : memref<320x256xf32, #tpu.memory_space<vmem>>, vector<1x16xf32>,
      %swap3A_98 = arith.index_cast %scan3A_82 : i32 to index
      %swap3A_99 = arith.constant 48 : index
      %swap3A_100 = tpu.vector_load %arg18[%swap3A_98, %swap3A_99] {strides = array<i32>} : memref<320x256xf32, #tpu.memory_space<vmem>>, vector<1x16xf32>,
      %swap3A_101 = vector.shape_cast %swap3A_100 : vector<1x16xf32> to vector<16xf32>
      %swap3A_102 = vector.shape_cast %broadcast_in_dim3A_3 : vector<16xf32> to vector<1x16xf32>
      tpu.vector_store %arg18[%swap3A_98, %swap3A_99], %swap3A_102 {strides = array<i32>} : memref<320x256xf32, #tpu.memory_space<vmem>>, vector<1x16xf32>,
      %swap3A_103 = arith.index_cast %scan3A_82 : i32 to index
      %swap3A_104 = arith.constant 64 : index
      %swap3A_105 = tpu.vector_load %arg18[%swap3A_103, %swap3A_104] {strides = array<i32>} : memref<320x256xf32, #tpu.memory_space<vmem>>, vector<1x16xf32>,
      %swap3A_106 = vector.shape_cast %swap3A_105 : vector<1x16xf32> to vector<16xf32>
      %swap3A_107 = vector.shape_cast %broadcast_in_dim3A_3 : vector<16xf32> to vector<1x16xf32>
      tpu.vector_store %arg18[%swap3A_103, %swap3A_104], %swap3A_107 {strides = array<i32>} : memref<320x256xf32, #tpu.memory_space<vmem>>, vector<1x16xf32>,
      %swap3A_108 = arith.index_cast %scan3A_82 : i32 to index
      %swap3A_109 = arith.constant 80 : index
      %swap3A_110 = tpu.vector_load %arg18[%swap3A_108, %swap3A_109] {strides = array<i32>} : memref<320x256xf32, #tpu.memory_space<vmem>>, vector<1x16xf32>,
      %swap3A_111 = vector.shape_cast %swap3A_110 : vector<1x16xf32> to vector<16xf32>
      %swap3A_112 = vector.shape_cast %broadcast_in_dim3A_3 : vector<16xf32> to vector<1x16xf32>
      tpu.vector_store %arg18[%swap3A_108, %swap3A_109], %swap3A_112 {strides = array<i32>} : memref<320x256xf32, #tpu.memory_space<vmem>>, vector<1x16xf32>,
      %swap3A_113 = arith.index_cast %scan3A_82 : i32 to index
      %swap3A_114 = arith.constant 96 : index
      %swap3A_115 = tpu.vector_load %arg18[%swap3A_113, %swap3A_114] {strides = array<i32>} : memref<320x256xf32, #tpu.memory_space<vmem>>, vector<1x16xf32>,
      %swap3A_116 = vector.shape_cast %swap3A_115 : vector<1x16xf32> to vector<16xf32>
      %swap3A_117 = vector.shape_cast %broadcast_in_dim3A_3 : vector<16xf32> to vector<1x16xf32>
      tpu.vector_store %arg18[%swap3A_113, %swap3A_114], %swap3A_117 {strides = array<i32>} : memref<320x256xf32, #tpu.memory_space<vmem>>, vector<1x16xf32>,
      %swap3A_118 = arith.index_cast %scan3A_82 : i32 to index
      %swap3A_119 = arith.constant 112 : index
      %swap3A_120 = tpu.vector_load %arg18[%swap3A_118, %swap3A_119] {strides = array<i32>} : memref<320x256xf32, #tpu.memory_space<vmem>>, vector<1x16xf32>,
      %swap3A_121 = vector.shape_cast %swap3A_120 : vector<1x16xf32> to vector<16xf32>
      %swap3A_122 = vector.shape_cast %broadcast_in_dim3A_3 : vector<16xf32> to vector<1x16xf32>
      tpu.vector_store %arg18[%swap3A_118, %swap3A_119], %swap3A_122 {strides = array<i32>} : memref<320x256xf32, #tpu.memory_space<vmem>>, vector<1x16xf32>,
      %swap3A_123 = arith.index_cast %scan3A_82 : i32 to index
      %swap3A_124 = arith.constant 128 : index
      %swap3A_125 = tpu.vector_load %arg18[%swap3A_123, %swap3A_124] {strides = array<i32>} : memref<320x256xf32, #tpu.memory_space<vmem>>, vector<1x16xf32>,
      %swap3A_126 = vector.shape_cast %swap3A_125 : vector<1x16xf32> to vector<16xf32>
      %swap3A_127 = vector.shape_cast %broadcast_in_dim3A_3 : vector<16xf32> to vector<1x16xf32>
      tpu.vector_store %arg18[%swap3A_123, %swap3A_124], %swap3A_127 {strides = array<i32>} : memref<320x256xf32, #tpu.memory_space<vmem>>, vector<1x16xf32>,
      %swap3A_128 = arith.index_cast %scan3A_82 : i32 to index
      %swap3A_129 = arith.constant 144 : index
      %swap3A_130 = tpu.vector_load %arg18[%swap3A_128, %swap3A_129] {strides = array<i32>} : memref<320x256xf32, #tpu.memory_space<vmem>>, vector<1x16xf32>,
      %swap3A_131 = vector.shape_cast %swap3A_130 : vector<1x16xf32> to vector<16xf32>
      %swap3A_132 = vector.shape_cast %broadcast_in_dim3A_3 : vector<16xf32> to vector<1x16xf32>
      tpu.vector_store %arg18[%swap3A_128, %swap3A_129], %swap3A_132 {strides = array<i32>} : memref<320x256xf32, #tpu.memory_space<vmem>>, vector<1x16xf32>,
      %swap3A_133 = arith.index_cast %scan3A_82 : i32 to index
      %swap3A_134 = arith.constant 160 : index
      %swap3A_135 = tpu.vector_load %arg18[%swap3A_133, %swap3A_134] {strides = array<i32>} : memref<320x256xf32, #tpu.memory_space<vmem>>, vector<1x16xf32>,
      %swap3A_136 = vector.shape_cast %swap3A_135 : vector<1x16xf32> to vector<16xf32>
      %swap3A_137 = vector.shape_cast %broadcast_in_dim3A_3 : vector<16xf32> to vector<1x16xf32>
      tpu.vector_store %arg18[%swap3A_133, %swap3A_134], %swap3A_137 {strides = array<i32>} : memref<320x256xf32, #tpu.memory_space<vmem>>, vector<1x16xf32>,
      %swap3A_138 = arith.index_cast %scan3A_82 : i32 to index
      %swap3A_139 = arith.constant 176 : index
      %swap3A_140 = tpu.vector_load %arg18[%swap3A_138, %swap3A_139] {strides = array<i32>} : memref<320x256xf32, #tpu.memory_space<vmem>>, vector<1x16xf32>,
      %swap3A_141 = vector.shape_cast %swap3A_140 : vector<1x16xf32> to vector<16xf32>
      %swap3A_142 = vector.shape_cast %broadcast_in_dim3A_3 : vector<16xf32> to vector<1x16xf32>
      tpu.vector_store %arg18[%swap3A_138, %swap3A_139], %swap3A_142 {strides = array<i32>} : memref<320x256xf32, #tpu.memory_space<vmem>>, vector<1x16xf32>,
      %swap3A_143 = arith.index_cast %scan3A_82 : i32 to index
      %swap3A_144 = arith.constant 192 : index
      %swap3A_145 = tpu.vector_load %arg18[%swap3A_143, %swap3A_144] {strides = array<i32>} : memref<320x256xf32, #tpu.memory_space<vmem>>, vector<1x16xf32>,
      %swap3A_146 = vector.shape_cast %swap3A_145 : vector<1x16xf32> to vector<16xf32>
      %swap3A_147 = vector.shape_cast %broadcast_in_dim3A_3 : vector<16xf32> to vector<1x16xf32>
      tpu.vector_store %arg18[%swap3A_143, %swap3A_144], %swap3A_147 {strides = array<i32>} : memref<320x256xf32, #tpu.memory_space<vmem>>, vector<1x16xf32>,
      %swap3A_148 = arith.index_cast %scan3A_82 : i32 to index
      %swap3A_149 = arith.constant 208 : index
      %swap3A_150 = tpu.vector_load %arg18[%swap3A_148, %swap3A_149] {strides = array<i32>} : memref<320x256xf32, #tpu.memory_space<vmem>>, vector<1x16xf32>,
      %swap3A_151 = vector.shape_cast %swap3A_150 : vector<1x16xf32> to vector<16xf32>
      %swap3A_152 = vector.shape_cast %broadcast_in_dim3A_3 : vector<16xf32> to vector<1x16xf32>
      tpu.vector_store %arg18[%swap3A_148, %swap3A_149], %swap3A_152 {strides = array<i32>} : memref<320x256xf32, #tpu.memory_space<vmem>>, vector<1x16xf32>,
      %swap3A_153 = arith.index_cast %scan3A_82 : i32 to index
      %swap3A_154 = arith.constant 224 : index
      %swap3A_155 = tpu.vector_load %arg18[%swap3A_153, %swap3A_154] {strides = array<i32>} : memref<320x256xf32, #tpu.memory_space<vmem>>, vector<1x16xf32>,
      %swap3A_156 = vector.shape_cast %swap3A_155 : vector<1x16xf32> to vector<16xf32>
      %swap3A_157 = vector.shape_cast %broadcast_in_dim3A_3 : vector<16xf32> to vector<1x16xf32>
      tpu.vector_store %arg18[%swap3A_153, %swap3A_154], %swap3A_157 {strides = array<i32>} : memref<320x256xf32, #tpu.memory_space<vmem>>, vector<1x16xf32>,
      %swap3A_158 = arith.index_cast %scan3A_82 : i32 to index
      %swap3A_159 = arith.constant 240 : index
      %swap3A_160 = tpu.vector_load %arg18[%swap3A_158, %swap3A_159] {strides = array<i32>} : memref<320x256xf32, #tpu.memory_space<vmem>>, vector<1x16xf32>,
      %swap3A_161 = vector.shape_cast %swap3A_160 : vector<1x16xf32> to vector<16xf32>
      %swap3A_162 = vector.shape_cast %broadcast_in_dim3A_3 : vector<16xf32> to vector<1x16xf32>
      tpu.vector_store %arg18[%swap3A_158, %swap3A_159], %swap3A_162 {strides = array<i32>} : memref<320x256xf32, #tpu.memory_space<vmem>>, vector<1x16xf32>,
      %mul3A_163 = arith.constant 16 : i32
      %mul3A_164 = arith.muli %scan3A_82, %mul3A_163 : i32
      %swap3A_165 = arith.index_cast %mul3A_164 : i32 to index
      %swap3A_166 = tpu.vector_load %arg19[%swap3A_165] {strides = array<i32>} : memref<5120xf32, #tpu.memory_space<vmem>>, vector<16xf32>,
      %swap3A_167 = vector.shape_cast %swap3A_166 : vector<16xf32> to vector<16xf32>
      %swap3A_168 = vector.shape_cast %broadcast_in_dim3A_3 : vector<16xf32> to vector<16xf32>
      tpu.vector_store %arg19[%swap3A_165], %swap3A_168 {strides = array<i32>} : memref<5120xf32, #tpu.memory_space<vmem>>, vector<16xf32>,
      %scan3A_169 = arith.constant 0 : i32
      scf.yield %scan3A_169 : i32
    }
    %scan3A_9 = arith.constant 320 : i32
    %get3A = arith.constant 0 : index
    %get3A_10 = tpu.vector_load %arg10[%get3A] {strides = array<i32>} : memref<336xi32, #tpu.memory_space<vmem>>, vector<16xi32>,
    %get3A_11 = vector.shape_cast %get3A_10 : vector<16xi32> to vector<16xi32>
    %slice3A = vector.extract_strided_slice %get3A_11 {offsets = [0], sizes = [1], strides = [1]} : vector<16xi32> to vector<1xi32>
    %squeeze3A = vector.extract %slice3A[0] : i32 from vector<1xi32>
    %get3A_12 = arith.constant 320 : index
    %get3A_13 = tpu.vector_load %arg10[%get3A_12] {strides = array<i32>} : memref<336xi32, #tpu.memory_space<vmem>>, vector<16xi32>,
    %get3A_14 = vector.shape_cast %get3A_13 : vector<16xi32> to vector<16xi32>
    %slice3A_15 = vector.extract_strided_slice %get3A_14 {offsets = [0], sizes = [1], strides = [1]} : vector<16xi32> to vector<1xi32>
    %squeeze3A_16 = vector.extract %slice3A_15[0] : i32 from vector<1xi32>
    %jit3A = arith.constant 64 : i32
    %div3A = arith.divsi %squeeze3A, %jit3A : i32
    %sign3A = arith.constant 0 : i32
    %sign3A_17 = arith.cmpi sgt, %squeeze3A, %sign3A : i32
    %sign3A_18 = arith.extui %sign3A_17 : i1 to i32
    %sign3A_19 = arith.constant 0 : i32
    %sign3A_20 = arith.cmpi slt, %squeeze3A, %sign3A_19 : i32
    %sign3A_21 = arith.extui %sign3A_20 : i1 to i32
    %sign3A_22 = arith.subi %sign3A_18, %sign3A_21 : i32
    %sign3A_23 = arith.constant 0 : i32
    %sign3A_24 = arith.cmpi sgt, %jit3A, %sign3A_23 : i32
    %sign3A_25 = arith.extui %sign3A_24 : i1 to i32
    %sign3A_26 = arith.constant 0 : i32
    %sign3A_27 = arith.cmpi slt, %jit3A, %sign3A_26 : i32
    %sign3A_28 = arith.extui %sign3A_27 : i1 to i32
    %sign3A_29 = arith.subi %sign3A_25, %sign3A_28 : i32
    %ne3A = arith.cmpi ne, %sign3A_22, %sign3A_29 : i32
    %rem3A = arith.remsi %squeeze3A, %jit3A : i32
    %ne3A_30 = arith.constant 0 : i32
    %ne3A_31 = arith.cmpi ne, %rem3A, %ne3A_30 : i32
    %and3A = arith.andi %ne3A, %ne3A_31 : i1
    %sub3A = arith.constant 1 : i32
    %sub3A_32 = arith.subi %div3A, %sub3A : i32
    %select_n3A = arith.select %and3A, %sub3A_32, %div3A : i32
    %mul3A_33 = arith.constant 64 : i32
    %mul3A_34 = arith.muli %select_n3A, %mul3A_33 : i32
    %sub3A_35 = arith.subi %squeeze3A_16, %mul3A_34 : i32
    %add3A_36 = arith.constant 64 : i32
    %add3A_37 = arith.addi %sub3A_35, %add3A_36 : i32
    %sub3A_38 = arith.constant 1 : i32
    %sub3A_39 = arith.subi %add3A_37, %sub3A_38 : i32
    %jit3A_40 = arith.constant 64 : i32
    %div3A_41 = arith.divsi %sub3A_39, %jit3A_40 : i32
    %sign3A_42 = arith.constant 0 : i32
    %sign3A_43 = arith.cmpi sgt, %sub3A_39, %sign3A_42 : i32
    %sign3A_44 = arith.extui %sign3A_43 : i1 to i32
    %sign3A_45 = arith.constant 0 : i32
    %sign3A_46 = arith.cmpi slt, %sub3A_39, %sign3A_45 : i32
    %sign3A_47 = arith.extui %sign3A_46 : i1 to i32
    %sign3A_48 = arith.subi %sign3A_44, %sign3A_47 : i32
    %sign3A_49 = arith.constant 0 : i32
    %sign3A_50 = arith.cmpi sgt, %jit3A_40, %sign3A_49 : i32
    %sign3A_51 = arith.extui %sign3A_50 : i1 to i32
    %sign3A_52 = arith.constant 0 : i32
    %sign3A_53 = arith.cmpi slt, %jit3A_40, %sign3A_52 : i32
    %sign3A_54 = arith.extui %sign3A_53 : i1 to i32
    %sign3A_55 = arith.subi %sign3A_51, %sign3A_54 : i32
    %ne3A_56 = arith.cmpi ne, %sign3A_48, %sign3A_55 : i32
    %rem3A_57 = arith.remsi %sub3A_39, %jit3A_40 : i32
    %ne3A_58 = arith.constant 0 : i32
    %ne3A_59 = arith.cmpi ne, %rem3A_57, %ne3A_58 : i32
    %and3A_60 = arith.andi %ne3A_56, %ne3A_59 : i1
    %sub3A_61 = arith.constant 1 : i32
    %sub3A_62 = arith.subi %div3A_41, %sub3A_61 : i32
    %select_n3A_63 = arith.select %and3A_60, %sub3A_62, %div3A_41 : i32
    %while3A = arith.constant 0 : i32
    %while3A_64 = arith.constant 0 : i32
    %while3A_65 = arith.subi %select_n3A_63, %while3A : i32
    %while3A_66 = arith.addi %while3A, %while3A_65 : i32
    %while3A_67 = arith.constant 1 : i32
    %while3A_68 = arith.divsi %while3A_65, %while3A_67 : i32
    %while3A_69 = arith.muli %while3A_68, %while3A_67 : i32
    %while3A_70 = arith.addi %while3A, %while3A_69 : i32
    %while3A_71 = arith.constant 1 : i32
    %while3A_72 = scf.for %while3A_82 = %while3A to %while3A_70 step %while3A_71 iter_args(%while3A_83 = %while3A_64) -> (i32)  : i32 {
      %mul3A_84 = arith.constant 64 : i32
      %mul3A_85 = arith.muli %while3A_82, %mul3A_84 : i32
      %add3A_86 = arith.addi %mul3A_34, %mul3A_85 : i32
      "tpu.region"() ({
        %run_scoped3A = tpu.sem_alloc : memref<!tpu.dma_semaphore, #tpu.memory_space<semaphore_mem>>
        %dma_start3A_105 = tpu.memref_slice %arg4[%add3A_86] : memref<330080xi32, #tpu.memory_space<hbm>> -> memref<64xi32, #tpu.memory_space<hbm>>
        %dma_start3A_106 = tpu.memref_slice %arg4[%add3A_86] : memref<330080xi32, #tpu.memory_space<hbm>> -> memref<64xi32, #tpu.memory_space<hbm>>
        tpu.enqueue_dma source(%dma_start3A_106 : memref<64xi32, #tpu.memory_space<hbm>>) target(%arg13 : memref<64xi32, #tpu.memory_space<vmem>>) target_semaphore(%run_scoped3A : memref<!tpu.dma_semaphore, #tpu.memory_space<semaphore_mem>>)
        %dma_wait3A_107 = tpu.memref_slice %arg4[%add3A_86] : memref<330080xi32, #tpu.memory_space<hbm>> -> memref<64xi32, #tpu.memory_space<hbm>>
        %dma_wait3A_108 = tpu.memref_slice %arg4[%add3A_86] : memref<330080xi32, #tpu.memory_space<hbm>> -> memref<64xi32, #tpu.memory_space<hbm>>
        tpu.wait_dma2 semaphore(%run_scoped3A : memref<!tpu.dma_semaphore, #tpu.memory_space<semaphore_mem>>) src(%dma_wait3A_108 : memref<64xi32, #tpu.memory_space<hbm>>) dst(%arg13 : memref<64xi32, #tpu.memory_space<vmem>>)
        tpu.yield
      }) : () -> ()
      "tpu.region"() ({
        %run_scoped3A = tpu.sem_alloc : memref<!tpu.dma_semaphore, #tpu.memory_space<semaphore_mem>>
        %dma_start3A_105 = tpu.memref_slice %arg5[%add3A_86] : memref<330080xi32, #tpu.memory_space<hbm>> -> memref<64xi32, #tpu.memory_space<hbm>>
        %dma_start3A_106 = tpu.memref_slice %arg5[%add3A_86] : memref<330080xi32, #tpu.memory_space<hbm>> -> memref<64xi32, #tpu.memory_space<hbm>>
        tpu.enqueue_dma source(%dma_start3A_106 : memref<64xi32, #tpu.memory_space<hbm>>) target(%arg14 : memref<64xi32, #tpu.memory_space<vmem>>) target_semaphore(%run_scoped3A : memref<!tpu.dma_semaphore, #tpu.memory_space<semaphore_mem>>)
        %dma_wait3A_107 = tpu.memref_slice %arg5[%add3A_86] : memref<330080xi32, #tpu.memory_space<hbm>> -> memref<64xi32, #tpu.memory_space<hbm>>
        %dma_wait3A_108 = tpu.memref_slice %arg5[%add3A_86] : memref<330080xi32, #tpu.memory_space<hbm>> -> memref<64xi32, #tpu.memory_space<hbm>>
        tpu.wait_dma2 semaphore(%run_scoped3A : memref<!tpu.dma_semaphore, #tpu.memory_space<semaphore_mem>>) src(%dma_wait3A_108 : memref<64xi32, #tpu.memory_space<hbm>>) dst(%arg14 : memref<64xi32, #tpu.memory_space<vmem>>)
        tpu.yield
      }) : () -> ()
      "tpu.region"() ({
        %run_scoped3A = tpu.sem_alloc : memref<!tpu.dma_semaphore, #tpu.memory_space<semaphore_mem>>
        %dma_start3A_105 = arith.constant 0 : i32
        %dma_start3A_106 = tpu.memref_slice %arg15[%dma_start3A_105] : memref<80xi32, #tpu.memory_space<vmem>> -> memref<64xi32, #tpu.memory_space<vmem>>
        %dma_start3A_107 = tpu.memref_slice %arg5[%add3A_86] : memref<330080xi32, #tpu.memory_space<hbm>> -> memref<64xi32, #tpu.memory_space<hbm>>
        %dma_start3A_108 = arith.constant 0 : i32
        %dma_start3A_109 = tpu.memref_slice %arg15[%dma_start3A_108] : memref<80xi32, #tpu.memory_space<vmem>> -> memref<64xi32, #tpu.memory_space<vmem>>
        %dma_start3A_110 = tpu.memref_slice %arg5[%add3A_86] : memref<330080xi32, #tpu.memory_space<hbm>> -> memref<64xi32, #tpu.memory_space<hbm>>
        tpu.enqueue_dma source(%dma_start3A_110 : memref<64xi32, #tpu.memory_space<hbm>>) target(%dma_start3A_109 : memref<64xi32, #tpu.memory_space<vmem>>) target_semaphore(%run_scoped3A : memref<!tpu.dma_semaphore, #tpu.memory_space<semaphore_mem>>)
        %dma_wait3A_111 = arith.constant 0 : i32
        %dma_wait3A_112 = tpu.memref_slice %arg15[%dma_wait3A_111] : memref<80xi32, #tpu.memory_space<vmem>> -> memref<64xi32, #tpu.memory_space<vmem>>
        %dma_wait3A_113 = tpu.memref_slice %arg5[%add3A_86] : memref<330080xi32, #tpu.memory_space<hbm>> -> memref<64xi32, #tpu.memory_space<hbm>>
        %dma_wait3A_114 = arith.constant 0 : i32
        %dma_wait3A_115 = tpu.memref_slice %arg15[%dma_wait3A_114] : memref<80xi32, #tpu.memory_space<vmem>> -> memref<64xi32, #tpu.memory_space<vmem>>
        %dma_wait3A_116 = tpu.memref_slice %arg5[%add3A_86] : memref<330080xi32, #tpu.memory_space<hbm>> -> memref<64xi32, #tpu.memory_space<hbm>>
        tpu.wait_dma2 semaphore(%run_scoped3A : memref<!tpu.dma_semaphore, #tpu.memory_space<semaphore_mem>>) src(%dma_wait3A_116 : memref<64xi32, #tpu.memory_space<hbm>>) dst(%dma_wait3A_115 : memref<64xi32, #tpu.memory_space<vmem>>)
        tpu.yield
      }) : () -> ()
      %dma_start3A = arith.constant 0 : i32
      %dma_start3A_87 = arith.constant 0 : i32
      %dma_start3A_88 = tpu.memref_slice %arg2[%dma_start3A, %dma_start3A_87] : memref<10000x256xf32, #tpu.memory_space<hbm>> -> memref<10000x256xf32, #tpu.memory_space<hbm>>
      tpu.enqueue_indirect_dma source(%dma_start3A_88 : memref<10000x256xf32, #tpu.memory_space<hbm>>) target(%arg16 : memref<64x256xf32, #tpu.memory_space<vmem>>) offsets(%arg13 : memref<64xi32, #tpu.memory_space<vmem>>) semaphore(%arg20 : memref<!tpu.dma_semaphore, #tpu.memory_space<semaphore_mem>>)
      %dma_start3A_89 = arith.constant 0 : i32
      %dma_start3A_90 = arith.constant 0 : i32
      %dma_start3A_91 = tpu.memref_slice %arg3[%dma_start3A_89, %dma_start3A_90] : memref<10000x256xf32, #tpu.memory_space<hbm>> -> memref<10000x256xf32, #tpu.memory_space<hbm>>
      tpu.enqueue_indirect_dma source(%dma_start3A_91 : memref<10000x256xf32, #tpu.memory_space<hbm>>) target(%arg17 : memref<64x256xf32, #tpu.memory_space<vmem>>) offsets(%arg14 : memref<64xi32, #tpu.memory_space<vmem>>) semaphore(%arg21 : memref<!tpu.dma_semaphore, #tpu.memory_space<semaphore_mem>>)
      %dma_wait3A = arith.constant 0 : i32
      %dma_wait3A_92 = arith.constant 0 : i32
      %dma_wait3A_93 = tpu.memref_slice %arg2[%dma_wait3A, %dma_wait3A_92] : memref<10000x256xf32, #tpu.memory_space<hbm>> -> memref<10000x256xf32, #tpu.memory_space<hbm>>
      tpu.wait_indirect_dma semaphore(%arg20 : memref<!tpu.dma_semaphore, #tpu.memory_space<semaphore_mem>>) src(%dma_wait3A_93 : memref<10000x256xf32, #tpu.memory_space<hbm>>) dst(%arg16 : memref<64x256xf32, #tpu.memory_space<vmem>>)
      %dma_wait3A_94 = arith.constant 0 : i32
      %dma_wait3A_95 = arith.constant 0 : i32
      %dma_wait3A_96 = tpu.memref_slice %arg3[%dma_wait3A_94, %dma_wait3A_95] : memref<10000x256xf32, #tpu.memory_space<hbm>> -> memref<10000x256xf32, #tpu.memory_space<hbm>>
      tpu.wait_indirect_dma semaphore(%arg21 : memref<!tpu.dma_semaphore, #tpu.memory_space<semaphore_mem>>) src(%dma_wait3A_96 : memref<10000x256xf32, #tpu.memory_space<hbm>>) dst(%arg17 : memref<64x256xf32, #tpu.memory_space<vmem>>)
      %scan3A_97 = arith.constant 0 : i32
      %scan3A_98 = arith.constant 0 : i32
      %scan3A_99 = arith.constant 64 : i32
      %scan3A_100 = arith.addi %scan3A_98, %scan3A_99 : i32
      %scan3A_101 = arith.constant 1 : i32
      %scan3A_102 = scf.for %scan3A_105 = %scan3A_98 to %scan3A_100 step %scan3A_101 iter_args(%scan3A_106 = %scan3A_97) -> (i32)  : i32 {
        %add3A_107 = arith.addi %add3A_86, %scan3A_105 : i32
        %ge3A = arith.cmpi sge, %add3A_107, %squeeze3A : i32
        %lt3A = arith.cmpi slt, %add3A_107, %squeeze3A_16 : i32
        %and3A_108 = arith.andi %ge3A, %lt3A : i1
        %convert_element_type3A = arith.extui %and3A_108 : i1 to i32
        %cond3A = arith.constant 0 : i32
        %cond3A_109 = arith.cmpi ne, %convert_element_type3A, %cond3A : i32
        scf.if %cond3A_109 {
          %get3A_111 = arith.index_cast %scan3A_105 : i32 to index
          %get3A_112 = tpu.vector_load %arg15[%get3A_111] {strides = array<i32>} : memref<80xi32, #tpu.memory_space<vmem>>, vector<16xi32>,
          %get3A_113 = vector.shape_cast %get3A_112 : vector<16xi32> to vector<16xi32>
          %slice3A_114 = vector.extract_strided_slice %get3A_113 {offsets = [0], sizes = [1], strides = [1]} : vector<16xi32> to vector<1xi32>
          %squeeze3A_115 = vector.extract %slice3A_114[0] : i32 from vector<1xi32>
          %sub3A_116 = arith.subi %squeeze3A_115, %mul3A_2 : i32
          %get3A_117 = arith.index_cast %scan3A_105 : i32 to index
          %get3A_118 = arith.constant 0 : index
          %get3A_119 = tpu.vector_load %arg16[%get3A_117, %get3A_118] {strides = array<i32>} : memref<64x256xf32, #tpu.memory_space<vmem>>, vector<1x16xf32>,
          %get3A_120 = vector.shape_cast %get3A_119 : vector<1x16xf32> to vector<16xf32>
          %get3A_121 = arith.index_cast %scan3A_105 : i32 to index
          %get3A_122 = arith.constant 16 : index
          %get3A_123 = tpu.vector_load %arg16[%get3A_121, %get3A_122] {strides = array<i32>} : memref<64x256xf32, #tpu.memory_space<vmem>>, vector<1x16xf32>,
          %get3A_124 = vector.shape_cast %get3A_123 : vector<1x16xf32> to vector<16xf32>
          %get3A_125 = arith.index_cast %scan3A_105 : i32 to index
          %get3A_126 = arith.constant 32 : index
          %get3A_127 = tpu.vector_load %arg16[%get3A_125, %get3A_126] {strides = array<i32>} : memref<64x256xf32, #tpu.memory_space<vmem>>, vector<1x16xf32>,
          %get3A_128 = vector.shape_cast %get3A_127 : vector<1x16xf32> to vector<16xf32>
          %get3A_129 = arith.index_cast %scan3A_105 : i32 to index
          %get3A_130 = arith.constant 48 : index
          %get3A_131 = tpu.vector_load %arg16[%get3A_129, %get3A_130] {strides = array<i32>} : memref<64x256xf32, #tpu.memory_space<vmem>>, vector<1x16xf32>,
          %get3A_132 = vector.shape_cast %get3A_131 : vector<1x16xf32> to vector<16xf32>
          %get3A_133 = arith.index_cast %scan3A_105 : i32 to index
          %get3A_134 = arith.constant 64 : index
          %get3A_135 = tpu.vector_load %arg16[%get3A_133, %get3A_134] {strides = array<i32>} : memref<64x256xf32, #tpu.memory_space<vmem>>, vector<1x16xf32>,
          %get3A_136 = vector.shape_cast %get3A_135 : vector<1x16xf32> to vector<16xf32>
          %get3A_137 = arith.index_cast %scan3A_105 : i32 to index
          %get3A_138 = arith.constant 80 : index
          %get3A_139 = tpu.vector_load %arg16[%get3A_137, %get3A_138] {strides = array<i32>} : memref<64x256xf32, #tpu.memory_space<vmem>>, vector<1x16xf32>,
          %get3A_140 = vector.shape_cast %get3A_139 : vector<1x16xf32> to vector<16xf32>
          %get3A_141 = arith.index_cast %scan3A_105 : i32 to index
          %get3A_142 = arith.constant 96 : index
          %get3A_143 = tpu.vector_load %arg16[%get3A_141, %get3A_142] {strides = array<i32>} : memref<64x256xf32, #tpu.memory_space<vmem>>, vector<1x16xf32>,
          %get3A_144 = vector.shape_cast %get3A_143 : vector<1x16xf32> to vector<16xf32>
          %get3A_145 = arith.index_cast %scan3A_105 : i32 to index
          %get3A_146 = arith.constant 112 : index
          %get3A_147 = tpu.vector_load %arg16[%get3A_145, %get3A_146] {strides = array<i32>} : memref<64x256xf32, #tpu.memory_space<vmem>>, vector<1x16xf32>,
          %get3A_148 = vector.shape_cast %get3A_147 : vector<1x16xf32> to vector<16xf32>
          %get3A_149 = arith.index_cast %scan3A_105 : i32 to index
          %get3A_150 = arith.constant 128 : index
          %get3A_151 = tpu.vector_load %arg16[%get3A_149, %get3A_150] {strides = array<i32>} : memref<64x256xf32, #tpu.memory_space<vmem>>, vector<1x16xf32>,
          %get3A_152 = vector.shape_cast %get3A_151 : vector<1x16xf32> to vector<16xf32>
          %get3A_153 = arith.index_cast %scan3A_105 : i32 to index
          %get3A_154 = arith.constant 144 : index
          %get3A_155 = tpu.vector_load %arg16[%get3A_153, %get3A_154] {strides = array<i32>} : memref<64x256xf32, #tpu.memory_space<vmem>>, vector<1x16xf32>,
          %get3A_156 = vector.shape_cast %get3A_155 : vector<1x16xf32> to vector<16xf32>
          %get3A_157 = arith.index_cast %scan3A_105 : i32 to index
          %get3A_158 = arith.constant 160 : index
          %get3A_159 = tpu.vector_load %arg16[%get3A_157, %get3A_158] {strides = array<i32>} : memref<64x256xf32, #tpu.memory_space<vmem>>, vector<1x16xf32>,
          %get3A_160 = vector.shape_cast %get3A_159 : vector<1x16xf32> to vector<16xf32>
          %get3A_161 = arith.index_cast %scan3A_105 : i32 to index
          %get3A_162 = arith.constant 176 : index
          %get3A_163 = tpu.vector_load %arg16[%get3A_161, %get3A_162] {strides = array<i32>} : memref<64x256xf32, #tpu.memory_space<vmem>>, vector<1x16xf32>,
          %get3A_164 = vector.shape_cast %get3A_163 : vector<1x16xf32> to vector<16xf32>
          %get3A_165 = arith.index_cast %scan3A_105 : i32 to index
          %get3A_166 = arith.constant 192 : index
          %get3A_167 = tpu.vector_load %arg16[%get3A_165, %get3A_166] {strides = array<i32>} : memref<64x256xf32, #tpu.memory_space<vmem>>, vector<1x16xf32>,
          %get3A_168 = vector.shape_cast %get3A_167 : vector<1x16xf32> to vector<16xf32>
          %get3A_169 = arith.index_cast %scan3A_105 : i32 to index
          %get3A_170 = arith.constant 208 : index
          %get3A_171 = tpu.vector_load %arg16[%get3A_169, %get3A_170] {strides = array<i32>} : memref<64x256xf32, #tpu.memory_space<vmem>>, vector<1x16xf32>,
          %get3A_172 = vector.shape_cast %get3A_171 : vector<1x16xf32> to vector<16xf32>
          %get3A_173 = arith.index_cast %scan3A_105 : i32 to index
          %get3A_174 = arith.constant 224 : index
          %get3A_175 = tpu.vector_load %arg16[%get3A_173, %get3A_174] {strides = array<i32>} : memref<64x256xf32, #tpu.memory_space<vmem>>, vector<1x16xf32>,
          %get3A_176 = vector.shape_cast %get3A_175 : vector<1x16xf32> to vector<16xf32>
          %get3A_177 = arith.index_cast %scan3A_105 : i32 to index
          %get3A_178 = arith.constant 240 : index
          %get3A_179 = tpu.vector_load %arg16[%get3A_177, %get3A_178] {strides = array<i32>} : memref<64x256xf32, #tpu.memory_space<vmem>>, vector<1x16xf32>,
          %get3A_180 = vector.shape_cast %get3A_179 : vector<1x16xf32> to vector<16xf32>
          %get3A_181 = arith.index_cast %scan3A_105 : i32 to index
          %get3A_182 = arith.constant 0 : index
          %get3A_183 = tpu.vector_load %arg17[%get3A_181, %get3A_182] {strides = array<i32>} : memref<64x256xf32, #tpu.memory_space<vmem>>, vector<1x16xf32>,
          %get3A_184 = vector.shape_cast %get3A_183 : vector<1x16xf32> to vector<16xf32>
          %add3A_185 = arith.addf %get3A_184, %get3A_120 : vector<16xf32>
          %ge3A_186 = arith.constant 0.000000e+00 : f32
          %ge3A_187 = vector.broadcast %ge3A_186 : f32 to vector<16xf32>
          %ge3A_188 = arith.cmpf oge, %add3A_185, %ge3A_187 : vector<16xf32>
          %mul3A_189 = arith.constant 2.000000e-01 : f32
          %mul3A_190 = vector.broadcast %mul3A_189 : f32 to vector<16xf32>
          %mul3A_191 = arith.mulf %add3A_185, %mul3A_190 : vector<16xf32>
          %select_n3A_192 = arith.select %ge3A_188, %add3A_185, %mul3A_191 : vector<16xi1>, vector<16xf32>
          %get3A_193 = arith.constant 0 : index
          %get3A_194 = tpu.vector_load %arg11[%get3A_193] {strides = array<i32>} : memref<256xf32, #tpu.memory_space<vmem>>, vector<16xf32>,
          %get3A_195 = vector.shape_cast %get3A_194 : vector<16xf32> to vector<16xf32>
          %mul3A_196 = arith.mulf %select_n3A_192, %get3A_195 : vector<16xf32>
          %get3A_197 = arith.index_cast %scan3A_105 : i32 to index
          %get3A_198 = arith.constant 16 : index
          %get3A_199 = tpu.vector_load %arg17[%get3A_197, %get3A_198] {strides = array<i32>} : memref<64x256xf32, #tpu.memory_space<vmem>>, vector<1x16xf32>,
          %get3A_200 = vector.shape_cast %get3A_199 : vector<1x16xf32> to vector<16xf32>
          %add3A_201 = arith.addf %get3A_200, %get3A_124 : vector<16xf32>
          %ge3A_202 = arith.constant 0.000000e+00 : f32
          %ge3A_203 = vector.broadcast %ge3A_202 : f32 to vector<16xf32>
          %ge3A_204 = arith.cmpf oge, %add3A_201, %ge3A_203 : vector<16xf32>
          %mul3A_205 = arith.constant 2.000000e-01 : f32
          %mul3A_206 = vector.broadcast %mul3A_205 : f32 to vector<16xf32>
          %mul3A_207 = arith.mulf %add3A_201, %mul3A_206 : vector<16xf32>
          %select_n3A_208 = arith.select %ge3A_204, %add3A_201, %mul3A_207 : vector<16xi1>, vector<16xf32>
          %get3A_209 = arith.constant 16 : index
          %get3A_210 = tpu.vector_load %arg11[%get3A_209] {strides = array<i32>} : memref<256xf32, #tpu.memory_space<vmem>>, vector<16xf32>,
          %get3A_211 = vector.shape_cast %get3A_210 : vector<16xf32> to vector<16xf32>
          %mul3A_212 = arith.mulf %select_n3A_208, %get3A_211 : vector<16xf32>
          %get3A_213 = arith.index_cast %scan3A_105 : i32 to index
          %get3A_214 = arith.constant 32 : index
          %get3A_215 = tpu.vector_load %arg17[%get3A_213, %get3A_214] {strides = array<i32>} : memref<64x256xf32, #tpu.memory_space<vmem>>, vector<1x16xf32>,
          %get3A_216 = vector.shape_cast %get3A_215 : vector<1x16xf32> to vector<16xf32>
          %add3A_217 = arith.addf %get3A_216, %get3A_128 : vector<16xf32>
          %ge3A_218 = arith.constant 0.000000e+00 : f32
          %ge3A_219 = vector.broadcast %ge3A_218 : f32 to vector<16xf32>
          %ge3A_220 = arith.cmpf oge, %add3A_217, %ge3A_219 : vector<16xf32>
          %mul3A_221 = arith.constant 2.000000e-01 : f32
          %mul3A_222 = vector.broadcast %mul3A_221 : f32 to vector<16xf32>
          %mul3A_223 = arith.mulf %add3A_217, %mul3A_222 : vector<16xf32>
          %select_n3A_224 = arith.select %ge3A_220, %add3A_217, %mul3A_223 : vector<16xi1>, vector<16xf32>
          %get3A_225 = arith.constant 32 : index
          %get3A_226 = tpu.vector_load %arg11[%get3A_225] {strides = array<i32>} : memref<256xf32, #tpu.memory_space<vmem>>, vector<16xf32>,
          %get3A_227 = vector.shape_cast %get3A_226 : vector<16xf32> to vector<16xf32>
          %mul3A_228 = arith.mulf %select_n3A_224, %get3A_227 : vector<16xf32>
          %get3A_229 = arith.index_cast %scan3A_105 : i32 to index
          %get3A_230 = arith.constant 48 : index
          %get3A_231 = tpu.vector_load %arg17[%get3A_229, %get3A_230] {strides = array<i32>} : memref<64x256xf32, #tpu.memory_space<vmem>>, vector<1x16xf32>,
          %get3A_232 = vector.shape_cast %get3A_231 : vector<1x16xf32> to vector<16xf32>
          %add3A_233 = arith.addf %get3A_232, %get3A_132 : vector<16xf32>
          %ge3A_234 = arith.constant 0.000000e+00 : f32
          %ge3A_235 = vector.broadcast %ge3A_234 : f32 to vector<16xf32>
          %ge3A_236 = arith.cmpf oge, %add3A_233, %ge3A_235 : vector<16xf32>
          %mul3A_237 = arith.constant 2.000000e-01 : f32
          %mul3A_238 = vector.broadcast %mul3A_237 : f32 to vector<16xf32>
          %mul3A_239 = arith.mulf %add3A_233, %mul3A_238 : vector<16xf32>
          %select_n3A_240 = arith.select %ge3A_236, %add3A_233, %mul3A_239 : vector<16xi1>, vector<16xf32>
          %get3A_241 = arith.constant 48 : index
          %get3A_242 = tpu.vector_load %arg11[%get3A_241] {strides = array<i32>} : memref<256xf32, #tpu.memory_space<vmem>>, vector<16xf32>,
          %get3A_243 = vector.shape_cast %get3A_242 : vector<16xf32> to vector<16xf32>
          %mul3A_244 = arith.mulf %select_n3A_240, %get3A_243 : vector<16xf32>
          %get3A_245 = arith.index_cast %scan3A_105 : i32 to index
          %get3A_246 = arith.constant 64 : index
          %get3A_247 = tpu.vector_load %arg17[%get3A_245, %get3A_246] {strides = array<i32>} : memref<64x256xf32, #tpu.memory_space<vmem>>, vector<1x16xf32>,
          %get3A_248 = vector.shape_cast %get3A_247 : vector<1x16xf32> to vector<16xf32>
          %add3A_249 = arith.addf %get3A_248, %get3A_136 : vector<16xf32>
          %ge3A_250 = arith.constant 0.000000e+00 : f32
          %ge3A_251 = vector.broadcast %ge3A_250 : f32 to vector<16xf32>
          %ge3A_252 = arith.cmpf oge, %add3A_249, %ge3A_251 : vector<16xf32>
          %mul3A_253 = arith.constant 2.000000e-01 : f32
          %mul3A_254 = vector.broadcast %mul3A_253 : f32 to vector<16xf32>
          %mul3A_255 = arith.mulf %add3A_249, %mul3A_254 : vector<16xf32>
          %select_n3A_256 = arith.select %ge3A_252, %add3A_249, %mul3A_255 : vector<16xi1>, vector<16xf32>
          %get3A_257 = arith.constant 64 : index
          %get3A_258 = tpu.vector_load %arg11[%get3A_257] {strides = array<i32>} : memref<256xf32, #tpu.memory_space<vmem>>, vector<16xf32>,
          %get3A_259 = vector.shape_cast %get3A_258 : vector<16xf32> to vector<16xf32>
          %mul3A_260 = arith.mulf %select_n3A_256, %get3A_259 : vector<16xf32>
          %get3A_261 = arith.index_cast %scan3A_105 : i32 to index
          %get3A_262 = arith.constant 80 : index
          %get3A_263 = tpu.vector_load %arg17[%get3A_261, %get3A_262] {strides = array<i32>} : memref<64x256xf32, #tpu.memory_space<vmem>>, vector<1x16xf32>,
          %get3A_264 = vector.shape_cast %get3A_263 : vector<1x16xf32> to vector<16xf32>
          %add3A_265 = arith.addf %get3A_264, %get3A_140 : vector<16xf32>
          %ge3A_266 = arith.constant 0.000000e+00 : f32
          %ge3A_267 = vector.broadcast %ge3A_266 : f32 to vector<16xf32>
          %ge3A_268 = arith.cmpf oge, %add3A_265, %ge3A_267 : vector<16xf32>
          %mul3A_269 = arith.constant 2.000000e-01 : f32
          %mul3A_270 = vector.broadcast %mul3A_269 : f32 to vector<16xf32>
          %mul3A_271 = arith.mulf %add3A_265, %mul3A_270 : vector<16xf32>
          %select_n3A_272 = arith.select %ge3A_268, %add3A_265, %mul3A_271 : vector<16xi1>, vector<16xf32>
          %get3A_273 = arith.constant 80 : index
          %get3A_274 = tpu.vector_load %arg11[%get3A_273] {strides = array<i32>} : memref<256xf32, #tpu.memory_space<vmem>>, vector<16xf32>,
          %get3A_275 = vector.shape_cast %get3A_274 : vector<16xf32> to vector<16xf32>
          %mul3A_276 = arith.mulf %select_n3A_272, %get3A_275 : vector<16xf32>
          %get3A_277 = arith.index_cast %scan3A_105 : i32 to index
          %get3A_278 = arith.constant 96 : index
          %get3A_279 = tpu.vector_load %arg17[%get3A_277, %get3A_278] {strides = array<i32>} : memref<64x256xf32, #tpu.memory_space<vmem>>, vector<1x16xf32>,
          %get3A_280 = vector.shape_cast %get3A_279 : vector<1x16xf32> to vector<16xf32>
          %add3A_281 = arith.addf %get3A_280, %get3A_144 : vector<16xf32>
          %ge3A_282 = arith.constant 0.000000e+00 : f32
          %ge3A_283 = vector.broadcast %ge3A_282 : f32 to vector<16xf32>
          %ge3A_284 = arith.cmpf oge, %add3A_281, %ge3A_283 : vector<16xf32>
          %mul3A_285 = arith.constant 2.000000e-01 : f32
          %mul3A_286 = vector.broadcast %mul3A_285 : f32 to vector<16xf32>
          %mul3A_287 = arith.mulf %add3A_281, %mul3A_286 : vector<16xf32>
          %select_n3A_288 = arith.select %ge3A_284, %add3A_281, %mul3A_287 : vector<16xi1>, vector<16xf32>
          %get3A_289 = arith.constant 96 : index
          %get3A_290 = tpu.vector_load %arg11[%get3A_289] {strides = array<i32>} : memref<256xf32, #tpu.memory_space<vmem>>, vector<16xf32>,
          %get3A_291 = vector.shape_cast %get3A_290 : vector<16xf32> to vector<16xf32>
          %mul3A_292 = arith.mulf %select_n3A_288, %get3A_291 : vector<16xf32>
          %get3A_293 = arith.index_cast %scan3A_105 : i32 to index
          %get3A_294 = arith.constant 112 : index
          %get3A_295 = tpu.vector_load %arg17[%get3A_293, %get3A_294] {strides = array<i32>} : memref<64x256xf32, #tpu.memory_space<vmem>>, vector<1x16xf32>,
          %get3A_296 = vector.shape_cast %get3A_295 : vector<1x16xf32> to vector<16xf32>
          %add3A_297 = arith.addf %get3A_296, %get3A_148 : vector<16xf32>
          %ge3A_298 = arith.constant 0.000000e+00 : f32
          %ge3A_299 = vector.broadcast %ge3A_298 : f32 to vector<16xf32>
          %ge3A_300 = arith.cmpf oge, %add3A_297, %ge3A_299 : vector<16xf32>
          %mul3A_301 = arith.constant 2.000000e-01 : f32
          %mul3A_302 = vector.broadcast %mul3A_301 : f32 to vector<16xf32>
          %mul3A_303 = arith.mulf %add3A_297, %mul3A_302 : vector<16xf32>
          %select_n3A_304 = arith.select %ge3A_300, %add3A_297, %mul3A_303 : vector<16xi1>, vector<16xf32>
          %get3A_305 = arith.constant 112 : index
          %get3A_306 = tpu.vector_load %arg11[%get3A_305] {strides = array<i32>} : memref<256xf32, #tpu.memory_space<vmem>>, vector<16xf32>,
          %get3A_307 = vector.shape_cast %get3A_306 : vector<16xf32> to vector<16xf32>
          %mul3A_308 = arith.mulf %select_n3A_304, %get3A_307 : vector<16xf32>
          %get3A_309 = arith.index_cast %scan3A_105 : i32 to index
          %get3A_310 = arith.constant 128 : index
          %get3A_311 = tpu.vector_load %arg17[%get3A_309, %get3A_310] {strides = array<i32>} : memref<64x256xf32, #tpu.memory_space<vmem>>, vector<1x16xf32>,
          %get3A_312 = vector.shape_cast %get3A_311 : vector<1x16xf32> to vector<16xf32>
          %add3A_313 = arith.addf %get3A_312, %get3A_152 : vector<16xf32>
          %ge3A_314 = arith.constant 0.000000e+00 : f32
          %ge3A_315 = vector.broadcast %ge3A_314 : f32 to vector<16xf32>
          %ge3A_316 = arith.cmpf oge, %add3A_313, %ge3A_315 : vector<16xf32>
          %mul3A_317 = arith.constant 2.000000e-01 : f32
          %mul3A_318 = vector.broadcast %mul3A_317 : f32 to vector<16xf32>
          %mul3A_319 = arith.mulf %add3A_313, %mul3A_318 : vector<16xf32>
          %select_n3A_320 = arith.select %ge3A_316, %add3A_313, %mul3A_319 : vector<16xi1>, vector<16xf32>
          %get3A_321 = arith.constant 128 : index
          %get3A_322 = tpu.vector_load %arg11[%get3A_321] {strides = array<i32>} : memref<256xf32, #tpu.memory_space<vmem>>, vector<16xf32>,
          %get3A_323 = vector.shape_cast %get3A_322 : vector<16xf32> to vector<16xf32>
          %mul3A_324 = arith.mulf %select_n3A_320, %get3A_323 : vector<16xf32>
          %get3A_325 = arith.index_cast %scan3A_105 : i32 to index
          %get3A_326 = arith.constant 144 : index
          %get3A_327 = tpu.vector_load %arg17[%get3A_325, %get3A_326] {strides = array<i32>} : memref<64x256xf32, #tpu.memory_space<vmem>>, vector<1x16xf32>,
          %get3A_328 = vector.shape_cast %get3A_327 : vector<1x16xf32> to vector<16xf32>
          %add3A_329 = arith.addf %get3A_328, %get3A_156 : vector<16xf32>
          %ge3A_330 = arith.constant 0.000000e+00 : f32
          %ge3A_331 = vector.broadcast %ge3A_330 : f32 to vector<16xf32>
          %ge3A_332 = arith.cmpf oge, %add3A_329, %ge3A_331 : vector<16xf32>
          %mul3A_333 = arith.constant 2.000000e-01 : f32
          %mul3A_334 = vector.broadcast %mul3A_333 : f32 to vector<16xf32>
          %mul3A_335 = arith.mulf %add3A_329, %mul3A_334 : vector<16xf32>
          %select_n3A_336 = arith.select %ge3A_332, %add3A_329, %mul3A_335 : vector<16xi1>, vector<16xf32>
          %get3A_337 = arith.constant 144 : index
          %get3A_338 = tpu.vector_load %arg11[%get3A_337] {strides = array<i32>} : memref<256xf32, #tpu.memory_space<vmem>>, vector<16xf32>,
          %get3A_339 = vector.shape_cast %get3A_338 : vector<16xf32> to vector<16xf32>
          %mul3A_340 = arith.mulf %select_n3A_336, %get3A_339 : vector<16xf32>
          %get3A_341 = arith.index_cast %scan3A_105 : i32 to index
          %get3A_342 = arith.constant 160 : index
          %get3A_343 = tpu.vector_load %arg17[%get3A_341, %get3A_342] {strides = array<i32>} : memref<64x256xf32, #tpu.memory_space<vmem>>, vector<1x16xf32>,
          %get3A_344 = vector.shape_cast %get3A_343 : vector<1x16xf32> to vector<16xf32>
          %add3A_345 = arith.addf %get3A_344, %get3A_160 : vector<16xf32>
          %ge3A_346 = arith.constant 0.000000e+00 : f32
          %ge3A_347 = vector.broadcast %ge3A_346 : f32 to vector<16xf32>
          %ge3A_348 = arith.cmpf oge, %add3A_345, %ge3A_347 : vector<16xf32>
          %mul3A_349 = arith.constant 2.000000e-01 : f32
          %mul3A_350 = vector.broadcast %mul3A_349 : f32 to vector<16xf32>
          %mul3A_351 = arith.mulf %add3A_345, %mul3A_350 : vector<16xf32>
          %select_n3A_352 = arith.select %ge3A_348, %add3A_345, %mul3A_351 : vector<16xi1>, vector<16xf32>
          %get3A_353 = arith.constant 160 : index
          %get3A_354 = tpu.vector_load %arg11[%get3A_353] {strides = array<i32>} : memref<256xf32, #tpu.memory_space<vmem>>, vector<16xf32>,
          %get3A_355 = vector.shape_cast %get3A_354 : vector<16xf32> to vector<16xf32>
          %mul3A_356 = arith.mulf %select_n3A_352, %get3A_355 : vector<16xf32>
          %get3A_357 = arith.index_cast %scan3A_105 : i32 to index
          %get3A_358 = arith.constant 176 : index
          %get3A_359 = tpu.vector_load %arg17[%get3A_357, %get3A_358] {strides = array<i32>} : memref<64x256xf32, #tpu.memory_space<vmem>>, vector<1x16xf32>,
          %get3A_360 = vector.shape_cast %get3A_359 : vector<1x16xf32> to vector<16xf32>
          %add3A_361 = arith.addf %get3A_360, %get3A_164 : vector<16xf32>
          %ge3A_362 = arith.constant 0.000000e+00 : f32
          %ge3A_363 = vector.broadcast %ge3A_362 : f32 to vector<16xf32>
          %ge3A_364 = arith.cmpf oge, %add3A_361, %ge3A_363 : vector<16xf32>
          %mul3A_365 = arith.constant 2.000000e-01 : f32
          %mul3A_366 = vector.broadcast %mul3A_365 : f32 to vector<16xf32>
          %mul3A_367 = arith.mulf %add3A_361, %mul3A_366 : vector<16xf32>
          %select_n3A_368 = arith.select %ge3A_364, %add3A_361, %mul3A_367 : vector<16xi1>, vector<16xf32>
          %get3A_369 = arith.constant 176 : index
          %get3A_370 = tpu.vector_load %arg11[%get3A_369] {strides = array<i32>} : memref<256xf32, #tpu.memory_space<vmem>>, vector<16xf32>,
          %get3A_371 = vector.shape_cast %get3A_370 : vector<16xf32> to vector<16xf32>
          %mul3A_372 = arith.mulf %select_n3A_368, %get3A_371 : vector<16xf32>
          %get3A_373 = arith.index_cast %scan3A_105 : i32 to index
          %get3A_374 = arith.constant 192 : index
          %get3A_375 = tpu.vector_load %arg17[%get3A_373, %get3A_374] {strides = array<i32>} : memref<64x256xf32, #tpu.memory_space<vmem>>, vector<1x16xf32>,
          %get3A_376 = vector.shape_cast %get3A_375 : vector<1x16xf32> to vector<16xf32>
          %add3A_377 = arith.addf %get3A_376, %get3A_168 : vector<16xf32>
          %ge3A_378 = arith.constant 0.000000e+00 : f32
          %ge3A_379 = vector.broadcast %ge3A_378 : f32 to vector<16xf32>
          %ge3A_380 = arith.cmpf oge, %add3A_377, %ge3A_379 : vector<16xf32>
          %mul3A_381 = arith.constant 2.000000e-01 : f32
          %mul3A_382 = vector.broadcast %mul3A_381 : f32 to vector<16xf32>
          %mul3A_383 = arith.mulf %add3A_377, %mul3A_382 : vector<16xf32>
          %select_n3A_384 = arith.select %ge3A_380, %add3A_377, %mul3A_383 : vector<16xi1>, vector<16xf32>
          %get3A_385 = arith.constant 192 : index
          %get3A_386 = tpu.vector_load %arg11[%get3A_385] {strides = array<i32>} : memref<256xf32, #tpu.memory_space<vmem>>, vector<16xf32>,
          %get3A_387 = vector.shape_cast %get3A_386 : vector<16xf32> to vector<16xf32>
          %mul3A_388 = arith.mulf %select_n3A_384, %get3A_387 : vector<16xf32>
          %get3A_389 = arith.index_cast %scan3A_105 : i32 to index
          %get3A_390 = arith.constant 208 : index
          %get3A_391 = tpu.vector_load %arg17[%get3A_389, %get3A_390] {strides = array<i32>} : memref<64x256xf32, #tpu.memory_space<vmem>>, vector<1x16xf32>,
          %get3A_392 = vector.shape_cast %get3A_391 : vector<1x16xf32> to vector<16xf32>
          %add3A_393 = arith.addf %get3A_392, %get3A_172 : vector<16xf32>
          %ge3A_394 = arith.constant 0.000000e+00 : f32
          %ge3A_395 = vector.broadcast %ge3A_394 : f32 to vector<16xf32>
          %ge3A_396 = arith.cmpf oge, %add3A_393, %ge3A_395 : vector<16xf32>
          %mul3A_397 = arith.constant 2.000000e-01 : f32
          %mul3A_398 = vector.broadcast %mul3A_397 : f32 to vector<16xf32>
          %mul3A_399 = arith.mulf %add3A_393, %mul3A_398 : vector<16xf32>
          %select_n3A_400 = arith.select %ge3A_396, %add3A_393, %mul3A_399 : vector<16xi1>, vector<16xf32>
          %get3A_401 = arith.constant 208 : index
          %get3A_402 = tpu.vector_load %arg11[%get3A_401] {strides = array<i32>} : memref<256xf32, #tpu.memory_space<vmem>>, vector<16xf32>,
          %get3A_403 = vector.shape_cast %get3A_402 : vector<16xf32> to vector<16xf32>
          %mul3A_404 = arith.mulf %select_n3A_400, %get3A_403 : vector<16xf32>
          %get3A_405 = arith.index_cast %scan3A_105 : i32 to index
          %get3A_406 = arith.constant 224 : index
          %get3A_407 = tpu.vector_load %arg17[%get3A_405, %get3A_406] {strides = array<i32>} : memref<64x256xf32, #tpu.memory_space<vmem>>, vector<1x16xf32>,
          %get3A_408 = vector.shape_cast %get3A_407 : vector<1x16xf32> to vector<16xf32>
          %add3A_409 = arith.addf %get3A_408, %get3A_176 : vector<16xf32>
          %ge3A_410 = arith.constant 0.000000e+00 : f32
          %ge3A_411 = vector.broadcast %ge3A_410 : f32 to vector<16xf32>
          %ge3A_412 = arith.cmpf oge, %add3A_409, %ge3A_411 : vector<16xf32>
          %mul3A_413 = arith.constant 2.000000e-01 : f32
          %mul3A_414 = vector.broadcast %mul3A_413 : f32 to vector<16xf32>
          %mul3A_415 = arith.mulf %add3A_409, %mul3A_414 : vector<16xf32>
          %select_n3A_416 = arith.select %ge3A_412, %add3A_409, %mul3A_415 : vector<16xi1>, vector<16xf32>
          %get3A_417 = arith.constant 224 : index
          %get3A_418 = tpu.vector_load %arg11[%get3A_417] {strides = array<i32>} : memref<256xf32, #tpu.memory_space<vmem>>, vector<16xf32>,
          %get3A_419 = vector.shape_cast %get3A_418 : vector<16xf32> to vector<16xf32>
          %mul3A_420 = arith.mulf %select_n3A_416, %get3A_419 : vector<16xf32>
          %get3A_421 = arith.index_cast %scan3A_105 : i32 to index
          %get3A_422 = arith.constant 240 : index
          %get3A_423 = tpu.vector_load %arg17[%get3A_421, %get3A_422] {strides = array<i32>} : memref<64x256xf32, #tpu.memory_space<vmem>>, vector<1x16xf32>,
          %get3A_424 = vector.shape_cast %get3A_423 : vector<1x16xf32> to vector<16xf32>
          %add3A_425 = arith.addf %get3A_424, %get3A_180 : vector<16xf32>
          %ge3A_426 = arith.constant 0.000000e+00 : f32
          %ge3A_427 = vector.broadcast %ge3A_426 : f32 to vector<16xf32>
          %ge3A_428 = arith.cmpf oge, %add3A_425, %ge3A_427 : vector<16xf32>
          %mul3A_429 = arith.constant 2.000000e-01 : f32
          %mul3A_430 = vector.broadcast %mul3A_429 : f32 to vector<16xf32>
          %mul3A_431 = arith.mulf %add3A_425, %mul3A_430 : vector<16xf32>
          %select_n3A_432 = arith.select %ge3A_428, %add3A_425, %mul3A_431 : vector<16xi1>, vector<16xf32>
          %get3A_433 = arith.constant 240 : index
          %get3A_434 = tpu.vector_load %arg11[%get3A_433] {strides = array<i32>} : memref<256xf32, #tpu.memory_space<vmem>>, vector<16xf32>,
          %get3A_435 = vector.shape_cast %get3A_434 : vector<16xf32> to vector<16xf32>
          %mul3A_436 = arith.mulf %select_n3A_432, %get3A_435 : vector<16xf32>
          %add3A_437 = arith.addf %mul3A_196, %mul3A_212 : vector<16xf32>
          %add3A_438 = arith.addf %mul3A_228, %mul3A_244 : vector<16xf32>
          %add3A_439 = arith.addf %add3A_437, %add3A_438 : vector<16xf32>
          %iota3A = tpu.iota {dimensions = array<i32: 0>} : vector<16xi32>
          %xor3A = arith.constant 8 : i32
          %xor3A_440 = vector.broadcast %xor3A : i32 to vector<16xi32>
          %xor3A_441 = arith.xori %iota3A, %xor3A_440 : vector<16xi32>
          %reshape3A = vector.shape_cast %xor3A_441 : vector<16xi32> to vector<16x1xi32>
          %gather3A = vector.shape_cast %reshape3A : vector<16x1xi32> to vector<16xi32>
          %gather3A_442 = tpu.dynamic_gather %add3A_439[%gather3A] in [0] : vector<16xf32>, vector<16xi32> -> vector<16xf32>
          %add3A_443 = arith.addf %add3A_439, %gather3A_442 : vector<16xf32>
          %xor3A_444 = arith.constant 4 : i32
          %xor3A_445 = vector.broadcast %xor3A_444 : i32 to vector<16xi32>
          %xor3A_446 = arith.xori %iota3A, %xor3A_445 : vector<16xi32>
          %reshape3A_447 = vector.shape_cast %xor3A_446 : vector<16xi32> to vector<16x1xi32>
          %gather3A_448 = vector.shape_cast %reshape3A_447 : vector<16x1xi32> to vector<16xi32>
          %gather3A_449 = tpu.dynamic_gather %add3A_443[%gather3A_448] in [0] : vector<16xf32>, vector<16xi32> -> vector<16xf32>
          %add3A_450 = arith.addf %add3A_443, %gather3A_449 : vector<16xf32>
          %xor3A_451 = arith.constant 2 : i32
          %xor3A_452 = vector.broadcast %xor3A_451 : i32 to vector<16xi32>
          %xor3A_453 = arith.xori %iota3A, %xor3A_452 : vector<16xi32>
          %reshape3A_454 = vector.shape_cast %xor3A_453 : vector<16xi32> to vector<16x1xi32>
          %gather3A_455 = vector.shape_cast %reshape3A_454 : vector<16x1xi32> to vector<16xi32>
          %gather3A_456 = tpu.dynamic_gather %add3A_450[%gather3A_455] in [0] : vector<16xf32>, vector<16xi32> -> vector<16xf32>
          %add3A_457 = arith.addf %add3A_450, %gather3A_456 : vector<16xf32>
          %xor3A_458 = arith.constant 1 : i32
          %xor3A_459 = vector.broadcast %xor3A_458 : i32 to vector<16xi32>
          %xor3A_460 = arith.xori %iota3A, %xor3A_459 : vector<16xi32>
          %reshape3A_461 = vector.shape_cast %xor3A_460 : vector<16xi32> to vector<16x1xi32>
          %gather3A_462 = vector.shape_cast %reshape3A_461 : vector<16x1xi32> to vector<16xi32>
          %gather3A_463 = tpu.dynamic_gather %add3A_457[%gather3A_462] in [0] : vector<16xf32>, vector<16xi32> -> vector<16xf32>
          %add3A_464 = arith.addf %add3A_457, %gather3A_463 : vector<16xf32>
          %exp3A = math.exp %add3A_464 : vector<16xf32>
          %add3A_465 = arith.addf %mul3A_260, %mul3A_276 : vector<16xf32>
          %add3A_466 = arith.addf %mul3A_292, %mul3A_308 : vector<16xf32>
          %add3A_467 = arith.addf %add3A_465, %add3A_466 : vector<16xf32>
          %iota3A_468 = tpu.iota {dimensions = array<i32: 0>} : vector<16xi32>
          %xor3A_469 = arith.constant 8 : i32
          %xor3A_470 = vector.broadcast %xor3A_469 : i32 to vector<16xi32>
          %xor3A_471 = arith.xori %iota3A_468, %xor3A_470 : vector<16xi32>
          %reshape3A_472 = vector.shape_cast %xor3A_471 : vector<16xi32> to vector<16x1xi32>
          %gather3A_473 = vector.shape_cast %reshape3A_472 : vector<16x1xi32> to vector<16xi32>
          %gather3A_474 = tpu.dynamic_gather %add3A_467[%gather3A_473] in [0] : vector<16xf32>, vector<16xi32> -> vector<16xf32>
          %add3A_475 = arith.addf %add3A_467, %gather3A_474 : vector<16xf32>
          %xor3A_476 = arith.constant 4 : i32
          %xor3A_477 = vector.broadcast %xor3A_476 : i32 to vector<16xi32>
          %xor3A_478 = arith.xori %iota3A_468, %xor3A_477 : vector<16xi32>
          %reshape3A_479 = vector.shape_cast %xor3A_478 : vector<16xi32> to vector<16x1xi32>
          %gather3A_480 = vector.shape_cast %reshape3A_479 : vector<16x1xi32> to vector<16xi32>
          %gather3A_481 = tpu.dynamic_gather %add3A_475[%gather3A_480] in [0] : vector<16xf32>, vector<16xi32> -> vector<16xf32>
          %add3A_482 = arith.addf %add3A_475, %gather3A_481 : vector<16xf32>
          %xor3A_483 = arith.constant 2 : i32
          %xor3A_484 = vector.broadcast %xor3A_483 : i32 to vector<16xi32>
          %xor3A_485 = arith.xori %iota3A_468, %xor3A_484 : vector<16xi32>
          %reshape3A_486 = vector.shape_cast %xor3A_485 : vector<16xi32> to vector<16x1xi32>
          %gather3A_487 = vector.shape_cast %reshape3A_486 : vector<16x1xi32> to vector<16xi32>
          %gather3A_488 = tpu.dynamic_gather %add3A_482[%gather3A_487] in [0] : vector<16xf32>, vector<16xi32> -> vector<16xf32>
          %add3A_489 = arith.addf %add3A_482, %gather3A_488 : vector<16xf32>
          %xor3A_490 = arith.constant 1 : i32
          %xor3A_491 = vector.broadcast %xor3A_490 : i32 to vector<16xi32>
          %xor3A_492 = arith.xori %iota3A_468, %xor3A_491 : vector<16xi32>
          %reshape3A_493 = vector.shape_cast %xor3A_492 : vector<16xi32> to vector<16x1xi32>
          %gather3A_494 = vector.shape_cast %reshape3A_493 : vector<16x1xi32> to vector<16xi32>
          %gather3A_495 = tpu.dynamic_gather %add3A_489[%gather3A_494] in [0] : vector<16xf32>, vector<16xi32> -> vector<16xf32>
          %add3A_496 = arith.addf %add3A_489, %gather3A_495 : vector<16xf32>
          %exp3A_497 = math.exp %add3A_496 : vector<16xf32>
          %add3A_498 = arith.addf %mul3A_324, %mul3A_340 : vector<16xf32>
          %add3A_499 = arith.addf %mul3A_356, %mul3A_372 : vector<16xf32>
          %add3A_500 = arith.addf %add3A_498, %add3A_499 : vector<16xf32>
          %iota3A_501 = tpu.iota {dimensions = array<i32: 0>} : vector<16xi32>
          %xor3A_502 = arith.constant 8 : i32
          %xor3A_503 = vector.broadcast %xor3A_502 : i32 to vector<16xi32>
          %xor3A_504 = arith.xori %iota3A_501, %xor3A_503 : vector<16xi32>
          %reshape3A_505 = vector.shape_cast %xor3A_504 : vector<16xi32> to vector<16x1xi32>
          %gather3A_506 = vector.shape_cast %reshape3A_505 : vector<16x1xi32> to vector<16xi32>
          %gather3A_507 = tpu.dynamic_gather %add3A_500[%gather3A_506] in [0] : vector<16xf32>, vector<16xi32> -> vector<16xf32>
          %add3A_508 = arith.addf %add3A_500, %gather3A_507 : vector<16xf32>
          %xor3A_509 = arith.constant 4 : i32
          %xor3A_510 = vector.broadcast %xor3A_509 : i32 to vector<16xi32>
          %xor3A_511 = arith.xori %iota3A_501, %xor3A_510 : vector<16xi32>
          %reshape3A_512 = vector.shape_cast %xor3A_511 : vector<16xi32> to vector<16x1xi32>
          %gather3A_513 = vector.shape_cast %reshape3A_512 : vector<16x1xi32> to vector<16xi32>
          %gather3A_514 = tpu.dynamic_gather %add3A_508[%gather3A_513] in [0] : vector<16xf32>, vector<16xi32> -> vector<16xf32>
          %add3A_515 = arith.addf %add3A_508, %gather3A_514 : vector<16xf32>
          %xor3A_516 = arith.constant 2 : i32
          %xor3A_517 = vector.broadcast %xor3A_516 : i32 to vector<16xi32>
          %xor3A_518 = arith.xori %iota3A_501, %xor3A_517 : vector<16xi32>
          %reshape3A_519 = vector.shape_cast %xor3A_518 : vector<16xi32> to vector<16x1xi32>
          %gather3A_520 = vector.shape_cast %reshape3A_519 : vector<16x1xi32> to vector<16xi32>
          %gather3A_521 = tpu.dynamic_gather %add3A_515[%gather3A_520] in [0] : vector<16xf32>, vector<16xi32> -> vector<16xf32>
          %add3A_522 = arith.addf %add3A_515, %gather3A_521 : vector<16xf32>
          %xor3A_523 = arith.constant 1 : i32
          %xor3A_524 = vector.broadcast %xor3A_523 : i32 to vector<16xi32>
          %xor3A_525 = arith.xori %iota3A_501, %xor3A_524 : vector<16xi32>
          %reshape3A_526 = vector.shape_cast %xor3A_525 : vector<16xi32> to vector<16x1xi32>
          %gather3A_527 = vector.shape_cast %reshape3A_526 : vector<16x1xi32> to vector<16xi32>
          %gather3A_528 = tpu.dynamic_gather %add3A_522[%gather3A_527] in [0] : vector<16xf32>, vector<16xi32> -> vector<16xf32>
          %add3A_529 = arith.addf %add3A_522, %gather3A_528 : vector<16xf32>
          %exp3A_530 = math.exp %add3A_529 : vector<16xf32>
          %add3A_531 = arith.addf %mul3A_388, %mul3A_404 : vector<16xf32>
          %add3A_532 = arith.addf %mul3A_420, %mul3A_436 : vector<16xf32>
          %add3A_533 = arith.addf %add3A_531, %add3A_532 : vector<16xf32>
          %iota3A_534 = tpu.iota {dimensions = array<i32: 0>} : vector<16xi32>
          %xor3A_535 = arith.constant 8 : i32
          %xor3A_536 = vector.broadcast %xor3A_535 : i32 to vector<16xi32>
          %xor3A_537 = arith.xori %iota3A_534, %xor3A_536 : vector<16xi32>
          %reshape3A_538 = vector.shape_cast %xor3A_537 : vector<16xi32> to vector<16x1xi32>
          %gather3A_539 = vector.shape_cast %reshape3A_538 : vector<16x1xi32> to vector<16xi32>
          %gather3A_540 = tpu.dynamic_gather %add3A_533[%gather3A_539] in [0] : vector<16xf32>, vector<16xi32> -> vector<16xf32>
          %add3A_541 = arith.addf %add3A_533, %gather3A_540 : vector<16xf32>
          %xor3A_542 = arith.constant 4 : i32
          %xor3A_543 = vector.broadcast %xor3A_542 : i32 to vector<16xi32>
          %xor3A_544 = arith.xori %iota3A_534, %xor3A_543 : vector<16xi32>
          %reshape3A_545 = vector.shape_cast %xor3A_544 : vector<16xi32> to vector<16x1xi32>
          %gather3A_546 = vector.shape_cast %reshape3A_545 : vector<16x1xi32> to vector<16xi32>
          %gather3A_547 = tpu.dynamic_gather %add3A_541[%gather3A_546] in [0] : vector<16xf32>, vector<16xi32> -> vector<16xf32>
          %add3A_548 = arith.addf %add3A_541, %gather3A_547 : vector<16xf32>
          %xor3A_549 = arith.constant 2 : i32
          %xor3A_550 = vector.broadcast %xor3A_549 : i32 to vector<16xi32>
          %xor3A_551 = arith.xori %iota3A_534, %xor3A_550 : vector<16xi32>
          %reshape3A_552 = vector.shape_cast %xor3A_551 : vector<16xi32> to vector<16x1xi32>
          %gather3A_553 = vector.shape_cast %reshape3A_552 : vector<16x1xi32> to vector<16xi32>
          %gather3A_554 = tpu.dynamic_gather %add3A_548[%gather3A_553] in [0] : vector<16xf32>, vector<16xi32> -> vector<16xf32>
          %add3A_555 = arith.addf %add3A_548, %gather3A_554 : vector<16xf32>
          %xor3A_556 = arith.constant 1 : i32
          %xor3A_557 = vector.broadcast %xor3A_556 : i32 to vector<16xi32>
          %xor3A_558 = arith.xori %iota3A_534, %xor3A_557 : vector<16xi32>
          %reshape3A_559 = vector.shape_cast %xor3A_558 : vector<16xi32> to vector<16x1xi32>
          %gather3A_560 = vector.shape_cast %reshape3A_559 : vector<16x1xi32> to vector<16xi32>
          %gather3A_561 = tpu.dynamic_gather %add3A_555[%gather3A_560] in [0] : vector<16xf32>, vector<16xi32> -> vector<16xf32>
          %add3A_562 = arith.addf %add3A_555, %gather3A_561 : vector<16xf32>
          %exp3A_563 = math.exp %add3A_562 : vector<16xf32>
          %mul3A_564 = arith.mulf %exp3A, %get3A_120 : vector<16xf32>
          %swap3A = arith.index_cast %sub3A_116 : i32 to index
          %swap3A_565 = arith.constant 0 : index
          %swap3A_566 = tpu.vector_load %arg18[%swap3A, %swap3A_565] {strides = array<i32>} : memref<320x256xf32, #tpu.memory_space<vmem>>, vector<1x16xf32>,
          %swap3A_567 = vector.shape_cast %swap3A_566 : vector<1x16xf32> to vector<16xf32>
          %swap3A_568 = vector.shape_cast %mul3A_564 : vector<16xf32> to vector<1x16xf32>
          tpu.vector_store %arg18[%swap3A, %swap3A_565], %swap3A_568 {add = true, strides = array<i32>} : memref<320x256xf32, #tpu.memory_space<vmem>>, vector<1x16xf32>,
          %mul3A_569 = arith.mulf %exp3A, %get3A_124 : vector<16xf32>
          %swap3A_570 = arith.index_cast %sub3A_116 : i32 to index
          %swap3A_571 = arith.constant 16 : index
          %swap3A_572 = tpu.vector_load %arg18[%swap3A_570, %swap3A_571] {strides = array<i32>} : memref<320x256xf32, #tpu.memory_space<vmem>>, vector<1x16xf32>,
          %swap3A_573 = vector.shape_cast %swap3A_572 : vector<1x16xf32> to vector<16xf32>
          %swap3A_574 = vector.shape_cast %mul3A_569 : vector<16xf32> to vector<1x16xf32>
          tpu.vector_store %arg18[%swap3A_570, %swap3A_571], %swap3A_574 {add = true, strides = array<i32>} : memref<320x256xf32, #tpu.memory_space<vmem>>, vector<1x16xf32>,
          %mul3A_575 = arith.mulf %exp3A, %get3A_128 : vector<16xf32>
          %swap3A_576 = arith.index_cast %sub3A_116 : i32 to index
          %swap3A_577 = arith.constant 32 : index
          %swap3A_578 = tpu.vector_load %arg18[%swap3A_576, %swap3A_577] {strides = array<i32>} : memref<320x256xf32, #tpu.memory_space<vmem>>, vector<1x16xf32>,
          %swap3A_579 = vector.shape_cast %swap3A_578 : vector<1x16xf32> to vector<16xf32>
          %swap3A_580 = vector.shape_cast %mul3A_575 : vector<16xf32> to vector<1x16xf32>
          tpu.vector_store %arg18[%swap3A_576, %swap3A_577], %swap3A_580 {add = true, strides = array<i32>} : memref<320x256xf32, #tpu.memory_space<vmem>>, vector<1x16xf32>,
          %mul3A_581 = arith.mulf %exp3A, %get3A_132 : vector<16xf32>
          %swap3A_582 = arith.index_cast %sub3A_116 : i32 to index
          %swap3A_583 = arith.constant 48 : index
          %swap3A_584 = tpu.vector_load %arg18[%swap3A_582, %swap3A_583] {strides = array<i32>} : memref<320x256xf32, #tpu.memory_space<vmem>>, vector<1x16xf32>,
          %swap3A_585 = vector.shape_cast %swap3A_584 : vector<1x16xf32> to vector<16xf32>
          %swap3A_586 = vector.shape_cast %mul3A_581 : vector<16xf32> to vector<1x16xf32>
          tpu.vector_store %arg18[%swap3A_582, %swap3A_583], %swap3A_586 {add = true, strides = array<i32>} : memref<320x256xf32, #tpu.memory_space<vmem>>, vector<1x16xf32>,
          %mul3A_587 = arith.mulf %exp3A_497, %get3A_136 : vector<16xf32>
          %swap3A_588 = arith.index_cast %sub3A_116 : i32 to index
          %swap3A_589 = arith.constant 64 : index
          %swap3A_590 = tpu.vector_load %arg18[%swap3A_588, %swap3A_589] {strides = array<i32>} : memref<320x256xf32, #tpu.memory_space<vmem>>, vector<1x16xf32>,
          %swap3A_591 = vector.shape_cast %swap3A_590 : vector<1x16xf32> to vector<16xf32>
          %swap3A_592 = vector.shape_cast %mul3A_587 : vector<16xf32> to vector<1x16xf32>
          tpu.vector_store %arg18[%swap3A_588, %swap3A_589], %swap3A_592 {add = true, strides = array<i32>} : memref<320x256xf32, #tpu.memory_space<vmem>>, vector<1x16xf32>,
          %mul3A_593 = arith.mulf %exp3A_497, %get3A_140 : vector<16xf32>
          %swap3A_594 = arith.index_cast %sub3A_116 : i32 to index
          %swap3A_595 = arith.constant 80 : index
          %swap3A_596 = tpu.vector_load %arg18[%swap3A_594, %swap3A_595] {strides = array<i32>} : memref<320x256xf32, #tpu.memory_space<vmem>>, vector<1x16xf32>,
          %swap3A_597 = vector.shape_cast %swap3A_596 : vector<1x16xf32> to vector<16xf32>
          %swap3A_598 = vector.shape_cast %mul3A_593 : vector<16xf32> to vector<1x16xf32>
          tpu.vector_store %arg18[%swap3A_594, %swap3A_595], %swap3A_598 {add = true, strides = array<i32>} : memref<320x256xf32, #tpu.memory_space<vmem>>, vector<1x16xf32>,
          %mul3A_599 = arith.mulf %exp3A_497, %get3A_144 : vector<16xf32>
          %swap3A_600 = arith.index_cast %sub3A_116 : i32 to index
          %swap3A_601 = arith.constant 96 : index
          %swap3A_602 = tpu.vector_load %arg18[%swap3A_600, %swap3A_601] {strides = array<i32>} : memref<320x256xf32, #tpu.memory_space<vmem>>, vector<1x16xf32>,
          %swap3A_603 = vector.shape_cast %swap3A_602 : vector<1x16xf32> to vector<16xf32>
          %swap3A_604 = vector.shape_cast %mul3A_599 : vector<16xf32> to vector<1x16xf32>
          tpu.vector_store %arg18[%swap3A_600, %swap3A_601], %swap3A_604 {add = true, strides = array<i32>} : memref<320x256xf32, #tpu.memory_space<vmem>>, vector<1x16xf32>,
          %mul3A_605 = arith.mulf %exp3A_497, %get3A_148 : vector<16xf32>
          %swap3A_606 = arith.index_cast %sub3A_116 : i32 to index
          %swap3A_607 = arith.constant 112 : index
          %swap3A_608 = tpu.vector_load %arg18[%swap3A_606, %swap3A_607] {strides = array<i32>} : memref<320x256xf32, #tpu.memory_space<vmem>>, vector<1x16xf32>,
          %swap3A_609 = vector.shape_cast %swap3A_608 : vector<1x16xf32> to vector<16xf32>
          %swap3A_610 = vector.shape_cast %mul3A_605 : vector<16xf32> to vector<1x16xf32>
          tpu.vector_store %arg18[%swap3A_606, %swap3A_607], %swap3A_610 {add = true, strides = array<i32>} : memref<320x256xf32, #tpu.memory_space<vmem>>, vector<1x16xf32>,
          %mul3A_611 = arith.mulf %exp3A_530, %get3A_152 : vector<16xf32>
          %swap3A_612 = arith.index_cast %sub3A_116 : i32 to index
          %swap3A_613 = arith.constant 128 : index
          %swap3A_614 = tpu.vector_load %arg18[%swap3A_612, %swap3A_613] {strides = array<i32>} : memref<320x256xf32, #tpu.memory_space<vmem>>, vector<1x16xf32>,
          %swap3A_615 = vector.shape_cast %swap3A_614 : vector<1x16xf32> to vector<16xf32>
          %swap3A_616 = vector.shape_cast %mul3A_611 : vector<16xf32> to vector<1x16xf32>
          tpu.vector_store %arg18[%swap3A_612, %swap3A_613], %swap3A_616 {add = true, strides = array<i32>} : memref<320x256xf32, #tpu.memory_space<vmem>>, vector<1x16xf32>,
          %mul3A_617 = arith.mulf %exp3A_530, %get3A_156 : vector<16xf32>
          %swap3A_618 = arith.index_cast %sub3A_116 : i32 to index
          %swap3A_619 = arith.constant 144 : index
          %swap3A_620 = tpu.vector_load %arg18[%swap3A_618, %swap3A_619] {strides = array<i32>} : memref<320x256xf32, #tpu.memory_space<vmem>>, vector<1x16xf32>,
          %swap3A_621 = vector.shape_cast %swap3A_620 : vector<1x16xf32> to vector<16xf32>
          %swap3A_622 = vector.shape_cast %mul3A_617 : vector<16xf32> to vector<1x16xf32>
          tpu.vector_store %arg18[%swap3A_618, %swap3A_619], %swap3A_622 {add = true, strides = array<i32>} : memref<320x256xf32, #tpu.memory_space<vmem>>, vector<1x16xf32>,
          %mul3A_623 = arith.mulf %exp3A_530, %get3A_160 : vector<16xf32>
          %swap3A_624 = arith.index_cast %sub3A_116 : i32 to index
          %swap3A_625 = arith.constant 160 : index
          %swap3A_626 = tpu.vector_load %arg18[%swap3A_624, %swap3A_625] {strides = array<i32>} : memref<320x256xf32, #tpu.memory_space<vmem>>, vector<1x16xf32>,
          %swap3A_627 = vector.shape_cast %swap3A_626 : vector<1x16xf32> to vector<16xf32>
          %swap3A_628 = vector.shape_cast %mul3A_623 : vector<16xf32> to vector<1x16xf32>
          tpu.vector_store %arg18[%swap3A_624, %swap3A_625], %swap3A_628 {add = true, strides = array<i32>} : memref<320x256xf32, #tpu.memory_space<vmem>>, vector<1x16xf32>,
          %mul3A_629 = arith.mulf %exp3A_530, %get3A_164 : vector<16xf32>
          %swap3A_630 = arith.index_cast %sub3A_116 : i32 to index
          %swap3A_631 = arith.constant 176 : index
          %swap3A_632 = tpu.vector_load %arg18[%swap3A_630, %swap3A_631] {strides = array<i32>} : memref<320x256xf32, #tpu.memory_space<vmem>>, vector<1x16xf32>,
          %swap3A_633 = vector.shape_cast %swap3A_632 : vector<1x16xf32> to vector<16xf32>
          %swap3A_634 = vector.shape_cast %mul3A_629 : vector<16xf32> to vector<1x16xf32>
          tpu.vector_store %arg18[%swap3A_630, %swap3A_631], %swap3A_634 {add = true, strides = array<i32>} : memref<320x256xf32, #tpu.memory_space<vmem>>, vector<1x16xf32>,
          %mul3A_635 = arith.mulf %exp3A_563, %get3A_168 : vector<16xf32>
          %swap3A_636 = arith.index_cast %sub3A_116 : i32 to index
          %swap3A_637 = arith.constant 192 : index
          %swap3A_638 = tpu.vector_load %arg18[%swap3A_636, %swap3A_637] {strides = array<i32>} : memref<320x256xf32, #tpu.memory_space<vmem>>, vector<1x16xf32>,
          %swap3A_639 = vector.shape_cast %swap3A_638 : vector<1x16xf32> to vector<16xf32>
          %swap3A_640 = vector.shape_cast %mul3A_635 : vector<16xf32> to vector<1x16xf32>
          tpu.vector_store %arg18[%swap3A_636, %swap3A_637], %swap3A_640 {add = true, strides = array<i32>} : memref<320x256xf32, #tpu.memory_space<vmem>>, vector<1x16xf32>,
          %mul3A_641 = arith.mulf %exp3A_563, %get3A_172 : vector<16xf32>
          %swap3A_642 = arith.index_cast %sub3A_116 : i32 to index
          %swap3A_643 = arith.constant 208 : index
          %swap3A_644 = tpu.vector_load %arg18[%swap3A_642, %swap3A_643] {strides = array<i32>} : memref<320x256xf32, #tpu.memory_space<vmem>>, vector<1x16xf32>,
          %swap3A_645 = vector.shape_cast %swap3A_644 : vector<1x16xf32> to vector<16xf32>
          %swap3A_646 = vector.shape_cast %mul3A_641 : vector<16xf32> to vector<1x16xf32>
          tpu.vector_store %arg18[%swap3A_642, %swap3A_643], %swap3A_646 {add = true, strides = array<i32>} : memref<320x256xf32, #tpu.memory_space<vmem>>, vector<1x16xf32>,
          %mul3A_647 = arith.mulf %exp3A_563, %get3A_176 : vector<16xf32>
          %swap3A_648 = arith.index_cast %sub3A_116 : i32 to index
          %swap3A_649 = arith.constant 224 : index
          %swap3A_650 = tpu.vector_load %arg18[%swap3A_648, %swap3A_649] {strides = array<i32>} : memref<320x256xf32, #tpu.memory_space<vmem>>, vector<1x16xf32>,
          %swap3A_651 = vector.shape_cast %swap3A_650 : vector<1x16xf32> to vector<16xf32>
          %swap3A_652 = vector.shape_cast %mul3A_647 : vector<16xf32> to vector<1x16xf32>
          tpu.vector_store %arg18[%swap3A_648, %swap3A_649], %swap3A_652 {add = true, strides = array<i32>} : memref<320x256xf32, #tpu.memory_space<vmem>>, vector<1x16xf32>,
          %mul3A_653 = arith.mulf %exp3A_563, %get3A_180 : vector<16xf32>
          %swap3A_654 = arith.index_cast %sub3A_116 : i32 to index
          %swap3A_655 = arith.constant 240 : index
          %swap3A_656 = tpu.vector_load %arg18[%swap3A_654, %swap3A_655] {strides = array<i32>} : memref<320x256xf32, #tpu.memory_space<vmem>>, vector<1x16xf32>,
          %swap3A_657 = vector.shape_cast %swap3A_656 : vector<1x16xf32> to vector<16xf32>
          %swap3A_658 = vector.shape_cast %mul3A_653 : vector<16xf32> to vector<1x16xf32>
          tpu.vector_store %arg18[%swap3A_654, %swap3A_655], %swap3A_658 {add = true, strides = array<i32>} : memref<320x256xf32, #tpu.memory_space<vmem>>, vector<1x16xf32>,
          %iota3A_659 = tpu.iota {dimensions = array<i32: 0>} : vector<16xi32>
          %lt3A_660 = arith.constant 4 : i32
          %lt3A_661 = vector.broadcast %lt3A_660 : i32 to vector<16xi32>
          %lt3A_662 = arith.cmpi slt, %iota3A_659, %lt3A_661 : vector<16xi32>
          %lt3A_663 = arith.constant 8 : i32
          %lt3A_664 = vector.broadcast %lt3A_663 : i32 to vector<16xi32>
          %lt3A_665 = arith.cmpi slt, %iota3A_659, %lt3A_664 : vector<16xi32>
          %lt3A_666 = arith.constant 12 : i32
          %lt3A_667 = vector.broadcast %lt3A_666 : i32 to vector<16xi32>
          %lt3A_668 = arith.cmpi slt, %iota3A_659, %lt3A_667 : vector<16xi32>
          %select_n3A_669 = arith.select %lt3A_668, %exp3A_530, %exp3A_563 : vector<16xi1>, vector<16xf32>
          %select_n3A_670 = arith.select %lt3A_665, %exp3A_497, %select_n3A_669 : vector<16xi1>, vector<16xf32>
          %select_n3A_671 = arith.select %lt3A_662, %exp3A, %select_n3A_670 : vector<16xi1>, vector<16xf32>
          %mul3A_672 = arith.constant 16 : i32
          %mul3A_673 = arith.muli %sub3A_116, %mul3A_672 : i32
          %swap3A_674 = arith.index_cast %mul3A_673 : i32 to index
          %swap3A_675 = tpu.vector_load %arg19[%swap3A_674] {strides = array<i32>} : memref<5120xf32, #tpu.memory_space<vmem>>, vector<16xf32>,
          %swap3A_676 = vector.shape_cast %swap3A_675 : vector<16xf32> to vector<16xf32>
          %swap3A_677 = vector.shape_cast %select_n3A_671 : vector<16xf32> to vector<16xf32>
          tpu.vector_store %arg19[%swap3A_674], %swap3A_677 {add = true, strides = array<i32>} : memref<5120xf32, #tpu.memory_space<vmem>>, vector<16xf32>,
        } else {
        }
        %scan3A_110 = arith.constant 0 : i32
        scf.yield %scan3A_110 : i32
      }
      %scan3A_103 = arith.constant 64 : i32
      %while3A_104 = arith.constant 0 : i32
      scf.yield %while3A_104 : i32
    }
    %while3A_73 = arith.constant 1 : i32
    %while3A_74 = scf.for %while3A_82 = %while3A_70 to %while3A_66 step %while3A_73 iter_args(%while3A_83 = %while3A_72) -> (i32)  : i32 {
      %mul3A_84 = arith.constant 64 : i32
      %mul3A_85 = arith.muli %while3A_82, %mul3A_84 : i32
      %add3A_86 = arith.addi %mul3A_34, %mul3A_85 : i32
      "tpu.region"() ({
        %run_scoped3A = tpu.sem_alloc : memref<!tpu.dma_semaphore, #tpu.memory_space<semaphore_mem>>
        %dma_start3A_105 = tpu.memref_slice %arg4[%add3A_86] : memref<330080xi32, #tpu.memory_space<hbm>> -> memref<64xi32, #tpu.memory_space<hbm>>
        %dma_start3A_106 = tpu.memref_slice %arg4[%add3A_86] : memref<330080xi32, #tpu.memory_space<hbm>> -> memref<64xi32, #tpu.memory_space<hbm>>
        tpu.enqueue_dma source(%dma_start3A_106 : memref<64xi32, #tpu.memory_space<hbm>>) target(%arg13 : memref<64xi32, #tpu.memory_space<vmem>>) target_semaphore(%run_scoped3A : memref<!tpu.dma_semaphore, #tpu.memory_space<semaphore_mem>>)
        %dma_wait3A_107 = tpu.memref_slice %arg4[%add3A_86] : memref<330080xi32, #tpu.memory_space<hbm>> -> memref<64xi32, #tpu.memory_space<hbm>>
        %dma_wait3A_108 = tpu.memref_slice %arg4[%add3A_86] : memref<330080xi32, #tpu.memory_space<hbm>> -> memref<64xi32, #tpu.memory_space<hbm>>
        tpu.wait_dma2 semaphore(%run_scoped3A : memref<!tpu.dma_semaphore, #tpu.memory_space<semaphore_mem>>) src(%dma_wait3A_108 : memref<64xi32, #tpu.memory_space<hbm>>) dst(%arg13 : memref<64xi32, #tpu.memory_space<vmem>>)
        tpu.yield
      }) : () -> ()
      "tpu.region"() ({
        %run_scoped3A = tpu.sem_alloc : memref<!tpu.dma_semaphore, #tpu.memory_space<semaphore_mem>>
        %dma_start3A_105 = tpu.memref_slice %arg5[%add3A_86] : memref<330080xi32, #tpu.memory_space<hbm>> -> memref<64xi32, #tpu.memory_space<hbm>>
        %dma_start3A_106 = tpu.memref_slice %arg5[%add3A_86] : memref<330080xi32, #tpu.memory_space<hbm>> -> memref<64xi32, #tpu.memory_space<hbm>>
        tpu.enqueue_dma source(%dma_start3A_106 : memref<64xi32, #tpu.memory_space<hbm>>) target(%arg14 : memref<64xi32, #tpu.memory_space<vmem>>) target_semaphore(%run_scoped3A : memref<!tpu.dma_semaphore, #tpu.memory_space<semaphore_mem>>)
        %dma_wait3A_107 = tpu.memref_slice %arg5[%add3A_86] : memref<330080xi32, #tpu.memory_space<hbm>> -> memref<64xi32, #tpu.memory_space<hbm>>
        %dma_wait3A_108 = tpu.memref_slice %arg5[%add3A_86] : memref<330080xi32, #tpu.memory_space<hbm>> -> memref<64xi32, #tpu.memory_space<hbm>>
        tpu.wait_dma2 semaphore(%run_scoped3A : memref<!tpu.dma_semaphore, #tpu.memory_space<semaphore_mem>>) src(%dma_wait3A_108 : memref<64xi32, #tpu.memory_space<hbm>>) dst(%arg14 : memref<64xi32, #tpu.memory_space<vmem>>)
        tpu.yield
      }) : () -> ()
      "tpu.region"() ({
        %run_scoped3A = tpu.sem_alloc : memref<!tpu.dma_semaphore, #tpu.memory_space<semaphore_mem>>
        %dma_start3A_105 = arith.constant 0 : i32
        %dma_start3A_106 = tpu.memref_slice %arg15[%dma_start3A_105] : memref<80xi32, #tpu.memory_space<vmem>> -> memref<64xi32, #tpu.memory_space<vmem>>
        %dma_start3A_107 = tpu.memref_slice %arg5[%add3A_86] : memref<330080xi32, #tpu.memory_space<hbm>> -> memref<64xi32, #tpu.memory_space<hbm>>
        %dma_start3A_108 = arith.constant 0 : i32
        %dma_start3A_109 = tpu.memref_slice %arg15[%dma_start3A_108] : memref<80xi32, #tpu.memory_space<vmem>> -> memref<64xi32, #tpu.memory_space<vmem>>
        %dma_start3A_110 = tpu.memref_slice %arg5[%add3A_86] : memref<330080xi32, #tpu.memory_space<hbm>> -> memref<64xi32, #tpu.memory_space<hbm>>
        tpu.enqueue_dma source(%dma_start3A_110 : memref<64xi32, #tpu.memory_space<hbm>>) target(%dma_start3A_109 : memref<64xi32, #tpu.memory_space<vmem>>) target_semaphore(%run_scoped3A : memref<!tpu.dma_semaphore, #tpu.memory_space<semaphore_mem>>)
        %dma_wait3A_111 = arith.constant 0 : i32
        %dma_wait3A_112 = tpu.memref_slice %arg15[%dma_wait3A_111] : memref<80xi32, #tpu.memory_space<vmem>> -> memref<64xi32, #tpu.memory_space<vmem>>
        %dma_wait3A_113 = tpu.memref_slice %arg5[%add3A_86] : memref<330080xi32, #tpu.memory_space<hbm>> -> memref<64xi32, #tpu.memory_space<hbm>>
        %dma_wait3A_114 = arith.constant 0 : i32
        %dma_wait3A_115 = tpu.memref_slice %arg15[%dma_wait3A_114] : memref<80xi32, #tpu.memory_space<vmem>> -> memref<64xi32, #tpu.memory_space<vmem>>
        %dma_wait3A_116 = tpu.memref_slice %arg5[%add3A_86] : memref<330080xi32, #tpu.memory_space<hbm>> -> memref<64xi32, #tpu.memory_space<hbm>>
        tpu.wait_dma2 semaphore(%run_scoped3A : memref<!tpu.dma_semaphore, #tpu.memory_space<semaphore_mem>>) src(%dma_wait3A_116 : memref<64xi32, #tpu.memory_space<hbm>>) dst(%dma_wait3A_115 : memref<64xi32, #tpu.memory_space<vmem>>)
        tpu.yield
      }) : () -> ()
      %dma_start3A = arith.constant 0 : i32
      %dma_start3A_87 = arith.constant 0 : i32
      %dma_start3A_88 = tpu.memref_slice %arg2[%dma_start3A, %dma_start3A_87] : memref<10000x256xf32, #tpu.memory_space<hbm>> -> memref<10000x256xf32, #tpu.memory_space<hbm>>
      tpu.enqueue_indirect_dma source(%dma_start3A_88 : memref<10000x256xf32, #tpu.memory_space<hbm>>) target(%arg16 : memref<64x256xf32, #tpu.memory_space<vmem>>) offsets(%arg13 : memref<64xi32, #tpu.memory_space<vmem>>) semaphore(%arg20 : memref<!tpu.dma_semaphore, #tpu.memory_space<semaphore_mem>>)
      %dma_start3A_89 = arith.constant 0 : i32
      %dma_start3A_90 = arith.constant 0 : i32
      %dma_start3A_91 = tpu.memref_slice %arg3[%dma_start3A_89, %dma_start3A_90] : memref<10000x256xf32, #tpu.memory_space<hbm>> -> memref<10000x256xf32, #tpu.memory_space<hbm>>
      tpu.enqueue_indirect_dma source(%dma_start3A_91 : memref<10000x256xf32, #tpu.memory_space<hbm>>) target(%arg17 : memref<64x256xf32, #tpu.memory_space<vmem>>) offsets(%arg14 : memref<64xi32, #tpu.memory_space<vmem>>) semaphore(%arg21 : memref<!tpu.dma_semaphore, #tpu.memory_space<semaphore_mem>>)
      %dma_wait3A = arith.constant 0 : i32
      %dma_wait3A_92 = arith.constant 0 : i32
      %dma_wait3A_93 = tpu.memref_slice %arg2[%dma_wait3A, %dma_wait3A_92] : memref<10000x256xf32, #tpu.memory_space<hbm>> -> memref<10000x256xf32, #tpu.memory_space<hbm>>
      tpu.wait_indirect_dma semaphore(%arg20 : memref<!tpu.dma_semaphore, #tpu.memory_space<semaphore_mem>>) src(%dma_wait3A_93 : memref<10000x256xf32, #tpu.memory_space<hbm>>) dst(%arg16 : memref<64x256xf32, #tpu.memory_space<vmem>>)
      %dma_wait3A_94 = arith.constant 0 : i32
      %dma_wait3A_95 = arith.constant 0 : i32
      %dma_wait3A_96 = tpu.memref_slice %arg3[%dma_wait3A_94, %dma_wait3A_95] : memref<10000x256xf32, #tpu.memory_space<hbm>> -> memref<10000x256xf32, #tpu.memory_space<hbm>>
      tpu.wait_indirect_dma semaphore(%arg21 : memref<!tpu.dma_semaphore, #tpu.memory_space<semaphore_mem>>) src(%dma_wait3A_96 : memref<10000x256xf32, #tpu.memory_space<hbm>>) dst(%arg17 : memref<64x256xf32, #tpu.memory_space<vmem>>)
      %scan3A_97 = arith.constant 0 : i32
      %scan3A_98 = arith.constant 0 : i32
      %scan3A_99 = arith.constant 64 : i32
      %scan3A_100 = arith.addi %scan3A_98, %scan3A_99 : i32
      %scan3A_101 = arith.constant 1 : i32
      %scan3A_102 = scf.for %scan3A_105 = %scan3A_98 to %scan3A_100 step %scan3A_101 iter_args(%scan3A_106 = %scan3A_97) -> (i32)  : i32 {
        %add3A_107 = arith.addi %add3A_86, %scan3A_105 : i32
        %ge3A = arith.cmpi sge, %add3A_107, %squeeze3A : i32
        %lt3A = arith.cmpi slt, %add3A_107, %squeeze3A_16 : i32
        %and3A_108 = arith.andi %ge3A, %lt3A : i1
        %convert_element_type3A = arith.extui %and3A_108 : i1 to i32
        %cond3A = arith.constant 0 : i32
        %cond3A_109 = arith.cmpi ne, %convert_element_type3A, %cond3A : i32
        scf.if %cond3A_109 {
          %get3A_111 = arith.index_cast %scan3A_105 : i32 to index
          %get3A_112 = tpu.vector_load %arg15[%get3A_111] {strides = array<i32>} : memref<80xi32, #tpu.memory_space<vmem>>, vector<16xi32>,
          %get3A_113 = vector.shape_cast %get3A_112 : vector<16xi32> to vector<16xi32>
          %slice3A_114 = vector.extract_strided_slice %get3A_113 {offsets = [0], sizes = [1], strides = [1]} : vector<16xi32> to vector<1xi32>
          %squeeze3A_115 = vector.extract %slice3A_114[0] : i32 from vector<1xi32>
          %sub3A_116 = arith.subi %squeeze3A_115, %mul3A_2 : i32
          %get3A_117 = arith.index_cast %scan3A_105 : i32 to index
          %get3A_118 = arith.constant 0 : index
          %get3A_119 = tpu.vector_load %arg16[%get3A_117, %get3A_118] {strides = array<i32>} : memref<64x256xf32, #tpu.memory_space<vmem>>, vector<1x16xf32>,
          %get3A_120 = vector.shape_cast %get3A_119 : vector<1x16xf32> to vector<16xf32>
          %get3A_121 = arith.index_cast %scan3A_105 : i32 to index
          %get3A_122 = arith.constant 16 : index
          %get3A_123 = tpu.vector_load %arg16[%get3A_121, %get3A_122] {strides = array<i32>} : memref<64x256xf32, #tpu.memory_space<vmem>>, vector<1x16xf32>,
          %get3A_124 = vector.shape_cast %get3A_123 : vector<1x16xf32> to vector<16xf32>
          %get3A_125 = arith.index_cast %scan3A_105 : i32 to index
          %get3A_126 = arith.constant 32 : index
          %get3A_127 = tpu.vector_load %arg16[%get3A_125, %get3A_126] {strides = array<i32>} : memref<64x256xf32, #tpu.memory_space<vmem>>, vector<1x16xf32>,
          %get3A_128 = vector.shape_cast %get3A_127 : vector<1x16xf32> to vector<16xf32>
          %get3A_129 = arith.index_cast %scan3A_105 : i32 to index
          %get3A_130 = arith.constant 48 : index
          %get3A_131 = tpu.vector_load %arg16[%get3A_129, %get3A_130] {strides = array<i32>} : memref<64x256xf32, #tpu.memory_space<vmem>>, vector<1x16xf32>,
          %get3A_132 = vector.shape_cast %get3A_131 : vector<1x16xf32> to vector<16xf32>
          %get3A_133 = arith.index_cast %scan3A_105 : i32 to index
          %get3A_134 = arith.constant 64 : index
          %get3A_135 = tpu.vector_load %arg16[%get3A_133, %get3A_134] {strides = array<i32>} : memref<64x256xf32, #tpu.memory_space<vmem>>, vector<1x16xf32>,
          %get3A_136 = vector.shape_cast %get3A_135 : vector<1x16xf32> to vector<16xf32>
          %get3A_137 = arith.index_cast %scan3A_105 : i32 to index
          %get3A_138 = arith.constant 80 : index
          %get3A_139 = tpu.vector_load %arg16[%get3A_137, %get3A_138] {strides = array<i32>} : memref<64x256xf32, #tpu.memory_space<vmem>>, vector<1x16xf32>,
          %get3A_140 = vector.shape_cast %get3A_139 : vector<1x16xf32> to vector<16xf32>
          %get3A_141 = arith.index_cast %scan3A_105 : i32 to index
          %get3A_142 = arith.constant 96 : index
          %get3A_143 = tpu.vector_load %arg16[%get3A_141, %get3A_142] {strides = array<i32>} : memref<64x256xf32, #tpu.memory_space<vmem>>, vector<1x16xf32>,
          %get3A_144 = vector.shape_cast %get3A_143 : vector<1x16xf32> to vector<16xf32>
          %get3A_145 = arith.index_cast %scan3A_105 : i32 to index
          %get3A_146 = arith.constant 112 : index
          %get3A_147 = tpu.vector_load %arg16[%get3A_145, %get3A_146] {strides = array<i32>} : memref<64x256xf32, #tpu.memory_space<vmem>>, vector<1x16xf32>,
          %get3A_148 = vector.shape_cast %get3A_147 : vector<1x16xf32> to vector<16xf32>
          %get3A_149 = arith.index_cast %scan3A_105 : i32 to index
          %get3A_150 = arith.constant 128 : index
          %get3A_151 = tpu.vector_load %arg16[%get3A_149, %get3A_150] {strides = array<i32>} : memref<64x256xf32, #tpu.memory_space<vmem>>, vector<1x16xf32>,
          %get3A_152 = vector.shape_cast %get3A_151 : vector<1x16xf32> to vector<16xf32>
          %get3A_153 = arith.index_cast %scan3A_105 : i32 to index
          %get3A_154 = arith.constant 144 : index
          %get3A_155 = tpu.vector_load %arg16[%get3A_153, %get3A_154] {strides = array<i32>} : memref<64x256xf32, #tpu.memory_space<vmem>>, vector<1x16xf32>,
          %get3A_156 = vector.shape_cast %get3A_155 : vector<1x16xf32> to vector<16xf32>
          %get3A_157 = arith.index_cast %scan3A_105 : i32 to index
          %get3A_158 = arith.constant 160 : index
          %get3A_159 = tpu.vector_load %arg16[%get3A_157, %get3A_158] {strides = array<i32>} : memref<64x256xf32, #tpu.memory_space<vmem>>, vector<1x16xf32>,
          %get3A_160 = vector.shape_cast %get3A_159 : vector<1x16xf32> to vector<16xf32>
          %get3A_161 = arith.index_cast %scan3A_105 : i32 to index
          %get3A_162 = arith.constant 176 : index
          %get3A_163 = tpu.vector_load %arg16[%get3A_161, %get3A_162] {strides = array<i32>} : memref<64x256xf32, #tpu.memory_space<vmem>>, vector<1x16xf32>,
          %get3A_164 = vector.shape_cast %get3A_163 : vector<1x16xf32> to vector<16xf32>
          %get3A_165 = arith.index_cast %scan3A_105 : i32 to index
          %get3A_166 = arith.constant 192 : index
          %get3A_167 = tpu.vector_load %arg16[%get3A_165, %get3A_166] {strides = array<i32>} : memref<64x256xf32, #tpu.memory_space<vmem>>, vector<1x16xf32>,
          %get3A_168 = vector.shape_cast %get3A_167 : vector<1x16xf32> to vector<16xf32>
          %get3A_169 = arith.index_cast %scan3A_105 : i32 to index
          %get3A_170 = arith.constant 208 : index
          %get3A_171 = tpu.vector_load %arg16[%get3A_169, %get3A_170] {strides = array<i32>} : memref<64x256xf32, #tpu.memory_space<vmem>>, vector<1x16xf32>,
          %get3A_172 = vector.shape_cast %get3A_171 : vector<1x16xf32> to vector<16xf32>
          %get3A_173 = arith.index_cast %scan3A_105 : i32 to index
          %get3A_174 = arith.constant 224 : index
          %get3A_175 = tpu.vector_load %arg16[%get3A_173, %get3A_174] {strides = array<i32>} : memref<64x256xf32, #tpu.memory_space<vmem>>, vector<1x16xf32>,
          %get3A_176 = vector.shape_cast %get3A_175 : vector<1x16xf32> to vector<16xf32>
          %get3A_177 = arith.index_cast %scan3A_105 : i32 to index
          %get3A_178 = arith.constant 240 : index
          %get3A_179 = tpu.vector_load %arg16[%get3A_177, %get3A_178] {strides = array<i32>} : memref<64x256xf32, #tpu.memory_space<vmem>>, vector<1x16xf32>,
          %get3A_180 = vector.shape_cast %get3A_179 : vector<1x16xf32> to vector<16xf32>
          %get3A_181 = arith.index_cast %scan3A_105 : i32 to index
          %get3A_182 = arith.constant 0 : index
          %get3A_183 = tpu.vector_load %arg17[%get3A_181, %get3A_182] {strides = array<i32>} : memref<64x256xf32, #tpu.memory_space<vmem>>, vector<1x16xf32>,
          %get3A_184 = vector.shape_cast %get3A_183 : vector<1x16xf32> to vector<16xf32>
          %add3A_185 = arith.addf %get3A_184, %get3A_120 : vector<16xf32>
          %ge3A_186 = arith.constant 0.000000e+00 : f32
          %ge3A_187 = vector.broadcast %ge3A_186 : f32 to vector<16xf32>
          %ge3A_188 = arith.cmpf oge, %add3A_185, %ge3A_187 : vector<16xf32>
          %mul3A_189 = arith.constant 2.000000e-01 : f32
          %mul3A_190 = vector.broadcast %mul3A_189 : f32 to vector<16xf32>
          %mul3A_191 = arith.mulf %add3A_185, %mul3A_190 : vector<16xf32>
          %select_n3A_192 = arith.select %ge3A_188, %add3A_185, %mul3A_191 : vector<16xi1>, vector<16xf32>
          %get3A_193 = arith.constant 0 : index
          %get3A_194 = tpu.vector_load %arg11[%get3A_193] {strides = array<i32>} : memref<256xf32, #tpu.memory_space<vmem>>, vector<16xf32>,
          %get3A_195 = vector.shape_cast %get3A_194 : vector<16xf32> to vector<16xf32>
          %mul3A_196 = arith.mulf %select_n3A_192, %get3A_195 : vector<16xf32>
          %get3A_197 = arith.index_cast %scan3A_105 : i32 to index
          %get3A_198 = arith.constant 16 : index
          %get3A_199 = tpu.vector_load %arg17[%get3A_197, %get3A_198] {strides = array<i32>} : memref<64x256xf32, #tpu.memory_space<vmem>>, vector<1x16xf32>,
          %get3A_200 = vector.shape_cast %get3A_199 : vector<1x16xf32> to vector<16xf32>
          %add3A_201 = arith.addf %get3A_200, %get3A_124 : vector<16xf32>
          %ge3A_202 = arith.constant 0.000000e+00 : f32
          %ge3A_203 = vector.broadcast %ge3A_202 : f32 to vector<16xf32>
          %ge3A_204 = arith.cmpf oge, %add3A_201, %ge3A_203 : vector<16xf32>
          %mul3A_205 = arith.constant 2.000000e-01 : f32
          %mul3A_206 = vector.broadcast %mul3A_205 : f32 to vector<16xf32>
          %mul3A_207 = arith.mulf %add3A_201, %mul3A_206 : vector<16xf32>
          %select_n3A_208 = arith.select %ge3A_204, %add3A_201, %mul3A_207 : vector<16xi1>, vector<16xf32>
          %get3A_209 = arith.constant 16 : index
          %get3A_210 = tpu.vector_load %arg11[%get3A_209] {strides = array<i32>} : memref<256xf32, #tpu.memory_space<vmem>>, vector<16xf32>,
          %get3A_211 = vector.shape_cast %get3A_210 : vector<16xf32> to vector<16xf32>
          %mul3A_212 = arith.mulf %select_n3A_208, %get3A_211 : vector<16xf32>
          %get3A_213 = arith.index_cast %scan3A_105 : i32 to index
          %get3A_214 = arith.constant 32 : index
          %get3A_215 = tpu.vector_load %arg17[%get3A_213, %get3A_214] {strides = array<i32>} : memref<64x256xf32, #tpu.memory_space<vmem>>, vector<1x16xf32>,
          %get3A_216 = vector.shape_cast %get3A_215 : vector<1x16xf32> to vector<16xf32>
          %add3A_217 = arith.addf %get3A_216, %get3A_128 : vector<16xf32>
          %ge3A_218 = arith.constant 0.000000e+00 : f32
          %ge3A_219 = vector.broadcast %ge3A_218 : f32 to vector<16xf32>
          %ge3A_220 = arith.cmpf oge, %add3A_217, %ge3A_219 : vector<16xf32>
          %mul3A_221 = arith.constant 2.000000e-01 : f32
          %mul3A_222 = vector.broadcast %mul3A_221 : f32 to vector<16xf32>
          %mul3A_223 = arith.mulf %add3A_217, %mul3A_222 : vector<16xf32>
          %select_n3A_224 = arith.select %ge3A_220, %add3A_217, %mul3A_223 : vector<16xi1>, vector<16xf32>
          %get3A_225 = arith.constant 32 : index
          %get3A_226 = tpu.vector_load %arg11[%get3A_225] {strides = array<i32>} : memref<256xf32, #tpu.memory_space<vmem>>, vector<16xf32>,
          %get3A_227 = vector.shape_cast %get3A_226 : vector<16xf32> to vector<16xf32>
          %mul3A_228 = arith.mulf %select_n3A_224, %get3A_227 : vector<16xf32>
          %get3A_229 = arith.index_cast %scan3A_105 : i32 to index
          %get3A_230 = arith.constant 48 : index
          %get3A_231 = tpu.vector_load %arg17[%get3A_229, %get3A_230] {strides = array<i32>} : memref<64x256xf32, #tpu.memory_space<vmem>>, vector<1x16xf32>,
          %get3A_232 = vector.shape_cast %get3A_231 : vector<1x16xf32> to vector<16xf32>
          %add3A_233 = arith.addf %get3A_232, %get3A_132 : vector<16xf32>
          %ge3A_234 = arith.constant 0.000000e+00 : f32
          %ge3A_235 = vector.broadcast %ge3A_234 : f32 to vector<16xf32>
          %ge3A_236 = arith.cmpf oge, %add3A_233, %ge3A_235 : vector<16xf32>
          %mul3A_237 = arith.constant 2.000000e-01 : f32
          %mul3A_238 = vector.broadcast %mul3A_237 : f32 to vector<16xf32>
          %mul3A_239 = arith.mulf %add3A_233, %mul3A_238 : vector<16xf32>
          %select_n3A_240 = arith.select %ge3A_236, %add3A_233, %mul3A_239 : vector<16xi1>, vector<16xf32>
          %get3A_241 = arith.constant 48 : index
          %get3A_242 = tpu.vector_load %arg11[%get3A_241] {strides = array<i32>} : memref<256xf32, #tpu.memory_space<vmem>>, vector<16xf32>,
          %get3A_243 = vector.shape_cast %get3A_242 : vector<16xf32> to vector<16xf32>
          %mul3A_244 = arith.mulf %select_n3A_240, %get3A_243 : vector<16xf32>
          %get3A_245 = arith.index_cast %scan3A_105 : i32 to index
          %get3A_246 = arith.constant 64 : index
          %get3A_247 = tpu.vector_load %arg17[%get3A_245, %get3A_246] {strides = array<i32>} : memref<64x256xf32, #tpu.memory_space<vmem>>, vector<1x16xf32>,
          %get3A_248 = vector.shape_cast %get3A_247 : vector<1x16xf32> to vector<16xf32>
          %add3A_249 = arith.addf %get3A_248, %get3A_136 : vector<16xf32>
          %ge3A_250 = arith.constant 0.000000e+00 : f32
          %ge3A_251 = vector.broadcast %ge3A_250 : f32 to vector<16xf32>
          %ge3A_252 = arith.cmpf oge, %add3A_249, %ge3A_251 : vector<16xf32>
          %mul3A_253 = arith.constant 2.000000e-01 : f32
          %mul3A_254 = vector.broadcast %mul3A_253 : f32 to vector<16xf32>
          %mul3A_255 = arith.mulf %add3A_249, %mul3A_254 : vector<16xf32>
          %select_n3A_256 = arith.select %ge3A_252, %add3A_249, %mul3A_255 : vector<16xi1>, vector<16xf32>
          %get3A_257 = arith.constant 64 : index
          %get3A_258 = tpu.vector_load %arg11[%get3A_257] {strides = array<i32>} : memref<256xf32, #tpu.memory_space<vmem>>, vector<16xf32>,
          %get3A_259 = vector.shape_cast %get3A_258 : vector<16xf32> to vector<16xf32>
          %mul3A_260 = arith.mulf %select_n3A_256, %get3A_259 : vector<16xf32>
          %get3A_261 = arith.index_cast %scan3A_105 : i32 to index
          %get3A_262 = arith.constant 80 : index
          %get3A_263 = tpu.vector_load %arg17[%get3A_261, %get3A_262] {strides = array<i32>} : memref<64x256xf32, #tpu.memory_space<vmem>>, vector<1x16xf32>,
          %get3A_264 = vector.shape_cast %get3A_263 : vector<1x16xf32> to vector<16xf32>
          %add3A_265 = arith.addf %get3A_264, %get3A_140 : vector<16xf32>
          %ge3A_266 = arith.constant 0.000000e+00 : f32
          %ge3A_267 = vector.broadcast %ge3A_266 : f32 to vector<16xf32>
          %ge3A_268 = arith.cmpf oge, %add3A_265, %ge3A_267 : vector<16xf32>
          %mul3A_269 = arith.constant 2.000000e-01 : f32
          %mul3A_270 = vector.broadcast %mul3A_269 : f32 to vector<16xf32>
          %mul3A_271 = arith.mulf %add3A_265, %mul3A_270 : vector<16xf32>
          %select_n3A_272 = arith.select %ge3A_268, %add3A_265, %mul3A_271 : vector<16xi1>, vector<16xf32>
          %get3A_273 = arith.constant 80 : index
          %get3A_274 = tpu.vector_load %arg11[%get3A_273] {strides = array<i32>} : memref<256xf32, #tpu.memory_space<vmem>>, vector<16xf32>,
          %get3A_275 = vector.shape_cast %get3A_274 : vector<16xf32> to vector<16xf32>
          %mul3A_276 = arith.mulf %select_n3A_272, %get3A_275 : vector<16xf32>
          %get3A_277 = arith.index_cast %scan3A_105 : i32 to index
          %get3A_278 = arith.constant 96 : index
          %get3A_279 = tpu.vector_load %arg17[%get3A_277, %get3A_278] {strides = array<i32>} : memref<64x256xf32, #tpu.memory_space<vmem>>, vector<1x16xf32>,
          %get3A_280 = vector.shape_cast %get3A_279 : vector<1x16xf32> to vector<16xf32>
          %add3A_281 = arith.addf %get3A_280, %get3A_144 : vector<16xf32>
          %ge3A_282 = arith.constant 0.000000e+00 : f32
          %ge3A_283 = vector.broadcast %ge3A_282 : f32 to vector<16xf32>
          %ge3A_284 = arith.cmpf oge, %add3A_281, %ge3A_283 : vector<16xf32>
          %mul3A_285 = arith.constant 2.000000e-01 : f32
          %mul3A_286 = vector.broadcast %mul3A_285 : f32 to vector<16xf32>
          %mul3A_287 = arith.mulf %add3A_281, %mul3A_286 : vector<16xf32>
          %select_n3A_288 = arith.select %ge3A_284, %add3A_281, %mul3A_287 : vector<16xi1>, vector<16xf32>
          %get3A_289 = arith.constant 96 : index
          %get3A_290 = tpu.vector_load %arg11[%get3A_289] {strides = array<i32>} : memref<256xf32, #tpu.memory_space<vmem>>, vector<16xf32>,
          %get3A_291 = vector.shape_cast %get3A_290 : vector<16xf32> to vector<16xf32>
          %mul3A_292 = arith.mulf %select_n3A_288, %get3A_291 : vector<16xf32>
          %get3A_293 = arith.index_cast %scan3A_105 : i32 to index
          %get3A_294 = arith.constant 112 : index
          %get3A_295 = tpu.vector_load %arg17[%get3A_293, %get3A_294] {strides = array<i32>} : memref<64x256xf32, #tpu.memory_space<vmem>>, vector<1x16xf32>,
          %get3A_296 = vector.shape_cast %get3A_295 : vector<1x16xf32> to vector<16xf32>
          %add3A_297 = arith.addf %get3A_296, %get3A_148 : vector<16xf32>
          %ge3A_298 = arith.constant 0.000000e+00 : f32
          %ge3A_299 = vector.broadcast %ge3A_298 : f32 to vector<16xf32>
          %ge3A_300 = arith.cmpf oge, %add3A_297, %ge3A_299 : vector<16xf32>
          %mul3A_301 = arith.constant 2.000000e-01 : f32
          %mul3A_302 = vector.broadcast %mul3A_301 : f32 to vector<16xf32>
          %mul3A_303 = arith.mulf %add3A_297, %mul3A_302 : vector<16xf32>
          %select_n3A_304 = arith.select %ge3A_300, %add3A_297, %mul3A_303 : vector<16xi1>, vector<16xf32>
          %get3A_305 = arith.constant 112 : index
          %get3A_306 = tpu.vector_load %arg11[%get3A_305] {strides = array<i32>} : memref<256xf32, #tpu.memory_space<vmem>>, vector<16xf32>,
          %get3A_307 = vector.shape_cast %get3A_306 : vector<16xf32> to vector<16xf32>
          %mul3A_308 = arith.mulf %select_n3A_304, %get3A_307 : vector<16xf32>
          %get3A_309 = arith.index_cast %scan3A_105 : i32 to index
          %get3A_310 = arith.constant 128 : index
          %get3A_311 = tpu.vector_load %arg17[%get3A_309, %get3A_310] {strides = array<i32>} : memref<64x256xf32, #tpu.memory_space<vmem>>, vector<1x16xf32>,
          %get3A_312 = vector.shape_cast %get3A_311 : vector<1x16xf32> to vector<16xf32>
          %add3A_313 = arith.addf %get3A_312, %get3A_152 : vector<16xf32>
          %ge3A_314 = arith.constant 0.000000e+00 : f32
          %ge3A_315 = vector.broadcast %ge3A_314 : f32 to vector<16xf32>
          %ge3A_316 = arith.cmpf oge, %add3A_313, %ge3A_315 : vector<16xf32>
          %mul3A_317 = arith.constant 2.000000e-01 : f32
          %mul3A_318 = vector.broadcast %mul3A_317 : f32 to vector<16xf32>
          %mul3A_319 = arith.mulf %add3A_313, %mul3A_318 : vector<16xf32>
          %select_n3A_320 = arith.select %ge3A_316, %add3A_313, %mul3A_319 : vector<16xi1>, vector<16xf32>
          %get3A_321 = arith.constant 128 : index
          %get3A_322 = tpu.vector_load %arg11[%get3A_321] {strides = array<i32>} : memref<256xf32, #tpu.memory_space<vmem>>, vector<16xf32>,
          %get3A_323 = vector.shape_cast %get3A_322 : vector<16xf32> to vector<16xf32>
          %mul3A_324 = arith.mulf %select_n3A_320, %get3A_323 : vector<16xf32>
          %get3A_325 = arith.index_cast %scan3A_105 : i32 to index
          %get3A_326 = arith.constant 144 : index
          %get3A_327 = tpu.vector_load %arg17[%get3A_325, %get3A_326] {strides = array<i32>} : memref<64x256xf32, #tpu.memory_space<vmem>>, vector<1x16xf32>,
          %get3A_328 = vector.shape_cast %get3A_327 : vector<1x16xf32> to vector<16xf32>
          %add3A_329 = arith.addf %get3A_328, %get3A_156 : vector<16xf32>
          %ge3A_330 = arith.constant 0.000000e+00 : f32
          %ge3A_331 = vector.broadcast %ge3A_330 : f32 to vector<16xf32>
          %ge3A_332 = arith.cmpf oge, %add3A_329, %ge3A_331 : vector<16xf32>
          %mul3A_333 = arith.constant 2.000000e-01 : f32
          %mul3A_334 = vector.broadcast %mul3A_333 : f32 to vector<16xf32>
          %mul3A_335 = arith.mulf %add3A_329, %mul3A_334 : vector<16xf32>
          %select_n3A_336 = arith.select %ge3A_332, %add3A_329, %mul3A_335 : vector<16xi1>, vector<16xf32>
          %get3A_337 = arith.constant 144 : index
          %get3A_338 = tpu.vector_load %arg11[%get3A_337] {strides = array<i32>} : memref<256xf32, #tpu.memory_space<vmem>>, vector<16xf32>,
          %get3A_339 = vector.shape_cast %get3A_338 : vector<16xf32> to vector<16xf32>
          %mul3A_340 = arith.mulf %select_n3A_336, %get3A_339 : vector<16xf32>
          %get3A_341 = arith.index_cast %scan3A_105 : i32 to index
          %get3A_342 = arith.constant 160 : index
          %get3A_343 = tpu.vector_load %arg17[%get3A_341, %get3A_342] {strides = array<i32>} : memref<64x256xf32, #tpu.memory_space<vmem>>, vector<1x16xf32>,
          %get3A_344 = vector.shape_cast %get3A_343 : vector<1x16xf32> to vector<16xf32>
          %add3A_345 = arith.addf %get3A_344, %get3A_160 : vector<16xf32>
          %ge3A_346 = arith.constant 0.000000e+00 : f32
          %ge3A_347 = vector.broadcast %ge3A_346 : f32 to vector<16xf32>
          %ge3A_348 = arith.cmpf oge, %add3A_345, %ge3A_347 : vector<16xf32>
          %mul3A_349 = arith.constant 2.000000e-01 : f32
          %mul3A_350 = vector.broadcast %mul3A_349 : f32 to vector<16xf32>
          %mul3A_351 = arith.mulf %add3A_345, %mul3A_350 : vector<16xf32>
          %select_n3A_352 = arith.select %ge3A_348, %add3A_345, %mul3A_351 : vector<16xi1>, vector<16xf32>
          %get3A_353 = arith.constant 160 : index
          %get3A_354 = tpu.vector_load %arg11[%get3A_353] {strides = array<i32>} : memref<256xf32, #tpu.memory_space<vmem>>, vector<16xf32>,
          %get3A_355 = vector.shape_cast %get3A_354 : vector<16xf32> to vector<16xf32>
          %mul3A_356 = arith.mulf %select_n3A_352, %get3A_355 : vector<16xf32>
          %get3A_357 = arith.index_cast %scan3A_105 : i32 to index
          %get3A_358 = arith.constant 176 : index
          %get3A_359 = tpu.vector_load %arg17[%get3A_357, %get3A_358] {strides = array<i32>} : memref<64x256xf32, #tpu.memory_space<vmem>>, vector<1x16xf32>,
          %get3A_360 = vector.shape_cast %get3A_359 : vector<1x16xf32> to vector<16xf32>
          %add3A_361 = arith.addf %get3A_360, %get3A_164 : vector<16xf32>
          %ge3A_362 = arith.constant 0.000000e+00 : f32
          %ge3A_363 = vector.broadcast %ge3A_362 : f32 to vector<16xf32>
          %ge3A_364 = arith.cmpf oge, %add3A_361, %ge3A_363 : vector<16xf32>
          %mul3A_365 = arith.constant 2.000000e-01 : f32
          %mul3A_366 = vector.broadcast %mul3A_365 : f32 to vector<16xf32>
          %mul3A_367 = arith.mulf %add3A_361, %mul3A_366 : vector<16xf32>
          %select_n3A_368 = arith.select %ge3A_364, %add3A_361, %mul3A_367 : vector<16xi1>, vector<16xf32>
          %get3A_369 = arith.constant 176 : index
          %get3A_370 = tpu.vector_load %arg11[%get3A_369] {strides = array<i32>} : memref<256xf32, #tpu.memory_space<vmem>>, vector<16xf32>,
          %get3A_371 = vector.shape_cast %get3A_370 : vector<16xf32> to vector<16xf32>
          %mul3A_372 = arith.mulf %select_n3A_368, %get3A_371 : vector<16xf32>
          %get3A_373 = arith.index_cast %scan3A_105 : i32 to index
          %get3A_374 = arith.constant 192 : index
          %get3A_375 = tpu.vector_load %arg17[%get3A_373, %get3A_374] {strides = array<i32>} : memref<64x256xf32, #tpu.memory_space<vmem>>, vector<1x16xf32>,
          %get3A_376 = vector.shape_cast %get3A_375 : vector<1x16xf32> to vector<16xf32>
          %add3A_377 = arith.addf %get3A_376, %get3A_168 : vector<16xf32>
          %ge3A_378 = arith.constant 0.000000e+00 : f32
          %ge3A_379 = vector.broadcast %ge3A_378 : f32 to vector<16xf32>
          %ge3A_380 = arith.cmpf oge, %add3A_377, %ge3A_379 : vector<16xf32>
          %mul3A_381 = arith.constant 2.000000e-01 : f32
          %mul3A_382 = vector.broadcast %mul3A_381 : f32 to vector<16xf32>
          %mul3A_383 = arith.mulf %add3A_377, %mul3A_382 : vector<16xf32>
          %select_n3A_384 = arith.select %ge3A_380, %add3A_377, %mul3A_383 : vector<16xi1>, vector<16xf32>
          %get3A_385 = arith.constant 192 : index
          %get3A_386 = tpu.vector_load %arg11[%get3A_385] {strides = array<i32>} : memref<256xf32, #tpu.memory_space<vmem>>, vector<16xf32>,
          %get3A_387 = vector.shape_cast %get3A_386 : vector<16xf32> to vector<16xf32>
          %mul3A_388 = arith.mulf %select_n3A_384, %get3A_387 : vector<16xf32>
          %get3A_389 = arith.index_cast %scan3A_105 : i32 to index
          %get3A_390 = arith.constant 208 : index
          %get3A_391 = tpu.vector_load %arg17[%get3A_389, %get3A_390] {strides = array<i32>} : memref<64x256xf32, #tpu.memory_space<vmem>>, vector<1x16xf32>,
          %get3A_392 = vector.shape_cast %get3A_391 : vector<1x16xf32> to vector<16xf32>
          %add3A_393 = arith.addf %get3A_392, %get3A_172 : vector<16xf32>
          %ge3A_394 = arith.constant 0.000000e+00 : f32
          %ge3A_395 = vector.broadcast %ge3A_394 : f32 to vector<16xf32>
          %ge3A_396 = arith.cmpf oge, %add3A_393, %ge3A_395 : vector<16xf32>
          %mul3A_397 = arith.constant 2.000000e-01 : f32
          %mul3A_398 = vector.broadcast %mul3A_397 : f32 to vector<16xf32>
          %mul3A_399 = arith.mulf %add3A_393, %mul3A_398 : vector<16xf32>
          %select_n3A_400 = arith.select %ge3A_396, %add3A_393, %mul3A_399 : vector<16xi1>, vector<16xf32>
          %get3A_401 = arith.constant 208 : index
          %get3A_402 = tpu.vector_load %arg11[%get3A_401] {strides = array<i32>} : memref<256xf32, #tpu.memory_space<vmem>>, vector<16xf32>,
          %get3A_403 = vector.shape_cast %get3A_402 : vector<16xf32> to vector<16xf32>
          %mul3A_404 = arith.mulf %select_n3A_400, %get3A_403 : vector<16xf32>
          %get3A_405 = arith.index_cast %scan3A_105 : i32 to index
          %get3A_406 = arith.constant 224 : index
          %get3A_407 = tpu.vector_load %arg17[%get3A_405, %get3A_406] {strides = array<i32>} : memref<64x256xf32, #tpu.memory_space<vmem>>, vector<1x16xf32>,
          %get3A_408 = vector.shape_cast %get3A_407 : vector<1x16xf32> to vector<16xf32>
          %add3A_409 = arith.addf %get3A_408, %get3A_176 : vector<16xf32>
          %ge3A_410 = arith.constant 0.000000e+00 : f32
          %ge3A_411 = vector.broadcast %ge3A_410 : f32 to vector<16xf32>
          %ge3A_412 = arith.cmpf oge, %add3A_409, %ge3A_411 : vector<16xf32>
          %mul3A_413 = arith.constant 2.000000e-01 : f32
          %mul3A_414 = vector.broadcast %mul3A_413 : f32 to vector<16xf32>
          %mul3A_415 = arith.mulf %add3A_409, %mul3A_414 : vector<16xf32>
          %select_n3A_416 = arith.select %ge3A_412, %add3A_409, %mul3A_415 : vector<16xi1>, vector<16xf32>
          %get3A_417 = arith.constant 224 : index
          %get3A_418 = tpu.vector_load %arg11[%get3A_417] {strides = array<i32>} : memref<256xf32, #tpu.memory_space<vmem>>, vector<16xf32>,
          %get3A_419 = vector.shape_cast %get3A_418 : vector<16xf32> to vector<16xf32>
          %mul3A_420 = arith.mulf %select_n3A_416, %get3A_419 : vector<16xf32>
          %get3A_421 = arith.index_cast %scan3A_105 : i32 to index
          %get3A_422 = arith.constant 240 : index
          %get3A_423 = tpu.vector_load %arg17[%get3A_421, %get3A_422] {strides = array<i32>} : memref<64x256xf32, #tpu.memory_space<vmem>>, vector<1x16xf32>,
          %get3A_424 = vector.shape_cast %get3A_423 : vector<1x16xf32> to vector<16xf32>
          %add3A_425 = arith.addf %get3A_424, %get3A_180 : vector<16xf32>
          %ge3A_426 = arith.constant 0.000000e+00 : f32
          %ge3A_427 = vector.broadcast %ge3A_426 : f32 to vector<16xf32>
          %ge3A_428 = arith.cmpf oge, %add3A_425, %ge3A_427 : vector<16xf32>
          %mul3A_429 = arith.constant 2.000000e-01 : f32
          %mul3A_430 = vector.broadcast %mul3A_429 : f32 to vector<16xf32>
          %mul3A_431 = arith.mulf %add3A_425, %mul3A_430 : vector<16xf32>
          %select_n3A_432 = arith.select %ge3A_428, %add3A_425, %mul3A_431 : vector<16xi1>, vector<16xf32>
          %get3A_433 = arith.constant 240 : index
          %get3A_434 = tpu.vector_load %arg11[%get3A_433] {strides = array<i32>} : memref<256xf32, #tpu.memory_space<vmem>>, vector<16xf32>,
          %get3A_435 = vector.shape_cast %get3A_434 : vector<16xf32> to vector<16xf32>
          %mul3A_436 = arith.mulf %select_n3A_432, %get3A_435 : vector<16xf32>
          %add3A_437 = arith.addf %mul3A_196, %mul3A_212 : vector<16xf32>
          %add3A_438 = arith.addf %mul3A_228, %mul3A_244 : vector<16xf32>
          %add3A_439 = arith.addf %add3A_437, %add3A_438 : vector<16xf32>
          %iota3A = tpu.iota {dimensions = array<i32: 0>} : vector<16xi32>
          %xor3A = arith.constant 8 : i32
          %xor3A_440 = vector.broadcast %xor3A : i32 to vector<16xi32>
          %xor3A_441 = arith.xori %iota3A, %xor3A_440 : vector<16xi32>
          %reshape3A = vector.shape_cast %xor3A_441 : vector<16xi32> to vector<16x1xi32>
          %gather3A = vector.shape_cast %reshape3A : vector<16x1xi32> to vector<16xi32>
          %gather3A_442 = tpu.dynamic_gather %add3A_439[%gather3A] in [0] : vector<16xf32>, vector<16xi32> -> vector<16xf32>
          %add3A_443 = arith.addf %add3A_439, %gather3A_442 : vector<16xf32>
          %xor3A_444 = arith.constant 4 : i32
          %xor3A_445 = vector.broadcast %xor3A_444 : i32 to vector<16xi32>
          %xor3A_446 = arith.xori %iota3A, %xor3A_445 : vector<16xi32>
          %reshape3A_447 = vector.shape_cast %xor3A_446 : vector<16xi32> to vector<16x1xi32>
          %gather3A_448 = vector.shape_cast %reshape3A_447 : vector<16x1xi32> to vector<16xi32>
          %gather3A_449 = tpu.dynamic_gather %add3A_443[%gather3A_448] in [0] : vector<16xf32>, vector<16xi32> -> vector<16xf32>
          %add3A_450 = arith.addf %add3A_443, %gather3A_449 : vector<16xf32>
          %xor3A_451 = arith.constant 2 : i32
          %xor3A_452 = vector.broadcast %xor3A_451 : i32 to vector<16xi32>
          %xor3A_453 = arith.xori %iota3A, %xor3A_452 : vector<16xi32>
          %reshape3A_454 = vector.shape_cast %xor3A_453 : vector<16xi32> to vector<16x1xi32>
          %gather3A_455 = vector.shape_cast %reshape3A_454 : vector<16x1xi32> to vector<16xi32>
          %gather3A_456 = tpu.dynamic_gather %add3A_450[%gather3A_455] in [0] : vector<16xf32>, vector<16xi32> -> vector<16xf32>
          %add3A_457 = arith.addf %add3A_450, %gather3A_456 : vector<16xf32>
          %xor3A_458 = arith.constant 1 : i32
          %xor3A_459 = vector.broadcast %xor3A_458 : i32 to vector<16xi32>
          %xor3A_460 = arith.xori %iota3A, %xor3A_459 : vector<16xi32>
          %reshape3A_461 = vector.shape_cast %xor3A_460 : vector<16xi32> to vector<16x1xi32>
          %gather3A_462 = vector.shape_cast %reshape3A_461 : vector<16x1xi32> to vector<16xi32>
          %gather3A_463 = tpu.dynamic_gather %add3A_457[%gather3A_462] in [0] : vector<16xf32>, vector<16xi32> -> vector<16xf32>
          %add3A_464 = arith.addf %add3A_457, %gather3A_463 : vector<16xf32>
          %exp3A = math.exp %add3A_464 : vector<16xf32>
          %add3A_465 = arith.addf %mul3A_260, %mul3A_276 : vector<16xf32>
          %add3A_466 = arith.addf %mul3A_292, %mul3A_308 : vector<16xf32>
          %add3A_467 = arith.addf %add3A_465, %add3A_466 : vector<16xf32>
          %iota3A_468 = tpu.iota {dimensions = array<i32: 0>} : vector<16xi32>
          %xor3A_469 = arith.constant 8 : i32
          %xor3A_470 = vector.broadcast %xor3A_469 : i32 to vector<16xi32>
          %xor3A_471 = arith.xori %iota3A_468, %xor3A_470 : vector<16xi32>
          %reshape3A_472 = vector.shape_cast %xor3A_471 : vector<16xi32> to vector<16x1xi32>
          %gather3A_473 = vector.shape_cast %reshape3A_472 : vector<16x1xi32> to vector<16xi32>
          %gather3A_474 = tpu.dynamic_gather %add3A_467[%gather3A_473] in [0] : vector<16xf32>, vector<16xi32> -> vector<16xf32>
          %add3A_475 = arith.addf %add3A_467, %gather3A_474 : vector<16xf32>
          %xor3A_476 = arith.constant 4 : i32
          %xor3A_477 = vector.broadcast %xor3A_476 : i32 to vector<16xi32>
          %xor3A_478 = arith.xori %iota3A_468, %xor3A_477 : vector<16xi32>
          %reshape3A_479 = vector.shape_cast %xor3A_478 : vector<16xi32> to vector<16x1xi32>
          %gather3A_480 = vector.shape_cast %reshape3A_479 : vector<16x1xi32> to vector<16xi32>
          %gather3A_481 = tpu.dynamic_gather %add3A_475[%gather3A_480] in [0] : vector<16xf32>, vector<16xi32> -> vector<16xf32>
          %add3A_482 = arith.addf %add3A_475, %gather3A_481 : vector<16xf32>
          %xor3A_483 = arith.constant 2 : i32
          %xor3A_484 = vector.broadcast %xor3A_483 : i32 to vector<16xi32>
          %xor3A_485 = arith.xori %iota3A_468, %xor3A_484 : vector<16xi32>
          %reshape3A_486 = vector.shape_cast %xor3A_485 : vector<16xi32> to vector<16x1xi32>
          %gather3A_487 = vector.shape_cast %reshape3A_486 : vector<16x1xi32> to vector<16xi32>
          %gather3A_488 = tpu.dynamic_gather %add3A_482[%gather3A_487] in [0] : vector<16xf32>, vector<16xi32> -> vector<16xf32>
          %add3A_489 = arith.addf %add3A_482, %gather3A_488 : vector<16xf32>
          %xor3A_490 = arith.constant 1 : i32
          %xor3A_491 = vector.broadcast %xor3A_490 : i32 to vector<16xi32>
          %xor3A_492 = arith.xori %iota3A_468, %xor3A_491 : vector<16xi32>
          %reshape3A_493 = vector.shape_cast %xor3A_492 : vector<16xi32> to vector<16x1xi32>
          %gather3A_494 = vector.shape_cast %reshape3A_493 : vector<16x1xi32> to vector<16xi32>
          %gather3A_495 = tpu.dynamic_gather %add3A_489[%gather3A_494] in [0] : vector<16xf32>, vector<16xi32> -> vector<16xf32>
          %add3A_496 = arith.addf %add3A_489, %gather3A_495 : vector<16xf32>
          %exp3A_497 = math.exp %add3A_496 : vector<16xf32>
          %add3A_498 = arith.addf %mul3A_324, %mul3A_340 : vector<16xf32>
          %add3A_499 = arith.addf %mul3A_356, %mul3A_372 : vector<16xf32>
          %add3A_500 = arith.addf %add3A_498, %add3A_499 : vector<16xf32>
          %iota3A_501 = tpu.iota {dimensions = array<i32: 0>} : vector<16xi32>
          %xor3A_502 = arith.constant 8 : i32
          %xor3A_503 = vector.broadcast %xor3A_502 : i32 to vector<16xi32>
          %xor3A_504 = arith.xori %iota3A_501, %xor3A_503 : vector<16xi32>
          %reshape3A_505 = vector.shape_cast %xor3A_504 : vector<16xi32> to vector<16x1xi32>
          %gather3A_506 = vector.shape_cast %reshape3A_505 : vector<16x1xi32> to vector<16xi32>
          %gather3A_507 = tpu.dynamic_gather %add3A_500[%gather3A_506] in [0] : vector<16xf32>, vector<16xi32> -> vector<16xf32>
          %add3A_508 = arith.addf %add3A_500, %gather3A_507 : vector<16xf32>
          %xor3A_509 = arith.constant 4 : i32
          %xor3A_510 = vector.broadcast %xor3A_509 : i32 to vector<16xi32>
          %xor3A_511 = arith.xori %iota3A_501, %xor3A_510 : vector<16xi32>
          %reshape3A_512 = vector.shape_cast %xor3A_511 : vector<16xi32> to vector<16x1xi32>
          %gather3A_513 = vector.shape_cast %reshape3A_512 : vector<16x1xi32> to vector<16xi32>
          %gather3A_514 = tpu.dynamic_gather %add3A_508[%gather3A_513] in [0] : vector<16xf32>, vector<16xi32> -> vector<16xf32>
          %add3A_515 = arith.addf %add3A_508, %gather3A_514 : vector<16xf32>
          %xor3A_516 = arith.constant 2 : i32
          %xor3A_517 = vector.broadcast %xor3A_516 : i32 to vector<16xi32>
          %xor3A_518 = arith.xori %iota3A_501, %xor3A_517 : vector<16xi32>
          %reshape3A_519 = vector.shape_cast %xor3A_518 : vector<16xi32> to vector<16x1xi32>
          %gather3A_520 = vector.shape_cast %reshape3A_519 : vector<16x1xi32> to vector<16xi32>
          %gather3A_521 = tpu.dynamic_gather %add3A_515[%gather3A_520] in [0] : vector<16xf32>, vector<16xi32> -> vector<16xf32>
          %add3A_522 = arith.addf %add3A_515, %gather3A_521 : vector<16xf32>
          %xor3A_523 = arith.constant 1 : i32
          %xor3A_524 = vector.broadcast %xor3A_523 : i32 to vector<16xi32>
          %xor3A_525 = arith.xori %iota3A_501, %xor3A_524 : vector<16xi32>
          %reshape3A_526 = vector.shape_cast %xor3A_525 : vector<16xi32> to vector<16x1xi32>
          %gather3A_527 = vector.shape_cast %reshape3A_526 : vector<16x1xi32> to vector<16xi32>
          %gather3A_528 = tpu.dynamic_gather %add3A_522[%gather3A_527] in [0] : vector<16xf32>, vector<16xi32> -> vector<16xf32>
          %add3A_529 = arith.addf %add3A_522, %gather3A_528 : vector<16xf32>
          %exp3A_530 = math.exp %add3A_529 : vector<16xf32>
          %add3A_531 = arith.addf %mul3A_388, %mul3A_404 : vector<16xf32>
          %add3A_532 = arith.addf %mul3A_420, %mul3A_436 : vector<16xf32>
          %add3A_533 = arith.addf %add3A_531, %add3A_532 : vector<16xf32>
          %iota3A_534 = tpu.iota {dimensions = array<i32: 0>} : vector<16xi32>
          %xor3A_535 = arith.constant 8 : i32
          %xor3A_536 = vector.broadcast %xor3A_535 : i32 to vector<16xi32>
          %xor3A_537 = arith.xori %iota3A_534, %xor3A_536 : vector<16xi32>
          %reshape3A_538 = vector.shape_cast %xor3A_537 : vector<16xi32> to vector<16x1xi32>
          %gather3A_539 = vector.shape_cast %reshape3A_538 : vector<16x1xi32> to vector<16xi32>
          %gather3A_540 = tpu.dynamic_gather %add3A_533[%gather3A_539] in [0] : vector<16xf32>, vector<16xi32> -> vector<16xf32>
          %add3A_541 = arith.addf %add3A_533, %gather3A_540 : vector<16xf32>
          %xor3A_542 = arith.constant 4 : i32
          %xor3A_543 = vector.broadcast %xor3A_542 : i32 to vector<16xi32>
          %xor3A_544 = arith.xori %iota3A_534, %xor3A_543 : vector<16xi32>
          %reshape3A_545 = vector.shape_cast %xor3A_544 : vector<16xi32> to vector<16x1xi32>
          %gather3A_546 = vector.shape_cast %reshape3A_545 : vector<16x1xi32> to vector<16xi32>
          %gather3A_547 = tpu.dynamic_gather %add3A_541[%gather3A_546] in [0] : vector<16xf32>, vector<16xi32> -> vector<16xf32>
          %add3A_548 = arith.addf %add3A_541, %gather3A_547 : vector<16xf32>
          %xor3A_549 = arith.constant 2 : i32
          %xor3A_550 = vector.broadcast %xor3A_549 : i32 to vector<16xi32>
          %xor3A_551 = arith.xori %iota3A_534, %xor3A_550 : vector<16xi32>
          %reshape3A_552 = vector.shape_cast %xor3A_551 : vector<16xi32> to vector<16x1xi32>
          %gather3A_553 = vector.shape_cast %reshape3A_552 : vector<16x1xi32> to vector<16xi32>
          %gather3A_554 = tpu.dynamic_gather %add3A_548[%gather3A_553] in [0] : vector<16xf32>, vector<16xi32> -> vector<16xf32>
          %add3A_555 = arith.addf %add3A_548, %gather3A_554 : vector<16xf32>
          %xor3A_556 = arith.constant 1 : i32
          %xor3A_557 = vector.broadcast %xor3A_556 : i32 to vector<16xi32>
          %xor3A_558 = arith.xori %iota3A_534, %xor3A_557 : vector<16xi32>
          %reshape3A_559 = vector.shape_cast %xor3A_558 : vector<16xi32> to vector<16x1xi32>
          %gather3A_560 = vector.shape_cast %reshape3A_559 : vector<16x1xi32> to vector<16xi32>
          %gather3A_561 = tpu.dynamic_gather %add3A_555[%gather3A_560] in [0] : vector<16xf32>, vector<16xi32> -> vector<16xf32>
          %add3A_562 = arith.addf %add3A_555, %gather3A_561 : vector<16xf32>
          %exp3A_563 = math.exp %add3A_562 : vector<16xf32>
          %mul3A_564 = arith.mulf %exp3A, %get3A_120 : vector<16xf32>
          %swap3A = arith.index_cast %sub3A_116 : i32 to index
          %swap3A_565 = arith.constant 0 : index
          %swap3A_566 = tpu.vector_load %arg18[%swap3A, %swap3A_565] {strides = array<i32>} : memref<320x256xf32, #tpu.memory_space<vmem>>, vector<1x16xf32>,
          %swap3A_567 = vector.shape_cast %swap3A_566 : vector<1x16xf32> to vector<16xf32>
          %swap3A_568 = vector.shape_cast %mul3A_564 : vector<16xf32> to vector<1x16xf32>
          tpu.vector_store %arg18[%swap3A, %swap3A_565], %swap3A_568 {add = true, strides = array<i32>} : memref<320x256xf32, #tpu.memory_space<vmem>>, vector<1x16xf32>,
          %mul3A_569 = arith.mulf %exp3A, %get3A_124 : vector<16xf32>
          %swap3A_570 = arith.index_cast %sub3A_116 : i32 to index
          %swap3A_571 = arith.constant 16 : index
          %swap3A_572 = tpu.vector_load %arg18[%swap3A_570, %swap3A_571] {strides = array<i32>} : memref<320x256xf32, #tpu.memory_space<vmem>>, vector<1x16xf32>,
          %swap3A_573 = vector.shape_cast %swap3A_572 : vector<1x16xf32> to vector<16xf32>
          %swap3A_574 = vector.shape_cast %mul3A_569 : vector<16xf32> to vector<1x16xf32>
          tpu.vector_store %arg18[%swap3A_570, %swap3A_571], %swap3A_574 {add = true, strides = array<i32>} : memref<320x256xf32, #tpu.memory_space<vmem>>, vector<1x16xf32>,
          %mul3A_575 = arith.mulf %exp3A, %get3A_128 : vector<16xf32>
          %swap3A_576 = arith.index_cast %sub3A_116 : i32 to index
          %swap3A_577 = arith.constant 32 : index
          %swap3A_578 = tpu.vector_load %arg18[%swap3A_576, %swap3A_577] {strides = array<i32>} : memref<320x256xf32, #tpu.memory_space<vmem>>, vector<1x16xf32>,
          %swap3A_579 = vector.shape_cast %swap3A_578 : vector<1x16xf32> to vector<16xf32>
          %swap3A_580 = vector.shape_cast %mul3A_575 : vector<16xf32> to vector<1x16xf32>
          tpu.vector_store %arg18[%swap3A_576, %swap3A_577], %swap3A_580 {add = true, strides = array<i32>} : memref<320x256xf32, #tpu.memory_space<vmem>>, vector<1x16xf32>,
          %mul3A_581 = arith.mulf %exp3A, %get3A_132 : vector<16xf32>
          %swap3A_582 = arith.index_cast %sub3A_116 : i32 to index
          %swap3A_583 = arith.constant 48 : index
          %swap3A_584 = tpu.vector_load %arg18[%swap3A_582, %swap3A_583] {strides = array<i32>} : memref<320x256xf32, #tpu.memory_space<vmem>>, vector<1x16xf32>,
          %swap3A_585 = vector.shape_cast %swap3A_584 : vector<1x16xf32> to vector<16xf32>
          %swap3A_586 = vector.shape_cast %mul3A_581 : vector<16xf32> to vector<1x16xf32>
          tpu.vector_store %arg18[%swap3A_582, %swap3A_583], %swap3A_586 {add = true, strides = array<i32>} : memref<320x256xf32, #tpu.memory_space<vmem>>, vector<1x16xf32>,
          %mul3A_587 = arith.mulf %exp3A_497, %get3A_136 : vector<16xf32>
          %swap3A_588 = arith.index_cast %sub3A_116 : i32 to index
          %swap3A_589 = arith.constant 64 : index
          %swap3A_590 = tpu.vector_load %arg18[%swap3A_588, %swap3A_589] {strides = array<i32>} : memref<320x256xf32, #tpu.memory_space<vmem>>, vector<1x16xf32>,
          %swap3A_591 = vector.shape_cast %swap3A_590 : vector<1x16xf32> to vector<16xf32>
          %swap3A_592 = vector.shape_cast %mul3A_587 : vector<16xf32> to vector<1x16xf32>
          tpu.vector_store %arg18[%swap3A_588, %swap3A_589], %swap3A_592 {add = true, strides = array<i32>} : memref<320x256xf32, #tpu.memory_space<vmem>>, vector<1x16xf32>,
          %mul3A_593 = arith.mulf %exp3A_497, %get3A_140 : vector<16xf32>
          %swap3A_594 = arith.index_cast %sub3A_116 : i32 to index
          %swap3A_595 = arith.constant 80 : index
          %swap3A_596 = tpu.vector_load %arg18[%swap3A_594, %swap3A_595] {strides = array<i32>} : memref<320x256xf32, #tpu.memory_space<vmem>>, vector<1x16xf32>,
          %swap3A_597 = vector.shape_cast %swap3A_596 : vector<1x16xf32> to vector<16xf32>
          %swap3A_598 = vector.shape_cast %mul3A_593 : vector<16xf32> to vector<1x16xf32>
          tpu.vector_store %arg18[%swap3A_594, %swap3A_595], %swap3A_598 {add = true, strides = array<i32>} : memref<320x256xf32, #tpu.memory_space<vmem>>, vector<1x16xf32>,
          %mul3A_599 = arith.mulf %exp3A_497, %get3A_144 : vector<16xf32>
          %swap3A_600 = arith.index_cast %sub3A_116 : i32 to index
          %swap3A_601 = arith.constant 96 : index
          %swap3A_602 = tpu.vector_load %arg18[%swap3A_600, %swap3A_601] {strides = array<i32>} : memref<320x256xf32, #tpu.memory_space<vmem>>, vector<1x16xf32>,
          %swap3A_603 = vector.shape_cast %swap3A_602 : vector<1x16xf32> to vector<16xf32>
          %swap3A_604 = vector.shape_cast %mul3A_599 : vector<16xf32> to vector<1x16xf32>
          tpu.vector_store %arg18[%swap3A_600, %swap3A_601], %swap3A_604 {add = true, strides = array<i32>} : memref<320x256xf32, #tpu.memory_space<vmem>>, vector<1x16xf32>,
          %mul3A_605 = arith.mulf %exp3A_497, %get3A_148 : vector<16xf32>
          %swap3A_606 = arith.index_cast %sub3A_116 : i32 to index
          %swap3A_607 = arith.constant 112 : index
          %swap3A_608 = tpu.vector_load %arg18[%swap3A_606, %swap3A_607] {strides = array<i32>} : memref<320x256xf32, #tpu.memory_space<vmem>>, vector<1x16xf32>,
          %swap3A_609 = vector.shape_cast %swap3A_608 : vector<1x16xf32> to vector<16xf32>
          %swap3A_610 = vector.shape_cast %mul3A_605 : vector<16xf32> to vector<1x16xf32>
          tpu.vector_store %arg18[%swap3A_606, %swap3A_607], %swap3A_610 {add = true, strides = array<i32>} : memref<320x256xf32, #tpu.memory_space<vmem>>, vector<1x16xf32>,
          %mul3A_611 = arith.mulf %exp3A_530, %get3A_152 : vector<16xf32>
          %swap3A_612 = arith.index_cast %sub3A_116 : i32 to index
          %swap3A_613 = arith.constant 128 : index
          %swap3A_614 = tpu.vector_load %arg18[%swap3A_612, %swap3A_613] {strides = array<i32>} : memref<320x256xf32, #tpu.memory_space<vmem>>, vector<1x16xf32>,
          %swap3A_615 = vector.shape_cast %swap3A_614 : vector<1x16xf32> to vector<16xf32>
          %swap3A_616 = vector.shape_cast %mul3A_611 : vector<16xf32> to vector<1x16xf32>
          tpu.vector_store %arg18[%swap3A_612, %swap3A_613], %swap3A_616 {add = true, strides = array<i32>} : memref<320x256xf32, #tpu.memory_space<vmem>>, vector<1x16xf32>,
          %mul3A_617 = arith.mulf %exp3A_530, %get3A_156 : vector<16xf32>
          %swap3A_618 = arith.index_cast %sub3A_116 : i32 to index
          %swap3A_619 = arith.constant 144 : index
          %swap3A_620 = tpu.vector_load %arg18[%swap3A_618, %swap3A_619] {strides = array<i32>} : memref<320x256xf32, #tpu.memory_space<vmem>>, vector<1x16xf32>,
          %swap3A_621 = vector.shape_cast %swap3A_620 : vector<1x16xf32> to vector<16xf32>
          %swap3A_622 = vector.shape_cast %mul3A_617 : vector<16xf32> to vector<1x16xf32>
          tpu.vector_store %arg18[%swap3A_618, %swap3A_619], %swap3A_622 {add = true, strides = array<i32>} : memref<320x256xf32, #tpu.memory_space<vmem>>, vector<1x16xf32>,
          %mul3A_623 = arith.mulf %exp3A_530, %get3A_160 : vector<16xf32>
          %swap3A_624 = arith.index_cast %sub3A_116 : i32 to index
          %swap3A_625 = arith.constant 160 : index
          %swap3A_626 = tpu.vector_load %arg18[%swap3A_624, %swap3A_625] {strides = array<i32>} : memref<320x256xf32, #tpu.memory_space<vmem>>, vector<1x16xf32>,
          %swap3A_627 = vector.shape_cast %swap3A_626 : vector<1x16xf32> to vector<16xf32>
          %swap3A_628 = vector.shape_cast %mul3A_623 : vector<16xf32> to vector<1x16xf32>
          tpu.vector_store %arg18[%swap3A_624, %swap3A_625], %swap3A_628 {add = true, strides = array<i32>} : memref<320x256xf32, #tpu.memory_space<vmem>>, vector<1x16xf32>,
          %mul3A_629 = arith.mulf %exp3A_530, %get3A_164 : vector<16xf32>
          %swap3A_630 = arith.index_cast %sub3A_116 : i32 to index
          %swap3A_631 = arith.constant 176 : index
          %swap3A_632 = tpu.vector_load %arg18[%swap3A_630, %swap3A_631] {strides = array<i32>} : memref<320x256xf32, #tpu.memory_space<vmem>>, vector<1x16xf32>,
          %swap3A_633 = vector.shape_cast %swap3A_632 : vector<1x16xf32> to vector<16xf32>
          %swap3A_634 = vector.shape_cast %mul3A_629 : vector<16xf32> to vector<1x16xf32>
          tpu.vector_store %arg18[%swap3A_630, %swap3A_631], %swap3A_634 {add = true, strides = array<i32>} : memref<320x256xf32, #tpu.memory_space<vmem>>, vector<1x16xf32>,
          %mul3A_635 = arith.mulf %exp3A_563, %get3A_168 : vector<16xf32>
          %swap3A_636 = arith.index_cast %sub3A_116 : i32 to index
          %swap3A_637 = arith.constant 192 : index
          %swap3A_638 = tpu.vector_load %arg18[%swap3A_636, %swap3A_637] {strides = array<i32>} : memref<320x256xf32, #tpu.memory_space<vmem>>, vector<1x16xf32>,
          %swap3A_639 = vector.shape_cast %swap3A_638 : vector<1x16xf32> to vector<16xf32>
          %swap3A_640 = vector.shape_cast %mul3A_635 : vector<16xf32> to vector<1x16xf32>
          tpu.vector_store %arg18[%swap3A_636, %swap3A_637], %swap3A_640 {add = true, strides = array<i32>} : memref<320x256xf32, #tpu.memory_space<vmem>>, vector<1x16xf32>,
          %mul3A_641 = arith.mulf %exp3A_563, %get3A_172 : vector<16xf32>
          %swap3A_642 = arith.index_cast %sub3A_116 : i32 to index
          %swap3A_643 = arith.constant 208 : index
          %swap3A_644 = tpu.vector_load %arg18[%swap3A_642, %swap3A_643] {strides = array<i32>} : memref<320x256xf32, #tpu.memory_space<vmem>>, vector<1x16xf32>,
          %swap3A_645 = vector.shape_cast %swap3A_644 : vector<1x16xf32> to vector<16xf32>
          %swap3A_646 = vector.shape_cast %mul3A_641 : vector<16xf32> to vector<1x16xf32>
          tpu.vector_store %arg18[%swap3A_642, %swap3A_643], %swap3A_646 {add = true, strides = array<i32>} : memref<320x256xf32, #tpu.memory_space<vmem>>, vector<1x16xf32>,
          %mul3A_647 = arith.mulf %exp3A_563, %get3A_176 : vector<16xf32>
          %swap3A_648 = arith.index_cast %sub3A_116 : i32 to index
          %swap3A_649 = arith.constant 224 : index
          %swap3A_650 = tpu.vector_load %arg18[%swap3A_648, %swap3A_649] {strides = array<i32>} : memref<320x256xf32, #tpu.memory_space<vmem>>, vector<1x16xf32>,
          %swap3A_651 = vector.shape_cast %swap3A_650 : vector<1x16xf32> to vector<16xf32>
          %swap3A_652 = vector.shape_cast %mul3A_647 : vector<16xf32> to vector<1x16xf32>
          tpu.vector_store %arg18[%swap3A_648, %swap3A_649], %swap3A_652 {add = true, strides = array<i32>} : memref<320x256xf32, #tpu.memory_space<vmem>>, vector<1x16xf32>,
          %mul3A_653 = arith.mulf %exp3A_563, %get3A_180 : vector<16xf32>
          %swap3A_654 = arith.index_cast %sub3A_116 : i32 to index
          %swap3A_655 = arith.constant 240 : index
          %swap3A_656 = tpu.vector_load %arg18[%swap3A_654, %swap3A_655] {strides = array<i32>} : memref<320x256xf32, #tpu.memory_space<vmem>>, vector<1x16xf32>,
          %swap3A_657 = vector.shape_cast %swap3A_656 : vector<1x16xf32> to vector<16xf32>
          %swap3A_658 = vector.shape_cast %mul3A_653 : vector<16xf32> to vector<1x16xf32>
          tpu.vector_store %arg18[%swap3A_654, %swap3A_655], %swap3A_658 {add = true, strides = array<i32>} : memref<320x256xf32, #tpu.memory_space<vmem>>, vector<1x16xf32>,
          %iota3A_659 = tpu.iota {dimensions = array<i32: 0>} : vector<16xi32>
          %lt3A_660 = arith.constant 4 : i32
          %lt3A_661 = vector.broadcast %lt3A_660 : i32 to vector<16xi32>
          %lt3A_662 = arith.cmpi slt, %iota3A_659, %lt3A_661 : vector<16xi32>
          %lt3A_663 = arith.constant 8 : i32
          %lt3A_664 = vector.broadcast %lt3A_663 : i32 to vector<16xi32>
          %lt3A_665 = arith.cmpi slt, %iota3A_659, %lt3A_664 : vector<16xi32>
          %lt3A_666 = arith.constant 12 : i32
          %lt3A_667 = vector.broadcast %lt3A_666 : i32 to vector<16xi32>
          %lt3A_668 = arith.cmpi slt, %iota3A_659, %lt3A_667 : vector<16xi32>
          %select_n3A_669 = arith.select %lt3A_668, %exp3A_530, %exp3A_563 : vector<16xi1>, vector<16xf32>
          %select_n3A_670 = arith.select %lt3A_665, %exp3A_497, %select_n3A_669 : vector<16xi1>, vector<16xf32>
          %select_n3A_671 = arith.select %lt3A_662, %exp3A, %select_n3A_670 : vector<16xi1>, vector<16xf32>
          %mul3A_672 = arith.constant 16 : i32
          %mul3A_673 = arith.muli %sub3A_116, %mul3A_672 : i32
          %swap3A_674 = arith.index_cast %mul3A_673 : i32 to index
          %swap3A_675 = tpu.vector_load %arg19[%swap3A_674] {strides = array<i32>} : memref<5120xf32, #tpu.memory_space<vmem>>, vector<16xf32>,
          %swap3A_676 = vector.shape_cast %swap3A_675 : vector<16xf32> to vector<16xf32>
          %swap3A_677 = vector.shape_cast %select_n3A_671 : vector<16xf32> to vector<16xf32>
          tpu.vector_store %arg19[%swap3A_674], %swap3A_677 {add = true, strides = array<i32>} : memref<5120xf32, #tpu.memory_space<vmem>>, vector<16xf32>,
        } else {
        }
        %scan3A_110 = arith.constant 0 : i32
        scf.yield %scan3A_110 : i32
      }
      %scan3A_103 = arith.constant 64 : i32
      %while3A_104 = arith.constant 0 : i32
      scf.yield %while3A_104 : i32
    }
    %scan3A_75 = arith.constant 0 : i32
    %scan3A_76 = arith.constant 0 : i32
    %scan3A_77 = arith.constant 320 : i32
    %scan3A_78 = arith.addi %scan3A_76, %scan3A_77 : i32
    %scan3A_79 = arith.constant 1 : i32
    %scan3A_80 = scf.for %scan3A_82 = %scan3A_76 to %scan3A_78 step %scan3A_79 iter_args(%scan3A_83 = %scan3A_75) -> (i32)  : i32 {
      %mul3A_84 = arith.constant 16 : i32
      %mul3A_85 = arith.muli %scan3A_82, %mul3A_84 : i32
      %get3A_86 = arith.index_cast %mul3A_85 : i32 to index
      %get3A_87 = tpu.vector_load %arg19[%get3A_86] {strides = array<i32>} : memref<5120xf32, #tpu.memory_space<vmem>>, vector<16xf32>,
      %get3A_88 = vector.shape_cast %get3A_87 : vector<16xf32> to vector<16xf32>
      %slice3A_89 = vector.extract_strided_slice %get3A_88 {offsets = [0], sizes = [1], strides = [1]} : vector<16xf32> to vector<1xf32>
      %squeeze3A_90 = vector.extract %slice3A_89[0] : f32 from vector<1xf32>
      %broadcast_in_dim3A_91 = vector.broadcast %squeeze3A_90 : f32 to vector<16xf32>
      %add3A_92 = arith.constant 1.000000e-16 : f32
      %add3A_93 = vector.broadcast %add3A_92 : f32 to vector<16xf32>
      %add3A_94 = arith.addf %broadcast_in_dim3A_91, %add3A_93 : vector<16xf32>
      %div3A_95 = arith.constant 1.000000e+00 : f32
      %div3A_96 = vector.broadcast %div3A_95 : f32 to vector<16xf32>
      %div3A_97 = arith.divf %div3A_96, %add3A_94 : vector<16xf32>
      %get3A_98 = arith.index_cast %scan3A_82 : i32 to index
      %get3A_99 = arith.constant 0 : index
      %get3A_100 = tpu.vector_load %arg18[%get3A_98, %get3A_99] {strides = array<i32>} : memref<320x256xf32, #tpu.memory_space<vmem>>, vector<1x16xf32>,
      %get3A_101 = vector.shape_cast %get3A_100 : vector<1x16xf32> to vector<16xf32>
      %mul3A_102 = arith.mulf %get3A_101, %div3A_97 : vector<16xf32>
      %get3A_103 = arith.constant 0 : index
      %get3A_104 = tpu.vector_load %arg12[%get3A_103] {strides = array<i32>} : memref<256xf32, #tpu.memory_space<vmem>>, vector<16xf32>,
      %get3A_105 = vector.shape_cast %get3A_104 : vector<16xf32> to vector<16xf32>
      %add3A_106 = arith.addf %mul3A_102, %get3A_105 : vector<16xf32>
      %gt3A = arith.constant 0.000000e+00 : f32
      %gt3A_107 = vector.broadcast %gt3A : f32 to vector<16xf32>
      %gt3A_108 = arith.cmpf ogt, %add3A_106, %gt3A_107 : vector<16xf32>
      %exp3A = math.exp %add3A_106 : vector<16xf32>
      %sub3A_109 = arith.constant 1.000000e+00 : f32
      %sub3A_110 = vector.broadcast %sub3A_109 : f32 to vector<16xf32>
      %sub3A_111 = arith.subf %exp3A, %sub3A_110 : vector<16xf32>
      %select_n3A_112 = arith.select %gt3A_108, %add3A_106, %sub3A_111 : vector<16xi1>, vector<16xf32>
      %swap3A = arith.index_cast %scan3A_82 : i32 to index
      %swap3A_113 = arith.constant 0 : index
      %swap3A_114 = tpu.vector_load %arg18[%swap3A, %swap3A_113] {strides = array<i32>} : memref<320x256xf32, #tpu.memory_space<vmem>>, vector<1x16xf32>,
      %swap3A_115 = vector.shape_cast %swap3A_114 : vector<1x16xf32> to vector<16xf32>
      %swap3A_116 = vector.shape_cast %select_n3A_112 : vector<16xf32> to vector<1x16xf32>
      tpu.vector_store %arg18[%swap3A, %swap3A_113], %swap3A_116 {strides = array<i32>} : memref<320x256xf32, #tpu.memory_space<vmem>>, vector<1x16xf32>,
      %get3A_117 = arith.index_cast %scan3A_82 : i32 to index
      %get3A_118 = arith.constant 16 : index
      %get3A_119 = tpu.vector_load %arg18[%get3A_117, %get3A_118] {strides = array<i32>} : memref<320x256xf32, #tpu.memory_space<vmem>>, vector<1x16xf32>,
      %get3A_120 = vector.shape_cast %get3A_119 : vector<1x16xf32> to vector<16xf32>
      %mul3A_121 = arith.mulf %get3A_120, %div3A_97 : vector<16xf32>
      %get3A_122 = arith.constant 16 : index
      %get3A_123 = tpu.vector_load %arg12[%get3A_122] {strides = array<i32>} : memref<256xf32, #tpu.memory_space<vmem>>, vector<16xf32>,
      %get3A_124 = vector.shape_cast %get3A_123 : vector<16xf32> to vector<16xf32>
      %add3A_125 = arith.addf %mul3A_121, %get3A_124 : vector<16xf32>
      %gt3A_126 = arith.constant 0.000000e+00 : f32
      %gt3A_127 = vector.broadcast %gt3A_126 : f32 to vector<16xf32>
      %gt3A_128 = arith.cmpf ogt, %add3A_125, %gt3A_127 : vector<16xf32>
      %exp3A_129 = math.exp %add3A_125 : vector<16xf32>
      %sub3A_130 = arith.constant 1.000000e+00 : f32
      %sub3A_131 = vector.broadcast %sub3A_130 : f32 to vector<16xf32>
      %sub3A_132 = arith.subf %exp3A_129, %sub3A_131 : vector<16xf32>
      %select_n3A_133 = arith.select %gt3A_128, %add3A_125, %sub3A_132 : vector<16xi1>, vector<16xf32>
      %swap3A_134 = arith.index_cast %scan3A_82 : i32 to index
      %swap3A_135 = arith.constant 16 : index
      %swap3A_136 = tpu.vector_load %arg18[%swap3A_134, %swap3A_135] {strides = array<i32>} : memref<320x256xf32, #tpu.memory_space<vmem>>, vector<1x16xf32>,
      %swap3A_137 = vector.shape_cast %swap3A_136 : vector<1x16xf32> to vector<16xf32>
      %swap3A_138 = vector.shape_cast %select_n3A_133 : vector<16xf32> to vector<1x16xf32>
      tpu.vector_store %arg18[%swap3A_134, %swap3A_135], %swap3A_138 {strides = array<i32>} : memref<320x256xf32, #tpu.memory_space<vmem>>, vector<1x16xf32>,
      %get3A_139 = arith.index_cast %scan3A_82 : i32 to index
      %get3A_140 = arith.constant 32 : index
      %get3A_141 = tpu.vector_load %arg18[%get3A_139, %get3A_140] {strides = array<i32>} : memref<320x256xf32, #tpu.memory_space<vmem>>, vector<1x16xf32>,
      %get3A_142 = vector.shape_cast %get3A_141 : vector<1x16xf32> to vector<16xf32>
      %mul3A_143 = arith.mulf %get3A_142, %div3A_97 : vector<16xf32>
      %get3A_144 = arith.constant 32 : index
      %get3A_145 = tpu.vector_load %arg12[%get3A_144] {strides = array<i32>} : memref<256xf32, #tpu.memory_space<vmem>>, vector<16xf32>,
      %get3A_146 = vector.shape_cast %get3A_145 : vector<16xf32> to vector<16xf32>
      %add3A_147 = arith.addf %mul3A_143, %get3A_146 : vector<16xf32>
      %gt3A_148 = arith.constant 0.000000e+00 : f32
      %gt3A_149 = vector.broadcast %gt3A_148 : f32 to vector<16xf32>
      %gt3A_150 = arith.cmpf ogt, %add3A_147, %gt3A_149 : vector<16xf32>
      %exp3A_151 = math.exp %add3A_147 : vector<16xf32>
      %sub3A_152 = arith.constant 1.000000e+00 : f32
      %sub3A_153 = vector.broadcast %sub3A_152 : f32 to vector<16xf32>
      %sub3A_154 = arith.subf %exp3A_151, %sub3A_153 : vector<16xf32>
      %select_n3A_155 = arith.select %gt3A_150, %add3A_147, %sub3A_154 : vector<16xi1>, vector<16xf32>
      %swap3A_156 = arith.index_cast %scan3A_82 : i32 to index
      %swap3A_157 = arith.constant 32 : index
      %swap3A_158 = tpu.vector_load %arg18[%swap3A_156, %swap3A_157] {strides = array<i32>} : memref<320x256xf32, #tpu.memory_space<vmem>>, vector<1x16xf32>,
      %swap3A_159 = vector.shape_cast %swap3A_158 : vector<1x16xf32> to vector<16xf32>
      %swap3A_160 = vector.shape_cast %select_n3A_155 : vector<16xf32> to vector<1x16xf32>
      tpu.vector_store %arg18[%swap3A_156, %swap3A_157], %swap3A_160 {strides = array<i32>} : memref<320x256xf32, #tpu.memory_space<vmem>>, vector<1x16xf32>,
      %get3A_161 = arith.index_cast %scan3A_82 : i32 to index
      %get3A_162 = arith.constant 48 : index
      %get3A_163 = tpu.vector_load %arg18[%get3A_161, %get3A_162] {strides = array<i32>} : memref<320x256xf32, #tpu.memory_space<vmem>>, vector<1x16xf32>,
      %get3A_164 = vector.shape_cast %get3A_163 : vector<1x16xf32> to vector<16xf32>
      %mul3A_165 = arith.mulf %get3A_164, %div3A_97 : vector<16xf32>
      %get3A_166 = arith.constant 48 : index
      %get3A_167 = tpu.vector_load %arg12[%get3A_166] {strides = array<i32>} : memref<256xf32, #tpu.memory_space<vmem>>, vector<16xf32>,
      %get3A_168 = vector.shape_cast %get3A_167 : vector<16xf32> to vector<16xf32>
      %add3A_169 = arith.addf %mul3A_165, %get3A_168 : vector<16xf32>
      %gt3A_170 = arith.constant 0.000000e+00 : f32
      %gt3A_171 = vector.broadcast %gt3A_170 : f32 to vector<16xf32>
      %gt3A_172 = arith.cmpf ogt, %add3A_169, %gt3A_171 : vector<16xf32>
      %exp3A_173 = math.exp %add3A_169 : vector<16xf32>
      %sub3A_174 = arith.constant 1.000000e+00 : f32
      %sub3A_175 = vector.broadcast %sub3A_174 : f32 to vector<16xf32>
      %sub3A_176 = arith.subf %exp3A_173, %sub3A_175 : vector<16xf32>
      %select_n3A_177 = arith.select %gt3A_172, %add3A_169, %sub3A_176 : vector<16xi1>, vector<16xf32>
      %swap3A_178 = arith.index_cast %scan3A_82 : i32 to index
      %swap3A_179 = arith.constant 48 : index
      %swap3A_180 = tpu.vector_load %arg18[%swap3A_178, %swap3A_179] {strides = array<i32>} : memref<320x256xf32, #tpu.memory_space<vmem>>, vector<1x16xf32>,
      %swap3A_181 = vector.shape_cast %swap3A_180 : vector<1x16xf32> to vector<16xf32>
      %swap3A_182 = vector.shape_cast %select_n3A_177 : vector<16xf32> to vector<1x16xf32>
      tpu.vector_store %arg18[%swap3A_178, %swap3A_179], %swap3A_182 {strides = array<i32>} : memref<320x256xf32, #tpu.memory_space<vmem>>, vector<1x16xf32>,
      %slice3A_183 = vector.extract_strided_slice %get3A_88 {offsets = [4], sizes = [1], strides = [1]} : vector<16xf32> to vector<1xf32>
      %squeeze3A_184 = vector.extract %slice3A_183[0] : f32 from vector<1xf32>
      %broadcast_in_dim3A_185 = vector.broadcast %squeeze3A_184 : f32 to vector<16xf32>
      %add3A_186 = arith.constant 1.000000e-16 : f32
      %add3A_187 = vector.broadcast %add3A_186 : f32 to vector<16xf32>
      %add3A_188 = arith.addf %broadcast_in_dim3A_185, %add3A_187 : vector<16xf32>
      %div3A_189 = arith.constant 1.000000e+00 : f32
      %div3A_190 = vector.broadcast %div3A_189 : f32 to vector<16xf32>
      %div3A_191 = arith.divf %div3A_190, %add3A_188 : vector<16xf32>
      %get3A_192 = arith.index_cast %scan3A_82 : i32 to index
      %get3A_193 = arith.constant 64 : index
      %get3A_194 = tpu.vector_load %arg18[%get3A_192, %get3A_193] {strides = array<i32>} : memref<320x256xf32, #tpu.memory_space<vmem>>, vector<1x16xf32>,
      %get3A_195 = vector.shape_cast %get3A_194 : vector<1x16xf32> to vector<16xf32>
      %mul3A_196 = arith.mulf %get3A_195, %div3A_191 : vector<16xf32>
      %get3A_197 = arith.constant 64 : index
      %get3A_198 = tpu.vector_load %arg12[%get3A_197] {strides = array<i32>} : memref<256xf32, #tpu.memory_space<vmem>>, vector<16xf32>,
      %get3A_199 = vector.shape_cast %get3A_198 : vector<16xf32> to vector<16xf32>
      %add3A_200 = arith.addf %mul3A_196, %get3A_199 : vector<16xf32>
      %gt3A_201 = arith.constant 0.000000e+00 : f32
      %gt3A_202 = vector.broadcast %gt3A_201 : f32 to vector<16xf32>
      %gt3A_203 = arith.cmpf ogt, %add3A_200, %gt3A_202 : vector<16xf32>
      %exp3A_204 = math.exp %add3A_200 : vector<16xf32>
      %sub3A_205 = arith.constant 1.000000e+00 : f32
      %sub3A_206 = vector.broadcast %sub3A_205 : f32 to vector<16xf32>
      %sub3A_207 = arith.subf %exp3A_204, %sub3A_206 : vector<16xf32>
      %select_n3A_208 = arith.select %gt3A_203, %add3A_200, %sub3A_207 : vector<16xi1>, vector<16xf32>
      %swap3A_209 = arith.index_cast %scan3A_82 : i32 to index
      %swap3A_210 = arith.constant 64 : index
      %swap3A_211 = tpu.vector_load %arg18[%swap3A_209, %swap3A_210] {strides = array<i32>} : memref<320x256xf32, #tpu.memory_space<vmem>>, vector<1x16xf32>,
      %swap3A_212 = vector.shape_cast %swap3A_211 : vector<1x16xf32> to vector<16xf32>
      %swap3A_213 = vector.shape_cast %select_n3A_208 : vector<16xf32> to vector<1x16xf32>
      tpu.vector_store %arg18[%swap3A_209, %swap3A_210], %swap3A_213 {strides = array<i32>} : memref<320x256xf32, #tpu.memory_space<vmem>>, vector<1x16xf32>,
      %get3A_214 = arith.index_cast %scan3A_82 : i32 to index
      %get3A_215 = arith.constant 80 : index
      %get3A_216 = tpu.vector_load %arg18[%get3A_214, %get3A_215] {strides = array<i32>} : memref<320x256xf32, #tpu.memory_space<vmem>>, vector<1x16xf32>,
      %get3A_217 = vector.shape_cast %get3A_216 : vector<1x16xf32> to vector<16xf32>
      %mul3A_218 = arith.mulf %get3A_217, %div3A_191 : vector<16xf32>
      %get3A_219 = arith.constant 80 : index
      %get3A_220 = tpu.vector_load %arg12[%get3A_219] {strides = array<i32>} : memref<256xf32, #tpu.memory_space<vmem>>, vector<16xf32>,
      %get3A_221 = vector.shape_cast %get3A_220 : vector<16xf32> to vector<16xf32>
      %add3A_222 = arith.addf %mul3A_218, %get3A_221 : vector<16xf32>
      %gt3A_223 = arith.constant 0.000000e+00 : f32
      %gt3A_224 = vector.broadcast %gt3A_223 : f32 to vector<16xf32>
      %gt3A_225 = arith.cmpf ogt, %add3A_222, %gt3A_224 : vector<16xf32>
      %exp3A_226 = math.exp %add3A_222 : vector<16xf32>
      %sub3A_227 = arith.constant 1.000000e+00 : f32
      %sub3A_228 = vector.broadcast %sub3A_227 : f32 to vector<16xf32>
      %sub3A_229 = arith.subf %exp3A_226, %sub3A_228 : vector<16xf32>
      %select_n3A_230 = arith.select %gt3A_225, %add3A_222, %sub3A_229 : vector<16xi1>, vector<16xf32>
      %swap3A_231 = arith.index_cast %scan3A_82 : i32 to index
      %swap3A_232 = arith.constant 80 : index
      %swap3A_233 = tpu.vector_load %arg18[%swap3A_231, %swap3A_232] {strides = array<i32>} : memref<320x256xf32, #tpu.memory_space<vmem>>, vector<1x16xf32>,
      %swap3A_234 = vector.shape_cast %swap3A_233 : vector<1x16xf32> to vector<16xf32>
      %swap3A_235 = vector.shape_cast %select_n3A_230 : vector<16xf32> to vector<1x16xf32>
      tpu.vector_store %arg18[%swap3A_231, %swap3A_232], %swap3A_235 {strides = array<i32>} : memref<320x256xf32, #tpu.memory_space<vmem>>, vector<1x16xf32>,
      %get3A_236 = arith.index_cast %scan3A_82 : i32 to index
      %get3A_237 = arith.constant 96 : index
      %get3A_238 = tpu.vector_load %arg18[%get3A_236, %get3A_237] {strides = array<i32>} : memref<320x256xf32, #tpu.memory_space<vmem>>, vector<1x16xf32>,
      %get3A_239 = vector.shape_cast %get3A_238 : vector<1x16xf32> to vector<16xf32>
      %mul3A_240 = arith.mulf %get3A_239, %div3A_191 : vector<16xf32>
      %get3A_241 = arith.constant 96 : index
      %get3A_242 = tpu.vector_load %arg12[%get3A_241] {strides = array<i32>} : memref<256xf32, #tpu.memory_space<vmem>>, vector<16xf32>,
      %get3A_243 = vector.shape_cast %get3A_242 : vector<16xf32> to vector<16xf32>
      %add3A_244 = arith.addf %mul3A_240, %get3A_243 : vector<16xf32>
      %gt3A_245 = arith.constant 0.000000e+00 : f32
      %gt3A_246 = vector.broadcast %gt3A_245 : f32 to vector<16xf32>
      %gt3A_247 = arith.cmpf ogt, %add3A_244, %gt3A_246 : vector<16xf32>
      %exp3A_248 = math.exp %add3A_244 : vector<16xf32>
      %sub3A_249 = arith.constant 1.000000e+00 : f32
      %sub3A_250 = vector.broadcast %sub3A_249 : f32 to vector<16xf32>
      %sub3A_251 = arith.subf %exp3A_248, %sub3A_250 : vector<16xf32>
      %select_n3A_252 = arith.select %gt3A_247, %add3A_244, %sub3A_251 : vector<16xi1>, vector<16xf32>
      %swap3A_253 = arith.index_cast %scan3A_82 : i32 to index
      %swap3A_254 = arith.constant 96 : index
      %swap3A_255 = tpu.vector_load %arg18[%swap3A_253, %swap3A_254] {strides = array<i32>} : memref<320x256xf32, #tpu.memory_space<vmem>>, vector<1x16xf32>,
      %swap3A_256 = vector.shape_cast %swap3A_255 : vector<1x16xf32> to vector<16xf32>
      %swap3A_257 = vector.shape_cast %select_n3A_252 : vector<16xf32> to vector<1x16xf32>
      tpu.vector_store %arg18[%swap3A_253, %swap3A_254], %swap3A_257 {strides = array<i32>} : memref<320x256xf32, #tpu.memory_space<vmem>>, vector<1x16xf32>,
      %get3A_258 = arith.index_cast %scan3A_82 : i32 to index
      %get3A_259 = arith.constant 112 : index
      %get3A_260 = tpu.vector_load %arg18[%get3A_258, %get3A_259] {strides = array<i32>} : memref<320x256xf32, #tpu.memory_space<vmem>>, vector<1x16xf32>,
      %get3A_261 = vector.shape_cast %get3A_260 : vector<1x16xf32> to vector<16xf32>
      %mul3A_262 = arith.mulf %get3A_261, %div3A_191 : vector<16xf32>
      %get3A_263 = arith.constant 112 : index
      %get3A_264 = tpu.vector_load %arg12[%get3A_263] {strides = array<i32>} : memref<256xf32, #tpu.memory_space<vmem>>, vector<16xf32>,
      %get3A_265 = vector.shape_cast %get3A_264 : vector<16xf32> to vector<16xf32>
      %add3A_266 = arith.addf %mul3A_262, %get3A_265 : vector<16xf32>
      %gt3A_267 = arith.constant 0.000000e+00 : f32
      %gt3A_268 = vector.broadcast %gt3A_267 : f32 to vector<16xf32>
      %gt3A_269 = arith.cmpf ogt, %add3A_266, %gt3A_268 : vector<16xf32>
      %exp3A_270 = math.exp %add3A_266 : vector<16xf32>
      %sub3A_271 = arith.constant 1.000000e+00 : f32
      %sub3A_272 = vector.broadcast %sub3A_271 : f32 to vector<16xf32>
      %sub3A_273 = arith.subf %exp3A_270, %sub3A_272 : vector<16xf32>
      %select_n3A_274 = arith.select %gt3A_269, %add3A_266, %sub3A_273 : vector<16xi1>, vector<16xf32>
      %swap3A_275 = arith.index_cast %scan3A_82 : i32 to index
      %swap3A_276 = arith.constant 112 : index
      %swap3A_277 = tpu.vector_load %arg18[%swap3A_275, %swap3A_276] {strides = array<i32>} : memref<320x256xf32, #tpu.memory_space<vmem>>, vector<1x16xf32>,
      %swap3A_278 = vector.shape_cast %swap3A_277 : vector<1x16xf32> to vector<16xf32>
      %swap3A_279 = vector.shape_cast %select_n3A_274 : vector<16xf32> to vector<1x16xf32>
      tpu.vector_store %arg18[%swap3A_275, %swap3A_276], %swap3A_279 {strides = array<i32>} : memref<320x256xf32, #tpu.memory_space<vmem>>, vector<1x16xf32>,
      %slice3A_280 = vector.extract_strided_slice %get3A_88 {offsets = [8], sizes = [1], strides = [1]} : vector<16xf32> to vector<1xf32>
      %squeeze3A_281 = vector.extract %slice3A_280[0] : f32 from vector<1xf32>
      %broadcast_in_dim3A_282 = vector.broadcast %squeeze3A_281 : f32 to vector<16xf32>
      %add3A_283 = arith.constant 1.000000e-16 : f32
      %add3A_284 = vector.broadcast %add3A_283 : f32 to vector<16xf32>
      %add3A_285 = arith.addf %broadcast_in_dim3A_282, %add3A_284 : vector<16xf32>
      %div3A_286 = arith.constant 1.000000e+00 : f32
      %div3A_287 = vector.broadcast %div3A_286 : f32 to vector<16xf32>
      %div3A_288 = arith.divf %div3A_287, %add3A_285 : vector<16xf32>
      %get3A_289 = arith.index_cast %scan3A_82 : i32 to index
      %get3A_290 = arith.constant 128 : index
      %get3A_291 = tpu.vector_load %arg18[%get3A_289, %get3A_290] {strides = array<i32>} : memref<320x256xf32, #tpu.memory_space<vmem>>, vector<1x16xf32>,
      %get3A_292 = vector.shape_cast %get3A_291 : vector<1x16xf32> to vector<16xf32>
      %mul3A_293 = arith.mulf %get3A_292, %div3A_288 : vector<16xf32>
      %get3A_294 = arith.constant 128 : index
      %get3A_295 = tpu.vector_load %arg12[%get3A_294] {strides = array<i32>} : memref<256xf32, #tpu.memory_space<vmem>>, vector<16xf32>,
      %get3A_296 = vector.shape_cast %get3A_295 : vector<16xf32> to vector<16xf32>
      %add3A_297 = arith.addf %mul3A_293, %get3A_296 : vector<16xf32>
      %gt3A_298 = arith.constant 0.000000e+00 : f32
      %gt3A_299 = vector.broadcast %gt3A_298 : f32 to vector<16xf32>
      %gt3A_300 = arith.cmpf ogt, %add3A_297, %gt3A_299 : vector<16xf32>
      %exp3A_301 = math.exp %add3A_297 : vector<16xf32>
      %sub3A_302 = arith.constant 1.000000e+00 : f32
      %sub3A_303 = vector.broadcast %sub3A_302 : f32 to vector<16xf32>
      %sub3A_304 = arith.subf %exp3A_301, %sub3A_303 : vector<16xf32>
      %select_n3A_305 = arith.select %gt3A_300, %add3A_297, %sub3A_304 : vector<16xi1>, vector<16xf32>
      %swap3A_306 = arith.index_cast %scan3A_82 : i32 to index
      %swap3A_307 = arith.constant 128 : index
      %swap3A_308 = tpu.vector_load %arg18[%swap3A_306, %swap3A_307] {strides = array<i32>} : memref<320x256xf32, #tpu.memory_space<vmem>>, vector<1x16xf32>,
      %swap3A_309 = vector.shape_cast %swap3A_308 : vector<1x16xf32> to vector<16xf32>
      %swap3A_310 = vector.shape_cast %select_n3A_305 : vector<16xf32> to vector<1x16xf32>
      tpu.vector_store %arg18[%swap3A_306, %swap3A_307], %swap3A_310 {strides = array<i32>} : memref<320x256xf32, #tpu.memory_space<vmem>>, vector<1x16xf32>,
      %get3A_311 = arith.index_cast %scan3A_82 : i32 to index
      %get3A_312 = arith.constant 144 : index
      %get3A_313 = tpu.vector_load %arg18[%get3A_311, %get3A_312] {strides = array<i32>} : memref<320x256xf32, #tpu.memory_space<vmem>>, vector<1x16xf32>,
      %get3A_314 = vector.shape_cast %get3A_313 : vector<1x16xf32> to vector<16xf32>
      %mul3A_315 = arith.mulf %get3A_314, %div3A_288 : vector<16xf32>
      %get3A_316 = arith.constant 144 : index
      %get3A_317 = tpu.vector_load %arg12[%get3A_316] {strides = array<i32>} : memref<256xf32, #tpu.memory_space<vmem>>, vector<16xf32>,
      %get3A_318 = vector.shape_cast %get3A_317 : vector<16xf32> to vector<16xf32>
      %add3A_319 = arith.addf %mul3A_315, %get3A_318 : vector<16xf32>
      %gt3A_320 = arith.constant 0.000000e+00 : f32
      %gt3A_321 = vector.broadcast %gt3A_320 : f32 to vector<16xf32>
      %gt3A_322 = arith.cmpf ogt, %add3A_319, %gt3A_321 : vector<16xf32>
      %exp3A_323 = math.exp %add3A_319 : vector<16xf32>
      %sub3A_324 = arith.constant 1.000000e+00 : f32
      %sub3A_325 = vector.broadcast %sub3A_324 : f32 to vector<16xf32>
      %sub3A_326 = arith.subf %exp3A_323, %sub3A_325 : vector<16xf32>
      %select_n3A_327 = arith.select %gt3A_322, %add3A_319, %sub3A_326 : vector<16xi1>, vector<16xf32>
      %swap3A_328 = arith.index_cast %scan3A_82 : i32 to index
      %swap3A_329 = arith.constant 144 : index
      %swap3A_330 = tpu.vector_load %arg18[%swap3A_328, %swap3A_329] {strides = array<i32>} : memref<320x256xf32, #tpu.memory_space<vmem>>, vector<1x16xf32>,
      %swap3A_331 = vector.shape_cast %swap3A_330 : vector<1x16xf32> to vector<16xf32>
      %swap3A_332 = vector.shape_cast %select_n3A_327 : vector<16xf32> to vector<1x16xf32>
      tpu.vector_store %arg18[%swap3A_328, %swap3A_329], %swap3A_332 {strides = array<i32>} : memref<320x256xf32, #tpu.memory_space<vmem>>, vector<1x16xf32>,
      %get3A_333 = arith.index_cast %scan3A_82 : i32 to index
      %get3A_334 = arith.constant 160 : index
      %get3A_335 = tpu.vector_load %arg18[%get3A_333, %get3A_334] {strides = array<i32>} : memref<320x256xf32, #tpu.memory_space<vmem>>, vector<1x16xf32>,
      %get3A_336 = vector.shape_cast %get3A_335 : vector<1x16xf32> to vector<16xf32>
      %mul3A_337 = arith.mulf %get3A_336, %div3A_288 : vector<16xf32>
      %get3A_338 = arith.constant 160 : index
      %get3A_339 = tpu.vector_load %arg12[%get3A_338] {strides = array<i32>} : memref<256xf32, #tpu.memory_space<vmem>>, vector<16xf32>,
      %get3A_340 = vector.shape_cast %get3A_339 : vector<16xf32> to vector<16xf32>
      %add3A_341 = arith.addf %mul3A_337, %get3A_340 : vector<16xf32>
      %gt3A_342 = arith.constant 0.000000e+00 : f32
      %gt3A_343 = vector.broadcast %gt3A_342 : f32 to vector<16xf32>
      %gt3A_344 = arith.cmpf ogt, %add3A_341, %gt3A_343 : vector<16xf32>
      %exp3A_345 = math.exp %add3A_341 : vector<16xf32>
      %sub3A_346 = arith.constant 1.000000e+00 : f32
      %sub3A_347 = vector.broadcast %sub3A_346 : f32 to vector<16xf32>
      %sub3A_348 = arith.subf %exp3A_345, %sub3A_347 : vector<16xf32>
      %select_n3A_349 = arith.select %gt3A_344, %add3A_341, %sub3A_348 : vector<16xi1>, vector<16xf32>
      %swap3A_350 = arith.index_cast %scan3A_82 : i32 to index
      %swap3A_351 = arith.constant 160 : index
      %swap3A_352 = tpu.vector_load %arg18[%swap3A_350, %swap3A_351] {strides = array<i32>} : memref<320x256xf32, #tpu.memory_space<vmem>>, vector<1x16xf32>,
      %swap3A_353 = vector.shape_cast %swap3A_352 : vector<1x16xf32> to vector<16xf32>
      %swap3A_354 = vector.shape_cast %select_n3A_349 : vector<16xf32> to vector<1x16xf32>
      tpu.vector_store %arg18[%swap3A_350, %swap3A_351], %swap3A_354 {strides = array<i32>} : memref<320x256xf32, #tpu.memory_space<vmem>>, vector<1x16xf32>,
      %get3A_355 = arith.index_cast %scan3A_82 : i32 to index
      %get3A_356 = arith.constant 176 : index
      %get3A_357 = tpu.vector_load %arg18[%get3A_355, %get3A_356] {strides = array<i32>} : memref<320x256xf32, #tpu.memory_space<vmem>>, vector<1x16xf32>,
      %get3A_358 = vector.shape_cast %get3A_357 : vector<1x16xf32> to vector<16xf32>
      %mul3A_359 = arith.mulf %get3A_358, %div3A_288 : vector<16xf32>
      %get3A_360 = arith.constant 176 : index
      %get3A_361 = tpu.vector_load %arg12[%get3A_360] {strides = array<i32>} : memref<256xf32, #tpu.memory_space<vmem>>, vector<16xf32>,
      %get3A_362 = vector.shape_cast %get3A_361 : vector<16xf32> to vector<16xf32>
      %add3A_363 = arith.addf %mul3A_359, %get3A_362 : vector<16xf32>
      %gt3A_364 = arith.constant 0.000000e+00 : f32
      %gt3A_365 = vector.broadcast %gt3A_364 : f32 to vector<16xf32>
      %gt3A_366 = arith.cmpf ogt, %add3A_363, %gt3A_365 : vector<16xf32>
      %exp3A_367 = math.exp %add3A_363 : vector<16xf32>
      %sub3A_368 = arith.constant 1.000000e+00 : f32
      %sub3A_369 = vector.broadcast %sub3A_368 : f32 to vector<16xf32>
      %sub3A_370 = arith.subf %exp3A_367, %sub3A_369 : vector<16xf32>
      %select_n3A_371 = arith.select %gt3A_366, %add3A_363, %sub3A_370 : vector<16xi1>, vector<16xf32>
      %swap3A_372 = arith.index_cast %scan3A_82 : i32 to index
      %swap3A_373 = arith.constant 176 : index
      %swap3A_374 = tpu.vector_load %arg18[%swap3A_372, %swap3A_373] {strides = array<i32>} : memref<320x256xf32, #tpu.memory_space<vmem>>, vector<1x16xf32>,
      %swap3A_375 = vector.shape_cast %swap3A_374 : vector<1x16xf32> to vector<16xf32>
      %swap3A_376 = vector.shape_cast %select_n3A_371 : vector<16xf32> to vector<1x16xf32>
      tpu.vector_store %arg18[%swap3A_372, %swap3A_373], %swap3A_376 {strides = array<i32>} : memref<320x256xf32, #tpu.memory_space<vmem>>, vector<1x16xf32>,
      %slice3A_377 = vector.extract_strided_slice %get3A_88 {offsets = [12], sizes = [1], strides = [1]} : vector<16xf32> to vector<1xf32>
      %squeeze3A_378 = vector.extract %slice3A_377[0] : f32 from vector<1xf32>
      %broadcast_in_dim3A_379 = vector.broadcast %squeeze3A_378 : f32 to vector<16xf32>
      %add3A_380 = arith.constant 1.000000e-16 : f32
      %add3A_381 = vector.broadcast %add3A_380 : f32 to vector<16xf32>
      %add3A_382 = arith.addf %broadcast_in_dim3A_379, %add3A_381 : vector<16xf32>
      %div3A_383 = arith.constant 1.000000e+00 : f32
      %div3A_384 = vector.broadcast %div3A_383 : f32 to vector<16xf32>
      %div3A_385 = arith.divf %div3A_384, %add3A_382 : vector<16xf32>
      %get3A_386 = arith.index_cast %scan3A_82 : i32 to index
      %get3A_387 = arith.constant 192 : index
      %get3A_388 = tpu.vector_load %arg18[%get3A_386, %get3A_387] {strides = array<i32>} : memref<320x256xf32, #tpu.memory_space<vmem>>, vector<1x16xf32>,
      %get3A_389 = vector.shape_cast %get3A_388 : vector<1x16xf32> to vector<16xf32>
      %mul3A_390 = arith.mulf %get3A_389, %div3A_385 : vector<16xf32>
      %get3A_391 = arith.constant 192 : index
      %get3A_392 = tpu.vector_load %arg12[%get3A_391] {strides = array<i32>} : memref<256xf32, #tpu.memory_space<vmem>>, vector<16xf32>,
      %get3A_393 = vector.shape_cast %get3A_392 : vector<16xf32> to vector<16xf32>
      %add3A_394 = arith.addf %mul3A_390, %get3A_393 : vector<16xf32>
      %gt3A_395 = arith.constant 0.000000e+00 : f32
      %gt3A_396 = vector.broadcast %gt3A_395 : f32 to vector<16xf32>
      %gt3A_397 = arith.cmpf ogt, %add3A_394, %gt3A_396 : vector<16xf32>
      %exp3A_398 = math.exp %add3A_394 : vector<16xf32>
      %sub3A_399 = arith.constant 1.000000e+00 : f32
      %sub3A_400 = vector.broadcast %sub3A_399 : f32 to vector<16xf32>
      %sub3A_401 = arith.subf %exp3A_398, %sub3A_400 : vector<16xf32>
      %select_n3A_402 = arith.select %gt3A_397, %add3A_394, %sub3A_401 : vector<16xi1>, vector<16xf32>
      %swap3A_403 = arith.index_cast %scan3A_82 : i32 to index
      %swap3A_404 = arith.constant 192 : index
      %swap3A_405 = tpu.vector_load %arg18[%swap3A_403, %swap3A_404] {strides = array<i32>} : memref<320x256xf32, #tpu.memory_space<vmem>>, vector<1x16xf32>,
      %swap3A_406 = vector.shape_cast %swap3A_405 : vector<1x16xf32> to vector<16xf32>
      %swap3A_407 = vector.shape_cast %select_n3A_402 : vector<16xf32> to vector<1x16xf32>
      tpu.vector_store %arg18[%swap3A_403, %swap3A_404], %swap3A_407 {strides = array<i32>} : memref<320x256xf32, #tpu.memory_space<vmem>>, vector<1x16xf32>,
      %get3A_408 = arith.index_cast %scan3A_82 : i32 to index
      %get3A_409 = arith.constant 208 : index
      %get3A_410 = tpu.vector_load %arg18[%get3A_408, %get3A_409] {strides = array<i32>} : memref<320x256xf32, #tpu.memory_space<vmem>>, vector<1x16xf32>,
      %get3A_411 = vector.shape_cast %get3A_410 : vector<1x16xf32> to vector<16xf32>
      %mul3A_412 = arith.mulf %get3A_411, %div3A_385 : vector<16xf32>
      %get3A_413 = arith.constant 208 : index
      %get3A_414 = tpu.vector_load %arg12[%get3A_413] {strides = array<i32>} : memref<256xf32, #tpu.memory_space<vmem>>, vector<16xf32>,
      %get3A_415 = vector.shape_cast %get3A_414 : vector<16xf32> to vector<16xf32>
      %add3A_416 = arith.addf %mul3A_412, %get3A_415 : vector<16xf32>
      %gt3A_417 = arith.constant 0.000000e+00 : f32
      %gt3A_418 = vector.broadcast %gt3A_417 : f32 to vector<16xf32>
      %gt3A_419 = arith.cmpf ogt, %add3A_416, %gt3A_418 : vector<16xf32>
      %exp3A_420 = math.exp %add3A_416 : vector<16xf32>
      %sub3A_421 = arith.constant 1.000000e+00 : f32
      %sub3A_422 = vector.broadcast %sub3A_421 : f32 to vector<16xf32>
      %sub3A_423 = arith.subf %exp3A_420, %sub3A_422 : vector<16xf32>
      %select_n3A_424 = arith.select %gt3A_419, %add3A_416, %sub3A_423 : vector<16xi1>, vector<16xf32>
      %swap3A_425 = arith.index_cast %scan3A_82 : i32 to index
      %swap3A_426 = arith.constant 208 : index
      %swap3A_427 = tpu.vector_load %arg18[%swap3A_425, %swap3A_426] {strides = array<i32>} : memref<320x256xf32, #tpu.memory_space<vmem>>, vector<1x16xf32>,
      %swap3A_428 = vector.shape_cast %swap3A_427 : vector<1x16xf32> to vector<16xf32>
      %swap3A_429 = vector.shape_cast %select_n3A_424 : vector<16xf32> to vector<1x16xf32>
      tpu.vector_store %arg18[%swap3A_425, %swap3A_426], %swap3A_429 {strides = array<i32>} : memref<320x256xf32, #tpu.memory_space<vmem>>, vector<1x16xf32>,
      %get3A_430 = arith.index_cast %scan3A_82 : i32 to index
      %get3A_431 = arith.constant 224 : index
      %get3A_432 = tpu.vector_load %arg18[%get3A_430, %get3A_431] {strides = array<i32>} : memref<320x256xf32, #tpu.memory_space<vmem>>, vector<1x16xf32>,
      %get3A_433 = vector.shape_cast %get3A_432 : vector<1x16xf32> to vector<16xf32>
      %mul3A_434 = arith.mulf %get3A_433, %div3A_385 : vector<16xf32>
      %get3A_435 = arith.constant 224 : index
      %get3A_436 = tpu.vector_load %arg12[%get3A_435] {strides = array<i32>} : memref<256xf32, #tpu.memory_space<vmem>>, vector<16xf32>,
      %get3A_437 = vector.shape_cast %get3A_436 : vector<16xf32> to vector<16xf32>
      %add3A_438 = arith.addf %mul3A_434, %get3A_437 : vector<16xf32>
      %gt3A_439 = arith.constant 0.000000e+00 : f32
      %gt3A_440 = vector.broadcast %gt3A_439 : f32 to vector<16xf32>
      %gt3A_441 = arith.cmpf ogt, %add3A_438, %gt3A_440 : vector<16xf32>
      %exp3A_442 = math.exp %add3A_438 : vector<16xf32>
      %sub3A_443 = arith.constant 1.000000e+00 : f32
      %sub3A_444 = vector.broadcast %sub3A_443 : f32 to vector<16xf32>
      %sub3A_445 = arith.subf %exp3A_442, %sub3A_444 : vector<16xf32>
      %select_n3A_446 = arith.select %gt3A_441, %add3A_438, %sub3A_445 : vector<16xi1>, vector<16xf32>
      %swap3A_447 = arith.index_cast %scan3A_82 : i32 to index
      %swap3A_448 = arith.constant 224 : index
      %swap3A_449 = tpu.vector_load %arg18[%swap3A_447, %swap3A_448] {strides = array<i32>} : memref<320x256xf32, #tpu.memory_space<vmem>>, vector<1x16xf32>,
      %swap3A_450 = vector.shape_cast %swap3A_449 : vector<1x16xf32> to vector<16xf32>
      %swap3A_451 = vector.shape_cast %select_n3A_446 : vector<16xf32> to vector<1x16xf32>
      tpu.vector_store %arg18[%swap3A_447, %swap3A_448], %swap3A_451 {strides = array<i32>} : memref<320x256xf32, #tpu.memory_space<vmem>>, vector<1x16xf32>,
      %get3A_452 = arith.index_cast %scan3A_82 : i32 to index
      %get3A_453 = arith.constant 240 : index
      %get3A_454 = tpu.vector_load %arg18[%get3A_452, %get3A_453] {strides = array<i32>} : memref<320x256xf32, #tpu.memory_space<vmem>>, vector<1x16xf32>,
      %get3A_455 = vector.shape_cast %get3A_454 : vector<1x16xf32> to vector<16xf32>
      %mul3A_456 = arith.mulf %get3A_455, %div3A_385 : vector<16xf32>
      %get3A_457 = arith.constant 240 : index
      %get3A_458 = tpu.vector_load %arg12[%get3A_457] {strides = array<i32>} : memref<256xf32, #tpu.memory_space<vmem>>, vector<16xf32>,
      %get3A_459 = vector.shape_cast %get3A_458 : vector<16xf32> to vector<16xf32>
      %add3A_460 = arith.addf %mul3A_456, %get3A_459 : vector<16xf32>
      %gt3A_461 = arith.constant 0.000000e+00 : f32
      %gt3A_462 = vector.broadcast %gt3A_461 : f32 to vector<16xf32>
      %gt3A_463 = arith.cmpf ogt, %add3A_460, %gt3A_462 : vector<16xf32>
      %exp3A_464 = math.exp %add3A_460 : vector<16xf32>
      %sub3A_465 = arith.constant 1.000000e+00 : f32
      %sub3A_466 = vector.broadcast %sub3A_465 : f32 to vector<16xf32>
      %sub3A_467 = arith.subf %exp3A_464, %sub3A_466 : vector<16xf32>
      %select_n3A_468 = arith.select %gt3A_463, %add3A_460, %sub3A_467 : vector<16xi1>, vector<16xf32>
      %swap3A_469 = arith.index_cast %scan3A_82 : i32 to index
      %swap3A_470 = arith.constant 240 : index
      %swap3A_471 = tpu.vector_load %arg18[%swap3A_469, %swap3A_470] {strides = array<i32>} : memref<320x256xf32, #tpu.memory_space<vmem>>, vector<1x16xf32>,
      %swap3A_472 = vector.shape_cast %swap3A_471 : vector<1x16xf32> to vector<16xf32>
      %swap3A_473 = vector.shape_cast %select_n3A_468 : vector<16xf32> to vector<1x16xf32>
      tpu.vector_store %arg18[%swap3A_469, %swap3A_470], %swap3A_473 {strides = array<i32>} : memref<320x256xf32, #tpu.memory_space<vmem>>, vector<1x16xf32>,
      %scan3A_474 = arith.constant 0 : i32
      scf.yield %scan3A_474 : i32
    }
    %scan3A_81 = arith.constant 320 : i32
    "tpu.region"() ({
      %run_scoped3A = tpu.sem_alloc : memref<!tpu.dma_semaphore, #tpu.memory_space<semaphore_mem>>
      %dma_start3A = arith.constant 0 : i32
      %dma_start3A_82 = tpu.memref_slice %arg9[%mul3A_2, %dma_start3A] : memref<10240x256xf32, #tpu.memory_space<hbm>> -> memref<320x256xf32, #tpu.memory_space<hbm>>
      %dma_start3A_83 = arith.constant 0 : i32
      %dma_start3A_84 = tpu.memref_slice %arg9[%mul3A_2, %dma_start3A_83] : memref<10240x256xf32, #tpu.memory_space<hbm>> -> memref<320x256xf32, #tpu.memory_space<hbm>>
      tpu.enqueue_dma source(%arg18 : memref<320x256xf32, #tpu.memory_space<vmem>>) target(%dma_start3A_84 : memref<320x256xf32, #tpu.memory_space<hbm>>) target_semaphore(%run_scoped3A : memref<!tpu.dma_semaphore, #tpu.memory_space<semaphore_mem>>)
      %dma_wait3A = arith.constant 0 : i32
      %dma_wait3A_85 = tpu.memref_slice %arg9[%mul3A_2, %dma_wait3A] : memref<10240x256xf32, #tpu.memory_space<hbm>> -> memref<320x256xf32, #tpu.memory_space<hbm>>
      %dma_wait3A_86 = arith.constant 0 : i32
      %dma_wait3A_87 = tpu.memref_slice %arg9[%mul3A_2, %dma_wait3A_86] : memref<10240x256xf32, #tpu.memory_space<hbm>> -> memref<320x256xf32, #tpu.memory_space<hbm>>
      tpu.wait_dma2 semaphore(%run_scoped3A : memref<!tpu.dma_semaphore, #tpu.memory_space<semaphore_mem>>) src(%arg18 : memref<320x256xf32, #tpu.memory_space<vmem>>) dst(%dma_wait3A_87 : memref<320x256xf32, #tpu.memory_space<hbm>>)
      tpu.yield
    }) : () -> ()
    return
  }
}

#map = affine_map<(d0, d1) -> (0, 0)>
#map1 = affine_map<(d0, d1) -> (0)>
module attributes {stable_mosaic.version = 14 : i64} {
  func.func @_sc_gat_body(%arg0: i32, %arg1: i32, %arg2: memref<10000x256xf32, #tpu.memory_space<hbm>>, %arg3: memref<10000x256xf32, #tpu.memory_space<hbm>>, %arg4: memref<330080xi32, #tpu.memory_space<hbm>>, %arg5: memref<330080xi32, #tpu.memory_space<hbm>>, %arg6: memref<10256xi32, #tpu.memory_space<hbm>>, %arg7: memref<256xf32, #tpu.memory_space<hbm>>, %arg8: memref<256xf32, #tpu.memory_space<hbm>>, %arg9: memref<10240x256xf32, #tpu.memory_space<hbm>>, %arg10: memref<336xi32, #tpu.memory_space<vmem>>, %arg11: memref<256xf32, #tpu.memory_space<vmem>>, %arg12: memref<256xf32, #tpu.memory_space<vmem>>, %arg13: memref<64xi32, #tpu.memory_space<vmem>>, %arg14: memref<64xi32, #tpu.memory_space<vmem>>, %arg15: memref<80xi32, #tpu.memory_space<vmem>>, %arg16: memref<64x256xf32, #tpu.memory_space<vmem>>, %arg17: memref<64x256xf32, #tpu.memory_space<vmem>>, %arg18: memref<320x256xf32, #tpu.memory_space<vmem>>, %arg19: memref<5120xf32, #tpu.memory_space<vmem>>, %arg20: memref<!tpu.dma_semaphore, #tpu.memory_space<semaphore_mem>>, %arg21: memref<!tpu.dma_semaphore, #tpu.memory_space<semaphore_mem>>) attributes {dimension_semantics = [#tpu.dimension_semantics<core_parallel>, #tpu.dimension_semantics<subcore_parallel>], iteration_bounds = array<i64: 2, 16>, scalar_prefetch = 0 : i64, scratch_operands = 12 : i64, tpu.core_type = #tpu.core_type<sc_vector_subcore>, window_params = [{transform_indices = #map}, {transform_indices = #map}, {transform_indices = #map1}, {transform_indices = #map1}, {transform_indices = #map1}, {transform_indices = #map1}, {transform_indices = #map1}, {transform_indices = #map}]} {
    %mul3A = arith.constant 2 : i32
    %mul3A_0 = arith.muli %arg1, %mul3A : i32
    %add3A = arith.addi %mul3A_0, %arg0 : i32
    %mul3A_1 = arith.constant 320 : i32
    %mul3A_2 = arith.muli %add3A, %mul3A_1 : i32
    "tpu.region"() ({
      %run_scoped3A = tpu.sem_alloc : memref<!tpu.dma_semaphore, #tpu.memory_space<semaphore_mem>>
      %dma_start3A = tpu.memref_slice %arg6[%mul3A_2] : memref<10256xi32, #tpu.memory_space<hbm>> -> memref<336xi32, #tpu.memory_space<hbm>>
      %dma_start3A_82 = tpu.memref_slice %arg6[%mul3A_2] : memref<10256xi32, #tpu.memory_space<hbm>> -> memref<336xi32, #tpu.memory_space<hbm>>
      tpu.enqueue_dma source(%dma_start3A_82 : memref<336xi32, #tpu.memory_space<hbm>>) target(%arg10 : memref<336xi32, #tpu.memory_space<vmem>>) target_semaphore(%run_scoped3A : memref<!tpu.dma_semaphore, #tpu.memory_space<semaphore_mem>>)
      %dma_wait3A = tpu.memref_slice %arg6[%mul3A_2] : memref<10256xi32, #tpu.memory_space<hbm>> -> memref<336xi32, #tpu.memory_space<hbm>>
      %dma_wait3A_83 = tpu.memref_slice %arg6[%mul3A_2] : memref<10256xi32, #tpu.memory_space<hbm>> -> memref<336xi32, #tpu.memory_space<hbm>>
      tpu.wait_dma2 semaphore(%run_scoped3A : memref<!tpu.dma_semaphore, #tpu.memory_space<semaphore_mem>>) src(%dma_wait3A_83 : memref<336xi32, #tpu.memory_space<hbm>>) dst(%arg10 : memref<336xi32, #tpu.memory_space<vmem>>)
      tpu.yield
    }) : () -> ()
    "tpu.region"() ({
      %run_scoped3A = tpu.sem_alloc : memref<!tpu.dma_semaphore, #tpu.memory_space<semaphore_mem>>
      tpu.enqueue_dma source(%arg7 : memref<256xf32, #tpu.memory_space<hbm>>) target(%arg11 : memref<256xf32, #tpu.memory_space<vmem>>) target_semaphore(%run_scoped3A : memref<!tpu.dma_semaphore, #tpu.memory_space<semaphore_mem>>)
      tpu.wait_dma2 semaphore(%run_scoped3A : memref<!tpu.dma_semaphore, #tpu.memory_space<semaphore_mem>>) src(%arg7 : memref<256xf32, #tpu.memory_space<hbm>>) dst(%arg11 : memref<256xf32, #tpu.memory_space<vmem>>)
      tpu.yield
    }) : () -> ()
    "tpu.region"() ({
      %run_scoped3A = tpu.sem_alloc : memref<!tpu.dma_semaphore, #tpu.memory_space<semaphore_mem>>
      tpu.enqueue_dma source(%arg8 : memref<256xf32, #tpu.memory_space<hbm>>) target(%arg12 : memref<256xf32, #tpu.memory_space<vmem>>) target_semaphore(%run_scoped3A : memref<!tpu.dma_semaphore, #tpu.memory_space<semaphore_mem>>)
      tpu.wait_dma2 semaphore(%run_scoped3A : memref<!tpu.dma_semaphore, #tpu.memory_space<semaphore_mem>>) src(%arg8 : memref<256xf32, #tpu.memory_space<hbm>>) dst(%arg12 : memref<256xf32, #tpu.memory_space<vmem>>)
      tpu.yield
    }) : () -> ()
    %broadcast_in_dim3A = arith.constant 0.000000e+00 : f32
    %broadcast_in_dim3A_3 = vector.broadcast %broadcast_in_dim3A : f32 to vector<16xf32>
    %scan3A = arith.constant 0 : i32
    %scan3A_4 = arith.constant 0 : i32
    %scan3A_5 = arith.constant 320 : i32
    %scan3A_6 = arith.addi %scan3A_4, %scan3A_5 : i32
    %scan3A_7 = arith.constant 1 : i32
    %scan3A_8 = scf.for %scan3A_82 = %scan3A_4 to %scan3A_6 step %scan3A_7 iter_args(%scan3A_83 = %scan3A) -> (i32)  : i32 {
      %swap3A = arith.index_cast %scan3A_82 : i32 to index
      %swap3A_84 = arith.constant 0 : index
      %swap3A_85 = tpu.vector_load %arg18[%swap3A, %swap3A_84] {strides = array<i32>} : memref<320x256xf32, #tpu.memory_space<vmem>>, vector<1x16xf32>,
      %swap3A_86 = vector.shape_cast %swap3A_85 : vector<1x16xf32> to vector<16xf32>
      %swap3A_87 = vector.shape_cast %broadcast_in_dim3A_3 : vector<16xf32> to vector<1x16xf32>
      tpu.vector_store %arg18[%swap3A, %swap3A_84], %swap3A_87 {strides = array<i32>} : memref<320x256xf32, #tpu.memory_space<vmem>>, vector<1x16xf32>,
      %swap3A_88 = arith.index_cast %scan3A_82 : i32 to index
      %swap3A_89 = arith.constant 16 : index
      %swap3A_90 = tpu.vector_load %arg18[%swap3A_88, %swap3A_89] {strides = array<i32>} : memref<320x256xf32, #tpu.memory_space<vmem>>, vector<1x16xf32>,
      %swap3A_91 = vector.shape_cast %swap3A_90 : vector<1x16xf32> to vector<16xf32>
      %swap3A_92 = vector.shape_cast %broadcast_in_dim3A_3 : vector<16xf32> to vector<1x16xf32>
      tpu.vector_store %arg18[%swap3A_88, %swap3A_89], %swap3A_92 {strides = array<i32>} : memref<320x256xf32, #tpu.memory_space<vmem>>, vector<1x16xf32>,
      %swap3A_93 = arith.index_cast %scan3A_82 : i32 to index
      %swap3A_94 = arith.constant 32 : index
      %swap3A_95 = tpu.vector_load %arg18[%swap3A_93, %swap3A_94] {strides = array<i32>} : memref<320x256xf32, #tpu.memory_space<vmem>>, vector<1x16xf32>,
      %swap3A_96 = vector.shape_cast %swap3A_95 : vector<1x16xf32> to vector<16xf32>
      %swap3A_97 = vector.shape_cast %broadcast_in_dim3A_3 : vector<16xf32> to vector<1x16xf32>
      tpu.vector_store %arg18[%swap3A_93, %swap3A_94], %swap3A_97 {strides = array<i32>} : memref<320x256xf32, #tpu.memory_space<vmem>>, vector<1x16xf32>,
      %swap3A_98 = arith.index_cast %scan3A_82 : i32 to index
      %swap3A_99 = arith.constant 48 : index
      %swap3A_100 = tpu.vector_load %arg18[%swap3A_98, %swap3A_99] {strides = array<i32>} : memref<320x256xf32, #tpu.memory_space<vmem>>, vector<1x16xf32>,
      %swap3A_101 = vector.shape_cast %swap3A_100 : vector<1x16xf32> to vector<16xf32>
      %swap3A_102 = vector.shape_cast %broadcast_in_dim3A_3 : vector<16xf32> to vector<1x16xf32>
      tpu.vector_store %arg18[%swap3A_98, %swap3A_99], %swap3A_102 {strides = array<i32>} : memref<320x256xf32, #tpu.memory_space<vmem>>, vector<1x16xf32>,
      %swap3A_103 = arith.index_cast %scan3A_82 : i32 to index
      %swap3A_104 = arith.constant 64 : index
      %swap3A_105 = tpu.vector_load %arg18[%swap3A_103, %swap3A_104] {strides = array<i32>} : memref<320x256xf32, #tpu.memory_space<vmem>>, vector<1x16xf32>,
      %swap3A_106 = vector.shape_cast %swap3A_105 : vector<1x16xf32> to vector<16xf32>
      %swap3A_107 = vector.shape_cast %broadcast_in_dim3A_3 : vector<16xf32> to vector<1x16xf32>
      tpu.vector_store %arg18[%swap3A_103, %swap3A_104], %swap3A_107 {strides = array<i32>} : memref<320x256xf32, #tpu.memory_space<vmem>>, vector<1x16xf32>,
      %swap3A_108 = arith.index_cast %scan3A_82 : i32 to index
      %swap3A_109 = arith.constant 80 : index
      %swap3A_110 = tpu.vector_load %arg18[%swap3A_108, %swap3A_109] {strides = array<i32>} : memref<320x256xf32, #tpu.memory_space<vmem>>, vector<1x16xf32>,
      %swap3A_111 = vector.shape_cast %swap3A_110 : vector<1x16xf32> to vector<16xf32>
      %swap3A_112 = vector.shape_cast %broadcast_in_dim3A_3 : vector<16xf32> to vector<1x16xf32>
      tpu.vector_store %arg18[%swap3A_108, %swap3A_109], %swap3A_112 {strides = array<i32>} : memref<320x256xf32, #tpu.memory_space<vmem>>, vector<1x16xf32>,
      %swap3A_113 = arith.index_cast %scan3A_82 : i32 to index
      %swap3A_114 = arith.constant 96 : index
      %swap3A_115 = tpu.vector_load %arg18[%swap3A_113, %swap3A_114] {strides = array<i32>} : memref<320x256xf32, #tpu.memory_space<vmem>>, vector<1x16xf32>,
      %swap3A_116 = vector.shape_cast %swap3A_115 : vector<1x16xf32> to vector<16xf32>
      %swap3A_117 = vector.shape_cast %broadcast_in_dim3A_3 : vector<16xf32> to vector<1x16xf32>
      tpu.vector_store %arg18[%swap3A_113, %swap3A_114], %swap3A_117 {strides = array<i32>} : memref<320x256xf32, #tpu.memory_space<vmem>>, vector<1x16xf32>,
      %swap3A_118 = arith.index_cast %scan3A_82 : i32 to index
      %swap3A_119 = arith.constant 112 : index
      %swap3A_120 = tpu.vector_load %arg18[%swap3A_118, %swap3A_119] {strides = array<i32>} : memref<320x256xf32, #tpu.memory_space<vmem>>, vector<1x16xf32>,
      %swap3A_121 = vector.shape_cast %swap3A_120 : vector<1x16xf32> to vector<16xf32>
      %swap3A_122 = vector.shape_cast %broadcast_in_dim3A_3 : vector<16xf32> to vector<1x16xf32>
      tpu.vector_store %arg18[%swap3A_118, %swap3A_119], %swap3A_122 {strides = array<i32>} : memref<320x256xf32, #tpu.memory_space<vmem>>, vector<1x16xf32>,
      %swap3A_123 = arith.index_cast %scan3A_82 : i32 to index
      %swap3A_124 = arith.constant 128 : index
      %swap3A_125 = tpu.vector_load %arg18[%swap3A_123, %swap3A_124] {strides = array<i32>} : memref<320x256xf32, #tpu.memory_space<vmem>>, vector<1x16xf32>,
      %swap3A_126 = vector.shape_cast %swap3A_125 : vector<1x16xf32> to vector<16xf32>
      %swap3A_127 = vector.shape_cast %broadcast_in_dim3A_3 : vector<16xf32> to vector<1x16xf32>
      tpu.vector_store %arg18[%swap3A_123, %swap3A_124], %swap3A_127 {strides = array<i32>} : memref<320x256xf32, #tpu.memory_space<vmem>>, vector<1x16xf32>,
      %swap3A_128 = arith.index_cast %scan3A_82 : i32 to index
      %swap3A_129 = arith.constant 144 : index
      %swap3A_130 = tpu.vector_load %arg18[%swap3A_128, %swap3A_129] {strides = array<i32>} : memref<320x256xf32, #tpu.memory_space<vmem>>, vector<1x16xf32>,
      %swap3A_131 = vector.shape_cast %swap3A_130 : vector<1x16xf32> to vector<16xf32>
      %swap3A_132 = vector.shape_cast %broadcast_in_dim3A_3 : vector<16xf32> to vector<1x16xf32>
      tpu.vector_store %arg18[%swap3A_128, %swap3A_129], %swap3A_132 {strides = array<i32>} : memref<320x256xf32, #tpu.memory_space<vmem>>, vector<1x16xf32>,
      %swap3A_133 = arith.index_cast %scan3A_82 : i32 to index
      %swap3A_134 = arith.constant 160 : index
      %swap3A_135 = tpu.vector_load %arg18[%swap3A_133, %swap3A_134] {strides = array<i32>} : memref<320x256xf32, #tpu.memory_space<vmem>>, vector<1x16xf32>,
      %swap3A_136 = vector.shape_cast %swap3A_135 : vector<1x16xf32> to vector<16xf32>
      %swap3A_137 = vector.shape_cast %broadcast_in_dim3A_3 : vector<16xf32> to vector<1x16xf32>
      tpu.vector_store %arg18[%swap3A_133, %swap3A_134], %swap3A_137 {strides = array<i32>} : memref<320x256xf32, #tpu.memory_space<vmem>>, vector<1x16xf32>,
      %swap3A_138 = arith.index_cast %scan3A_82 : i32 to index
      %swap3A_139 = arith.constant 176 : index
      %swap3A_140 = tpu.vector_load %arg18[%swap3A_138, %swap3A_139] {strides = array<i32>} : memref<320x256xf32, #tpu.memory_space<vmem>>, vector<1x16xf32>,
      %swap3A_141 = vector.shape_cast %swap3A_140 : vector<1x16xf32> to vector<16xf32>
      %swap3A_142 = vector.shape_cast %broadcast_in_dim3A_3 : vector<16xf32> to vector<1x16xf32>
      tpu.vector_store %arg18[%swap3A_138, %swap3A_139], %swap3A_142 {strides = array<i32>} : memref<320x256xf32, #tpu.memory_space<vmem>>, vector<1x16xf32>,
      %swap3A_143 = arith.index_cast %scan3A_82 : i32 to index
      %swap3A_144 = arith.constant 192 : index
      %swap3A_145 = tpu.vector_load %arg18[%swap3A_143, %swap3A_144] {strides = array<i32>} : memref<320x256xf32, #tpu.memory_space<vmem>>, vector<1x16xf32>,
      %swap3A_146 = vector.shape_cast %swap3A_145 : vector<1x16xf32> to vector<16xf32>
      %swap3A_147 = vector.shape_cast %broadcast_in_dim3A_3 : vector<16xf32> to vector<1x16xf32>
      tpu.vector_store %arg18[%swap3A_143, %swap3A_144], %swap3A_147 {strides = array<i32>} : memref<320x256xf32, #tpu.memory_space<vmem>>, vector<1x16xf32>,
      %swap3A_148 = arith.index_cast %scan3A_82 : i32 to index
      %swap3A_149 = arith.constant 208 : index
      %swap3A_150 = tpu.vector_load %arg18[%swap3A_148, %swap3A_149] {strides = array<i32>} : memref<320x256xf32, #tpu.memory_space<vmem>>, vector<1x16xf32>,
      %swap3A_151 = vector.shape_cast %swap3A_150 : vector<1x16xf32> to vector<16xf32>
      %swap3A_152 = vector.shape_cast %broadcast_in_dim3A_3 : vector<16xf32> to vector<1x16xf32>
      tpu.vector_store %arg18[%swap3A_148, %swap3A_149], %swap3A_152 {strides = array<i32>} : memref<320x256xf32, #tpu.memory_space<vmem>>, vector<1x16xf32>,
      %swap3A_153 = arith.index_cast %scan3A_82 : i32 to index
      %swap3A_154 = arith.constant 224 : index
      %swap3A_155 = tpu.vector_load %arg18[%swap3A_153, %swap3A_154] {strides = array<i32>} : memref<320x256xf32, #tpu.memory_space<vmem>>, vector<1x16xf32>,
      %swap3A_156 = vector.shape_cast %swap3A_155 : vector<1x16xf32> to vector<16xf32>
      %swap3A_157 = vector.shape_cast %broadcast_in_dim3A_3 : vector<16xf32> to vector<1x16xf32>
      tpu.vector_store %arg18[%swap3A_153, %swap3A_154], %swap3A_157 {strides = array<i32>} : memref<320x256xf32, #tpu.memory_space<vmem>>, vector<1x16xf32>,
      %swap3A_158 = arith.index_cast %scan3A_82 : i32 to index
      %swap3A_159 = arith.constant 240 : index
      %swap3A_160 = tpu.vector_load %arg18[%swap3A_158, %swap3A_159] {strides = array<i32>} : memref<320x256xf32, #tpu.memory_space<vmem>>, vector<1x16xf32>,
      %swap3A_161 = vector.shape_cast %swap3A_160 : vector<1x16xf32> to vector<16xf32>
      %swap3A_162 = vector.shape_cast %broadcast_in_dim3A_3 : vector<16xf32> to vector<1x16xf32>
      tpu.vector_store %arg18[%swap3A_158, %swap3A_159], %swap3A_162 {strides = array<i32>} : memref<320x256xf32, #tpu.memory_space<vmem>>, vector<1x16xf32>,
      %mul3A_163 = arith.constant 16 : i32
      %mul3A_164 = arith.muli %scan3A_82, %mul3A_163 : i32
      %swap3A_165 = arith.index_cast %mul3A_164 : i32 to index
      %swap3A_166 = tpu.vector_load %arg19[%swap3A_165] {strides = array<i32>} : memref<5120xf32, #tpu.memory_space<vmem>>, vector<16xf32>,
      %swap3A_167 = vector.shape_cast %swap3A_166 : vector<16xf32> to vector<16xf32>
      %swap3A_168 = vector.shape_cast %broadcast_in_dim3A_3 : vector<16xf32> to vector<16xf32>
      tpu.vector_store %arg19[%swap3A_165], %swap3A_168 {strides = array<i32>} : memref<5120xf32, #tpu.memory_space<vmem>>, vector<16xf32>,
      %scan3A_169 = arith.constant 0 : i32
      scf.yield %scan3A_169 : i32
    }
    %scan3A_9 = arith.constant 320 : i32
    %get3A = arith.constant 0 : index
    %get3A_10 = tpu.vector_load %arg10[%get3A] {strides = array<i32>} : memref<336xi32, #tpu.memory_space<vmem>>, vector<16xi32>,
    %get3A_11 = vector.shape_cast %get3A_10 : vector<16xi32> to vector<16xi32>
    %slice3A = vector.extract_strided_slice %get3A_11 {offsets = [0], sizes = [1], strides = [1]} : vector<16xi32> to vector<1xi32>
    %squeeze3A = vector.extract %slice3A[0] : i32 from vector<1xi32>
    %get3A_12 = arith.constant 320 : index
    %get3A_13 = tpu.vector_load %arg10[%get3A_12] {strides = array<i32>} : memref<336xi32, #tpu.memory_space<vmem>>, vector<16xi32>,
    %get3A_14 = vector.shape_cast %get3A_13 : vector<16xi32> to vector<16xi32>
    %slice3A_15 = vector.extract_strided_slice %get3A_14 {offsets = [0], sizes = [1], strides = [1]} : vector<16xi32> to vector<1xi32>
    %squeeze3A_16 = vector.extract %slice3A_15[0] : i32 from vector<1xi32>
    %jit3A = arith.constant 64 : i32
    %div3A = arith.divsi %squeeze3A, %jit3A : i32
    %sign3A = arith.constant 0 : i32
    %sign3A_17 = arith.cmpi sgt, %squeeze3A, %sign3A : i32
    %sign3A_18 = arith.extui %sign3A_17 : i1 to i32
    %sign3A_19 = arith.constant 0 : i32
    %sign3A_20 = arith.cmpi slt, %squeeze3A, %sign3A_19 : i32
    %sign3A_21 = arith.extui %sign3A_20 : i1 to i32
    %sign3A_22 = arith.subi %sign3A_18, %sign3A_21 : i32
    %sign3A_23 = arith.constant 0 : i32
    %sign3A_24 = arith.cmpi sgt, %jit3A, %sign3A_23 : i32
    %sign3A_25 = arith.extui %sign3A_24 : i1 to i32
    %sign3A_26 = arith.constant 0 : i32
    %sign3A_27 = arith.cmpi slt, %jit3A, %sign3A_26 : i32
    %sign3A_28 = arith.extui %sign3A_27 : i1 to i32
    %sign3A_29 = arith.subi %sign3A_25, %sign3A_28 : i32
    %ne3A = arith.cmpi ne, %sign3A_22, %sign3A_29 : i32
    %rem3A = arith.remsi %squeeze3A, %jit3A : i32
    %ne3A_30 = arith.constant 0 : i32
    %ne3A_31 = arith.cmpi ne, %rem3A, %ne3A_30 : i32
    %and3A = arith.andi %ne3A, %ne3A_31 : i1
    %sub3A = arith.constant 1 : i32
    %sub3A_32 = arith.subi %div3A, %sub3A : i32
    %select_n3A = arith.select %and3A, %sub3A_32, %div3A : i32
    %mul3A_33 = arith.constant 64 : i32
    %mul3A_34 = arith.muli %select_n3A, %mul3A_33 : i32
    %sub3A_35 = arith.subi %squeeze3A_16, %mul3A_34 : i32
    %add3A_36 = arith.constant 64 : i32
    %add3A_37 = arith.addi %sub3A_35, %add3A_36 : i32
    %sub3A_38 = arith.constant 1 : i32
    %sub3A_39 = arith.subi %add3A_37, %sub3A_38 : i32
    %jit3A_40 = arith.constant 64 : i32
    %div3A_41 = arith.divsi %sub3A_39, %jit3A_40 : i32
    %sign3A_42 = arith.constant 0 : i32
    %sign3A_43 = arith.cmpi sgt, %sub3A_39, %sign3A_42 : i32
    %sign3A_44 = arith.extui %sign3A_43 : i1 to i32
    %sign3A_45 = arith.constant 0 : i32
    %sign3A_46 = arith.cmpi slt, %sub3A_39, %sign3A_45 : i32
    %sign3A_47 = arith.extui %sign3A_46 : i1 to i32
    %sign3A_48 = arith.subi %sign3A_44, %sign3A_47 : i32
    %sign3A_49 = arith.constant 0 : i32
    %sign3A_50 = arith.cmpi sgt, %jit3A_40, %sign3A_49 : i32
    %sign3A_51 = arith.extui %sign3A_50 : i1 to i32
    %sign3A_52 = arith.constant 0 : i32
    %sign3A_53 = arith.cmpi slt, %jit3A_40, %sign3A_52 : i32
    %sign3A_54 = arith.extui %sign3A_53 : i1 to i32
    %sign3A_55 = arith.subi %sign3A_51, %sign3A_54 : i32
    %ne3A_56 = arith.cmpi ne, %sign3A_48, %sign3A_55 : i32
    %rem3A_57 = arith.remsi %sub3A_39, %jit3A_40 : i32
    %ne3A_58 = arith.constant 0 : i32
    %ne3A_59 = arith.cmpi ne, %rem3A_57, %ne3A_58 : i32
    %and3A_60 = arith.andi %ne3A_56, %ne3A_59 : i1
    %sub3A_61 = arith.constant 1 : i32
    %sub3A_62 = arith.subi %div3A_41, %sub3A_61 : i32
    %select_n3A_63 = arith.select %and3A_60, %sub3A_62, %div3A_41 : i32
    %while3A = arith.constant 0 : i32
    %while3A_64 = arith.constant 0 : i32
    %while3A_65 = arith.subi %select_n3A_63, %while3A : i32
    %while3A_66 = arith.addi %while3A, %while3A_65 : i32
    %while3A_67 = arith.constant 1 : i32
    %while3A_68 = arith.divsi %while3A_65, %while3A_67 : i32
    %while3A_69 = arith.muli %while3A_68, %while3A_67 : i32
    %while3A_70 = arith.addi %while3A, %while3A_69 : i32
    %while3A_71 = arith.constant 1 : i32
    %while3A_72 = scf.for %while3A_82 = %while3A to %while3A_70 step %while3A_71 iter_args(%while3A_83 = %while3A_64) -> (i32)  : i32 {
      %mul3A_84 = arith.constant 64 : i32
      %mul3A_85 = arith.muli %while3A_82, %mul3A_84 : i32
      %add3A_86 = arith.addi %mul3A_34, %mul3A_85 : i32
      "tpu.region"() ({
        %run_scoped3A = tpu.sem_alloc : memref<!tpu.dma_semaphore, #tpu.memory_space<semaphore_mem>>
        %dma_start3A_105 = tpu.memref_slice %arg4[%add3A_86] : memref<330080xi32, #tpu.memory_space<hbm>> -> memref<64xi32, #tpu.memory_space<hbm>>
        %dma_start3A_106 = tpu.memref_slice %arg4[%add3A_86] : memref<330080xi32, #tpu.memory_space<hbm>> -> memref<64xi32, #tpu.memory_space<hbm>>
        tpu.enqueue_dma source(%dma_start3A_106 : memref<64xi32, #tpu.memory_space<hbm>>) target(%arg13 : memref<64xi32, #tpu.memory_space<vmem>>) target_semaphore(%run_scoped3A : memref<!tpu.dma_semaphore, #tpu.memory_space<semaphore_mem>>)
        %dma_wait3A_107 = tpu.memref_slice %arg4[%add3A_86] : memref<330080xi32, #tpu.memory_space<hbm>> -> memref<64xi32, #tpu.memory_space<hbm>>
        %dma_wait3A_108 = tpu.memref_slice %arg4[%add3A_86] : memref<330080xi32, #tpu.memory_space<hbm>> -> memref<64xi32, #tpu.memory_space<hbm>>
        tpu.wait_dma2 semaphore(%run_scoped3A : memref<!tpu.dma_semaphore, #tpu.memory_space<semaphore_mem>>) src(%dma_wait3A_108 : memref<64xi32, #tpu.memory_space<hbm>>) dst(%arg13 : memref<64xi32, #tpu.memory_space<vmem>>)
        tpu.yield
      }) : () -> ()
      "tpu.region"() ({
        %run_scoped3A = tpu.sem_alloc : memref<!tpu.dma_semaphore, #tpu.memory_space<semaphore_mem>>
        %dma_start3A_105 = tpu.memref_slice %arg5[%add3A_86] : memref<330080xi32, #tpu.memory_space<hbm>> -> memref<64xi32, #tpu.memory_space<hbm>>
        %dma_start3A_106 = tpu.memref_slice %arg5[%add3A_86] : memref<330080xi32, #tpu.memory_space<hbm>> -> memref<64xi32, #tpu.memory_space<hbm>>
        tpu.enqueue_dma source(%dma_start3A_106 : memref<64xi32, #tpu.memory_space<hbm>>) target(%arg14 : memref<64xi32, #tpu.memory_space<vmem>>) target_semaphore(%run_scoped3A : memref<!tpu.dma_semaphore, #tpu.memory_space<semaphore_mem>>)
        %dma_wait3A_107 = tpu.memref_slice %arg5[%add3A_86] : memref<330080xi32, #tpu.memory_space<hbm>> -> memref<64xi32, #tpu.memory_space<hbm>>
        %dma_wait3A_108 = tpu.memref_slice %arg5[%add3A_86] : memref<330080xi32, #tpu.memory_space<hbm>> -> memref<64xi32, #tpu.memory_space<hbm>>
        tpu.wait_dma2 semaphore(%run_scoped3A : memref<!tpu.dma_semaphore, #tpu.memory_space<semaphore_mem>>) src(%dma_wait3A_108 : memref<64xi32, #tpu.memory_space<hbm>>) dst(%arg14 : memref<64xi32, #tpu.memory_space<vmem>>)
        tpu.yield
      }) : () -> ()
      "tpu.region"() ({
        %run_scoped3A = tpu.sem_alloc : memref<!tpu.dma_semaphore, #tpu.memory_space<semaphore_mem>>
        %dma_start3A_105 = arith.constant 0 : i32
        %dma_start3A_106 = tpu.memref_slice %arg15[%dma_start3A_105] : memref<80xi32, #tpu.memory_space<vmem>> -> memref<64xi32, #tpu.memory_space<vmem>>
        %dma_start3A_107 = tpu.memref_slice %arg5[%add3A_86] : memref<330080xi32, #tpu.memory_space<hbm>> -> memref<64xi32, #tpu.memory_space<hbm>>
        %dma_start3A_108 = arith.constant 0 : i32
        %dma_start3A_109 = tpu.memref_slice %arg15[%dma_start3A_108] : memref<80xi32, #tpu.memory_space<vmem>> -> memref<64xi32, #tpu.memory_space<vmem>>
        %dma_start3A_110 = tpu.memref_slice %arg5[%add3A_86] : memref<330080xi32, #tpu.memory_space<hbm>> -> memref<64xi32, #tpu.memory_space<hbm>>
        tpu.enqueue_dma source(%dma_start3A_110 : memref<64xi32, #tpu.memory_space<hbm>>) target(%dma_start3A_109 : memref<64xi32, #tpu.memory_space<vmem>>) target_semaphore(%run_scoped3A : memref<!tpu.dma_semaphore, #tpu.memory_space<semaphore_mem>>)
        %dma_wait3A_111 = arith.constant 0 : i32
        %dma_wait3A_112 = tpu.memref_slice %arg15[%dma_wait3A_111] : memref<80xi32, #tpu.memory_space<vmem>> -> memref<64xi32, #tpu.memory_space<vmem>>
        %dma_wait3A_113 = tpu.memref_slice %arg5[%add3A_86] : memref<330080xi32, #tpu.memory_space<hbm>> -> memref<64xi32, #tpu.memory_space<hbm>>
        %dma_wait3A_114 = arith.constant 0 : i32
        %dma_wait3A_115 = tpu.memref_slice %arg15[%dma_wait3A_114] : memref<80xi32, #tpu.memory_space<vmem>> -> memref<64xi32, #tpu.memory_space<vmem>>
        %dma_wait3A_116 = tpu.memref_slice %arg5[%add3A_86] : memref<330080xi32, #tpu.memory_space<hbm>> -> memref<64xi32, #tpu.memory_space<hbm>>
        tpu.wait_dma2 semaphore(%run_scoped3A : memref<!tpu.dma_semaphore, #tpu.memory_space<semaphore_mem>>) src(%dma_wait3A_116 : memref<64xi32, #tpu.memory_space<hbm>>) dst(%dma_wait3A_115 : memref<64xi32, #tpu.memory_space<vmem>>)
        tpu.yield
      }) : () -> ()
      %dma_start3A = arith.constant 0 : i32
      %dma_start3A_87 = arith.constant 0 : i32
      %dma_start3A_88 = tpu.memref_slice %arg2[%dma_start3A, %dma_start3A_87] : memref<10000x256xf32, #tpu.memory_space<hbm>> -> memref<10000x256xf32, #tpu.memory_space<hbm>>
      tpu.enqueue_indirect_dma source(%dma_start3A_88 : memref<10000x256xf32, #tpu.memory_space<hbm>>) target(%arg16 : memref<64x256xf32, #tpu.memory_space<vmem>>) offsets(%arg13 : memref<64xi32, #tpu.memory_space<vmem>>) semaphore(%arg20 : memref<!tpu.dma_semaphore, #tpu.memory_space<semaphore_mem>>)
      %dma_start3A_89 = arith.constant 0 : i32
      %dma_start3A_90 = arith.constant 0 : i32
      %dma_start3A_91 = tpu.memref_slice %arg3[%dma_start3A_89, %dma_start3A_90] : memref<10000x256xf32, #tpu.memory_space<hbm>> -> memref<10000x256xf32, #tpu.memory_space<hbm>>
      tpu.enqueue_indirect_dma source(%dma_start3A_91 : memref<10000x256xf32, #tpu.memory_space<hbm>>) target(%arg17 : memref<64x256xf32, #tpu.memory_space<vmem>>) offsets(%arg14 : memref<64xi32, #tpu.memory_space<vmem>>) semaphore(%arg21 : memref<!tpu.dma_semaphore, #tpu.memory_space<semaphore_mem>>)
      %dma_wait3A = arith.constant 0 : i32
      %dma_wait3A_92 = arith.constant 0 : i32
      %dma_wait3A_93 = tpu.memref_slice %arg2[%dma_wait3A, %dma_wait3A_92] : memref<10000x256xf32, #tpu.memory_space<hbm>> -> memref<10000x256xf32, #tpu.memory_space<hbm>>
      tpu.wait_indirect_dma semaphore(%arg20 : memref<!tpu.dma_semaphore, #tpu.memory_space<semaphore_mem>>) src(%dma_wait3A_93 : memref<10000x256xf32, #tpu.memory_space<hbm>>) dst(%arg16 : memref<64x256xf32, #tpu.memory_space<vmem>>)
      %dma_wait3A_94 = arith.constant 0 : i32
      %dma_wait3A_95 = arith.constant 0 : i32
      %dma_wait3A_96 = tpu.memref_slice %arg3[%dma_wait3A_94, %dma_wait3A_95] : memref<10000x256xf32, #tpu.memory_space<hbm>> -> memref<10000x256xf32, #tpu.memory_space<hbm>>
      tpu.wait_indirect_dma semaphore(%arg21 : memref<!tpu.dma_semaphore, #tpu.memory_space<semaphore_mem>>) src(%dma_wait3A_96 : memref<10000x256xf32, #tpu.memory_space<hbm>>) dst(%arg17 : memref<64x256xf32, #tpu.memory_space<vmem>>)
      %scan3A_97 = arith.constant 0 : i32
      %scan3A_98 = arith.constant 0 : i32
      %scan3A_99 = arith.constant 64 : i32
      %scan3A_100 = arith.addi %scan3A_98, %scan3A_99 : i32
      %scan3A_101 = arith.constant 1 : i32
      %scan3A_102 = scf.for %scan3A_105 = %scan3A_98 to %scan3A_100 step %scan3A_101 iter_args(%scan3A_106 = %scan3A_97) -> (i32)  : i32 {
        %add3A_107 = arith.addi %add3A_86, %scan3A_105 : i32
        %ge3A = arith.cmpi sge, %add3A_107, %squeeze3A : i32
        %lt3A = arith.cmpi slt, %add3A_107, %squeeze3A_16 : i32
        %and3A_108 = arith.andi %ge3A, %lt3A : i1
        %convert_element_type3A = arith.extui %and3A_108 : i1 to i32
        %cond3A = arith.constant 0 : i32
        %cond3A_109 = arith.cmpi ne, %convert_element_type3A, %cond3A : i32
        scf.if %cond3A_109 {
          %get3A_111 = arith.index_cast %scan3A_105 : i32 to index
          %get3A_112 = tpu.vector_load %arg15[%get3A_111] {strides = array<i32>} : memref<80xi32, #tpu.memory_space<vmem>>, vector<16xi32>,
          %get3A_113 = vector.shape_cast %get3A_112 : vector<16xi32> to vector<16xi32>
          %slice3A_114 = vector.extract_strided_slice %get3A_113 {offsets = [0], sizes = [1], strides = [1]} : vector<16xi32> to vector<1xi32>
          %squeeze3A_115 = vector.extract %slice3A_114[0] : i32 from vector<1xi32>
          %sub3A_116 = arith.subi %squeeze3A_115, %mul3A_2 : i32
          %get3A_117 = arith.index_cast %scan3A_105 : i32 to index
          %get3A_118 = arith.constant 0 : index
          %get3A_119 = tpu.vector_load %arg16[%get3A_117, %get3A_118] {strides = array<i32>} : memref<64x256xf32, #tpu.memory_space<vmem>>, vector<1x16xf32>,
          %get3A_120 = vector.shape_cast %get3A_119 : vector<1x16xf32> to vector<16xf32>
          %get3A_121 = arith.index_cast %scan3A_105 : i32 to index
          %get3A_122 = arith.constant 16 : index
          %get3A_123 = tpu.vector_load %arg16[%get3A_121, %get3A_122] {strides = array<i32>} : memref<64x256xf32, #tpu.memory_space<vmem>>, vector<1x16xf32>,
          %get3A_124 = vector.shape_cast %get3A_123 : vector<1x16xf32> to vector<16xf32>
          %get3A_125 = arith.index_cast %scan3A_105 : i32 to index
          %get3A_126 = arith.constant 32 : index
          %get3A_127 = tpu.vector_load %arg16[%get3A_125, %get3A_126] {strides = array<i32>} : memref<64x256xf32, #tpu.memory_space<vmem>>, vector<1x16xf32>,
          %get3A_128 = vector.shape_cast %get3A_127 : vector<1x16xf32> to vector<16xf32>
          %get3A_129 = arith.index_cast %scan3A_105 : i32 to index
          %get3A_130 = arith.constant 48 : index
          %get3A_131 = tpu.vector_load %arg16[%get3A_129, %get3A_130] {strides = array<i32>} : memref<64x256xf32, #tpu.memory_space<vmem>>, vector<1x16xf32>,
          %get3A_132 = vector.shape_cast %get3A_131 : vector<1x16xf32> to vector<16xf32>
          %get3A_133 = arith.index_cast %scan3A_105 : i32 to index
          %get3A_134 = arith.constant 64 : index
          %get3A_135 = tpu.vector_load %arg16[%get3A_133, %get3A_134] {strides = array<i32>} : memref<64x256xf32, #tpu.memory_space<vmem>>, vector<1x16xf32>,
          %get3A_136 = vector.shape_cast %get3A_135 : vector<1x16xf32> to vector<16xf32>
          %get3A_137 = arith.index_cast %scan3A_105 : i32 to index
          %get3A_138 = arith.constant 80 : index
          %get3A_139 = tpu.vector_load %arg16[%get3A_137, %get3A_138] {strides = array<i32>} : memref<64x256xf32, #tpu.memory_space<vmem>>, vector<1x16xf32>,
          %get3A_140 = vector.shape_cast %get3A_139 : vector<1x16xf32> to vector<16xf32>
          %get3A_141 = arith.index_cast %scan3A_105 : i32 to index
          %get3A_142 = arith.constant 96 : index
          %get3A_143 = tpu.vector_load %arg16[%get3A_141, %get3A_142] {strides = array<i32>} : memref<64x256xf32, #tpu.memory_space<vmem>>, vector<1x16xf32>,
          %get3A_144 = vector.shape_cast %get3A_143 : vector<1x16xf32> to vector<16xf32>
          %get3A_145 = arith.index_cast %scan3A_105 : i32 to index
          %get3A_146 = arith.constant 112 : index
          %get3A_147 = tpu.vector_load %arg16[%get3A_145, %get3A_146] {strides = array<i32>} : memref<64x256xf32, #tpu.memory_space<vmem>>, vector<1x16xf32>,
          %get3A_148 = vector.shape_cast %get3A_147 : vector<1x16xf32> to vector<16xf32>
          %get3A_149 = arith.index_cast %scan3A_105 : i32 to index
          %get3A_150 = arith.constant 128 : index
          %get3A_151 = tpu.vector_load %arg16[%get3A_149, %get3A_150] {strides = array<i32>} : memref<64x256xf32, #tpu.memory_space<vmem>>, vector<1x16xf32>,
          %get3A_152 = vector.shape_cast %get3A_151 : vector<1x16xf32> to vector<16xf32>
          %get3A_153 = arith.index_cast %scan3A_105 : i32 to index
          %get3A_154 = arith.constant 144 : index
          %get3A_155 = tpu.vector_load %arg16[%get3A_153, %get3A_154] {strides = array<i32>} : memref<64x256xf32, #tpu.memory_space<vmem>>, vector<1x16xf32>,
          %get3A_156 = vector.shape_cast %get3A_155 : vector<1x16xf32> to vector<16xf32>
          %get3A_157 = arith.index_cast %scan3A_105 : i32 to index
          %get3A_158 = arith.constant 160 : index
          %get3A_159 = tpu.vector_load %arg16[%get3A_157, %get3A_158] {strides = array<i32>} : memref<64x256xf32, #tpu.memory_space<vmem>>, vector<1x16xf32>,
          %get3A_160 = vector.shape_cast %get3A_159 : vector<1x16xf32> to vector<16xf32>
          %get3A_161 = arith.index_cast %scan3A_105 : i32 to index
          %get3A_162 = arith.constant 176 : index
          %get3A_163 = tpu.vector_load %arg16[%get3A_161, %get3A_162] {strides = array<i32>} : memref<64x256xf32, #tpu.memory_space<vmem>>, vector<1x16xf32>,
          %get3A_164 = vector.shape_cast %get3A_163 : vector<1x16xf32> to vector<16xf32>
          %get3A_165 = arith.index_cast %scan3A_105 : i32 to index
          %get3A_166 = arith.constant 192 : index
          %get3A_167 = tpu.vector_load %arg16[%get3A_165, %get3A_166] {strides = array<i32>} : memref<64x256xf32, #tpu.memory_space<vmem>>, vector<1x16xf32>,
          %get3A_168 = vector.shape_cast %get3A_167 : vector<1x16xf32> to vector<16xf32>
          %get3A_169 = arith.index_cast %scan3A_105 : i32 to index
          %get3A_170 = arith.constant 208 : index
          %get3A_171 = tpu.vector_load %arg16[%get3A_169, %get3A_170] {strides = array<i32>} : memref<64x256xf32, #tpu.memory_space<vmem>>, vector<1x16xf32>,
          %get3A_172 = vector.shape_cast %get3A_171 : vector<1x16xf32> to vector<16xf32>
          %get3A_173 = arith.index_cast %scan3A_105 : i32 to index
          %get3A_174 = arith.constant 224 : index
          %get3A_175 = tpu.vector_load %arg16[%get3A_173, %get3A_174] {strides = array<i32>} : memref<64x256xf32, #tpu.memory_space<vmem>>, vector<1x16xf32>,
          %get3A_176 = vector.shape_cast %get3A_175 : vector<1x16xf32> to vector<16xf32>
          %get3A_177 = arith.index_cast %scan3A_105 : i32 to index
          %get3A_178 = arith.constant 240 : index
          %get3A_179 = tpu.vector_load %arg16[%get3A_177, %get3A_178] {strides = array<i32>} : memref<64x256xf32, #tpu.memory_space<vmem>>, vector<1x16xf32>,
          %get3A_180 = vector.shape_cast %get3A_179 : vector<1x16xf32> to vector<16xf32>
          %get3A_181 = arith.index_cast %scan3A_105 : i32 to index
          %get3A_182 = arith.constant 0 : index
          %get3A_183 = tpu.vector_load %arg17[%get3A_181, %get3A_182] {strides = array<i32>} : memref<64x256xf32, #tpu.memory_space<vmem>>, vector<1x16xf32>,
          %get3A_184 = vector.shape_cast %get3A_183 : vector<1x16xf32> to vector<16xf32>
          %add3A_185 = arith.addf %get3A_184, %get3A_120 : vector<16xf32>
          %ge3A_186 = arith.constant 0.000000e+00 : f32
          %ge3A_187 = vector.broadcast %ge3A_186 : f32 to vector<16xf32>
          %ge3A_188 = arith.cmpf oge, %add3A_185, %ge3A_187 : vector<16xf32>
          %mul3A_189 = arith.constant 2.000000e-01 : f32
          %mul3A_190 = vector.broadcast %mul3A_189 : f32 to vector<16xf32>
          %mul3A_191 = arith.mulf %add3A_185, %mul3A_190 : vector<16xf32>
          %select_n3A_192 = arith.select %ge3A_188, %add3A_185, %mul3A_191 : vector<16xi1>, vector<16xf32>
          %get3A_193 = arith.constant 0 : index
          %get3A_194 = tpu.vector_load %arg11[%get3A_193] {strides = array<i32>} : memref<256xf32, #tpu.memory_space<vmem>>, vector<16xf32>,
          %get3A_195 = vector.shape_cast %get3A_194 : vector<16xf32> to vector<16xf32>
          %mul3A_196 = arith.mulf %select_n3A_192, %get3A_195 : vector<16xf32>
          %get3A_197 = arith.index_cast %scan3A_105 : i32 to index
          %get3A_198 = arith.constant 16 : index
          %get3A_199 = tpu.vector_load %arg17[%get3A_197, %get3A_198] {strides = array<i32>} : memref<64x256xf32, #tpu.memory_space<vmem>>, vector<1x16xf32>,
          %get3A_200 = vector.shape_cast %get3A_199 : vector<1x16xf32> to vector<16xf32>
          %add3A_201 = arith.addf %get3A_200, %get3A_124 : vector<16xf32>
          %ge3A_202 = arith.constant 0.000000e+00 : f32
          %ge3A_203 = vector.broadcast %ge3A_202 : f32 to vector<16xf32>
          %ge3A_204 = arith.cmpf oge, %add3A_201, %ge3A_203 : vector<16xf32>
          %mul3A_205 = arith.constant 2.000000e-01 : f32
          %mul3A_206 = vector.broadcast %mul3A_205 : f32 to vector<16xf32>
          %mul3A_207 = arith.mulf %add3A_201, %mul3A_206 : vector<16xf32>
          %select_n3A_208 = arith.select %ge3A_204, %add3A_201, %mul3A_207 : vector<16xi1>, vector<16xf32>
          %get3A_209 = arith.constant 16 : index
          %get3A_210 = tpu.vector_load %arg11[%get3A_209] {strides = array<i32>} : memref<256xf32, #tpu.memory_space<vmem>>, vector<16xf32>,
          %get3A_211 = vector.shape_cast %get3A_210 : vector<16xf32> to vector<16xf32>
          %mul3A_212 = arith.mulf %select_n3A_208, %get3A_211 : vector<16xf32>
          %get3A_213 = arith.index_cast %scan3A_105 : i32 to index
          %get3A_214 = arith.constant 32 : index
          %get3A_215 = tpu.vector_load %arg17[%get3A_213, %get3A_214] {strides = array<i32>} : memref<64x256xf32, #tpu.memory_space<vmem>>, vector<1x16xf32>,
          %get3A_216 = vector.shape_cast %get3A_215 : vector<1x16xf32> to vector<16xf32>
          %add3A_217 = arith.addf %get3A_216, %get3A_128 : vector<16xf32>
          %ge3A_218 = arith.constant 0.000000e+00 : f32
          %ge3A_219 = vector.broadcast %ge3A_218 : f32 to vector<16xf32>
          %ge3A_220 = arith.cmpf oge, %add3A_217, %ge3A_219 : vector<16xf32>
          %mul3A_221 = arith.constant 2.000000e-01 : f32
          %mul3A_222 = vector.broadcast %mul3A_221 : f32 to vector<16xf32>
          %mul3A_223 = arith.mulf %add3A_217, %mul3A_222 : vector<16xf32>
          %select_n3A_224 = arith.select %ge3A_220, %add3A_217, %mul3A_223 : vector<16xi1>, vector<16xf32>
          %get3A_225 = arith.constant 32 : index
          %get3A_226 = tpu.vector_load %arg11[%get3A_225] {strides = array<i32>} : memref<256xf32, #tpu.memory_space<vmem>>, vector<16xf32>,
          %get3A_227 = vector.shape_cast %get3A_226 : vector<16xf32> to vector<16xf32>
          %mul3A_228 = arith.mulf %select_n3A_224, %get3A_227 : vector<16xf32>
          %get3A_229 = arith.index_cast %scan3A_105 : i32 to index
          %get3A_230 = arith.constant 48 : index
          %get3A_231 = tpu.vector_load %arg17[%get3A_229, %get3A_230] {strides = array<i32>} : memref<64x256xf32, #tpu.memory_space<vmem>>, vector<1x16xf32>,
          %get3A_232 = vector.shape_cast %get3A_231 : vector<1x16xf32> to vector<16xf32>
          %add3A_233 = arith.addf %get3A_232, %get3A_132 : vector<16xf32>
          %ge3A_234 = arith.constant 0.000000e+00 : f32
          %ge3A_235 = vector.broadcast %ge3A_234 : f32 to vector<16xf32>
          %ge3A_236 = arith.cmpf oge, %add3A_233, %ge3A_235 : vector<16xf32>
          %mul3A_237 = arith.constant 2.000000e-01 : f32
          %mul3A_238 = vector.broadcast %mul3A_237 : f32 to vector<16xf32>
          %mul3A_239 = arith.mulf %add3A_233, %mul3A_238 : vector<16xf32>
          %select_n3A_240 = arith.select %ge3A_236, %add3A_233, %mul3A_239 : vector<16xi1>, vector<16xf32>
          %get3A_241 = arith.constant 48 : index
          %get3A_242 = tpu.vector_load %arg11[%get3A_241] {strides = array<i32>} : memref<256xf32, #tpu.memory_space<vmem>>, vector<16xf32>,
          %get3A_243 = vector.shape_cast %get3A_242 : vector<16xf32> to vector<16xf32>
          %mul3A_244 = arith.mulf %select_n3A_240, %get3A_243 : vector<16xf32>
          %get3A_245 = arith.index_cast %scan3A_105 : i32 to index
          %get3A_246 = arith.constant 64 : index
          %get3A_247 = tpu.vector_load %arg17[%get3A_245, %get3A_246] {strides = array<i32>} : memref<64x256xf32, #tpu.memory_space<vmem>>, vector<1x16xf32>,
          %get3A_248 = vector.shape_cast %get3A_247 : vector<1x16xf32> to vector<16xf32>
          %add3A_249 = arith.addf %get3A_248, %get3A_136 : vector<16xf32>
          %ge3A_250 = arith.constant 0.000000e+00 : f32
          %ge3A_251 = vector.broadcast %ge3A_250 : f32 to vector<16xf32>
          %ge3A_252 = arith.cmpf oge, %add3A_249, %ge3A_251 : vector<16xf32>
          %mul3A_253 = arith.constant 2.000000e-01 : f32
          %mul3A_254 = vector.broadcast %mul3A_253 : f32 to vector<16xf32>
          %mul3A_255 = arith.mulf %add3A_249, %mul3A_254 : vector<16xf32>
          %select_n3A_256 = arith.select %ge3A_252, %add3A_249, %mul3A_255 : vector<16xi1>, vector<16xf32>
          %get3A_257 = arith.constant 64 : index
          %get3A_258 = tpu.vector_load %arg11[%get3A_257] {strides = array<i32>} : memref<256xf32, #tpu.memory_space<vmem>>, vector<16xf32>,
          %get3A_259 = vector.shape_cast %get3A_258 : vector<16xf32> to vector<16xf32>
          %mul3A_260 = arith.mulf %select_n3A_256, %get3A_259 : vector<16xf32>
          %get3A_261 = arith.index_cast %scan3A_105 : i32 to index
          %get3A_262 = arith.constant 80 : index
          %get3A_263 = tpu.vector_load %arg17[%get3A_261, %get3A_262] {strides = array<i32>} : memref<64x256xf32, #tpu.memory_space<vmem>>, vector<1x16xf32>,
          %get3A_264 = vector.shape_cast %get3A_263 : vector<1x16xf32> to vector<16xf32>
          %add3A_265 = arith.addf %get3A_264, %get3A_140 : vector<16xf32>
          %ge3A_266 = arith.constant 0.000000e+00 : f32
          %ge3A_267 = vector.broadcast %ge3A_266 : f32 to vector<16xf32>
          %ge3A_268 = arith.cmpf oge, %add3A_265, %ge3A_267 : vector<16xf32>
          %mul3A_269 = arith.constant 2.000000e-01 : f32
          %mul3A_270 = vector.broadcast %mul3A_269 : f32 to vector<16xf32>
          %mul3A_271 = arith.mulf %add3A_265, %mul3A_270 : vector<16xf32>
          %select_n3A_272 = arith.select %ge3A_268, %add3A_265, %mul3A_271 : vector<16xi1>, vector<16xf32>
          %get3A_273 = arith.constant 80 : index
          %get3A_274 = tpu.vector_load %arg11[%get3A_273] {strides = array<i32>} : memref<256xf32, #tpu.memory_space<vmem>>, vector<16xf32>,
          %get3A_275 = vector.shape_cast %get3A_274 : vector<16xf32> to vector<16xf32>
          %mul3A_276 = arith.mulf %select_n3A_272, %get3A_275 : vector<16xf32>
          %get3A_277 = arith.index_cast %scan3A_105 : i32 to index
          %get3A_278 = arith.constant 96 : index
          %get3A_279 = tpu.vector_load %arg17[%get3A_277, %get3A_278] {strides = array<i32>} : memref<64x256xf32, #tpu.memory_space<vmem>>, vector<1x16xf32>,
          %get3A_280 = vector.shape_cast %get3A_279 : vector<1x16xf32> to vector<16xf32>
          %add3A_281 = arith.addf %get3A_280, %get3A_144 : vector<16xf32>
          %ge3A_282 = arith.constant 0.000000e+00 : f32
          %ge3A_283 = vector.broadcast %ge3A_282 : f32 to vector<16xf32>
          %ge3A_284 = arith.cmpf oge, %add3A_281, %ge3A_283 : vector<16xf32>
          %mul3A_285 = arith.constant 2.000000e-01 : f32
          %mul3A_286 = vector.broadcast %mul3A_285 : f32 to vector<16xf32>
          %mul3A_287 = arith.mulf %add3A_281, %mul3A_286 : vector<16xf32>
          %select_n3A_288 = arith.select %ge3A_284, %add3A_281, %mul3A_287 : vector<16xi1>, vector<16xf32>
          %get3A_289 = arith.constant 96 : index
          %get3A_290 = tpu.vector_load %arg11[%get3A_289] {strides = array<i32>} : memref<256xf32, #tpu.memory_space<vmem>>, vector<16xf32>,
          %get3A_291 = vector.shape_cast %get3A_290 : vector<16xf32> to vector<16xf32>
          %mul3A_292 = arith.mulf %select_n3A_288, %get3A_291 : vector<16xf32>
          %get3A_293 = arith.index_cast %scan3A_105 : i32 to index
          %get3A_294 = arith.constant 112 : index
          %get3A_295 = tpu.vector_load %arg17[%get3A_293, %get3A_294] {strides = array<i32>} : memref<64x256xf32, #tpu.memory_space<vmem>>, vector<1x16xf32>,
          %get3A_296 = vector.shape_cast %get3A_295 : vector<1x16xf32> to vector<16xf32>
          %add3A_297 = arith.addf %get3A_296, %get3A_148 : vector<16xf32>
          %ge3A_298 = arith.constant 0.000000e+00 : f32
          %ge3A_299 = vector.broadcast %ge3A_298 : f32 to vector<16xf32>
          %ge3A_300 = arith.cmpf oge, %add3A_297, %ge3A_299 : vector<16xf32>
          %mul3A_301 = arith.constant 2.000000e-01 : f32
          %mul3A_302 = vector.broadcast %mul3A_301 : f32 to vector<16xf32>
          %mul3A_303 = arith.mulf %add3A_297, %mul3A_302 : vector<16xf32>
          %select_n3A_304 = arith.select %ge3A_300, %add3A_297, %mul3A_303 : vector<16xi1>, vector<16xf32>
          %get3A_305 = arith.constant 112 : index
          %get3A_306 = tpu.vector_load %arg11[%get3A_305] {strides = array<i32>} : memref<256xf32, #tpu.memory_space<vmem>>, vector<16xf32>,
          %get3A_307 = vector.shape_cast %get3A_306 : vector<16xf32> to vector<16xf32>
          %mul3A_308 = arith.mulf %select_n3A_304, %get3A_307 : vector<16xf32>
          %get3A_309 = arith.index_cast %scan3A_105 : i32 to index
          %get3A_310 = arith.constant 128 : index
          %get3A_311 = tpu.vector_load %arg17[%get3A_309, %get3A_310] {strides = array<i32>} : memref<64x256xf32, #tpu.memory_space<vmem>>, vector<1x16xf32>,
          %get3A_312 = vector.shape_cast %get3A_311 : vector<1x16xf32> to vector<16xf32>
          %add3A_313 = arith.addf %get3A_312, %get3A_152 : vector<16xf32>
          %ge3A_314 = arith.constant 0.000000e+00 : f32
          %ge3A_315 = vector.broadcast %ge3A_314 : f32 to vector<16xf32>
          %ge3A_316 = arith.cmpf oge, %add3A_313, %ge3A_315 : vector<16xf32>
          %mul3A_317 = arith.constant 2.000000e-01 : f32
          %mul3A_318 = vector.broadcast %mul3A_317 : f32 to vector<16xf32>
          %mul3A_319 = arith.mulf %add3A_313, %mul3A_318 : vector<16xf32>
          %select_n3A_320 = arith.select %ge3A_316, %add3A_313, %mul3A_319 : vector<16xi1>, vector<16xf32>
          %get3A_321 = arith.constant 128 : index
          %get3A_322 = tpu.vector_load %arg11[%get3A_321] {strides = array<i32>} : memref<256xf32, #tpu.memory_space<vmem>>, vector<16xf32>,
          %get3A_323 = vector.shape_cast %get3A_322 : vector<16xf32> to vector<16xf32>
          %mul3A_324 = arith.mulf %select_n3A_320, %get3A_323 : vector<16xf32>
          %get3A_325 = arith.index_cast %scan3A_105 : i32 to index
          %get3A_326 = arith.constant 144 : index
          %get3A_327 = tpu.vector_load %arg17[%get3A_325, %get3A_326] {strides = array<i32>} : memref<64x256xf32, #tpu.memory_space<vmem>>, vector<1x16xf32>,
          %get3A_328 = vector.shape_cast %get3A_327 : vector<1x16xf32> to vector<16xf32>
          %add3A_329 = arith.addf %get3A_328, %get3A_156 : vector<16xf32>
          %ge3A_330 = arith.constant 0.000000e+00 : f32
          %ge3A_331 = vector.broadcast %ge3A_330 : f32 to vector<16xf32>
          %ge3A_332 = arith.cmpf oge, %add3A_329, %ge3A_331 : vector<16xf32>
          %mul3A_333 = arith.constant 2.000000e-01 : f32
          %mul3A_334 = vector.broadcast %mul3A_333 : f32 to vector<16xf32>
          %mul3A_335 = arith.mulf %add3A_329, %mul3A_334 : vector<16xf32>
          %select_n3A_336 = arith.select %ge3A_332, %add3A_329, %mul3A_335 : vector<16xi1>, vector<16xf32>
          %get3A_337 = arith.constant 144 : index
          %get3A_338 = tpu.vector_load %arg11[%get3A_337] {strides = array<i32>} : memref<256xf32, #tpu.memory_space<vmem>>, vector<16xf32>,
          %get3A_339 = vector.shape_cast %get3A_338 : vector<16xf32> to vector<16xf32>
          %mul3A_340 = arith.mulf %select_n3A_336, %get3A_339 : vector<16xf32>
          %get3A_341 = arith.index_cast %scan3A_105 : i32 to index
          %get3A_342 = arith.constant 160 : index
          %get3A_343 = tpu.vector_load %arg17[%get3A_341, %get3A_342] {strides = array<i32>} : memref<64x256xf32, #tpu.memory_space<vmem>>, vector<1x16xf32>,
          %get3A_344 = vector.shape_cast %get3A_343 : vector<1x16xf32> to vector<16xf32>
          %add3A_345 = arith.addf %get3A_344, %get3A_160 : vector<16xf32>
          %ge3A_346 = arith.constant 0.000000e+00 : f32
          %ge3A_347 = vector.broadcast %ge3A_346 : f32 to vector<16xf32>
          %ge3A_348 = arith.cmpf oge, %add3A_345, %ge3A_347 : vector<16xf32>
          %mul3A_349 = arith.constant 2.000000e-01 : f32
          %mul3A_350 = vector.broadcast %mul3A_349 : f32 to vector<16xf32>
          %mul3A_351 = arith.mulf %add3A_345, %mul3A_350 : vector<16xf32>
          %select_n3A_352 = arith.select %ge3A_348, %add3A_345, %mul3A_351 : vector<16xi1>, vector<16xf32>
          %get3A_353 = arith.constant 160 : index
          %get3A_354 = tpu.vector_load %arg11[%get3A_353] {strides = array<i32>} : memref<256xf32, #tpu.memory_space<vmem>>, vector<16xf32>,
          %get3A_355 = vector.shape_cast %get3A_354 : vector<16xf32> to vector<16xf32>
          %mul3A_356 = arith.mulf %select_n3A_352, %get3A_355 : vector<16xf32>
          %get3A_357 = arith.index_cast %scan3A_105 : i32 to index
          %get3A_358 = arith.constant 176 : index
          %get3A_359 = tpu.vector_load %arg17[%get3A_357, %get3A_358] {strides = array<i32>} : memref<64x256xf32, #tpu.memory_space<vmem>>, vector<1x16xf32>,
          %get3A_360 = vector.shape_cast %get3A_359 : vector<1x16xf32> to vector<16xf32>
          %add3A_361 = arith.addf %get3A_360, %get3A_164 : vector<16xf32>
          %ge3A_362 = arith.constant 0.000000e+00 : f32
          %ge3A_363 = vector.broadcast %ge3A_362 : f32 to vector<16xf32>
          %ge3A_364 = arith.cmpf oge, %add3A_361, %ge3A_363 : vector<16xf32>
          %mul3A_365 = arith.constant 2.000000e-01 : f32
          %mul3A_366 = vector.broadcast %mul3A_365 : f32 to vector<16xf32>
          %mul3A_367 = arith.mulf %add3A_361, %mul3A_366 : vector<16xf32>
          %select_n3A_368 = arith.select %ge3A_364, %add3A_361, %mul3A_367 : vector<16xi1>, vector<16xf32>
          %get3A_369 = arith.constant 176 : index
          %get3A_370 = tpu.vector_load %arg11[%get3A_369] {strides = array<i32>} : memref<256xf32, #tpu.memory_space<vmem>>, vector<16xf32>,
          %get3A_371 = vector.shape_cast %get3A_370 : vector<16xf32> to vector<16xf32>
          %mul3A_372 = arith.mulf %select_n3A_368, %get3A_371 : vector<16xf32>
          %get3A_373 = arith.index_cast %scan3A_105 : i32 to index
          %get3A_374 = arith.constant 192 : index
          %get3A_375 = tpu.vector_load %arg17[%get3A_373, %get3A_374] {strides = array<i32>} : memref<64x256xf32, #tpu.memory_space<vmem>>, vector<1x16xf32>,
          %get3A_376 = vector.shape_cast %get3A_375 : vector<1x16xf32> to vector<16xf32>
          %add3A_377 = arith.addf %get3A_376, %get3A_168 : vector<16xf32>
          %ge3A_378 = arith.constant 0.000000e+00 : f32
          %ge3A_379 = vector.broadcast %ge3A_378 : f32 to vector<16xf32>
          %ge3A_380 = arith.cmpf oge, %add3A_377, %ge3A_379 : vector<16xf32>
          %mul3A_381 = arith.constant 2.000000e-01 : f32
          %mul3A_382 = vector.broadcast %mul3A_381 : f32 to vector<16xf32>
          %mul3A_383 = arith.mulf %add3A_377, %mul3A_382 : vector<16xf32>
          %select_n3A_384 = arith.select %ge3A_380, %add3A_377, %mul3A_383 : vector<16xi1>, vector<16xf32>
          %get3A_385 = arith.constant 192 : index
          %get3A_386 = tpu.vector_load %arg11[%get3A_385] {strides = array<i32>} : memref<256xf32, #tpu.memory_space<vmem>>, vector<16xf32>,
          %get3A_387 = vector.shape_cast %get3A_386 : vector<16xf32> to vector<16xf32>
          %mul3A_388 = arith.mulf %select_n3A_384, %get3A_387 : vector<16xf32>
          %get3A_389 = arith.index_cast %scan3A_105 : i32 to index
          %get3A_390 = arith.constant 208 : index
          %get3A_391 = tpu.vector_load %arg17[%get3A_389, %get3A_390] {strides = array<i32>} : memref<64x256xf32, #tpu.memory_space<vmem>>, vector<1x16xf32>,
          %get3A_392 = vector.shape_cast %get3A_391 : vector<1x16xf32> to vector<16xf32>
          %add3A_393 = arith.addf %get3A_392, %get3A_172 : vector<16xf32>
          %ge3A_394 = arith.constant 0.000000e+00 : f32
          %ge3A_395 = vector.broadcast %ge3A_394 : f32 to vector<16xf32>
          %ge3A_396 = arith.cmpf oge, %add3A_393, %ge3A_395 : vector<16xf32>
          %mul3A_397 = arith.constant 2.000000e-01 : f32
          %mul3A_398 = vector.broadcast %mul3A_397 : f32 to vector<16xf32>
          %mul3A_399 = arith.mulf %add3A_393, %mul3A_398 : vector<16xf32>
          %select_n3A_400 = arith.select %ge3A_396, %add3A_393, %mul3A_399 : vector<16xi1>, vector<16xf32>
          %get3A_401 = arith.constant 208 : index
          %get3A_402 = tpu.vector_load %arg11[%get3A_401] {strides = array<i32>} : memref<256xf32, #tpu.memory_space<vmem>>, vector<16xf32>,
          %get3A_403 = vector.shape_cast %get3A_402 : vector<16xf32> to vector<16xf32>
          %mul3A_404 = arith.mulf %select_n3A_400, %get3A_403 : vector<16xf32>
          %get3A_405 = arith.index_cast %scan3A_105 : i32 to index
          %get3A_406 = arith.constant 224 : index
          %get3A_407 = tpu.vector_load %arg17[%get3A_405, %get3A_406] {strides = array<i32>} : memref<64x256xf32, #tpu.memory_space<vmem>>, vector<1x16xf32>,
          %get3A_408 = vector.shape_cast %get3A_407 : vector<1x16xf32> to vector<16xf32>
          %add3A_409 = arith.addf %get3A_408, %get3A_176 : vector<16xf32>
          %ge3A_410 = arith.constant 0.000000e+00 : f32
          %ge3A_411 = vector.broadcast %ge3A_410 : f32 to vector<16xf32>
          %ge3A_412 = arith.cmpf oge, %add3A_409, %ge3A_411 : vector<16xf32>
          %mul3A_413 = arith.constant 2.000000e-01 : f32
          %mul3A_414 = vector.broadcast %mul3A_413 : f32 to vector<16xf32>
          %mul3A_415 = arith.mulf %add3A_409, %mul3A_414 : vector<16xf32>
          %select_n3A_416 = arith.select %ge3A_412, %add3A_409, %mul3A_415 : vector<16xi1>, vector<16xf32>
          %get3A_417 = arith.constant 224 : index
          %get3A_418 = tpu.vector_load %arg11[%get3A_417] {strides = array<i32>} : memref<256xf32, #tpu.memory_space<vmem>>, vector<16xf32>,
          %get3A_419 = vector.shape_cast %get3A_418 : vector<16xf32> to vector<16xf32>
          %mul3A_420 = arith.mulf %select_n3A_416, %get3A_419 : vector<16xf32>
          %get3A_421 = arith.index_cast %scan3A_105 : i32 to index
          %get3A_422 = arith.constant 240 : index
          %get3A_423 = tpu.vector_load %arg17[%get3A_421, %get3A_422] {strides = array<i32>} : memref<64x256xf32, #tpu.memory_space<vmem>>, vector<1x16xf32>,
          %get3A_424 = vector.shape_cast %get3A_423 : vector<1x16xf32> to vector<16xf32>
          %add3A_425 = arith.addf %get3A_424, %get3A_180 : vector<16xf32>
          %ge3A_426 = arith.constant 0.000000e+00 : f32
          %ge3A_427 = vector.broadcast %ge3A_426 : f32 to vector<16xf32>
          %ge3A_428 = arith.cmpf oge, %add3A_425, %ge3A_427 : vector<16xf32>
          %mul3A_429 = arith.constant 2.000000e-01 : f32
          %mul3A_430 = vector.broadcast %mul3A_429 : f32 to vector<16xf32>
          %mul3A_431 = arith.mulf %add3A_425, %mul3A_430 : vector<16xf32>
          %select_n3A_432 = arith.select %ge3A_428, %add3A_425, %mul3A_431 : vector<16xi1>, vector<16xf32>
          %get3A_433 = arith.constant 240 : index
          %get3A_434 = tpu.vector_load %arg11[%get3A_433] {strides = array<i32>} : memref<256xf32, #tpu.memory_space<vmem>>, vector<16xf32>,
          %get3A_435 = vector.shape_cast %get3A_434 : vector<16xf32> to vector<16xf32>
          %mul3A_436 = arith.mulf %select_n3A_432, %get3A_435 : vector<16xf32>
          %add3A_437 = arith.addf %mul3A_196, %mul3A_212 : vector<16xf32>
          %add3A_438 = arith.addf %mul3A_228, %mul3A_244 : vector<16xf32>
          %add3A_439 = arith.addf %add3A_437, %add3A_438 : vector<16xf32>
          %iota3A = tpu.iota {dimensions = array<i32: 0>} : vector<16xi32>
          %xor3A = arith.constant 8 : i32
          %xor3A_440 = vector.broadcast %xor3A : i32 to vector<16xi32>
          %xor3A_441 = arith.xori %iota3A, %xor3A_440 : vector<16xi32>
          %reshape3A = vector.shape_cast %xor3A_441 : vector<16xi32> to vector<16x1xi32>
          %gather3A = vector.shape_cast %reshape3A : vector<16x1xi32> to vector<16xi32>
          %gather3A_442 = tpu.dynamic_gather %add3A_439[%gather3A] in [0] : vector<16xf32>, vector<16xi32> -> vector<16xf32>
          %add3A_443 = arith.addf %add3A_439, %gather3A_442 : vector<16xf32>
          %xor3A_444 = arith.constant 4 : i32
          %xor3A_445 = vector.broadcast %xor3A_444 : i32 to vector<16xi32>
          %xor3A_446 = arith.xori %iota3A, %xor3A_445 : vector<16xi32>
          %reshape3A_447 = vector.shape_cast %xor3A_446 : vector<16xi32> to vector<16x1xi32>
          %gather3A_448 = vector.shape_cast %reshape3A_447 : vector<16x1xi32> to vector<16xi32>
          %gather3A_449 = tpu.dynamic_gather %add3A_443[%gather3A_448] in [0] : vector<16xf32>, vector<16xi32> -> vector<16xf32>
          %add3A_450 = arith.addf %add3A_443, %gather3A_449 : vector<16xf32>
          %xor3A_451 = arith.constant 2 : i32
          %xor3A_452 = vector.broadcast %xor3A_451 : i32 to vector<16xi32>
          %xor3A_453 = arith.xori %iota3A, %xor3A_452 : vector<16xi32>
          %reshape3A_454 = vector.shape_cast %xor3A_453 : vector<16xi32> to vector<16x1xi32>
          %gather3A_455 = vector.shape_cast %reshape3A_454 : vector<16x1xi32> to vector<16xi32>
          %gather3A_456 = tpu.dynamic_gather %add3A_450[%gather3A_455] in [0] : vector<16xf32>, vector<16xi32> -> vector<16xf32>
          %add3A_457 = arith.addf %add3A_450, %gather3A_456 : vector<16xf32>
          %xor3A_458 = arith.constant 1 : i32
          %xor3A_459 = vector.broadcast %xor3A_458 : i32 to vector<16xi32>
          %xor3A_460 = arith.xori %iota3A, %xor3A_459 : vector<16xi32>
          %reshape3A_461 = vector.shape_cast %xor3A_460 : vector<16xi32> to vector<16x1xi32>
          %gather3A_462 = vector.shape_cast %reshape3A_461 : vector<16x1xi32> to vector<16xi32>
          %gather3A_463 = tpu.dynamic_gather %add3A_457[%gather3A_462] in [0] : vector<16xf32>, vector<16xi32> -> vector<16xf32>
          %add3A_464 = arith.addf %add3A_457, %gather3A_463 : vector<16xf32>
          %exp3A = math.exp %add3A_464 : vector<16xf32>
          %add3A_465 = arith.addf %mul3A_260, %mul3A_276 : vector<16xf32>
          %add3A_466 = arith.addf %mul3A_292, %mul3A_308 : vector<16xf32>
          %add3A_467 = arith.addf %add3A_465, %add3A_466 : vector<16xf32>
          %iota3A_468 = tpu.iota {dimensions = array<i32: 0>} : vector<16xi32>
          %xor3A_469 = arith.constant 8 : i32
          %xor3A_470 = vector.broadcast %xor3A_469 : i32 to vector<16xi32>
          %xor3A_471 = arith.xori %iota3A_468, %xor3A_470 : vector<16xi32>
          %reshape3A_472 = vector.shape_cast %xor3A_471 : vector<16xi32> to vector<16x1xi32>
          %gather3A_473 = vector.shape_cast %reshape3A_472 : vector<16x1xi32> to vector<16xi32>
          %gather3A_474 = tpu.dynamic_gather %add3A_467[%gather3A_473] in [0] : vector<16xf32>, vector<16xi32> -> vector<16xf32>
          %add3A_475 = arith.addf %add3A_467, %gather3A_474 : vector<16xf32>
          %xor3A_476 = arith.constant 4 : i32
          %xor3A_477 = vector.broadcast %xor3A_476 : i32 to vector<16xi32>
          %xor3A_478 = arith.xori %iota3A_468, %xor3A_477 : vector<16xi32>
          %reshape3A_479 = vector.shape_cast %xor3A_478 : vector<16xi32> to vector<16x1xi32>
          %gather3A_480 = vector.shape_cast %reshape3A_479 : vector<16x1xi32> to vector<16xi32>
          %gather3A_481 = tpu.dynamic_gather %add3A_475[%gather3A_480] in [0] : vector<16xf32>, vector<16xi32> -> vector<16xf32>
          %add3A_482 = arith.addf %add3A_475, %gather3A_481 : vector<16xf32>
          %xor3A_483 = arith.constant 2 : i32
          %xor3A_484 = vector.broadcast %xor3A_483 : i32 to vector<16xi32>
          %xor3A_485 = arith.xori %iota3A_468, %xor3A_484 : vector<16xi32>
          %reshape3A_486 = vector.shape_cast %xor3A_485 : vector<16xi32> to vector<16x1xi32>
          %gather3A_487 = vector.shape_cast %reshape3A_486 : vector<16x1xi32> to vector<16xi32>
          %gather3A_488 = tpu.dynamic_gather %add3A_482[%gather3A_487] in [0] : vector<16xf32>, vector<16xi32> -> vector<16xf32>
          %add3A_489 = arith.addf %add3A_482, %gather3A_488 : vector<16xf32>
          %xor3A_490 = arith.constant 1 : i32
          %xor3A_491 = vector.broadcast %xor3A_490 : i32 to vector<16xi32>
          %xor3A_492 = arith.xori %iota3A_468, %xor3A_491 : vector<16xi32>
          %reshape3A_493 = vector.shape_cast %xor3A_492 : vector<16xi32> to vector<16x1xi32>
          %gather3A_494 = vector.shape_cast %reshape3A_493 : vector<16x1xi32> to vector<16xi32>
          %gather3A_495 = tpu.dynamic_gather %add3A_489[%gather3A_494] in [0] : vector<16xf32>, vector<16xi32> -> vector<16xf32>
          %add3A_496 = arith.addf %add3A_489, %gather3A_495 : vector<16xf32>
          %exp3A_497 = math.exp %add3A_496 : vector<16xf32>
          %add3A_498 = arith.addf %mul3A_324, %mul3A_340 : vector<16xf32>
          %add3A_499 = arith.addf %mul3A_356, %mul3A_372 : vector<16xf32>
          %add3A_500 = arith.addf %add3A_498, %add3A_499 : vector<16xf32>
          %iota3A_501 = tpu.iota {dimensions = array<i32: 0>} : vector<16xi32>
          %xor3A_502 = arith.constant 8 : i32
          %xor3A_503 = vector.broadcast %xor3A_502 : i32 to vector<16xi32>
          %xor3A_504 = arith.xori %iota3A_501, %xor3A_503 : vector<16xi32>
          %reshape3A_505 = vector.shape_cast %xor3A_504 : vector<16xi32> to vector<16x1xi32>
          %gather3A_506 = vector.shape_cast %reshape3A_505 : vector<16x1xi32> to vector<16xi32>
          %gather3A_507 = tpu.dynamic_gather %add3A_500[%gather3A_506] in [0] : vector<16xf32>, vector<16xi32> -> vector<16xf32>
          %add3A_508 = arith.addf %add3A_500, %gather3A_507 : vector<16xf32>
          %xor3A_509 = arith.constant 4 : i32
          %xor3A_510 = vector.broadcast %xor3A_509 : i32 to vector<16xi32>
          %xor3A_511 = arith.xori %iota3A_501, %xor3A_510 : vector<16xi32>
          %reshape3A_512 = vector.shape_cast %xor3A_511 : vector<16xi32> to vector<16x1xi32>
          %gather3A_513 = vector.shape_cast %reshape3A_512 : vector<16x1xi32> to vector<16xi32>
          %gather3A_514 = tpu.dynamic_gather %add3A_508[%gather3A_513] in [0] : vector<16xf32>, vector<16xi32> -> vector<16xf32>
          %add3A_515 = arith.addf %add3A_508, %gather3A_514 : vector<16xf32>
          %xor3A_516 = arith.constant 2 : i32
          %xor3A_517 = vector.broadcast %xor3A_516 : i32 to vector<16xi32>
          %xor3A_518 = arith.xori %iota3A_501, %xor3A_517 : vector<16xi32>
          %reshape3A_519 = vector.shape_cast %xor3A_518 : vector<16xi32> to vector<16x1xi32>
          %gather3A_520 = vector.shape_cast %reshape3A_519 : vector<16x1xi32> to vector<16xi32>
          %gather3A_521 = tpu.dynamic_gather %add3A_515[%gather3A_520] in [0] : vector<16xf32>, vector<16xi32> -> vector<16xf32>
          %add3A_522 = arith.addf %add3A_515, %gather3A_521 : vector<16xf32>
          %xor3A_523 = arith.constant 1 : i32
          %xor3A_524 = vector.broadcast %xor3A_523 : i32 to vector<16xi32>
          %xor3A_525 = arith.xori %iota3A_501, %xor3A_524 : vector<16xi32>
          %reshape3A_526 = vector.shape_cast %xor3A_525 : vector<16xi32> to vector<16x1xi32>
          %gather3A_527 = vector.shape_cast %reshape3A_526 : vector<16x1xi32> to vector<16xi32>
          %gather3A_528 = tpu.dynamic_gather %add3A_522[%gather3A_527] in [0] : vector<16xf32>, vector<16xi32> -> vector<16xf32>
          %add3A_529 = arith.addf %add3A_522, %gather3A_528 : vector<16xf32>
          %exp3A_530 = math.exp %add3A_529 : vector<16xf32>
          %add3A_531 = arith.addf %mul3A_388, %mul3A_404 : vector<16xf32>
          %add3A_532 = arith.addf %mul3A_420, %mul3A_436 : vector<16xf32>
          %add3A_533 = arith.addf %add3A_531, %add3A_532 : vector<16xf32>
          %iota3A_534 = tpu.iota {dimensions = array<i32: 0>} : vector<16xi32>
          %xor3A_535 = arith.constant 8 : i32
          %xor3A_536 = vector.broadcast %xor3A_535 : i32 to vector<16xi32>
          %xor3A_537 = arith.xori %iota3A_534, %xor3A_536 : vector<16xi32>
          %reshape3A_538 = vector.shape_cast %xor3A_537 : vector<16xi32> to vector<16x1xi32>
          %gather3A_539 = vector.shape_cast %reshape3A_538 : vector<16x1xi32> to vector<16xi32>
          %gather3A_540 = tpu.dynamic_gather %add3A_533[%gather3A_539] in [0] : vector<16xf32>, vector<16xi32> -> vector<16xf32>
          %add3A_541 = arith.addf %add3A_533, %gather3A_540 : vector<16xf32>
          %xor3A_542 = arith.constant 4 : i32
          %xor3A_543 = vector.broadcast %xor3A_542 : i32 to vector<16xi32>
          %xor3A_544 = arith.xori %iota3A_534, %xor3A_543 : vector<16xi32>
          %reshape3A_545 = vector.shape_cast %xor3A_544 : vector<16xi32> to vector<16x1xi32>
          %gather3A_546 = vector.shape_cast %reshape3A_545 : vector<16x1xi32> to vector<16xi32>
          %gather3A_547 = tpu.dynamic_gather %add3A_541[%gather3A_546] in [0] : vector<16xf32>, vector<16xi32> -> vector<16xf32>
          %add3A_548 = arith.addf %add3A_541, %gather3A_547 : vector<16xf32>
          %xor3A_549 = arith.constant 2 : i32
          %xor3A_550 = vector.broadcast %xor3A_549 : i32 to vector<16xi32>
          %xor3A_551 = arith.xori %iota3A_534, %xor3A_550 : vector<16xi32>
          %reshape3A_552 = vector.shape_cast %xor3A_551 : vector<16xi32> to vector<16x1xi32>
          %gather3A_553 = vector.shape_cast %reshape3A_552 : vector<16x1xi32> to vector<16xi32>
          %gather3A_554 = tpu.dynamic_gather %add3A_548[%gather3A_553] in [0] : vector<16xf32>, vector<16xi32> -> vector<16xf32>
          %add3A_555 = arith.addf %add3A_548, %gather3A_554 : vector<16xf32>
          %xor3A_556 = arith.constant 1 : i32
          %xor3A_557 = vector.broadcast %xor3A_556 : i32 to vector<16xi32>
          %xor3A_558 = arith.xori %iota3A_534, %xor3A_557 : vector<16xi32>
          %reshape3A_559 = vector.shape_cast %xor3A_558 : vector<16xi32> to vector<16x1xi32>
          %gather3A_560 = vector.shape_cast %reshape3A_559 : vector<16x1xi32> to vector<16xi32>
          %gather3A_561 = tpu.dynamic_gather %add3A_555[%gather3A_560] in [0] : vector<16xf32>, vector<16xi32> -> vector<16xf32>
          %add3A_562 = arith.addf %add3A_555, %gather3A_561 : vector<16xf32>
          %exp3A_563 = math.exp %add3A_562 : vector<16xf32>
          %mul3A_564 = arith.mulf %exp3A, %get3A_120 : vector<16xf32>
          %swap3A = arith.index_cast %sub3A_116 : i32 to index
          %swap3A_565 = arith.constant 0 : index
          %swap3A_566 = tpu.vector_load %arg18[%swap3A, %swap3A_565] {strides = array<i32>} : memref<320x256xf32, #tpu.memory_space<vmem>>, vector<1x16xf32>,
          %swap3A_567 = vector.shape_cast %swap3A_566 : vector<1x16xf32> to vector<16xf32>
          %swap3A_568 = vector.shape_cast %mul3A_564 : vector<16xf32> to vector<1x16xf32>
          tpu.vector_store %arg18[%swap3A, %swap3A_565], %swap3A_568 {add = true, strides = array<i32>} : memref<320x256xf32, #tpu.memory_space<vmem>>, vector<1x16xf32>,
          %mul3A_569 = arith.mulf %exp3A, %get3A_124 : vector<16xf32>
          %swap3A_570 = arith.index_cast %sub3A_116 : i32 to index
          %swap3A_571 = arith.constant 16 : index
          %swap3A_572 = tpu.vector_load %arg18[%swap3A_570, %swap3A_571] {strides = array<i32>} : memref<320x256xf32, #tpu.memory_space<vmem>>, vector<1x16xf32>,
          %swap3A_573 = vector.shape_cast %swap3A_572 : vector<1x16xf32> to vector<16xf32>
          %swap3A_574 = vector.shape_cast %mul3A_569 : vector<16xf32> to vector<1x16xf32>
          tpu.vector_store %arg18[%swap3A_570, %swap3A_571], %swap3A_574 {add = true, strides = array<i32>} : memref<320x256xf32, #tpu.memory_space<vmem>>, vector<1x16xf32>,
          %mul3A_575 = arith.mulf %exp3A, %get3A_128 : vector<16xf32>
          %swap3A_576 = arith.index_cast %sub3A_116 : i32 to index
          %swap3A_577 = arith.constant 32 : index
          %swap3A_578 = tpu.vector_load %arg18[%swap3A_576, %swap3A_577] {strides = array<i32>} : memref<320x256xf32, #tpu.memory_space<vmem>>, vector<1x16xf32>,
          %swap3A_579 = vector.shape_cast %swap3A_578 : vector<1x16xf32> to vector<16xf32>
          %swap3A_580 = vector.shape_cast %mul3A_575 : vector<16xf32> to vector<1x16xf32>
          tpu.vector_store %arg18[%swap3A_576, %swap3A_577], %swap3A_580 {add = true, strides = array<i32>} : memref<320x256xf32, #tpu.memory_space<vmem>>, vector<1x16xf32>,
          %mul3A_581 = arith.mulf %exp3A, %get3A_132 : vector<16xf32>
          %swap3A_582 = arith.index_cast %sub3A_116 : i32 to index
          %swap3A_583 = arith.constant 48 : index
          %swap3A_584 = tpu.vector_load %arg18[%swap3A_582, %swap3A_583] {strides = array<i32>} : memref<320x256xf32, #tpu.memory_space<vmem>>, vector<1x16xf32>,
          %swap3A_585 = vector.shape_cast %swap3A_584 : vector<1x16xf32> to vector<16xf32>
          %swap3A_586 = vector.shape_cast %mul3A_581 : vector<16xf32> to vector<1x16xf32>
          tpu.vector_store %arg18[%swap3A_582, %swap3A_583], %swap3A_586 {add = true, strides = array<i32>} : memref<320x256xf32, #tpu.memory_space<vmem>>, vector<1x16xf32>,
          %mul3A_587 = arith.mulf %exp3A_497, %get3A_136 : vector<16xf32>
          %swap3A_588 = arith.index_cast %sub3A_116 : i32 to index
          %swap3A_589 = arith.constant 64 : index
          %swap3A_590 = tpu.vector_load %arg18[%swap3A_588, %swap3A_589] {strides = array<i32>} : memref<320x256xf32, #tpu.memory_space<vmem>>, vector<1x16xf32>,
          %swap3A_591 = vector.shape_cast %swap3A_590 : vector<1x16xf32> to vector<16xf32>
          %swap3A_592 = vector.shape_cast %mul3A_587 : vector<16xf32> to vector<1x16xf32>
          tpu.vector_store %arg18[%swap3A_588, %swap3A_589], %swap3A_592 {add = true, strides = array<i32>} : memref<320x256xf32, #tpu.memory_space<vmem>>, vector<1x16xf32>,
          %mul3A_593 = arith.mulf %exp3A_497, %get3A_140 : vector<16xf32>
          %swap3A_594 = arith.index_cast %sub3A_116 : i32 to index
          %swap3A_595 = arith.constant 80 : index
          %swap3A_596 = tpu.vector_load %arg18[%swap3A_594, %swap3A_595] {strides = array<i32>} : memref<320x256xf32, #tpu.memory_space<vmem>>, vector<1x16xf32>,
          %swap3A_597 = vector.shape_cast %swap3A_596 : vector<1x16xf32> to vector<16xf32>
          %swap3A_598 = vector.shape_cast %mul3A_593 : vector<16xf32> to vector<1x16xf32>
          tpu.vector_store %arg18[%swap3A_594, %swap3A_595], %swap3A_598 {add = true, strides = array<i32>} : memref<320x256xf32, #tpu.memory_space<vmem>>, vector<1x16xf32>,
          %mul3A_599 = arith.mulf %exp3A_497, %get3A_144 : vector<16xf32>
          %swap3A_600 = arith.index_cast %sub3A_116 : i32 to index
          %swap3A_601 = arith.constant 96 : index
          %swap3A_602 = tpu.vector_load %arg18[%swap3A_600, %swap3A_601] {strides = array<i32>} : memref<320x256xf32, #tpu.memory_space<vmem>>, vector<1x16xf32>,
          %swap3A_603 = vector.shape_cast %swap3A_602 : vector<1x16xf32> to vector<16xf32>
          %swap3A_604 = vector.shape_cast %mul3A_599 : vector<16xf32> to vector<1x16xf32>
          tpu.vector_store %arg18[%swap3A_600, %swap3A_601], %swap3A_604 {add = true, strides = array<i32>} : memref<320x256xf32, #tpu.memory_space<vmem>>, vector<1x16xf32>,
          %mul3A_605 = arith.mulf %exp3A_497, %get3A_148 : vector<16xf32>
          %swap3A_606 = arith.index_cast %sub3A_116 : i32 to index
          %swap3A_607 = arith.constant 112 : index
          %swap3A_608 = tpu.vector_load %arg18[%swap3A_606, %swap3A_607] {strides = array<i32>} : memref<320x256xf32, #tpu.memory_space<vmem>>, vector<1x16xf32>,
          %swap3A_609 = vector.shape_cast %swap3A_608 : vector<1x16xf32> to vector<16xf32>
          %swap3A_610 = vector.shape_cast %mul3A_605 : vector<16xf32> to vector<1x16xf32>
          tpu.vector_store %arg18[%swap3A_606, %swap3A_607], %swap3A_610 {add = true, strides = array<i32>} : memref<320x256xf32, #tpu.memory_space<vmem>>, vector<1x16xf32>,
          %mul3A_611 = arith.mulf %exp3A_530, %get3A_152 : vector<16xf32>
          %swap3A_612 = arith.index_cast %sub3A_116 : i32 to index
          %swap3A_613 = arith.constant 128 : index
          %swap3A_614 = tpu.vector_load %arg18[%swap3A_612, %swap3A_613] {strides = array<i32>} : memref<320x256xf32, #tpu.memory_space<vmem>>, vector<1x16xf32>,
          %swap3A_615 = vector.shape_cast %swap3A_614 : vector<1x16xf32> to vector<16xf32>
          %swap3A_616 = vector.shape_cast %mul3A_611 : vector<16xf32> to vector<1x16xf32>
          tpu.vector_store %arg18[%swap3A_612, %swap3A_613], %swap3A_616 {add = true, strides = array<i32>} : memref<320x256xf32, #tpu.memory_space<vmem>>, vector<1x16xf32>,
          %mul3A_617 = arith.mulf %exp3A_530, %get3A_156 : vector<16xf32>
          %swap3A_618 = arith.index_cast %sub3A_116 : i32 to index
          %swap3A_619 = arith.constant 144 : index
          %swap3A_620 = tpu.vector_load %arg18[%swap3A_618, %swap3A_619] {strides = array<i32>} : memref<320x256xf32, #tpu.memory_space<vmem>>, vector<1x16xf32>,
          %swap3A_621 = vector.shape_cast %swap3A_620 : vector<1x16xf32> to vector<16xf32>
          %swap3A_622 = vector.shape_cast %mul3A_617 : vector<16xf32> to vector<1x16xf32>
          tpu.vector_store %arg18[%swap3A_618, %swap3A_619], %swap3A_622 {add = true, strides = array<i32>} : memref<320x256xf32, #tpu.memory_space<vmem>>, vector<1x16xf32>,
          %mul3A_623 = arith.mulf %exp3A_530, %get3A_160 : vector<16xf32>
          %swap3A_624 = arith.index_cast %sub3A_116 : i32 to index
          %swap3A_625 = arith.constant 160 : index
          %swap3A_626 = tpu.vector_load %arg18[%swap3A_624, %swap3A_625] {strides = array<i32>} : memref<320x256xf32, #tpu.memory_space<vmem>>, vector<1x16xf32>,
          %swap3A_627 = vector.shape_cast %swap3A_626 : vector<1x16xf32> to vector<16xf32>
          %swap3A_628 = vector.shape_cast %mul3A_623 : vector<16xf32> to vector<1x16xf32>
          tpu.vector_store %arg18[%swap3A_624, %swap3A_625], %swap3A_628 {add = true, strides = array<i32>} : memref<320x256xf32, #tpu.memory_space<vmem>>, vector<1x16xf32>,
          %mul3A_629 = arith.mulf %exp3A_530, %get3A_164 : vector<16xf32>
          %swap3A_630 = arith.index_cast %sub3A_116 : i32 to index
          %swap3A_631 = arith.constant 176 : index
          %swap3A_632 = tpu.vector_load %arg18[%swap3A_630, %swap3A_631] {strides = array<i32>} : memref<320x256xf32, #tpu.memory_space<vmem>>, vector<1x16xf32>,
          %swap3A_633 = vector.shape_cast %swap3A_632 : vector<1x16xf32> to vector<16xf32>
          %swap3A_634 = vector.shape_cast %mul3A_629 : vector<16xf32> to vector<1x16xf32>
          tpu.vector_store %arg18[%swap3A_630, %swap3A_631], %swap3A_634 {add = true, strides = array<i32>} : memref<320x256xf32, #tpu.memory_space<vmem>>, vector<1x16xf32>,
          %mul3A_635 = arith.mulf %exp3A_563, %get3A_168 : vector<16xf32>
          %swap3A_636 = arith.index_cast %sub3A_116 : i32 to index
          %swap3A_637 = arith.constant 192 : index
          %swap3A_638 = tpu.vector_load %arg18[%swap3A_636, %swap3A_637] {strides = array<i32>} : memref<320x256xf32, #tpu.memory_space<vmem>>, vector<1x16xf32>,
          %swap3A_639 = vector.shape_cast %swap3A_638 : vector<1x16xf32> to vector<16xf32>
          %swap3A_640 = vector.shape_cast %mul3A_635 : vector<16xf32> to vector<1x16xf32>
          tpu.vector_store %arg18[%swap3A_636, %swap3A_637], %swap3A_640 {add = true, strides = array<i32>} : memref<320x256xf32, #tpu.memory_space<vmem>>, vector<1x16xf32>,
          %mul3A_641 = arith.mulf %exp3A_563, %get3A_172 : vector<16xf32>
          %swap3A_642 = arith.index_cast %sub3A_116 : i32 to index
          %swap3A_643 = arith.constant 208 : index
          %swap3A_644 = tpu.vector_load %arg18[%swap3A_642, %swap3A_643] {strides = array<i32>} : memref<320x256xf32, #tpu.memory_space<vmem>>, vector<1x16xf32>,
          %swap3A_645 = vector.shape_cast %swap3A_644 : vector<1x16xf32> to vector<16xf32>
          %swap3A_646 = vector.shape_cast %mul3A_641 : vector<16xf32> to vector<1x16xf32>
          tpu.vector_store %arg18[%swap3A_642, %swap3A_643], %swap3A_646 {add = true, strides = array<i32>} : memref<320x256xf32, #tpu.memory_space<vmem>>, vector<1x16xf32>,
          %mul3A_647 = arith.mulf %exp3A_563, %get3A_176 : vector<16xf32>
          %swap3A_648 = arith.index_cast %sub3A_116 : i32 to index
          %swap3A_649 = arith.constant 224 : index
          %swap3A_650 = tpu.vector_load %arg18[%swap3A_648, %swap3A_649] {strides = array<i32>} : memref<320x256xf32, #tpu.memory_space<vmem>>, vector<1x16xf32>,
          %swap3A_651 = vector.shape_cast %swap3A_650 : vector<1x16xf32> to vector<16xf32>
          %swap3A_652 = vector.shape_cast %mul3A_647 : vector<16xf32> to vector<1x16xf32>
          tpu.vector_store %arg18[%swap3A_648, %swap3A_649], %swap3A_652 {add = true, strides = array<i32>} : memref<320x256xf32, #tpu.memory_space<vmem>>, vector<1x16xf32>,
          %mul3A_653 = arith.mulf %exp3A_563, %get3A_180 : vector<16xf32>
          %swap3A_654 = arith.index_cast %sub3A_116 : i32 to index
          %swap3A_655 = arith.constant 240 : index
          %swap3A_656 = tpu.vector_load %arg18[%swap3A_654, %swap3A_655] {strides = array<i32>} : memref<320x256xf32, #tpu.memory_space<vmem>>, vector<1x16xf32>,
          %swap3A_657 = vector.shape_cast %swap3A_656 : vector<1x16xf32> to vector<16xf32>
          %swap3A_658 = vector.shape_cast %mul3A_653 : vector<16xf32> to vector<1x16xf32>
          tpu.vector_store %arg18[%swap3A_654, %swap3A_655], %swap3A_658 {add = true, strides = array<i32>} : memref<320x256xf32, #tpu.memory_space<vmem>>, vector<1x16xf32>,
          %iota3A_659 = tpu.iota {dimensions = array<i32: 0>} : vector<16xi32>
          %lt3A_660 = arith.constant 4 : i32
          %lt3A_661 = vector.broadcast %lt3A_660 : i32 to vector<16xi32>
          %lt3A_662 = arith.cmpi slt, %iota3A_659, %lt3A_661 : vector<16xi32>
          %lt3A_663 = arith.constant 8 : i32
          %lt3A_664 = vector.broadcast %lt3A_663 : i32 to vector<16xi32>
          %lt3A_665 = arith.cmpi slt, %iota3A_659, %lt3A_664 : vector<16xi32>
          %lt3A_666 = arith.constant 12 : i32
          %lt3A_667 = vector.broadcast %lt3A_666 : i32 to vector<16xi32>
          %lt3A_668 = arith.cmpi slt, %iota3A_659, %lt3A_667 : vector<16xi32>
          %select_n3A_669 = arith.select %lt3A_668, %exp3A_530, %exp3A_563 : vector<16xi1>, vector<16xf32>
          %select_n3A_670 = arith.select %lt3A_665, %exp3A_497, %select_n3A_669 : vector<16xi1>, vector<16xf32>
          %select_n3A_671 = arith.select %lt3A_662, %exp3A, %select_n3A_670 : vector<16xi1>, vector<16xf32>
          %mul3A_672 = arith.constant 16 : i32
          %mul3A_673 = arith.muli %sub3A_116, %mul3A_672 : i32
          %swap3A_674 = arith.index_cast %mul3A_673 : i32 to index
          %swap3A_675 = tpu.vector_load %arg19[%swap3A_674] {strides = array<i32>} : memref<5120xf32, #tpu.memory_space<vmem>>, vector<16xf32>,
          %swap3A_676 = vector.shape_cast %swap3A_675 : vector<16xf32> to vector<16xf32>
          %swap3A_677 = vector.shape_cast %select_n3A_671 : vector<16xf32> to vector<16xf32>
          tpu.vector_store %arg19[%swap3A_674], %swap3A_677 {add = true, strides = array<i32>} : memref<5120xf32, #tpu.memory_space<vmem>>, vector<16xf32>,
        } else {
        }
        %scan3A_110 = arith.constant 0 : i32
        scf.yield %scan3A_110 : i32
      }
      %scan3A_103 = arith.constant 64 : i32
      %while3A_104 = arith.constant 0 : i32
      scf.yield %while3A_104 : i32
    }
    %while3A_73 = arith.constant 1 : i32
    %while3A_74 = scf.for %while3A_82 = %while3A_70 to %while3A_66 step %while3A_73 iter_args(%while3A_83 = %while3A_72) -> (i32)  : i32 {
      %mul3A_84 = arith.constant 64 : i32
      %mul3A_85 = arith.muli %while3A_82, %mul3A_84 : i32
      %add3A_86 = arith.addi %mul3A_34, %mul3A_85 : i32
      "tpu.region"() ({
        %run_scoped3A = tpu.sem_alloc : memref<!tpu.dma_semaphore, #tpu.memory_space<semaphore_mem>>
        %dma_start3A_105 = tpu.memref_slice %arg4[%add3A_86] : memref<330080xi32, #tpu.memory_space<hbm>> -> memref<64xi32, #tpu.memory_space<hbm>>
        %dma_start3A_106 = tpu.memref_slice %arg4[%add3A_86] : memref<330080xi32, #tpu.memory_space<hbm>> -> memref<64xi32, #tpu.memory_space<hbm>>
        tpu.enqueue_dma source(%dma_start3A_106 : memref<64xi32, #tpu.memory_space<hbm>>) target(%arg13 : memref<64xi32, #tpu.memory_space<vmem>>) target_semaphore(%run_scoped3A : memref<!tpu.dma_semaphore, #tpu.memory_space<semaphore_mem>>)
        %dma_wait3A_107 = tpu.memref_slice %arg4[%add3A_86] : memref<330080xi32, #tpu.memory_space<hbm>> -> memref<64xi32, #tpu.memory_space<hbm>>
        %dma_wait3A_108 = tpu.memref_slice %arg4[%add3A_86] : memref<330080xi32, #tpu.memory_space<hbm>> -> memref<64xi32, #tpu.memory_space<hbm>>
        tpu.wait_dma2 semaphore(%run_scoped3A : memref<!tpu.dma_semaphore, #tpu.memory_space<semaphore_mem>>) src(%dma_wait3A_108 : memref<64xi32, #tpu.memory_space<hbm>>) dst(%arg13 : memref<64xi32, #tpu.memory_space<vmem>>)
        tpu.yield
      }) : () -> ()
      "tpu.region"() ({
        %run_scoped3A = tpu.sem_alloc : memref<!tpu.dma_semaphore, #tpu.memory_space<semaphore_mem>>
        %dma_start3A_105 = tpu.memref_slice %arg5[%add3A_86] : memref<330080xi32, #tpu.memory_space<hbm>> -> memref<64xi32, #tpu.memory_space<hbm>>
        %dma_start3A_106 = tpu.memref_slice %arg5[%add3A_86] : memref<330080xi32, #tpu.memory_space<hbm>> -> memref<64xi32, #tpu.memory_space<hbm>>
        tpu.enqueue_dma source(%dma_start3A_106 : memref<64xi32, #tpu.memory_space<hbm>>) target(%arg14 : memref<64xi32, #tpu.memory_space<vmem>>) target_semaphore(%run_scoped3A : memref<!tpu.dma_semaphore, #tpu.memory_space<semaphore_mem>>)
        %dma_wait3A_107 = tpu.memref_slice %arg5[%add3A_86] : memref<330080xi32, #tpu.memory_space<hbm>> -> memref<64xi32, #tpu.memory_space<hbm>>
        %dma_wait3A_108 = tpu.memref_slice %arg5[%add3A_86] : memref<330080xi32, #tpu.memory_space<hbm>> -> memref<64xi32, #tpu.memory_space<hbm>>
        tpu.wait_dma2 semaphore(%run_scoped3A : memref<!tpu.dma_semaphore, #tpu.memory_space<semaphore_mem>>) src(%dma_wait3A_108 : memref<64xi32, #tpu.memory_space<hbm>>) dst(%arg14 : memref<64xi32, #tpu.memory_space<vmem>>)
        tpu.yield
      }) : () -> ()
      "tpu.region"() ({
        %run_scoped3A = tpu.sem_alloc : memref<!tpu.dma_semaphore, #tpu.memory_space<semaphore_mem>>
        %dma_start3A_105 = arith.constant 0 : i32
        %dma_start3A_106 = tpu.memref_slice %arg15[%dma_start3A_105] : memref<80xi32, #tpu.memory_space<vmem>> -> memref<64xi32, #tpu.memory_space<vmem>>
        %dma_start3A_107 = tpu.memref_slice %arg5[%add3A_86] : memref<330080xi32, #tpu.memory_space<hbm>> -> memref<64xi32, #tpu.memory_space<hbm>>
        %dma_start3A_108 = arith.constant 0 : i32
        %dma_start3A_109 = tpu.memref_slice %arg15[%dma_start3A_108] : memref<80xi32, #tpu.memory_space<vmem>> -> memref<64xi32, #tpu.memory_space<vmem>>
        %dma_start3A_110 = tpu.memref_slice %arg5[%add3A_86] : memref<330080xi32, #tpu.memory_space<hbm>> -> memref<64xi32, #tpu.memory_space<hbm>>
        tpu.enqueue_dma source(%dma_start3A_110 : memref<64xi32, #tpu.memory_space<hbm>>) target(%dma_start3A_109 : memref<64xi32, #tpu.memory_space<vmem>>) target_semaphore(%run_scoped3A : memref<!tpu.dma_semaphore, #tpu.memory_space<semaphore_mem>>)
        %dma_wait3A_111 = arith.constant 0 : i32
        %dma_wait3A_112 = tpu.memref_slice %arg15[%dma_wait3A_111] : memref<80xi32, #tpu.memory_space<vmem>> -> memref<64xi32, #tpu.memory_space<vmem>>
        %dma_wait3A_113 = tpu.memref_slice %arg5[%add3A_86] : memref<330080xi32, #tpu.memory_space<hbm>> -> memref<64xi32, #tpu.memory_space<hbm>>
        %dma_wait3A_114 = arith.constant 0 : i32
        %dma_wait3A_115 = tpu.memref_slice %arg15[%dma_wait3A_114] : memref<80xi32, #tpu.memory_space<vmem>> -> memref<64xi32, #tpu.memory_space<vmem>>
        %dma_wait3A_116 = tpu.memref_slice %arg5[%add3A_86] : memref<330080xi32, #tpu.memory_space<hbm>> -> memref<64xi32, #tpu.memory_space<hbm>>
        tpu.wait_dma2 semaphore(%run_scoped3A : memref<!tpu.dma_semaphore, #tpu.memory_space<semaphore_mem>>) src(%dma_wait3A_116 : memref<64xi32, #tpu.memory_space<hbm>>) dst(%dma_wait3A_115 : memref<64xi32, #tpu.memory_space<vmem>>)
        tpu.yield
      }) : () -> ()
      %dma_start3A = arith.constant 0 : i32
      %dma_start3A_87 = arith.constant 0 : i32
      %dma_start3A_88 = tpu.memref_slice %arg2[%dma_start3A, %dma_start3A_87] : memref<10000x256xf32, #tpu.memory_space<hbm>> -> memref<10000x256xf32, #tpu.memory_space<hbm>>
      tpu.enqueue_indirect_dma source(%dma_start3A_88 : memref<10000x256xf32, #tpu.memory_space<hbm>>) target(%arg16 : memref<64x256xf32, #tpu.memory_space<vmem>>) offsets(%arg13 : memref<64xi32, #tpu.memory_space<vmem>>) semaphore(%arg20 : memref<!tpu.dma_semaphore, #tpu.memory_space<semaphore_mem>>)
      %dma_start3A_89 = arith.constant 0 : i32
      %dma_start3A_90 = arith.constant 0 : i32
      %dma_start3A_91 = tpu.memref_slice %arg3[%dma_start3A_89, %dma_start3A_90] : memref<10000x256xf32, #tpu.memory_space<hbm>> -> memref<10000x256xf32, #tpu.memory_space<hbm>>
      tpu.enqueue_indirect_dma source(%dma_start3A_91 : memref<10000x256xf32, #tpu.memory_space<hbm>>) target(%arg17 : memref<64x256xf32, #tpu.memory_space<vmem>>) offsets(%arg14 : memref<64xi32, #tpu.memory_space<vmem>>) semaphore(%arg21 : memref<!tpu.dma_semaphore, #tpu.memory_space<semaphore_mem>>)
      %dma_wait3A = arith.constant 0 : i32
      %dma_wait3A_92 = arith.constant 0 : i32
      %dma_wait3A_93 = tpu.memref_slice %arg2[%dma_wait3A, %dma_wait3A_92] : memref<10000x256xf32, #tpu.memory_space<hbm>> -> memref<10000x256xf32, #tpu.memory_space<hbm>>
      tpu.wait_indirect_dma semaphore(%arg20 : memref<!tpu.dma_semaphore, #tpu.memory_space<semaphore_mem>>) src(%dma_wait3A_93 : memref<10000x256xf32, #tpu.memory_space<hbm>>) dst(%arg16 : memref<64x256xf32, #tpu.memory_space<vmem>>)
      %dma_wait3A_94 = arith.constant 0 : i32
      %dma_wait3A_95 = arith.constant 0 : i32
      %dma_wait3A_96 = tpu.memref_slice %arg3[%dma_wait3A_94, %dma_wait3A_95] : memref<10000x256xf32, #tpu.memory_space<hbm>> -> memref<10000x256xf32, #tpu.memory_space<hbm>>
      tpu.wait_indirect_dma semaphore(%arg21 : memref<!tpu.dma_semaphore, #tpu.memory_space<semaphore_mem>>) src(%dma_wait3A_96 : memref<10000x256xf32, #tpu.memory_space<hbm>>) dst(%arg17 : memref<64x256xf32, #tpu.memory_space<vmem>>)
      %scan3A_97 = arith.constant 0 : i32
      %scan3A_98 = arith.constant 0 : i32
      %scan3A_99 = arith.constant 64 : i32
      %scan3A_100 = arith.addi %scan3A_98, %scan3A_99 : i32
      %scan3A_101 = arith.constant 1 : i32
      %scan3A_102 = scf.for %scan3A_105 = %scan3A_98 to %scan3A_100 step %scan3A_101 iter_args(%scan3A_106 = %scan3A_97) -> (i32)  : i32 {
        %add3A_107 = arith.addi %add3A_86, %scan3A_105 : i32
        %ge3A = arith.cmpi sge, %add3A_107, %squeeze3A : i32
        %lt3A = arith.cmpi slt, %add3A_107, %squeeze3A_16 : i32
        %and3A_108 = arith.andi %ge3A, %lt3A : i1
        %convert_element_type3A = arith.extui %and3A_108 : i1 to i32
        %cond3A = arith.constant 0 : i32
        %cond3A_109 = arith.cmpi ne, %convert_element_type3A, %cond3A : i32
        scf.if %cond3A_109 {
          %get3A_111 = arith.index_cast %scan3A_105 : i32 to index
          %get3A_112 = tpu.vector_load %arg15[%get3A_111] {strides = array<i32>} : memref<80xi32, #tpu.memory_space<vmem>>, vector<16xi32>,
          %get3A_113 = vector.shape_cast %get3A_112 : vector<16xi32> to vector<16xi32>
          %slice3A_114 = vector.extract_strided_slice %get3A_113 {offsets = [0], sizes = [1], strides = [1]} : vector<16xi32> to vector<1xi32>
          %squeeze3A_115 = vector.extract %slice3A_114[0] : i32 from vector<1xi32>
          %sub3A_116 = arith.subi %squeeze3A_115, %mul3A_2 : i32
          %get3A_117 = arith.index_cast %scan3A_105 : i32 to index
          %get3A_118 = arith.constant 0 : index
          %get3A_119 = tpu.vector_load %arg16[%get3A_117, %get3A_118] {strides = array<i32>} : memref<64x256xf32, #tpu.memory_space<vmem>>, vector<1x16xf32>,
          %get3A_120 = vector.shape_cast %get3A_119 : vector<1x16xf32> to vector<16xf32>
          %get3A_121 = arith.index_cast %scan3A_105 : i32 to index
          %get3A_122 = arith.constant 16 : index
          %get3A_123 = tpu.vector_load %arg16[%get3A_121, %get3A_122] {strides = array<i32>} : memref<64x256xf32, #tpu.memory_space<vmem>>, vector<1x16xf32>,
          %get3A_124 = vector.shape_cast %get3A_123 : vector<1x16xf32> to vector<16xf32>
          %get3A_125 = arith.index_cast %scan3A_105 : i32 to index
          %get3A_126 = arith.constant 32 : index
          %get3A_127 = tpu.vector_load %arg16[%get3A_125, %get3A_126] {strides = array<i32>} : memref<64x256xf32, #tpu.memory_space<vmem>>, vector<1x16xf32>,
          %get3A_128 = vector.shape_cast %get3A_127 : vector<1x16xf32> to vector<16xf32>
          %get3A_129 = arith.index_cast %scan3A_105 : i32 to index
          %get3A_130 = arith.constant 48 : index
          %get3A_131 = tpu.vector_load %arg16[%get3A_129, %get3A_130] {strides = array<i32>} : memref<64x256xf32, #tpu.memory_space<vmem>>, vector<1x16xf32>,
          %get3A_132 = vector.shape_cast %get3A_131 : vector<1x16xf32> to vector<16xf32>
          %get3A_133 = arith.index_cast %scan3A_105 : i32 to index
          %get3A_134 = arith.constant 64 : index
          %get3A_135 = tpu.vector_load %arg16[%get3A_133, %get3A_134] {strides = array<i32>} : memref<64x256xf32, #tpu.memory_space<vmem>>, vector<1x16xf32>,
          %get3A_136 = vector.shape_cast %get3A_135 : vector<1x16xf32> to vector<16xf32>
          %get3A_137 = arith.index_cast %scan3A_105 : i32 to index
          %get3A_138 = arith.constant 80 : index
          %get3A_139 = tpu.vector_load %arg16[%get3A_137, %get3A_138] {strides = array<i32>} : memref<64x256xf32, #tpu.memory_space<vmem>>, vector<1x16xf32>,
          %get3A_140 = vector.shape_cast %get3A_139 : vector<1x16xf32> to vector<16xf32>
          %get3A_141 = arith.index_cast %scan3A_105 : i32 to index
          %get3A_142 = arith.constant 96 : index
          %get3A_143 = tpu.vector_load %arg16[%get3A_141, %get3A_142] {strides = array<i32>} : memref<64x256xf32, #tpu.memory_space<vmem>>, vector<1x16xf32>,
          %get3A_144 = vector.shape_cast %get3A_143 : vector<1x16xf32> to vector<16xf32>
          %get3A_145 = arith.index_cast %scan3A_105 : i32 to index
          %get3A_146 = arith.constant 112 : index
          %get3A_147 = tpu.vector_load %arg16[%get3A_145, %get3A_146] {strides = array<i32>} : memref<64x256xf32, #tpu.memory_space<vmem>>, vector<1x16xf32>,
          %get3A_148 = vector.shape_cast %get3A_147 : vector<1x16xf32> to vector<16xf32>
          %get3A_149 = arith.index_cast %scan3A_105 : i32 to index
          %get3A_150 = arith.constant 128 : index
          %get3A_151 = tpu.vector_load %arg16[%get3A_149, %get3A_150] {strides = array<i32>} : memref<64x256xf32, #tpu.memory_space<vmem>>, vector<1x16xf32>,
          %get3A_152 = vector.shape_cast %get3A_151 : vector<1x16xf32> to vector<16xf32>
          %get3A_153 = arith.index_cast %scan3A_105 : i32 to index
          %get3A_154 = arith.constant 144 : index
          %get3A_155 = tpu.vector_load %arg16[%get3A_153, %get3A_154] {strides = array<i32>} : memref<64x256xf32, #tpu.memory_space<vmem>>, vector<1x16xf32>,
          %get3A_156 = vector.shape_cast %get3A_155 : vector<1x16xf32> to vector<16xf32>
          %get3A_157 = arith.index_cast %scan3A_105 : i32 to index
          %get3A_158 = arith.constant 160 : index
          %get3A_159 = tpu.vector_load %arg16[%get3A_157, %get3A_158] {strides = array<i32>} : memref<64x256xf32, #tpu.memory_space<vmem>>, vector<1x16xf32>,
          %get3A_160 = vector.shape_cast %get3A_159 : vector<1x16xf32> to vector<16xf32>
          %get3A_161 = arith.index_cast %scan3A_105 : i32 to index
          %get3A_162 = arith.constant 176 : index
          %get3A_163 = tpu.vector_load %arg16[%get3A_161, %get3A_162] {strides = array<i32>} : memref<64x256xf32, #tpu.memory_space<vmem>>, vector<1x16xf32>,
          %get3A_164 = vector.shape_cast %get3A_163 : vector<1x16xf32> to vector<16xf32>
          %get3A_165 = arith.index_cast %scan3A_105 : i32 to index
          %get3A_166 = arith.constant 192 : index
          %get3A_167 = tpu.vector_load %arg16[%get3A_165, %get3A_166] {strides = array<i32>} : memref<64x256xf32, #tpu.memory_space<vmem>>, vector<1x16xf32>,
          %get3A_168 = vector.shape_cast %get3A_167 : vector<1x16xf32> to vector<16xf32>
          %get3A_169 = arith.index_cast %scan3A_105 : i32 to index
          %get3A_170 = arith.constant 208 : index
          %get3A_171 = tpu.vector_load %arg16[%get3A_169, %get3A_170] {strides = array<i32>} : memref<64x256xf32, #tpu.memory_space<vmem>>, vector<1x16xf32>,
          %get3A_172 = vector.shape_cast %get3A_171 : vector<1x16xf32> to vector<16xf32>
          %get3A_173 = arith.index_cast %scan3A_105 : i32 to index
          %get3A_174 = arith.constant 224 : index
          %get3A_175 = tpu.vector_load %arg16[%get3A_173, %get3A_174] {strides = array<i32>} : memref<64x256xf32, #tpu.memory_space<vmem>>, vector<1x16xf32>,
          %get3A_176 = vector.shape_cast %get3A_175 : vector<1x16xf32> to vector<16xf32>
          %get3A_177 = arith.index_cast %scan3A_105 : i32 to index
          %get3A_178 = arith.constant 240 : index
          %get3A_179 = tpu.vector_load %arg16[%get3A_177, %get3A_178] {strides = array<i32>} : memref<64x256xf32, #tpu.memory_space<vmem>>, vector<1x16xf32>,
          %get3A_180 = vector.shape_cast %get3A_179 : vector<1x16xf32> to vector<16xf32>
          %get3A_181 = arith.index_cast %scan3A_105 : i32 to index
          %get3A_182 = arith.constant 0 : index
          %get3A_183 = tpu.vector_load %arg17[%get3A_181, %get3A_182] {strides = array<i32>} : memref<64x256xf32, #tpu.memory_space<vmem>>, vector<1x16xf32>,
          %get3A_184 = vector.shape_cast %get3A_183 : vector<1x16xf32> to vector<16xf32>
          %add3A_185 = arith.addf %get3A_184, %get3A_120 : vector<16xf32>
          %ge3A_186 = arith.constant 0.000000e+00 : f32
          %ge3A_187 = vector.broadcast %ge3A_186 : f32 to vector<16xf32>
          %ge3A_188 = arith.cmpf oge, %add3A_185, %ge3A_187 : vector<16xf32>
          %mul3A_189 = arith.constant 2.000000e-01 : f32
          %mul3A_190 = vector.broadcast %mul3A_189 : f32 to vector<16xf32>
          %mul3A_191 = arith.mulf %add3A_185, %mul3A_190 : vector<16xf32>
          %select_n3A_192 = arith.select %ge3A_188, %add3A_185, %mul3A_191 : vector<16xi1>, vector<16xf32>
          %get3A_193 = arith.constant 0 : index
          %get3A_194 = tpu.vector_load %arg11[%get3A_193] {strides = array<i32>} : memref<256xf32, #tpu.memory_space<vmem>>, vector<16xf32>,
          %get3A_195 = vector.shape_cast %get3A_194 : vector<16xf32> to vector<16xf32>
          %mul3A_196 = arith.mulf %select_n3A_192, %get3A_195 : vector<16xf32>
          %get3A_197 = arith.index_cast %scan3A_105 : i32 to index
          %get3A_198 = arith.constant 16 : index
          %get3A_199 = tpu.vector_load %arg17[%get3A_197, %get3A_198] {strides = array<i32>} : memref<64x256xf32, #tpu.memory_space<vmem>>, vector<1x16xf32>,
          %get3A_200 = vector.shape_cast %get3A_199 : vector<1x16xf32> to vector<16xf32>
          %add3A_201 = arith.addf %get3A_200, %get3A_124 : vector<16xf32>
          %ge3A_202 = arith.constant 0.000000e+00 : f32
          %ge3A_203 = vector.broadcast %ge3A_202 : f32 to vector<16xf32>
          %ge3A_204 = arith.cmpf oge, %add3A_201, %ge3A_203 : vector<16xf32>
          %mul3A_205 = arith.constant 2.000000e-01 : f32
          %mul3A_206 = vector.broadcast %mul3A_205 : f32 to vector<16xf32>
          %mul3A_207 = arith.mulf %add3A_201, %mul3A_206 : vector<16xf32>
          %select_n3A_208 = arith.select %ge3A_204, %add3A_201, %mul3A_207 : vector<16xi1>, vector<16xf32>
          %get3A_209 = arith.constant 16 : index
          %get3A_210 = tpu.vector_load %arg11[%get3A_209] {strides = array<i32>} : memref<256xf32, #tpu.memory_space<vmem>>, vector<16xf32>,
          %get3A_211 = vector.shape_cast %get3A_210 : vector<16xf32> to vector<16xf32>
          %mul3A_212 = arith.mulf %select_n3A_208, %get3A_211 : vector<16xf32>
          %get3A_213 = arith.index_cast %scan3A_105 : i32 to index
          %get3A_214 = arith.constant 32 : index
          %get3A_215 = tpu.vector_load %arg17[%get3A_213, %get3A_214] {strides = array<i32>} : memref<64x256xf32, #tpu.memory_space<vmem>>, vector<1x16xf32>,
          %get3A_216 = vector.shape_cast %get3A_215 : vector<1x16xf32> to vector<16xf32>
          %add3A_217 = arith.addf %get3A_216, %get3A_128 : vector<16xf32>
          %ge3A_218 = arith.constant 0.000000e+00 : f32
          %ge3A_219 = vector.broadcast %ge3A_218 : f32 to vector<16xf32>
          %ge3A_220 = arith.cmpf oge, %add3A_217, %ge3A_219 : vector<16xf32>
          %mul3A_221 = arith.constant 2.000000e-01 : f32
          %mul3A_222 = vector.broadcast %mul3A_221 : f32 to vector<16xf32>
          %mul3A_223 = arith.mulf %add3A_217, %mul3A_222 : vector<16xf32>
          %select_n3A_224 = arith.select %ge3A_220, %add3A_217, %mul3A_223 : vector<16xi1>, vector<16xf32>
          %get3A_225 = arith.constant 32 : index
          %get3A_226 = tpu.vector_load %arg11[%get3A_225] {strides = array<i32>} : memref<256xf32, #tpu.memory_space<vmem>>, vector<16xf32>,
          %get3A_227 = vector.shape_cast %get3A_226 : vector<16xf32> to vector<16xf32>
          %mul3A_228 = arith.mulf %select_n3A_224, %get3A_227 : vector<16xf32>
          %get3A_229 = arith.index_cast %scan3A_105 : i32 to index
          %get3A_230 = arith.constant 48 : index
          %get3A_231 = tpu.vector_load %arg17[%get3A_229, %get3A_230] {strides = array<i32>} : memref<64x256xf32, #tpu.memory_space<vmem>>, vector<1x16xf32>,
          %get3A_232 = vector.shape_cast %get3A_231 : vector<1x16xf32> to vector<16xf32>
          %add3A_233 = arith.addf %get3A_232, %get3A_132 : vector<16xf32>
          %ge3A_234 = arith.constant 0.000000e+00 : f32
          %ge3A_235 = vector.broadcast %ge3A_234 : f32 to vector<16xf32>
          %ge3A_236 = arith.cmpf oge, %add3A_233, %ge3A_235 : vector<16xf32>
          %mul3A_237 = arith.constant 2.000000e-01 : f32
          %mul3A_238 = vector.broadcast %mul3A_237 : f32 to vector<16xf32>
          %mul3A_239 = arith.mulf %add3A_233, %mul3A_238 : vector<16xf32>
          %select_n3A_240 = arith.select %ge3A_236, %add3A_233, %mul3A_239 : vector<16xi1>, vector<16xf32>
          %get3A_241 = arith.constant 48 : index
          %get3A_242 = tpu.vector_load %arg11[%get3A_241] {strides = array<i32>} : memref<256xf32, #tpu.memory_space<vmem>>, vector<16xf32>,
          %get3A_243 = vector.shape_cast %get3A_242 : vector<16xf32> to vector<16xf32>
          %mul3A_244 = arith.mulf %select_n3A_240, %get3A_243 : vector<16xf32>
          %get3A_245 = arith.index_cast %scan3A_105 : i32 to index
          %get3A_246 = arith.constant 64 : index
          %get3A_247 = tpu.vector_load %arg17[%get3A_245, %get3A_246] {strides = array<i32>} : memref<64x256xf32, #tpu.memory_space<vmem>>, vector<1x16xf32>,
          %get3A_248 = vector.shape_cast %get3A_247 : vector<1x16xf32> to vector<16xf32>
          %add3A_249 = arith.addf %get3A_248, %get3A_136 : vector<16xf32>
          %ge3A_250 = arith.constant 0.000000e+00 : f32
          %ge3A_251 = vector.broadcast %ge3A_250 : f32 to vector<16xf32>
          %ge3A_252 = arith.cmpf oge, %add3A_249, %ge3A_251 : vector<16xf32>
          %mul3A_253 = arith.constant 2.000000e-01 : f32
          %mul3A_254 = vector.broadcast %mul3A_253 : f32 to vector<16xf32>
          %mul3A_255 = arith.mulf %add3A_249, %mul3A_254 : vector<16xf32>
          %select_n3A_256 = arith.select %ge3A_252, %add3A_249, %mul3A_255 : vector<16xi1>, vector<16xf32>
          %get3A_257 = arith.constant 64 : index
          %get3A_258 = tpu.vector_load %arg11[%get3A_257] {strides = array<i32>} : memref<256xf32, #tpu.memory_space<vmem>>, vector<16xf32>,
          %get3A_259 = vector.shape_cast %get3A_258 : vector<16xf32> to vector<16xf32>
          %mul3A_260 = arith.mulf %select_n3A_256, %get3A_259 : vector<16xf32>
          %get3A_261 = arith.index_cast %scan3A_105 : i32 to index
          %get3A_262 = arith.constant 80 : index
          %get3A_263 = tpu.vector_load %arg17[%get3A_261, %get3A_262] {strides = array<i32>} : memref<64x256xf32, #tpu.memory_space<vmem>>, vector<1x16xf32>,
          %get3A_264 = vector.shape_cast %get3A_263 : vector<1x16xf32> to vector<16xf32>
          %add3A_265 = arith.addf %get3A_264, %get3A_140 : vector<16xf32>
          %ge3A_266 = arith.constant 0.000000e+00 : f32
          %ge3A_267 = vector.broadcast %ge3A_266 : f32 to vector<16xf32>
          %ge3A_268 = arith.cmpf oge, %add3A_265, %ge3A_267 : vector<16xf32>
          %mul3A_269 = arith.constant 2.000000e-01 : f32
          %mul3A_270 = vector.broadcast %mul3A_269 : f32 to vector<16xf32>
          %mul3A_271 = arith.mulf %add3A_265, %mul3A_270 : vector<16xf32>
          %select_n3A_272 = arith.select %ge3A_268, %add3A_265, %mul3A_271 : vector<16xi1>, vector<16xf32>
          %get3A_273 = arith.constant 80 : index
          %get3A_274 = tpu.vector_load %arg11[%get3A_273] {strides = array<i32>} : memref<256xf32, #tpu.memory_space<vmem>>, vector<16xf32>,
          %get3A_275 = vector.shape_cast %get3A_274 : vector<16xf32> to vector<16xf32>
          %mul3A_276 = arith.mulf %select_n3A_272, %get3A_275 : vector<16xf32>
          %get3A_277 = arith.index_cast %scan3A_105 : i32 to index
          %get3A_278 = arith.constant 96 : index
          %get3A_279 = tpu.vector_load %arg17[%get3A_277, %get3A_278] {strides = array<i32>} : memref<64x256xf32, #tpu.memory_space<vmem>>, vector<1x16xf32>,
          %get3A_280 = vector.shape_cast %get3A_279 : vector<1x16xf32> to vector<16xf32>
          %add3A_281 = arith.addf %get3A_280, %get3A_144 : vector<16xf32>
          %ge3A_282 = arith.constant 0.000000e+00 : f32
          %ge3A_283 = vector.broadcast %ge3A_282 : f32 to vector<16xf32>
          %ge3A_284 = arith.cmpf oge, %add3A_281, %ge3A_283 : vector<16xf32>
          %mul3A_285 = arith.constant 2.000000e-01 : f32
          %mul3A_286 = vector.broadcast %mul3A_285 : f32 to vector<16xf32>
          %mul3A_287 = arith.mulf %add3A_281, %mul3A_286 : vector<16xf32>
          %select_n3A_288 = arith.select %ge3A_284, %add3A_281, %mul3A_287 : vector<16xi1>, vector<16xf32>
          %get3A_289 = arith.constant 96 : index
          %get3A_290 = tpu.vector_load %arg11[%get3A_289] {strides = array<i32>} : memref<256xf32, #tpu.memory_space<vmem>>, vector<16xf32>,
          %get3A_291 = vector.shape_cast %get3A_290 : vector<16xf32> to vector<16xf32>
          %mul3A_292 = arith.mulf %select_n3A_288, %get3A_291 : vector<16xf32>
          %get3A_293 = arith.index_cast %scan3A_105 : i32 to index
          %get3A_294 = arith.constant 112 : index
          %get3A_295 = tpu.vector_load %arg17[%get3A_293, %get3A_294] {strides = array<i32>} : memref<64x256xf32, #tpu.memory_space<vmem>>, vector<1x16xf32>,
          %get3A_296 = vector.shape_cast %get3A_295 : vector<1x16xf32> to vector<16xf32>
          %add3A_297 = arith.addf %get3A_296, %get3A_148 : vector<16xf32>
          %ge3A_298 = arith.constant 0.000000e+00 : f32
          %ge3A_299 = vector.broadcast %ge3A_298 : f32 to vector<16xf32>
          %ge3A_300 = arith.cmpf oge, %add3A_297, %ge3A_299 : vector<16xf32>
          %mul3A_301 = arith.constant 2.000000e-01 : f32
          %mul3A_302 = vector.broadcast %mul3A_301 : f32 to vector<16xf32>
          %mul3A_303 = arith.mulf %add3A_297, %mul3A_302 : vector<16xf32>
          %select_n3A_304 = arith.select %ge3A_300, %add3A_297, %mul3A_303 : vector<16xi1>, vector<16xf32>
          %get3A_305 = arith.constant 112 : index
          %get3A_306 = tpu.vector_load %arg11[%get3A_305] {strides = array<i32>} : memref<256xf32, #tpu.memory_space<vmem>>, vector<16xf32>,
          %get3A_307 = vector.shape_cast %get3A_306 : vector<16xf32> to vector<16xf32>
          %mul3A_308 = arith.mulf %select_n3A_304, %get3A_307 : vector<16xf32>
          %get3A_309 = arith.index_cast %scan3A_105 : i32 to index
          %get3A_310 = arith.constant 128 : index
          %get3A_311 = tpu.vector_load %arg17[%get3A_309, %get3A_310] {strides = array<i32>} : memref<64x256xf32, #tpu.memory_space<vmem>>, vector<1x16xf32>,
          %get3A_312 = vector.shape_cast %get3A_311 : vector<1x16xf32> to vector<16xf32>
          %add3A_313 = arith.addf %get3A_312, %get3A_152 : vector<16xf32>
          %ge3A_314 = arith.constant 0.000000e+00 : f32
          %ge3A_315 = vector.broadcast %ge3A_314 : f32 to vector<16xf32>
          %ge3A_316 = arith.cmpf oge, %add3A_313, %ge3A_315 : vector<16xf32>
          %mul3A_317 = arith.constant 2.000000e-01 : f32
          %mul3A_318 = vector.broadcast %mul3A_317 : f32 to vector<16xf32>
          %mul3A_319 = arith.mulf %add3A_313, %mul3A_318 : vector<16xf32>
          %select_n3A_320 = arith.select %ge3A_316, %add3A_313, %mul3A_319 : vector<16xi1>, vector<16xf32>
          %get3A_321 = arith.constant 128 : index
          %get3A_322 = tpu.vector_load %arg11[%get3A_321] {strides = array<i32>} : memref<256xf32, #tpu.memory_space<vmem>>, vector<16xf32>,
          %get3A_323 = vector.shape_cast %get3A_322 : vector<16xf32> to vector<16xf32>
          %mul3A_324 = arith.mulf %select_n3A_320, %get3A_323 : vector<16xf32>
          %get3A_325 = arith.index_cast %scan3A_105 : i32 to index
          %get3A_326 = arith.constant 144 : index
          %get3A_327 = tpu.vector_load %arg17[%get3A_325, %get3A_326] {strides = array<i32>} : memref<64x256xf32, #tpu.memory_space<vmem>>, vector<1x16xf32>,
          %get3A_328 = vector.shape_cast %get3A_327 : vector<1x16xf32> to vector<16xf32>
          %add3A_329 = arith.addf %get3A_328, %get3A_156 : vector<16xf32>
          %ge3A_330 = arith.constant 0.000000e+00 : f32
          %ge3A_331 = vector.broadcast %ge3A_330 : f32 to vector<16xf32>
          %ge3A_332 = arith.cmpf oge, %add3A_329, %ge3A_331 : vector<16xf32>
          %mul3A_333 = arith.constant 2.000000e-01 : f32
          %mul3A_334 = vector.broadcast %mul3A_333 : f32 to vector<16xf32>
          %mul3A_335 = arith.mulf %add3A_329, %mul3A_334 : vector<16xf32>
          %select_n3A_336 = arith.select %ge3A_332, %add3A_329, %mul3A_335 : vector<16xi1>, vector<16xf32>
          %get3A_337 = arith.constant 144 : index
          %get3A_338 = tpu.vector_load %arg11[%get3A_337] {strides = array<i32>} : memref<256xf32, #tpu.memory_space<vmem>>, vector<16xf32>,
          %get3A_339 = vector.shape_cast %get3A_338 : vector<16xf32> to vector<16xf32>
          %mul3A_340 = arith.mulf %select_n3A_336, %get3A_339 : vector<16xf32>
          %get3A_341 = arith.index_cast %scan3A_105 : i32 to index
          %get3A_342 = arith.constant 160 : index
          %get3A_343 = tpu.vector_load %arg17[%get3A_341, %get3A_342] {strides = array<i32>} : memref<64x256xf32, #tpu.memory_space<vmem>>, vector<1x16xf32>,
          %get3A_344 = vector.shape_cast %get3A_343 : vector<1x16xf32> to vector<16xf32>
          %add3A_345 = arith.addf %get3A_344, %get3A_160 : vector<16xf32>
          %ge3A_346 = arith.constant 0.000000e+00 : f32
          %ge3A_347 = vector.broadcast %ge3A_346 : f32 to vector<16xf32>
          %ge3A_348 = arith.cmpf oge, %add3A_345, %ge3A_347 : vector<16xf32>
          %mul3A_349 = arith.constant 2.000000e-01 : f32
          %mul3A_350 = vector.broadcast %mul3A_349 : f32 to vector<16xf32>
          %mul3A_351 = arith.mulf %add3A_345, %mul3A_350 : vector<16xf32>
          %select_n3A_352 = arith.select %ge3A_348, %add3A_345, %mul3A_351 : vector<16xi1>, vector<16xf32>
          %get3A_353 = arith.constant 160 : index
          %get3A_354 = tpu.vector_load %arg11[%get3A_353] {strides = array<i32>} : memref<256xf32, #tpu.memory_space<vmem>>, vector<16xf32>,
          %get3A_355 = vector.shape_cast %get3A_354 : vector<16xf32> to vector<16xf32>
          %mul3A_356 = arith.mulf %select_n3A_352, %get3A_355 : vector<16xf32>
          %get3A_357 = arith.index_cast %scan3A_105 : i32 to index
          %get3A_358 = arith.constant 176 : index
          %get3A_359 = tpu.vector_load %arg17[%get3A_357, %get3A_358] {strides = array<i32>} : memref<64x256xf32, #tpu.memory_space<vmem>>, vector<1x16xf32>,
          %get3A_360 = vector.shape_cast %get3A_359 : vector<1x16xf32> to vector<16xf32>
          %add3A_361 = arith.addf %get3A_360, %get3A_164 : vector<16xf32>
          %ge3A_362 = arith.constant 0.000000e+00 : f32
          %ge3A_363 = vector.broadcast %ge3A_362 : f32 to vector<16xf32>
          %ge3A_364 = arith.cmpf oge, %add3A_361, %ge3A_363 : vector<16xf32>
          %mul3A_365 = arith.constant 2.000000e-01 : f32
          %mul3A_366 = vector.broadcast %mul3A_365 : f32 to vector<16xf32>
          %mul3A_367 = arith.mulf %add3A_361, %mul3A_366 : vector<16xf32>
          %select_n3A_368 = arith.select %ge3A_364, %add3A_361, %mul3A_367 : vector<16xi1>, vector<16xf32>
          %get3A_369 = arith.constant 176 : index
          %get3A_370 = tpu.vector_load %arg11[%get3A_369] {strides = array<i32>} : memref<256xf32, #tpu.memory_space<vmem>>, vector<16xf32>,
          %get3A_371 = vector.shape_cast %get3A_370 : vector<16xf32> to vector<16xf32>
          %mul3A_372 = arith.mulf %select_n3A_368, %get3A_371 : vector<16xf32>
          %get3A_373 = arith.index_cast %scan3A_105 : i32 to index
          %get3A_374 = arith.constant 192 : index
          %get3A_375 = tpu.vector_load %arg17[%get3A_373, %get3A_374] {strides = array<i32>} : memref<64x256xf32, #tpu.memory_space<vmem>>, vector<1x16xf32>,
          %get3A_376 = vector.shape_cast %get3A_375 : vector<1x16xf32> to vector<16xf32>
          %add3A_377 = arith.addf %get3A_376, %get3A_168 : vector<16xf32>
          %ge3A_378 = arith.constant 0.000000e+00 : f32
          %ge3A_379 = vector.broadcast %ge3A_378 : f32 to vector<16xf32>
          %ge3A_380 = arith.cmpf oge, %add3A_377, %ge3A_379 : vector<16xf32>
          %mul3A_381 = arith.constant 2.000000e-01 : f32
          %mul3A_382 = vector.broadcast %mul3A_381 : f32 to vector<16xf32>
          %mul3A_383 = arith.mulf %add3A_377, %mul3A_382 : vector<16xf32>
          %select_n3A_384 = arith.select %ge3A_380, %add3A_377, %mul3A_383 : vector<16xi1>, vector<16xf32>
          %get3A_385 = arith.constant 192 : index
          %get3A_386 = tpu.vector_load %arg11[%get3A_385] {strides = array<i32>} : memref<256xf32, #tpu.memory_space<vmem>>, vector<16xf32>,
          %get3A_387 = vector.shape_cast %get3A_386 : vector<16xf32> to vector<16xf32>
          %mul3A_388 = arith.mulf %select_n3A_384, %get3A_387 : vector<16xf32>
          %get3A_389 = arith.index_cast %scan3A_105 : i32 to index
          %get3A_390 = arith.constant 208 : index
          %get3A_391 = tpu.vector_load %arg17[%get3A_389, %get3A_390] {strides = array<i32>} : memref<64x256xf32, #tpu.memory_space<vmem>>, vector<1x16xf32>,
          %get3A_392 = vector.shape_cast %get3A_391 : vector<1x16xf32> to vector<16xf32>
          %add3A_393 = arith.addf %get3A_392, %get3A_172 : vector<16xf32>
          %ge3A_394 = arith.constant 0.000000e+00 : f32
          %ge3A_395 = vector.broadcast %ge3A_394 : f32 to vector<16xf32>
          %ge3A_396 = arith.cmpf oge, %add3A_393, %ge3A_395 : vector<16xf32>
          %mul3A_397 = arith.constant 2.000000e-01 : f32
          %mul3A_398 = vector.broadcast %mul3A_397 : f32 to vector<16xf32>
          %mul3A_399 = arith.mulf %add3A_393, %mul3A_398 : vector<16xf32>
          %select_n3A_400 = arith.select %ge3A_396, %add3A_393, %mul3A_399 : vector<16xi1>, vector<16xf32>
          %get3A_401 = arith.constant 208 : index
          %get3A_402 = tpu.vector_load %arg11[%get3A_401] {strides = array<i32>} : memref<256xf32, #tpu.memory_space<vmem>>, vector<16xf32>,
          %get3A_403 = vector.shape_cast %get3A_402 : vector<16xf32> to vector<16xf32>
          %mul3A_404 = arith.mulf %select_n3A_400, %get3A_403 : vector<16xf32>
          %get3A_405 = arith.index_cast %scan3A_105 : i32 to index
          %get3A_406 = arith.constant 224 : index
          %get3A_407 = tpu.vector_load %arg17[%get3A_405, %get3A_406] {strides = array<i32>} : memref<64x256xf32, #tpu.memory_space<vmem>>, vector<1x16xf32>,
          %get3A_408 = vector.shape_cast %get3A_407 : vector<1x16xf32> to vector<16xf32>
          %add3A_409 = arith.addf %get3A_408, %get3A_176 : vector<16xf32>
          %ge3A_410 = arith.constant 0.000000e+00 : f32
          %ge3A_411 = vector.broadcast %ge3A_410 : f32 to vector<16xf32>
          %ge3A_412 = arith.cmpf oge, %add3A_409, %ge3A_411 : vector<16xf32>
          %mul3A_413 = arith.constant 2.000000e-01 : f32
          %mul3A_414 = vector.broadcast %mul3A_413 : f32 to vector<16xf32>
          %mul3A_415 = arith.mulf %add3A_409, %mul3A_414 : vector<16xf32>
          %select_n3A_416 = arith.select %ge3A_412, %add3A_409, %mul3A_415 : vector<16xi1>, vector<16xf32>
          %get3A_417 = arith.constant 224 : index
          %get3A_418 = tpu.vector_load %arg11[%get3A_417] {strides = array<i32>} : memref<256xf32, #tpu.memory_space<vmem>>, vector<16xf32>,
          %get3A_419 = vector.shape_cast %get3A_418 : vector<16xf32> to vector<16xf32>
          %mul3A_420 = arith.mulf %select_n3A_416, %get3A_419 : vector<16xf32>
          %get3A_421 = arith.index_cast %scan3A_105 : i32 to index
          %get3A_422 = arith.constant 240 : index
          %get3A_423 = tpu.vector_load %arg17[%get3A_421, %get3A_422] {strides = array<i32>} : memref<64x256xf32, #tpu.memory_space<vmem>>, vector<1x16xf32>,
          %get3A_424 = vector.shape_cast %get3A_423 : vector<1x16xf32> to vector<16xf32>
          %add3A_425 = arith.addf %get3A_424, %get3A_180 : vector<16xf32>
          %ge3A_426 = arith.constant 0.000000e+00 : f32
          %ge3A_427 = vector.broadcast %ge3A_426 : f32 to vector<16xf32>
          %ge3A_428 = arith.cmpf oge, %add3A_425, %ge3A_427 : vector<16xf32>
          %mul3A_429 = arith.constant 2.000000e-01 : f32
          %mul3A_430 = vector.broadcast %mul3A_429 : f32 to vector<16xf32>
          %mul3A_431 = arith.mulf %add3A_425, %mul3A_430 : vector<16xf32>
          %select_n3A_432 = arith.select %ge3A_428, %add3A_425, %mul3A_431 : vector<16xi1>, vector<16xf32>
          %get3A_433 = arith.constant 240 : index
          %get3A_434 = tpu.vector_load %arg11[%get3A_433] {strides = array<i32>} : memref<256xf32, #tpu.memory_space<vmem>>, vector<16xf32>,
          %get3A_435 = vector.shape_cast %get3A_434 : vector<16xf32> to vector<16xf32>
          %mul3A_436 = arith.mulf %select_n3A_432, %get3A_435 : vector<16xf32>
          %add3A_437 = arith.addf %mul3A_196, %mul3A_212 : vector<16xf32>
          %add3A_438 = arith.addf %mul3A_228, %mul3A_244 : vector<16xf32>
          %add3A_439 = arith.addf %add3A_437, %add3A_438 : vector<16xf32>
          %iota3A = tpu.iota {dimensions = array<i32: 0>} : vector<16xi32>
          %xor3A = arith.constant 8 : i32
          %xor3A_440 = vector.broadcast %xor3A : i32 to vector<16xi32>
          %xor3A_441 = arith.xori %iota3A, %xor3A_440 : vector<16xi32>
          %reshape3A = vector.shape_cast %xor3A_441 : vector<16xi32> to vector<16x1xi32>
          %gather3A = vector.shape_cast %reshape3A : vector<16x1xi32> to vector<16xi32>
          %gather3A_442 = tpu.dynamic_gather %add3A_439[%gather3A] in [0] : vector<16xf32>, vector<16xi32> -> vector<16xf32>
          %add3A_443 = arith.addf %add3A_439, %gather3A_442 : vector<16xf32>
          %xor3A_444 = arith.constant 4 : i32
          %xor3A_445 = vector.broadcast %xor3A_444 : i32 to vector<16xi32>
          %xor3A_446 = arith.xori %iota3A, %xor3A_445 : vector<16xi32>
          %reshape3A_447 = vector.shape_cast %xor3A_446 : vector<16xi32> to vector<16x1xi32>
          %gather3A_448 = vector.shape_cast %reshape3A_447 : vector<16x1xi32> to vector<16xi32>
          %gather3A_449 = tpu.dynamic_gather %add3A_443[%gather3A_448] in [0] : vector<16xf32>, vector<16xi32> -> vector<16xf32>
          %add3A_450 = arith.addf %add3A_443, %gather3A_449 : vector<16xf32>
          %xor3A_451 = arith.constant 2 : i32
          %xor3A_452 = vector.broadcast %xor3A_451 : i32 to vector<16xi32>
          %xor3A_453 = arith.xori %iota3A, %xor3A_452 : vector<16xi32>
          %reshape3A_454 = vector.shape_cast %xor3A_453 : vector<16xi32> to vector<16x1xi32>
          %gather3A_455 = vector.shape_cast %reshape3A_454 : vector<16x1xi32> to vector<16xi32>
          %gather3A_456 = tpu.dynamic_gather %add3A_450[%gather3A_455] in [0] : vector<16xf32>, vector<16xi32> -> vector<16xf32>
          %add3A_457 = arith.addf %add3A_450, %gather3A_456 : vector<16xf32>
          %xor3A_458 = arith.constant 1 : i32
          %xor3A_459 = vector.broadcast %xor3A_458 : i32 to vector<16xi32>
          %xor3A_460 = arith.xori %iota3A, %xor3A_459 : vector<16xi32>
          %reshape3A_461 = vector.shape_cast %xor3A_460 : vector<16xi32> to vector<16x1xi32>
          %gather3A_462 = vector.shape_cast %reshape3A_461 : vector<16x1xi32> to vector<16xi32>
          %gather3A_463 = tpu.dynamic_gather %add3A_457[%gather3A_462] in [0] : vector<16xf32>, vector<16xi32> -> vector<16xf32>
          %add3A_464 = arith.addf %add3A_457, %gather3A_463 : vector<16xf32>
          %exp3A = math.exp %add3A_464 : vector<16xf32>
          %add3A_465 = arith.addf %mul3A_260, %mul3A_276 : vector<16xf32>
          %add3A_466 = arith.addf %mul3A_292, %mul3A_308 : vector<16xf32>
          %add3A_467 = arith.addf %add3A_465, %add3A_466 : vector<16xf32>
          %iota3A_468 = tpu.iota {dimensions = array<i32: 0>} : vector<16xi32>
          %xor3A_469 = arith.constant 8 : i32
          %xor3A_470 = vector.broadcast %xor3A_469 : i32 to vector<16xi32>
          %xor3A_471 = arith.xori %iota3A_468, %xor3A_470 : vector<16xi32>
          %reshape3A_472 = vector.shape_cast %xor3A_471 : vector<16xi32> to vector<16x1xi32>
          %gather3A_473 = vector.shape_cast %reshape3A_472 : vector<16x1xi32> to vector<16xi32>
          %gather3A_474 = tpu.dynamic_gather %add3A_467[%gather3A_473] in [0] : vector<16xf32>, vector<16xi32> -> vector<16xf32>
          %add3A_475 = arith.addf %add3A_467, %gather3A_474 : vector<16xf32>
          %xor3A_476 = arith.constant 4 : i32
          %xor3A_477 = vector.broadcast %xor3A_476 : i32 to vector<16xi32>
          %xor3A_478 = arith.xori %iota3A_468, %xor3A_477 : vector<16xi32>
          %reshape3A_479 = vector.shape_cast %xor3A_478 : vector<16xi32> to vector<16x1xi32>
          %gather3A_480 = vector.shape_cast %reshape3A_479 : vector<16x1xi32> to vector<16xi32>
          %gather3A_481 = tpu.dynamic_gather %add3A_475[%gather3A_480] in [0] : vector<16xf32>, vector<16xi32> -> vector<16xf32>
          %add3A_482 = arith.addf %add3A_475, %gather3A_481 : vector<16xf32>
          %xor3A_483 = arith.constant 2 : i32
          %xor3A_484 = vector.broadcast %xor3A_483 : i32 to vector<16xi32>
          %xor3A_485 = arith.xori %iota3A_468, %xor3A_484 : vector<16xi32>
          %reshape3A_486 = vector.shape_cast %xor3A_485 : vector<16xi32> to vector<16x1xi32>
          %gather3A_487 = vector.shape_cast %reshape3A_486 : vector<16x1xi32> to vector<16xi32>
          %gather3A_488 = tpu.dynamic_gather %add3A_482[%gather3A_487] in [0] : vector<16xf32>, vector<16xi32> -> vector<16xf32>
          %add3A_489 = arith.addf %add3A_482, %gather3A_488 : vector<16xf32>
          %xor3A_490 = arith.constant 1 : i32
          %xor3A_491 = vector.broadcast %xor3A_490 : i32 to vector<16xi32>
          %xor3A_492 = arith.xori %iota3A_468, %xor3A_491 : vector<16xi32>
          %reshape3A_493 = vector.shape_cast %xor3A_492 : vector<16xi32> to vector<16x1xi32>
          %gather3A_494 = vector.shape_cast %reshape3A_493 : vector<16x1xi32> to vector<16xi32>
          %gather3A_495 = tpu.dynamic_gather %add3A_489[%gather3A_494] in [0] : vector<16xf32>, vector<16xi32> -> vector<16xf32>
          %add3A_496 = arith.addf %add3A_489, %gather3A_495 : vector<16xf32>
          %exp3A_497 = math.exp %add3A_496 : vector<16xf32>
          %add3A_498 = arith.addf %mul3A_324, %mul3A_340 : vector<16xf32>
          %add3A_499 = arith.addf %mul3A_356, %mul3A_372 : vector<16xf32>
          %add3A_500 = arith.addf %add3A_498, %add3A_499 : vector<16xf32>
          %iota3A_501 = tpu.iota {dimensions = array<i32: 0>} : vector<16xi32>
          %xor3A_502 = arith.constant 8 : i32
          %xor3A_503 = vector.broadcast %xor3A_502 : i32 to vector<16xi32>
          %xor3A_504 = arith.xori %iota3A_501, %xor3A_503 : vector<16xi32>
          %reshape3A_505 = vector.shape_cast %xor3A_504 : vector<16xi32> to vector<16x1xi32>
          %gather3A_506 = vector.shape_cast %reshape3A_505 : vector<16x1xi32> to vector<16xi32>
          %gather3A_507 = tpu.dynamic_gather %add3A_500[%gather3A_506] in [0] : vector<16xf32>, vector<16xi32> -> vector<16xf32>
          %add3A_508 = arith.addf %add3A_500, %gather3A_507 : vector<16xf32>
          %xor3A_509 = arith.constant 4 : i32
          %xor3A_510 = vector.broadcast %xor3A_509 : i32 to vector<16xi32>
          %xor3A_511 = arith.xori %iota3A_501, %xor3A_510 : vector<16xi32>
          %reshape3A_512 = vector.shape_cast %xor3A_511 : vector<16xi32> to vector<16x1xi32>
          %gather3A_513 = vector.shape_cast %reshape3A_512 : vector<16x1xi32> to vector<16xi32>
          %gather3A_514 = tpu.dynamic_gather %add3A_508[%gather3A_513] in [0] : vector<16xf32>, vector<16xi32> -> vector<16xf32>
          %add3A_515 = arith.addf %add3A_508, %gather3A_514 : vector<16xf32>
          %xor3A_516 = arith.constant 2 : i32
          %xor3A_517 = vector.broadcast %xor3A_516 : i32 to vector<16xi32>
          %xor3A_518 = arith.xori %iota3A_501, %xor3A_517 : vector<16xi32>
          %reshape3A_519 = vector.shape_cast %xor3A_518 : vector<16xi32> to vector<16x1xi32>
          %gather3A_520 = vector.shape_cast %reshape3A_519 : vector<16x1xi32> to vector<16xi32>
          %gather3A_521 = tpu.dynamic_gather %add3A_515[%gather3A_520] in [0] : vector<16xf32>, vector<16xi32> -> vector<16xf32>
          %add3A_522 = arith.addf %add3A_515, %gather3A_521 : vector<16xf32>
          %xor3A_523 = arith.constant 1 : i32
          %xor3A_524 = vector.broadcast %xor3A_523 : i32 to vector<16xi32>
          %xor3A_525 = arith.xori %iota3A_501, %xor3A_524 : vector<16xi32>
          %reshape3A_526 = vector.shape_cast %xor3A_525 : vector<16xi32> to vector<16x1xi32>
          %gather3A_527 = vector.shape_cast %reshape3A_526 : vector<16x1xi32> to vector<16xi32>
          %gather3A_528 = tpu.dynamic_gather %add3A_522[%gather3A_527] in [0] : vector<16xf32>, vector<16xi32> -> vector<16xf32>
          %add3A_529 = arith.addf %add3A_522, %gather3A_528 : vector<16xf32>
          %exp3A_530 = math.exp %add3A_529 : vector<16xf32>
          %add3A_531 = arith.addf %mul3A_388, %mul3A_404 : vector<16xf32>
          %add3A_532 = arith.addf %mul3A_420, %mul3A_436 : vector<16xf32>
          %add3A_533 = arith.addf %add3A_531, %add3A_532 : vector<16xf32>
          %iota3A_534 = tpu.iota {dimensions = array<i32: 0>} : vector<16xi32>
          %xor3A_535 = arith.constant 8 : i32
          %xor3A_536 = vector.broadcast %xor3A_535 : i32 to vector<16xi32>
          %xor3A_537 = arith.xori %iota3A_534, %xor3A_536 : vector<16xi32>
          %reshape3A_538 = vector.shape_cast %xor3A_537 : vector<16xi32> to vector<16x1xi32>
          %gather3A_539 = vector.shape_cast %reshape3A_538 : vector<16x1xi32> to vector<16xi32>
          %gather3A_540 = tpu.dynamic_gather %add3A_533[%gather3A_539] in [0] : vector<16xf32>, vector<16xi32> -> vector<16xf32>
          %add3A_541 = arith.addf %add3A_533, %gather3A_540 : vector<16xf32>
          %xor3A_542 = arith.constant 4 : i32
          %xor3A_543 = vector.broadcast %xor3A_542 : i32 to vector<16xi32>
          %xor3A_544 = arith.xori %iota3A_534, %xor3A_543 : vector<16xi32>
          %reshape3A_545 = vector.shape_cast %xor3A_544 : vector<16xi32> to vector<16x1xi32>
          %gather3A_546 = vector.shape_cast %reshape3A_545 : vector<16x1xi32> to vector<16xi32>
          %gather3A_547 = tpu.dynamic_gather %add3A_541[%gather3A_546] in [0] : vector<16xf32>, vector<16xi32> -> vector<16xf32>
          %add3A_548 = arith.addf %add3A_541, %gather3A_547 : vector<16xf32>
          %xor3A_549 = arith.constant 2 : i32
          %xor3A_550 = vector.broadcast %xor3A_549 : i32 to vector<16xi32>
          %xor3A_551 = arith.xori %iota3A_534, %xor3A_550 : vector<16xi32>
          %reshape3A_552 = vector.shape_cast %xor3A_551 : vector<16xi32> to vector<16x1xi32>
          %gather3A_553 = vector.shape_cast %reshape3A_552 : vector<16x1xi32> to vector<16xi32>
          %gather3A_554 = tpu.dynamic_gather %add3A_548[%gather3A_553] in [0] : vector<16xf32>, vector<16xi32> -> vector<16xf32>
          %add3A_555 = arith.addf %add3A_548, %gather3A_554 : vector<16xf32>
          %xor3A_556 = arith.constant 1 : i32
          %xor3A_557 = vector.broadcast %xor3A_556 : i32 to vector<16xi32>
          %xor3A_558 = arith.xori %iota3A_534, %xor3A_557 : vector<16xi32>
          %reshape3A_559 = vector.shape_cast %xor3A_558 : vector<16xi32> to vector<16x1xi32>
          %gather3A_560 = vector.shape_cast %reshape3A_559 : vector<16x1xi32> to vector<16xi32>
          %gather3A_561 = tpu.dynamic_gather %add3A_555[%gather3A_560] in [0] : vector<16xf32>, vector<16xi32> -> vector<16xf32>
          %add3A_562 = arith.addf %add3A_555, %gather3A_561 : vector<16xf32>
          %exp3A_563 = math.exp %add3A_562 : vector<16xf32>
          %mul3A_564 = arith.mulf %exp3A, %get3A_120 : vector<16xf32>
          %swap3A = arith.index_cast %sub3A_116 : i32 to index
          %swap3A_565 = arith.constant 0 : index
          %swap3A_566 = tpu.vector_load %arg18[%swap3A, %swap3A_565] {strides = array<i32>} : memref<320x256xf32, #tpu.memory_space<vmem>>, vector<1x16xf32>,
          %swap3A_567 = vector.shape_cast %swap3A_566 : vector<1x16xf32> to vector<16xf32>
          %swap3A_568 = vector.shape_cast %mul3A_564 : vector<16xf32> to vector<1x16xf32>
          tpu.vector_store %arg18[%swap3A, %swap3A_565], %swap3A_568 {add = true, strides = array<i32>} : memref<320x256xf32, #tpu.memory_space<vmem>>, vector<1x16xf32>,
          %mul3A_569 = arith.mulf %exp3A, %get3A_124 : vector<16xf32>
          %swap3A_570 = arith.index_cast %sub3A_116 : i32 to index
          %swap3A_571 = arith.constant 16 : index
          %swap3A_572 = tpu.vector_load %arg18[%swap3A_570, %swap3A_571] {strides = array<i32>} : memref<320x256xf32, #tpu.memory_space<vmem>>, vector<1x16xf32>,
          %swap3A_573 = vector.shape_cast %swap3A_572 : vector<1x16xf32> to vector<16xf32>
          %swap3A_574 = vector.shape_cast %mul3A_569 : vector<16xf32> to vector<1x16xf32>
          tpu.vector_store %arg18[%swap3A_570, %swap3A_571], %swap3A_574 {add = true, strides = array<i32>} : memref<320x256xf32, #tpu.memory_space<vmem>>, vector<1x16xf32>,
          %mul3A_575 = arith.mulf %exp3A, %get3A_128 : vector<16xf32>
          %swap3A_576 = arith.index_cast %sub3A_116 : i32 to index
          %swap3A_577 = arith.constant 32 : index
          %swap3A_578 = tpu.vector_load %arg18[%swap3A_576, %swap3A_577] {strides = array<i32>} : memref<320x256xf32, #tpu.memory_space<vmem>>, vector<1x16xf32>,
          %swap3A_579 = vector.shape_cast %swap3A_578 : vector<1x16xf32> to vector<16xf32>
          %swap3A_580 = vector.shape_cast %mul3A_575 : vector<16xf32> to vector<1x16xf32>
          tpu.vector_store %arg18[%swap3A_576, %swap3A_577], %swap3A_580 {add = true, strides = array<i32>} : memref<320x256xf32, #tpu.memory_space<vmem>>, vector<1x16xf32>,
          %mul3A_581 = arith.mulf %exp3A, %get3A_132 : vector<16xf32>
          %swap3A_582 = arith.index_cast %sub3A_116 : i32 to index
          %swap3A_583 = arith.constant 48 : index
          %swap3A_584 = tpu.vector_load %arg18[%swap3A_582, %swap3A_583] {strides = array<i32>} : memref<320x256xf32, #tpu.memory_space<vmem>>, vector<1x16xf32>,
          %swap3A_585 = vector.shape_cast %swap3A_584 : vector<1x16xf32> to vector<16xf32>
          %swap3A_586 = vector.shape_cast %mul3A_581 : vector<16xf32> to vector<1x16xf32>
          tpu.vector_store %arg18[%swap3A_582, %swap3A_583], %swap3A_586 {add = true, strides = array<i32>} : memref<320x256xf32, #tpu.memory_space<vmem>>, vector<1x16xf32>,
          %mul3A_587 = arith.mulf %exp3A_497, %get3A_136 : vector<16xf32>
          %swap3A_588 = arith.index_cast %sub3A_116 : i32 to index
          %swap3A_589 = arith.constant 64 : index
          %swap3A_590 = tpu.vector_load %arg18[%swap3A_588, %swap3A_589] {strides = array<i32>} : memref<320x256xf32, #tpu.memory_space<vmem>>, vector<1x16xf32>,
          %swap3A_591 = vector.shape_cast %swap3A_590 : vector<1x16xf32> to vector<16xf32>
          %swap3A_592 = vector.shape_cast %mul3A_587 : vector<16xf32> to vector<1x16xf32>
          tpu.vector_store %arg18[%swap3A_588, %swap3A_589], %swap3A_592 {add = true, strides = array<i32>} : memref<320x256xf32, #tpu.memory_space<vmem>>, vector<1x16xf32>,
          %mul3A_593 = arith.mulf %exp3A_497, %get3A_140 : vector<16xf32>
          %swap3A_594 = arith.index_cast %sub3A_116 : i32 to index
          %swap3A_595 = arith.constant 80 : index
          %swap3A_596 = tpu.vector_load %arg18[%swap3A_594, %swap3A_595] {strides = array<i32>} : memref<320x256xf32, #tpu.memory_space<vmem>>, vector<1x16xf32>,
          %swap3A_597 = vector.shape_cast %swap3A_596 : vector<1x16xf32> to vector<16xf32>
          %swap3A_598 = vector.shape_cast %mul3A_593 : vector<16xf32> to vector<1x16xf32>
          tpu.vector_store %arg18[%swap3A_594, %swap3A_595], %swap3A_598 {add = true, strides = array<i32>} : memref<320x256xf32, #tpu.memory_space<vmem>>, vector<1x16xf32>,
          %mul3A_599 = arith.mulf %exp3A_497, %get3A_144 : vector<16xf32>
          %swap3A_600 = arith.index_cast %sub3A_116 : i32 to index
          %swap3A_601 = arith.constant 96 : index
          %swap3A_602 = tpu.vector_load %arg18[%swap3A_600, %swap3A_601] {strides = array<i32>} : memref<320x256xf32, #tpu.memory_space<vmem>>, vector<1x16xf32>,
          %swap3A_603 = vector.shape_cast %swap3A_602 : vector<1x16xf32> to vector<16xf32>
          %swap3A_604 = vector.shape_cast %mul3A_599 : vector<16xf32> to vector<1x16xf32>
          tpu.vector_store %arg18[%swap3A_600, %swap3A_601], %swap3A_604 {add = true, strides = array<i32>} : memref<320x256xf32, #tpu.memory_space<vmem>>, vector<1x16xf32>,
          %mul3A_605 = arith.mulf %exp3A_497, %get3A_148 : vector<16xf32>
          %swap3A_606 = arith.index_cast %sub3A_116 : i32 to index
          %swap3A_607 = arith.constant 112 : index
          %swap3A_608 = tpu.vector_load %arg18[%swap3A_606, %swap3A_607] {strides = array<i32>} : memref<320x256xf32, #tpu.memory_space<vmem>>, vector<1x16xf32>,
          %swap3A_609 = vector.shape_cast %swap3A_608 : vector<1x16xf32> to vector<16xf32>
          %swap3A_610 = vector.shape_cast %mul3A_605 : vector<16xf32> to vector<1x16xf32>
          tpu.vector_store %arg18[%swap3A_606, %swap3A_607], %swap3A_610 {add = true, strides = array<i32>} : memref<320x256xf32, #tpu.memory_space<vmem>>, vector<1x16xf32>,
          %mul3A_611 = arith.mulf %exp3A_530, %get3A_152 : vector<16xf32>
          %swap3A_612 = arith.index_cast %sub3A_116 : i32 to index
          %swap3A_613 = arith.constant 128 : index
          %swap3A_614 = tpu.vector_load %arg18[%swap3A_612, %swap3A_613] {strides = array<i32>} : memref<320x256xf32, #tpu.memory_space<vmem>>, vector<1x16xf32>,
          %swap3A_615 = vector.shape_cast %swap3A_614 : vector<1x16xf32> to vector<16xf32>
          %swap3A_616 = vector.shape_cast %mul3A_611 : vector<16xf32> to vector<1x16xf32>
          tpu.vector_store %arg18[%swap3A_612, %swap3A_613], %swap3A_616 {add = true, strides = array<i32>} : memref<320x256xf32, #tpu.memory_space<vmem>>, vector<1x16xf32>,
          %mul3A_617 = arith.mulf %exp3A_530, %get3A_156 : vector<16xf32>
          %swap3A_618 = arith.index_cast %sub3A_116 : i32 to index
          %swap3A_619 = arith.constant 144 : index
          %swap3A_620 = tpu.vector_load %arg18[%swap3A_618, %swap3A_619] {strides = array<i32>} : memref<320x256xf32, #tpu.memory_space<vmem>>, vector<1x16xf32>,
          %swap3A_621 = vector.shape_cast %swap3A_620 : vector<1x16xf32> to vector<16xf32>
          %swap3A_622 = vector.shape_cast %mul3A_617 : vector<16xf32> to vector<1x16xf32>
          tpu.vector_store %arg18[%swap3A_618, %swap3A_619], %swap3A_622 {add = true, strides = array<i32>} : memref<320x256xf32, #tpu.memory_space<vmem>>, vector<1x16xf32>,
          %mul3A_623 = arith.mulf %exp3A_530, %get3A_160 : vector<16xf32>
          %swap3A_624 = arith.index_cast %sub3A_116 : i32 to index
          %swap3A_625 = arith.constant 160 : index
          %swap3A_626 = tpu.vector_load %arg18[%swap3A_624, %swap3A_625] {strides = array<i32>} : memref<320x256xf32, #tpu.memory_space<vmem>>, vector<1x16xf32>,
          %swap3A_627 = vector.shape_cast %swap3A_626 : vector<1x16xf32> to vector<16xf32>
          %swap3A_628 = vector.shape_cast %mul3A_623 : vector<16xf32> to vector<1x16xf32>
          tpu.vector_store %arg18[%swap3A_624, %swap3A_625], %swap3A_628 {add = true, strides = array<i32>} : memref<320x256xf32, #tpu.memory_space<vmem>>, vector<1x16xf32>,
          %mul3A_629 = arith.mulf %exp3A_530, %get3A_164 : vector<16xf32>
          %swap3A_630 = arith.index_cast %sub3A_116 : i32 to index
          %swap3A_631 = arith.constant 176 : index
          %swap3A_632 = tpu.vector_load %arg18[%swap3A_630, %swap3A_631] {strides = array<i32>} : memref<320x256xf32, #tpu.memory_space<vmem>>, vector<1x16xf32>,
          %swap3A_633 = vector.shape_cast %swap3A_632 : vector<1x16xf32> to vector<16xf32>
          %swap3A_634 = vector.shape_cast %mul3A_629 : vector<16xf32> to vector<1x16xf32>
          tpu.vector_store %arg18[%swap3A_630, %swap3A_631], %swap3A_634 {add = true, strides = array<i32>} : memref<320x256xf32, #tpu.memory_space<vmem>>, vector<1x16xf32>,
          %mul3A_635 = arith.mulf %exp3A_563, %get3A_168 : vector<16xf32>
          %swap3A_636 = arith.index_cast %sub3A_116 : i32 to index
          %swap3A_637 = arith.constant 192 : index
          %swap3A_638 = tpu.vector_load %arg18[%swap3A_636, %swap3A_637] {strides = array<i32>} : memref<320x256xf32, #tpu.memory_space<vmem>>, vector<1x16xf32>,
          %swap3A_639 = vector.shape_cast %swap3A_638 : vector<1x16xf32> to vector<16xf32>
          %swap3A_640 = vector.shape_cast %mul3A_635 : vector<16xf32> to vector<1x16xf32>
          tpu.vector_store %arg18[%swap3A_636, %swap3A_637], %swap3A_640 {add = true, strides = array<i32>} : memref<320x256xf32, #tpu.memory_space<vmem>>, vector<1x16xf32>,
          %mul3A_641 = arith.mulf %exp3A_563, %get3A_172 : vector<16xf32>
          %swap3A_642 = arith.index_cast %sub3A_116 : i32 to index
          %swap3A_643 = arith.constant 208 : index
          %swap3A_644 = tpu.vector_load %arg18[%swap3A_642, %swap3A_643] {strides = array<i32>} : memref<320x256xf32, #tpu.memory_space<vmem>>, vector<1x16xf32>,
          %swap3A_645 = vector.shape_cast %swap3A_644 : vector<1x16xf32> to vector<16xf32>
          %swap3A_646 = vector.shape_cast %mul3A_641 : vector<16xf32> to vector<1x16xf32>
          tpu.vector_store %arg18[%swap3A_642, %swap3A_643], %swap3A_646 {add = true, strides = array<i32>} : memref<320x256xf32, #tpu.memory_space<vmem>>, vector<1x16xf32>,
          %mul3A_647 = arith.mulf %exp3A_563, %get3A_176 : vector<16xf32>
          %swap3A_648 = arith.index_cast %sub3A_116 : i32 to index
          %swap3A_649 = arith.constant 224 : index
          %swap3A_650 = tpu.vector_load %arg18[%swap3A_648, %swap3A_649] {strides = array<i32>} : memref<320x256xf32, #tpu.memory_space<vmem>>, vector<1x16xf32>,
          %swap3A_651 = vector.shape_cast %swap3A_650 : vector<1x16xf32> to vector<16xf32>
          %swap3A_652 = vector.shape_cast %mul3A_647 : vector<16xf32> to vector<1x16xf32>
          tpu.vector_store %arg18[%swap3A_648, %swap3A_649], %swap3A_652 {add = true, strides = array<i32>} : memref<320x256xf32, #tpu.memory_space<vmem>>, vector<1x16xf32>,
          %mul3A_653 = arith.mulf %exp3A_563, %get3A_180 : vector<16xf32>
          %swap3A_654 = arith.index_cast %sub3A_116 : i32 to index
          %swap3A_655 = arith.constant 240 : index
          %swap3A_656 = tpu.vector_load %arg18[%swap3A_654, %swap3A_655] {strides = array<i32>} : memref<320x256xf32, #tpu.memory_space<vmem>>, vector<1x16xf32>,
          %swap3A_657 = vector.shape_cast %swap3A_656 : vector<1x16xf32> to vector<16xf32>
          %swap3A_658 = vector.shape_cast %mul3A_653 : vector<16xf32> to vector<1x16xf32>
          tpu.vector_store %arg18[%swap3A_654, %swap3A_655], %swap3A_658 {add = true, strides = array<i32>} : memref<320x256xf32, #tpu.memory_space<vmem>>, vector<1x16xf32>,
          %iota3A_659 = tpu.iota {dimensions = array<i32: 0>} : vector<16xi32>
          %lt3A_660 = arith.constant 4 : i32
          %lt3A_661 = vector.broadcast %lt3A_660 : i32 to vector<16xi32>
          %lt3A_662 = arith.cmpi slt, %iota3A_659, %lt3A_661 : vector<16xi32>
          %lt3A_663 = arith.constant 8 : i32
          %lt3A_664 = vector.broadcast %lt3A_663 : i32 to vector<16xi32>
          %lt3A_665 = arith.cmpi slt, %iota3A_659, %lt3A_664 : vector<16xi32>
          %lt3A_666 = arith.constant 12 : i32
          %lt3A_667 = vector.broadcast %lt3A_666 : i32 to vector<16xi32>
          %lt3A_668 = arith.cmpi slt, %iota3A_659, %lt3A_667 : vector<16xi32>
          %select_n3A_669 = arith.select %lt3A_668, %exp3A_530, %exp3A_563 : vector<16xi1>, vector<16xf32>
          %select_n3A_670 = arith.select %lt3A_665, %exp3A_497, %select_n3A_669 : vector<16xi1>, vector<16xf32>
          %select_n3A_671 = arith.select %lt3A_662, %exp3A, %select_n3A_670 : vector<16xi1>, vector<16xf32>
          %mul3A_672 = arith.constant 16 : i32
          %mul3A_673 = arith.muli %sub3A_116, %mul3A_672 : i32
          %swap3A_674 = arith.index_cast %mul3A_673 : i32 to index
          %swap3A_675 = tpu.vector_load %arg19[%swap3A_674] {strides = array<i32>} : memref<5120xf32, #tpu.memory_space<vmem>>, vector<16xf32>,
          %swap3A_676 = vector.shape_cast %swap3A_675 : vector<16xf32> to vector<16xf32>
          %swap3A_677 = vector.shape_cast %select_n3A_671 : vector<16xf32> to vector<16xf32>
          tpu.vector_store %arg19[%swap3A_674], %swap3A_677 {add = true, strides = array<i32>} : memref<5120xf32, #tpu.memory_space<vmem>>, vector<16xf32>,
        } else {
        }
        %scan3A_110 = arith.constant 0 : i32
        scf.yield %scan3A_110 : i32
      }
      %scan3A_103 = arith.constant 64 : i32
      %while3A_104 = arith.constant 0 : i32
      scf.yield %while3A_104 : i32
    }
    %scan3A_75 = arith.constant 0 : i32
    %scan3A_76 = arith.constant 0 : i32
    %scan3A_77 = arith.constant 320 : i32
    %scan3A_78 = arith.addi %scan3A_76, %scan3A_77 : i32
    %scan3A_79 = arith.constant 1 : i32
    %scan3A_80 = scf.for %scan3A_82 = %scan3A_76 to %scan3A_78 step %scan3A_79 iter_args(%scan3A_83 = %scan3A_75) -> (i32)  : i32 {
      %mul3A_84 = arith.constant 16 : i32
      %mul3A_85 = arith.muli %scan3A_82, %mul3A_84 : i32
      %get3A_86 = arith.index_cast %mul3A_85 : i32 to index
      %get3A_87 = tpu.vector_load %arg19[%get3A_86] {strides = array<i32>} : memref<5120xf32, #tpu.memory_space<vmem>>, vector<16xf32>,
      %get3A_88 = vector.shape_cast %get3A_87 : vector<16xf32> to vector<16xf32>
      %slice3A_89 = vector.extract_strided_slice %get3A_88 {offsets = [0], sizes = [1], strides = [1]} : vector<16xf32> to vector<1xf32>
      %squeeze3A_90 = vector.extract %slice3A_89[0] : f32 from vector<1xf32>
      %broadcast_in_dim3A_91 = vector.broadcast %squeeze3A_90 : f32 to vector<16xf32>
      %add3A_92 = arith.constant 1.000000e-16 : f32
      %add3A_93 = vector.broadcast %add3A_92 : f32 to vector<16xf32>
      %add3A_94 = arith.addf %broadcast_in_dim3A_91, %add3A_93 : vector<16xf32>
      %div3A_95 = arith.constant 1.000000e+00 : f32
      %div3A_96 = vector.broadcast %div3A_95 : f32 to vector<16xf32>
      %div3A_97 = arith.divf %div3A_96, %add3A_94 : vector<16xf32>
      %get3A_98 = arith.index_cast %scan3A_82 : i32 to index
      %get3A_99 = arith.constant 0 : index
      %get3A_100 = tpu.vector_load %arg18[%get3A_98, %get3A_99] {strides = array<i32>} : memref<320x256xf32, #tpu.memory_space<vmem>>, vector<1x16xf32>,
      %get3A_101 = vector.shape_cast %get3A_100 : vector<1x16xf32> to vector<16xf32>
      %mul3A_102 = arith.mulf %get3A_101, %div3A_97 : vector<16xf32>
      %get3A_103 = arith.constant 0 : index
      %get3A_104 = tpu.vector_load %arg12[%get3A_103] {strides = array<i32>} : memref<256xf32, #tpu.memory_space<vmem>>, vector<16xf32>,
      %get3A_105 = vector.shape_cast %get3A_104 : vector<16xf32> to vector<16xf32>
      %add3A_106 = arith.addf %mul3A_102, %get3A_105 : vector<16xf32>
      %gt3A = arith.constant 0.000000e+00 : f32
      %gt3A_107 = vector.broadcast %gt3A : f32 to vector<16xf32>
      %gt3A_108 = arith.cmpf ogt, %add3A_106, %gt3A_107 : vector<16xf32>
      %exp3A = math.exp %add3A_106 : vector<16xf32>
      %sub3A_109 = arith.constant 1.000000e+00 : f32
      %sub3A_110 = vector.broadcast %sub3A_109 : f32 to vector<16xf32>
      %sub3A_111 = arith.subf %exp3A, %sub3A_110 : vector<16xf32>
      %select_n3A_112 = arith.select %gt3A_108, %add3A_106, %sub3A_111 : vector<16xi1>, vector<16xf32>
      %swap3A = arith.index_cast %scan3A_82 : i32 to index
      %swap3A_113 = arith.constant 0 : index
      %swap3A_114 = tpu.vector_load %arg18[%swap3A, %swap3A_113] {strides = array<i32>} : memref<320x256xf32, #tpu.memory_space<vmem>>, vector<1x16xf32>,
      %swap3A_115 = vector.shape_cast %swap3A_114 : vector<1x16xf32> to vector<16xf32>
      %swap3A_116 = vector.shape_cast %select_n3A_112 : vector<16xf32> to vector<1x16xf32>
      tpu.vector_store %arg18[%swap3A, %swap3A_113], %swap3A_116 {strides = array<i32>} : memref<320x256xf32, #tpu.memory_space<vmem>>, vector<1x16xf32>,
      %get3A_117 = arith.index_cast %scan3A_82 : i32 to index
      %get3A_118 = arith.constant 16 : index
      %get3A_119 = tpu.vector_load %arg18[%get3A_117, %get3A_118] {strides = array<i32>} : memref<320x256xf32, #tpu.memory_space<vmem>>, vector<1x16xf32>,
      %get3A_120 = vector.shape_cast %get3A_119 : vector<1x16xf32> to vector<16xf32>
      %mul3A_121 = arith.mulf %get3A_120, %div3A_97 : vector<16xf32>
      %get3A_122 = arith.constant 16 : index
      %get3A_123 = tpu.vector_load %arg12[%get3A_122] {strides = array<i32>} : memref<256xf32, #tpu.memory_space<vmem>>, vector<16xf32>,
      %get3A_124 = vector.shape_cast %get3A_123 : vector<16xf32> to vector<16xf32>
      %add3A_125 = arith.addf %mul3A_121, %get3A_124 : vector<16xf32>
      %gt3A_126 = arith.constant 0.000000e+00 : f32
      %gt3A_127 = vector.broadcast %gt3A_126 : f32 to vector<16xf32>
      %gt3A_128 = arith.cmpf ogt, %add3A_125, %gt3A_127 : vector<16xf32>
      %exp3A_129 = math.exp %add3A_125 : vector<16xf32>
      %sub3A_130 = arith.constant 1.000000e+00 : f32
      %sub3A_131 = vector.broadcast %sub3A_130 : f32 to vector<16xf32>
      %sub3A_132 = arith.subf %exp3A_129, %sub3A_131 : vector<16xf32>
      %select_n3A_133 = arith.select %gt3A_128, %add3A_125, %sub3A_132 : vector<16xi1>, vector<16xf32>
      %swap3A_134 = arith.index_cast %scan3A_82 : i32 to index
      %swap3A_135 = arith.constant 16 : index
      %swap3A_136 = tpu.vector_load %arg18[%swap3A_134, %swap3A_135] {strides = array<i32>} : memref<320x256xf32, #tpu.memory_space<vmem>>, vector<1x16xf32>,
      %swap3A_137 = vector.shape_cast %swap3A_136 : vector<1x16xf32> to vector<16xf32>
      %swap3A_138 = vector.shape_cast %select_n3A_133 : vector<16xf32> to vector<1x16xf32>
      tpu.vector_store %arg18[%swap3A_134, %swap3A_135], %swap3A_138 {strides = array<i32>} : memref<320x256xf32, #tpu.memory_space<vmem>>, vector<1x16xf32>,
      %get3A_139 = arith.index_cast %scan3A_82 : i32 to index
      %get3A_140 = arith.constant 32 : index
      %get3A_141 = tpu.vector_load %arg18[%get3A_139, %get3A_140] {strides = array<i32>} : memref<320x256xf32, #tpu.memory_space<vmem>>, vector<1x16xf32>,
      %get3A_142 = vector.shape_cast %get3A_141 : vector<1x16xf32> to vector<16xf32>
      %mul3A_143 = arith.mulf %get3A_142, %div3A_97 : vector<16xf32>
      %get3A_144 = arith.constant 32 : index
      %get3A_145 = tpu.vector_load %arg12[%get3A_144] {strides = array<i32>} : memref<256xf32, #tpu.memory_space<vmem>>, vector<16xf32>,
      %get3A_146 = vector.shape_cast %get3A_145 : vector<16xf32> to vector<16xf32>
      %add3A_147 = arith.addf %mul3A_143, %get3A_146 : vector<16xf32>
      %gt3A_148 = arith.constant 0.000000e+00 : f32
      %gt3A_149 = vector.broadcast %gt3A_148 : f32 to vector<16xf32>
      %gt3A_150 = arith.cmpf ogt, %add3A_147, %gt3A_149 : vector<16xf32>
      %exp3A_151 = math.exp %add3A_147 : vector<16xf32>
      %sub3A_152 = arith.constant 1.000000e+00 : f32
      %sub3A_153 = vector.broadcast %sub3A_152 : f32 to vector<16xf32>
      %sub3A_154 = arith.subf %exp3A_151, %sub3A_153 : vector<16xf32>
      %select_n3A_155 = arith.select %gt3A_150, %add3A_147, %sub3A_154 : vector<16xi1>, vector<16xf32>
      %swap3A_156 = arith.index_cast %scan3A_82 : i32 to index
      %swap3A_157 = arith.constant 32 : index
      %swap3A_158 = tpu.vector_load %arg18[%swap3A_156, %swap3A_157] {strides = array<i32>} : memref<320x256xf32, #tpu.memory_space<vmem>>, vector<1x16xf32>,
      %swap3A_159 = vector.shape_cast %swap3A_158 : vector<1x16xf32> to vector<16xf32>
      %swap3A_160 = vector.shape_cast %select_n3A_155 : vector<16xf32> to vector<1x16xf32>
      tpu.vector_store %arg18[%swap3A_156, %swap3A_157], %swap3A_160 {strides = array<i32>} : memref<320x256xf32, #tpu.memory_space<vmem>>, vector<1x16xf32>,
      %get3A_161 = arith.index_cast %scan3A_82 : i32 to index
      %get3A_162 = arith.constant 48 : index
      %get3A_163 = tpu.vector_load %arg18[%get3A_161, %get3A_162] {strides = array<i32>} : memref<320x256xf32, #tpu.memory_space<vmem>>, vector<1x16xf32>,
      %get3A_164 = vector.shape_cast %get3A_163 : vector<1x16xf32> to vector<16xf32>
      %mul3A_165 = arith.mulf %get3A_164, %div3A_97 : vector<16xf32>
      %get3A_166 = arith.constant 48 : index
      %get3A_167 = tpu.vector_load %arg12[%get3A_166] {strides = array<i32>} : memref<256xf32, #tpu.memory_space<vmem>>, vector<16xf32>,
      %get3A_168 = vector.shape_cast %get3A_167 : vector<16xf32> to vector<16xf32>
      %add3A_169 = arith.addf %mul3A_165, %get3A_168 : vector<16xf32>
      %gt3A_170 = arith.constant 0.000000e+00 : f32
      %gt3A_171 = vector.broadcast %gt3A_170 : f32 to vector<16xf32>
      %gt3A_172 = arith.cmpf ogt, %add3A_169, %gt3A_171 : vector<16xf32>
      %exp3A_173 = math.exp %add3A_169 : vector<16xf32>
      %sub3A_174 = arith.constant 1.000000e+00 : f32
      %sub3A_175 = vector.broadcast %sub3A_174 : f32 to vector<16xf32>
      %sub3A_176 = arith.subf %exp3A_173, %sub3A_175 : vector<16xf32>
      %select_n3A_177 = arith.select %gt3A_172, %add3A_169, %sub3A_176 : vector<16xi1>, vector<16xf32>
      %swap3A_178 = arith.index_cast %scan3A_82 : i32 to index
      %swap3A_179 = arith.constant 48 : index
      %swap3A_180 = tpu.vector_load %arg18[%swap3A_178, %swap3A_179] {strides = array<i32>} : memref<320x256xf32, #tpu.memory_space<vmem>>, vector<1x16xf32>,
      %swap3A_181 = vector.shape_cast %swap3A_180 : vector<1x16xf32> to vector<16xf32>
      %swap3A_182 = vector.shape_cast %select_n3A_177 : vector<16xf32> to vector<1x16xf32>
      tpu.vector_store %arg18[%swap3A_178, %swap3A_179], %swap3A_182 {strides = array<i32>} : memref<320x256xf32, #tpu.memory_space<vmem>>, vector<1x16xf32>,
      %slice3A_183 = vector.extract_strided_slice %get3A_88 {offsets = [4], sizes = [1], strides = [1]} : vector<16xf32> to vector<1xf32>
      %squeeze3A_184 = vector.extract %slice3A_183[0] : f32 from vector<1xf32>
      %broadcast_in_dim3A_185 = vector.broadcast %squeeze3A_184 : f32 to vector<16xf32>
      %add3A_186 = arith.constant 1.000000e-16 : f32
      %add3A_187 = vector.broadcast %add3A_186 : f32 to vector<16xf32>
      %add3A_188 = arith.addf %broadcast_in_dim3A_185, %add3A_187 : vector<16xf32>
      %div3A_189 = arith.constant 1.000000e+00 : f32
      %div3A_190 = vector.broadcast %div3A_189 : f32 to vector<16xf32>
      %div3A_191 = arith.divf %div3A_190, %add3A_188 : vector<16xf32>
      %get3A_192 = arith.index_cast %scan3A_82 : i32 to index
      %get3A_193 = arith.constant 64 : index
      %get3A_194 = tpu.vector_load %arg18[%get3A_192, %get3A_193] {strides = array<i32>} : memref<320x256xf32, #tpu.memory_space<vmem>>, vector<1x16xf32>,
      %get3A_195 = vector.shape_cast %get3A_194 : vector<1x16xf32> to vector<16xf32>
      %mul3A_196 = arith.mulf %get3A_195, %div3A_191 : vector<16xf32>
      %get3A_197 = arith.constant 64 : index
      %get3A_198 = tpu.vector_load %arg12[%get3A_197] {strides = array<i32>} : memref<256xf32, #tpu.memory_space<vmem>>, vector<16xf32>,
      %get3A_199 = vector.shape_cast %get3A_198 : vector<16xf32> to vector<16xf32>
      %add3A_200 = arith.addf %mul3A_196, %get3A_199 : vector<16xf32>
      %gt3A_201 = arith.constant 0.000000e+00 : f32
      %gt3A_202 = vector.broadcast %gt3A_201 : f32 to vector<16xf32>
      %gt3A_203 = arith.cmpf ogt, %add3A_200, %gt3A_202 : vector<16xf32>
      %exp3A_204 = math.exp %add3A_200 : vector<16xf32>
      %sub3A_205 = arith.constant 1.000000e+00 : f32
      %sub3A_206 = vector.broadcast %sub3A_205 : f32 to vector<16xf32>
      %sub3A_207 = arith.subf %exp3A_204, %sub3A_206 : vector<16xf32>
      %select_n3A_208 = arith.select %gt3A_203, %add3A_200, %sub3A_207 : vector<16xi1>, vector<16xf32>
      %swap3A_209 = arith.index_cast %scan3A_82 : i32 to index
      %swap3A_210 = arith.constant 64 : index
      %swap3A_211 = tpu.vector_load %arg18[%swap3A_209, %swap3A_210] {strides = array<i32>} : memref<320x256xf32, #tpu.memory_space<vmem>>, vector<1x16xf32>,
      %swap3A_212 = vector.shape_cast %swap3A_211 : vector<1x16xf32> to vector<16xf32>
      %swap3A_213 = vector.shape_cast %select_n3A_208 : vector<16xf32> to vector<1x16xf32>
      tpu.vector_store %arg18[%swap3A_209, %swap3A_210], %swap3A_213 {strides = array<i32>} : memref<320x256xf32, #tpu.memory_space<vmem>>, vector<1x16xf32>,
      %get3A_214 = arith.index_cast %scan3A_82 : i32 to index
      %get3A_215 = arith.constant 80 : index
      %get3A_216 = tpu.vector_load %arg18[%get3A_214, %get3A_215] {strides = array<i32>} : memref<320x256xf32, #tpu.memory_space<vmem>>, vector<1x16xf32>,
      %get3A_217 = vector.shape_cast %get3A_216 : vector<1x16xf32> to vector<16xf32>
      %mul3A_218 = arith.mulf %get3A_217, %div3A_191 : vector<16xf32>
      %get3A_219 = arith.constant 80 : index
      %get3A_220 = tpu.vector_load %arg12[%get3A_219] {strides = array<i32>} : memref<256xf32, #tpu.memory_space<vmem>>, vector<16xf32>,
      %get3A_221 = vector.shape_cast %get3A_220 : vector<16xf32> to vector<16xf32>
      %add3A_222 = arith.addf %mul3A_218, %get3A_221 : vector<16xf32>
      %gt3A_223 = arith.constant 0.000000e+00 : f32
      %gt3A_224 = vector.broadcast %gt3A_223 : f32 to vector<16xf32>
      %gt3A_225 = arith.cmpf ogt, %add3A_222, %gt3A_224 : vector<16xf32>
      %exp3A_226 = math.exp %add3A_222 : vector<16xf32>
      %sub3A_227 = arith.constant 1.000000e+00 : f32
      %sub3A_228 = vector.broadcast %sub3A_227 : f32 to vector<16xf32>
      %sub3A_229 = arith.subf %exp3A_226, %sub3A_228 : vector<16xf32>
      %select_n3A_230 = arith.select %gt3A_225, %add3A_222, %sub3A_229 : vector<16xi1>, vector<16xf32>
      %swap3A_231 = arith.index_cast %scan3A_82 : i32 to index
      %swap3A_232 = arith.constant 80 : index
      %swap3A_233 = tpu.vector_load %arg18[%swap3A_231, %swap3A_232] {strides = array<i32>} : memref<320x256xf32, #tpu.memory_space<vmem>>, vector<1x16xf32>,
      %swap3A_234 = vector.shape_cast %swap3A_233 : vector<1x16xf32> to vector<16xf32>
      %swap3A_235 = vector.shape_cast %select_n3A_230 : vector<16xf32> to vector<1x16xf32>
      tpu.vector_store %arg18[%swap3A_231, %swap3A_232], %swap3A_235 {strides = array<i32>} : memref<320x256xf32, #tpu.memory_space<vmem>>, vector<1x16xf32>,
      %get3A_236 = arith.index_cast %scan3A_82 : i32 to index
      %get3A_237 = arith.constant 96 : index
      %get3A_238 = tpu.vector_load %arg18[%get3A_236, %get3A_237] {strides = array<i32>} : memref<320x256xf32, #tpu.memory_space<vmem>>, vector<1x16xf32>,
      %get3A_239 = vector.shape_cast %get3A_238 : vector<1x16xf32> to vector<16xf32>
      %mul3A_240 = arith.mulf %get3A_239, %div3A_191 : vector<16xf32>
      %get3A_241 = arith.constant 96 : index
      %get3A_242 = tpu.vector_load %arg12[%get3A_241] {strides = array<i32>} : memref<256xf32, #tpu.memory_space<vmem>>, vector<16xf32>,
      %get3A_243 = vector.shape_cast %get3A_242 : vector<16xf32> to vector<16xf32>
      %add3A_244 = arith.addf %mul3A_240, %get3A_243 : vector<16xf32>
      %gt3A_245 = arith.constant 0.000000e+00 : f32
      %gt3A_246 = vector.broadcast %gt3A_245 : f32 to vector<16xf32>
      %gt3A_247 = arith.cmpf ogt, %add3A_244, %gt3A_246 : vector<16xf32>
      %exp3A_248 = math.exp %add3A_244 : vector<16xf32>
      %sub3A_249 = arith.constant 1.000000e+00 : f32
      %sub3A_250 = vector.broadcast %sub3A_249 : f32 to vector<16xf32>
      %sub3A_251 = arith.subf %exp3A_248, %sub3A_250 : vector<16xf32>
      %select_n3A_252 = arith.select %gt3A_247, %add3A_244, %sub3A_251 : vector<16xi1>, vector<16xf32>
      %swap3A_253 = arith.index_cast %scan3A_82 : i32 to index
      %swap3A_254 = arith.constant 96 : index
      %swap3A_255 = tpu.vector_load %arg18[%swap3A_253, %swap3A_254] {strides = array<i32>} : memref<320x256xf32, #tpu.memory_space<vmem>>, vector<1x16xf32>,
      %swap3A_256 = vector.shape_cast %swap3A_255 : vector<1x16xf32> to vector<16xf32>
      %swap3A_257 = vector.shape_cast %select_n3A_252 : vector<16xf32> to vector<1x16xf32>
      tpu.vector_store %arg18[%swap3A_253, %swap3A_254], %swap3A_257 {strides = array<i32>} : memref<320x256xf32, #tpu.memory_space<vmem>>, vector<1x16xf32>,
      %get3A_258 = arith.index_cast %scan3A_82 : i32 to index
      %get3A_259 = arith.constant 112 : index
      %get3A_260 = tpu.vector_load %arg18[%get3A_258, %get3A_259] {strides = array<i32>} : memref<320x256xf32, #tpu.memory_space<vmem>>, vector<1x16xf32>,
      %get3A_261 = vector.shape_cast %get3A_260 : vector<1x16xf32> to vector<16xf32>
      %mul3A_262 = arith.mulf %get3A_261, %div3A_191 : vector<16xf32>
      %get3A_263 = arith.constant 112 : index
      %get3A_264 = tpu.vector_load %arg12[%get3A_263] {strides = array<i32>} : memref<256xf32, #tpu.memory_space<vmem>>, vector<16xf32>,
      %get3A_265 = vector.shape_cast %get3A_264 : vector<16xf32> to vector<16xf32>
      %add3A_266 = arith.addf %mul3A_262, %get3A_265 : vector<16xf32>
      %gt3A_267 = arith.constant 0.000000e+00 : f32
      %gt3A_268 = vector.broadcast %gt3A_267 : f32 to vector<16xf32>
      %gt3A_269 = arith.cmpf ogt, %add3A_266, %gt3A_268 : vector<16xf32>
      %exp3A_270 = math.exp %add3A_266 : vector<16xf32>
      %sub3A_271 = arith.constant 1.000000e+00 : f32
      %sub3A_272 = vector.broadcast %sub3A_271 : f32 to vector<16xf32>
      %sub3A_273 = arith.subf %exp3A_270, %sub3A_272 : vector<16xf32>
      %select_n3A_274 = arith.select %gt3A_269, %add3A_266, %sub3A_273 : vector<16xi1>, vector<16xf32>
      %swap3A_275 = arith.index_cast %scan3A_82 : i32 to index
      %swap3A_276 = arith.constant 112 : index
      %swap3A_277 = tpu.vector_load %arg18[%swap3A_275, %swap3A_276] {strides = array<i32>} : memref<320x256xf32, #tpu.memory_space<vmem>>, vector<1x16xf32>,
      %swap3A_278 = vector.shape_cast %swap3A_277 : vector<1x16xf32> to vector<16xf32>
      %swap3A_279 = vector.shape_cast %select_n3A_274 : vector<16xf32> to vector<1x16xf32>
      tpu.vector_store %arg18[%swap3A_275, %swap3A_276], %swap3A_279 {strides = array<i32>} : memref<320x256xf32, #tpu.memory_space<vmem>>, vector<1x16xf32>,
      %slice3A_280 = vector.extract_strided_slice %get3A_88 {offsets = [8], sizes = [1], strides = [1]} : vector<16xf32> to vector<1xf32>
      %squeeze3A_281 = vector.extract %slice3A_280[0] : f32 from vector<1xf32>
      %broadcast_in_dim3A_282 = vector.broadcast %squeeze3A_281 : f32 to vector<16xf32>
      %add3A_283 = arith.constant 1.000000e-16 : f32
      %add3A_284 = vector.broadcast %add3A_283 : f32 to vector<16xf32>
      %add3A_285 = arith.addf %broadcast_in_dim3A_282, %add3A_284 : vector<16xf32>
      %div3A_286 = arith.constant 1.000000e+00 : f32
      %div3A_287 = vector.broadcast %div3A_286 : f32 to vector<16xf32>
      %div3A_288 = arith.divf %div3A_287, %add3A_285 : vector<16xf32>
      %get3A_289 = arith.index_cast %scan3A_82 : i32 to index
      %get3A_290 = arith.constant 128 : index
      %get3A_291 = tpu.vector_load %arg18[%get3A_289, %get3A_290] {strides = array<i32>} : memref<320x256xf32, #tpu.memory_space<vmem>>, vector<1x16xf32>,
      %get3A_292 = vector.shape_cast %get3A_291 : vector<1x16xf32> to vector<16xf32>
      %mul3A_293 = arith.mulf %get3A_292, %div3A_288 : vector<16xf32>
      %get3A_294 = arith.constant 128 : index
      %get3A_295 = tpu.vector_load %arg12[%get3A_294] {strides = array<i32>} : memref<256xf32, #tpu.memory_space<vmem>>, vector<16xf32>,
      %get3A_296 = vector.shape_cast %get3A_295 : vector<16xf32> to vector<16xf32>
      %add3A_297 = arith.addf %mul3A_293, %get3A_296 : vector<16xf32>
      %gt3A_298 = arith.constant 0.000000e+00 : f32
      %gt3A_299 = vector.broadcast %gt3A_298 : f32 to vector<16xf32>
      %gt3A_300 = arith.cmpf ogt, %add3A_297, %gt3A_299 : vector<16xf32>
      %exp3A_301 = math.exp %add3A_297 : vector<16xf32>
      %sub3A_302 = arith.constant 1.000000e+00 : f32
      %sub3A_303 = vector.broadcast %sub3A_302 : f32 to vector<16xf32>
      %sub3A_304 = arith.subf %exp3A_301, %sub3A_303 : vector<16xf32>
      %select_n3A_305 = arith.select %gt3A_300, %add3A_297, %sub3A_304 : vector<16xi1>, vector<16xf32>
      %swap3A_306 = arith.index_cast %scan3A_82 : i32 to index
      %swap3A_307 = arith.constant 128 : index
      %swap3A_308 = tpu.vector_load %arg18[%swap3A_306, %swap3A_307] {strides = array<i32>} : memref<320x256xf32, #tpu.memory_space<vmem>>, vector<1x16xf32>,
      %swap3A_309 = vector.shape_cast %swap3A_308 : vector<1x16xf32> to vector<16xf32>
      %swap3A_310 = vector.shape_cast %select_n3A_305 : vector<16xf32> to vector<1x16xf32>
      tpu.vector_store %arg18[%swap3A_306, %swap3A_307], %swap3A_310 {strides = array<i32>} : memref<320x256xf32, #tpu.memory_space<vmem>>, vector<1x16xf32>,
      %get3A_311 = arith.index_cast %scan3A_82 : i32 to index
      %get3A_312 = arith.constant 144 : index
      %get3A_313 = tpu.vector_load %arg18[%get3A_311, %get3A_312] {strides = array<i32>} : memref<320x256xf32, #tpu.memory_space<vmem>>, vector<1x16xf32>,
      %get3A_314 = vector.shape_cast %get3A_313 : vector<1x16xf32> to vector<16xf32>
      %mul3A_315 = arith.mulf %get3A_314, %div3A_288 : vector<16xf32>
      %get3A_316 = arith.constant 144 : index
      %get3A_317 = tpu.vector_load %arg12[%get3A_316] {strides = array<i32>} : memref<256xf32, #tpu.memory_space<vmem>>, vector<16xf32>,
      %get3A_318 = vector.shape_cast %get3A_317 : vector<16xf32> to vector<16xf32>
      %add3A_319 = arith.addf %mul3A_315, %get3A_318 : vector<16xf32>
      %gt3A_320 = arith.constant 0.000000e+00 : f32
      %gt3A_321 = vector.broadcast %gt3A_320 : f32 to vector<16xf32>
      %gt3A_322 = arith.cmpf ogt, %add3A_319, %gt3A_321 : vector<16xf32>
      %exp3A_323 = math.exp %add3A_319 : vector<16xf32>
      %sub3A_324 = arith.constant 1.000000e+00 : f32
      %sub3A_325 = vector.broadcast %sub3A_324 : f32 to vector<16xf32>
      %sub3A_326 = arith.subf %exp3A_323, %sub3A_325 : vector<16xf32>
      %select_n3A_327 = arith.select %gt3A_322, %add3A_319, %sub3A_326 : vector<16xi1>, vector<16xf32>
      %swap3A_328 = arith.index_cast %scan3A_82 : i32 to index
      %swap3A_329 = arith.constant 144 : index
      %swap3A_330 = tpu.vector_load %arg18[%swap3A_328, %swap3A_329] {strides = array<i32>} : memref<320x256xf32, #tpu.memory_space<vmem>>, vector<1x16xf32>,
      %swap3A_331 = vector.shape_cast %swap3A_330 : vector<1x16xf32> to vector<16xf32>
      %swap3A_332 = vector.shape_cast %select_n3A_327 : vector<16xf32> to vector<1x16xf32>
      tpu.vector_store %arg18[%swap3A_328, %swap3A_329], %swap3A_332 {strides = array<i32>} : memref<320x256xf32, #tpu.memory_space<vmem>>, vector<1x16xf32>,
      %get3A_333 = arith.index_cast %scan3A_82 : i32 to index
      %get3A_334 = arith.constant 160 : index
      %get3A_335 = tpu.vector_load %arg18[%get3A_333, %get3A_334] {strides = array<i32>} : memref<320x256xf32, #tpu.memory_space<vmem>>, vector<1x16xf32>,
      %get3A_336 = vector.shape_cast %get3A_335 : vector<1x16xf32> to vector<16xf32>
      %mul3A_337 = arith.mulf %get3A_336, %div3A_288 : vector<16xf32>
      %get3A_338 = arith.constant 160 : index
      %get3A_339 = tpu.vector_load %arg12[%get3A_338] {strides = array<i32>} : memref<256xf32, #tpu.memory_space<vmem>>, vector<16xf32>,
      %get3A_340 = vector.shape_cast %get3A_339 : vector<16xf32> to vector<16xf32>
      %add3A_341 = arith.addf %mul3A_337, %get3A_340 : vector<16xf32>
      %gt3A_342 = arith.constant 0.000000e+00 : f32
      %gt3A_343 = vector.broadcast %gt3A_342 : f32 to vector<16xf32>
      %gt3A_344 = arith.cmpf ogt, %add3A_341, %gt3A_343 : vector<16xf32>
      %exp3A_345 = math.exp %add3A_341 : vector<16xf32>
      %sub3A_346 = arith.constant 1.000000e+00 : f32
      %sub3A_347 = vector.broadcast %sub3A_346 : f32 to vector<16xf32>
      %sub3A_348 = arith.subf %exp3A_345, %sub3A_347 : vector<16xf32>
      %select_n3A_349 = arith.select %gt3A_344, %add3A_341, %sub3A_348 : vector<16xi1>, vector<16xf32>
      %swap3A_350 = arith.index_cast %scan3A_82 : i32 to index
      %swap3A_351 = arith.constant 160 : index
      %swap3A_352 = tpu.vector_load %arg18[%swap3A_350, %swap3A_351] {strides = array<i32>} : memref<320x256xf32, #tpu.memory_space<vmem>>, vector<1x16xf32>,
      %swap3A_353 = vector.shape_cast %swap3A_352 : vector<1x16xf32> to vector<16xf32>
      %swap3A_354 = vector.shape_cast %select_n3A_349 : vector<16xf32> to vector<1x16xf32>
      tpu.vector_store %arg18[%swap3A_350, %swap3A_351], %swap3A_354 {strides = array<i32>} : memref<320x256xf32, #tpu.memory_space<vmem>>, vector<1x16xf32>,
      %get3A_355 = arith.index_cast %scan3A_82 : i32 to index
      %get3A_356 = arith.constant 176 : index
      %get3A_357 = tpu.vector_load %arg18[%get3A_355, %get3A_356] {strides = array<i32>} : memref<320x256xf32, #tpu.memory_space<vmem>>, vector<1x16xf32>,
      %get3A_358 = vector.shape_cast %get3A_357 : vector<1x16xf32> to vector<16xf32>
      %mul3A_359 = arith.mulf %get3A_358, %div3A_288 : vector<16xf32>
      %get3A_360 = arith.constant 176 : index
      %get3A_361 = tpu.vector_load %arg12[%get3A_360] {strides = array<i32>} : memref<256xf32, #tpu.memory_space<vmem>>, vector<16xf32>,
      %get3A_362 = vector.shape_cast %get3A_361 : vector<16xf32> to vector<16xf32>
      %add3A_363 = arith.addf %mul3A_359, %get3A_362 : vector<16xf32>
      %gt3A_364 = arith.constant 0.000000e+00 : f32
      %gt3A_365 = vector.broadcast %gt3A_364 : f32 to vector<16xf32>
      %gt3A_366 = arith.cmpf ogt, %add3A_363, %gt3A_365 : vector<16xf32>
      %exp3A_367 = math.exp %add3A_363 : vector<16xf32>
      %sub3A_368 = arith.constant 1.000000e+00 : f32
      %sub3A_369 = vector.broadcast %sub3A_368 : f32 to vector<16xf32>
      %sub3A_370 = arith.subf %exp3A_367, %sub3A_369 : vector<16xf32>
      %select_n3A_371 = arith.select %gt3A_366, %add3A_363, %sub3A_370 : vector<16xi1>, vector<16xf32>
      %swap3A_372 = arith.index_cast %scan3A_82 : i32 to index
      %swap3A_373 = arith.constant 176 : index
      %swap3A_374 = tpu.vector_load %arg18[%swap3A_372, %swap3A_373] {strides = array<i32>} : memref<320x256xf32, #tpu.memory_space<vmem>>, vector<1x16xf32>,
      %swap3A_375 = vector.shape_cast %swap3A_374 : vector<1x16xf32> to vector<16xf32>
      %swap3A_376 = vector.shape_cast %select_n3A_371 : vector<16xf32> to vector<1x16xf32>
      tpu.vector_store %arg18[%swap3A_372, %swap3A_373], %swap3A_376 {strides = array<i32>} : memref<320x256xf32, #tpu.memory_space<vmem>>, vector<1x16xf32>,
      %slice3A_377 = vector.extract_strided_slice %get3A_88 {offsets = [12], sizes = [1], strides = [1]} : vector<16xf32> to vector<1xf32>
      %squeeze3A_378 = vector.extract %slice3A_377[0] : f32 from vector<1xf32>
      %broadcast_in_dim3A_379 = vector.broadcast %squeeze3A_378 : f32 to vector<16xf32>
      %add3A_380 = arith.constant 1.000000e-16 : f32
      %add3A_381 = vector.broadcast %add3A_380 : f32 to vector<16xf32>
      %add3A_382 = arith.addf %broadcast_in_dim3A_379, %add3A_381 : vector<16xf32>
      %div3A_383 = arith.constant 1.000000e+00 : f32
      %div3A_384 = vector.broadcast %div3A_383 : f32 to vector<16xf32>
      %div3A_385 = arith.divf %div3A_384, %add3A_382 : vector<16xf32>
      %get3A_386 = arith.index_cast %scan3A_82 : i32 to index
      %get3A_387 = arith.constant 192 : index
      %get3A_388 = tpu.vector_load %arg18[%get3A_386, %get3A_387] {strides = array<i32>} : memref<320x256xf32, #tpu.memory_space<vmem>>, vector<1x16xf32>,
      %get3A_389 = vector.shape_cast %get3A_388 : vector<1x16xf32> to vector<16xf32>
      %mul3A_390 = arith.mulf %get3A_389, %div3A_385 : vector<16xf32>
      %get3A_391 = arith.constant 192 : index
      %get3A_392 = tpu.vector_load %arg12[%get3A_391] {strides = array<i32>} : memref<256xf32, #tpu.memory_space<vmem>>, vector<16xf32>,
      %get3A_393 = vector.shape_cast %get3A_392 : vector<16xf32> to vector<16xf32>
      %add3A_394 = arith.addf %mul3A_390, %get3A_393 : vector<16xf32>
      %gt3A_395 = arith.constant 0.000000e+00 : f32
      %gt3A_396 = vector.broadcast %gt3A_395 : f32 to vector<16xf32>
      %gt3A_397 = arith.cmpf ogt, %add3A_394, %gt3A_396 : vector<16xf32>
      %exp3A_398 = math.exp %add3A_394 : vector<16xf32>
      %sub3A_399 = arith.constant 1.000000e+00 : f32
      %sub3A_400 = vector.broadcast %sub3A_399 : f32 to vector<16xf32>
      %sub3A_401 = arith.subf %exp3A_398, %sub3A_400 : vector<16xf32>
      %select_n3A_402 = arith.select %gt3A_397, %add3A_394, %sub3A_401 : vector<16xi1>, vector<16xf32>
      %swap3A_403 = arith.index_cast %scan3A_82 : i32 to index
      %swap3A_404 = arith.constant 192 : index
      %swap3A_405 = tpu.vector_load %arg18[%swap3A_403, %swap3A_404] {strides = array<i32>} : memref<320x256xf32, #tpu.memory_space<vmem>>, vector<1x16xf32>,
      %swap3A_406 = vector.shape_cast %swap3A_405 : vector<1x16xf32> to vector<16xf32>
      %swap3A_407 = vector.shape_cast %select_n3A_402 : vector<16xf32> to vector<1x16xf32>
      tpu.vector_store %arg18[%swap3A_403, %swap3A_404], %swap3A_407 {strides = array<i32>} : memref<320x256xf32, #tpu.memory_space<vmem>>, vector<1x16xf32>,
      %get3A_408 = arith.index_cast %scan3A_82 : i32 to index
      %get3A_409 = arith.constant 208 : index
      %get3A_410 = tpu.vector_load %arg18[%get3A_408, %get3A_409] {strides = array<i32>} : memref<320x256xf32, #tpu.memory_space<vmem>>, vector<1x16xf32>,
      %get3A_411 = vector.shape_cast %get3A_410 : vector<1x16xf32> to vector<16xf32>
      %mul3A_412 = arith.mulf %get3A_411, %div3A_385 : vector<16xf32>
      %get3A_413 = arith.constant 208 : index
      %get3A_414 = tpu.vector_load %arg12[%get3A_413] {strides = array<i32>} : memref<256xf32, #tpu.memory_space<vmem>>, vector<16xf32>,
      %get3A_415 = vector.shape_cast %get3A_414 : vector<16xf32> to vector<16xf32>
      %add3A_416 = arith.addf %mul3A_412, %get3A_415 : vector<16xf32>
      %gt3A_417 = arith.constant 0.000000e+00 : f32
      %gt3A_418 = vector.broadcast %gt3A_417 : f32 to vector<16xf32>
      %gt3A_419 = arith.cmpf ogt, %add3A_416, %gt3A_418 : vector<16xf32>
      %exp3A_420 = math.exp %add3A_416 : vector<16xf32>
      %sub3A_421 = arith.constant 1.000000e+00 : f32
      %sub3A_422 = vector.broadcast %sub3A_421 : f32 to vector<16xf32>
      %sub3A_423 = arith.subf %exp3A_420, %sub3A_422 : vector<16xf32>
      %select_n3A_424 = arith.select %gt3A_419, %add3A_416, %sub3A_423 : vector<16xi1>, vector<16xf32>
      %swap3A_425 = arith.index_cast %scan3A_82 : i32 to index
      %swap3A_426 = arith.constant 208 : index
      %swap3A_427 = tpu.vector_load %arg18[%swap3A_425, %swap3A_426] {strides = array<i32>} : memref<320x256xf32, #tpu.memory_space<vmem>>, vector<1x16xf32>,
      %swap3A_428 = vector.shape_cast %swap3A_427 : vector<1x16xf32> to vector<16xf32>
      %swap3A_429 = vector.shape_cast %select_n3A_424 : vector<16xf32> to vector<1x16xf32>
      tpu.vector_store %arg18[%swap3A_425, %swap3A_426], %swap3A_429 {strides = array<i32>} : memref<320x256xf32, #tpu.memory_space<vmem>>, vector<1x16xf32>,
      %get3A_430 = arith.index_cast %scan3A_82 : i32 to index
      %get3A_431 = arith.constant 224 : index
      %get3A_432 = tpu.vector_load %arg18[%get3A_430, %get3A_431] {strides = array<i32>} : memref<320x256xf32, #tpu.memory_space<vmem>>, vector<1x16xf32>,
      %get3A_433 = vector.shape_cast %get3A_432 : vector<1x16xf32> to vector<16xf32>
      %mul3A_434 = arith.mulf %get3A_433, %div3A_385 : vector<16xf32>
      %get3A_435 = arith.constant 224 : index
      %get3A_436 = tpu.vector_load %arg12[%get3A_435] {strides = array<i32>} : memref<256xf32, #tpu.memory_space<vmem>>, vector<16xf32>,
      %get3A_437 = vector.shape_cast %get3A_436 : vector<16xf32> to vector<16xf32>
      %add3A_438 = arith.addf %mul3A_434, %get3A_437 : vector<16xf32>
      %gt3A_439 = arith.constant 0.000000e+00 : f32
      %gt3A_440 = vector.broadcast %gt3A_439 : f32 to vector<16xf32>
      %gt3A_441 = arith.cmpf ogt, %add3A_438, %gt3A_440 : vector<16xf32>
      %exp3A_442 = math.exp %add3A_438 : vector<16xf32>
      %sub3A_443 = arith.constant 1.000000e+00 : f32
      %sub3A_444 = vector.broadcast %sub3A_443 : f32 to vector<16xf32>
      %sub3A_445 = arith.subf %exp3A_442, %sub3A_444 : vector<16xf32>
      %select_n3A_446 = arith.select %gt3A_441, %add3A_438, %sub3A_445 : vector<16xi1>, vector<16xf32>
      %swap3A_447 = arith.index_cast %scan3A_82 : i32 to index
      %swap3A_448 = arith.constant 224 : index
      %swap3A_449 = tpu.vector_load %arg18[%swap3A_447, %swap3A_448] {strides = array<i32>} : memref<320x256xf32, #tpu.memory_space<vmem>>, vector<1x16xf32>,
      %swap3A_450 = vector.shape_cast %swap3A_449 : vector<1x16xf32> to vector<16xf32>
      %swap3A_451 = vector.shape_cast %select_n3A_446 : vector<16xf32> to vector<1x16xf32>
      tpu.vector_store %arg18[%swap3A_447, %swap3A_448], %swap3A_451 {strides = array<i32>} : memref<320x256xf32, #tpu.memory_space<vmem>>, vector<1x16xf32>,
      %get3A_452 = arith.index_cast %scan3A_82 : i32 to index
      %get3A_453 = arith.constant 240 : index
      %get3A_454 = tpu.vector_load %arg18[%get3A_452, %get3A_453] {strides = array<i32>} : memref<320x256xf32, #tpu.memory_space<vmem>>, vector<1x16xf32>,
      %get3A_455 = vector.shape_cast %get3A_454 : vector<1x16xf32> to vector<16xf32>
      %mul3A_456 = arith.mulf %get3A_455, %div3A_385 : vector<16xf32>
      %get3A_457 = arith.constant 240 : index
      %get3A_458 = tpu.vector_load %arg12[%get3A_457] {strides = array<i32>} : memref<256xf32, #tpu.memory_space<vmem>>, vector<16xf32>,
      %get3A_459 = vector.shape_cast %get3A_458 : vector<16xf32> to vector<16xf32>
      %add3A_460 = arith.addf %mul3A_456, %get3A_459 : vector<16xf32>
      %gt3A_461 = arith.constant 0.000000e+00 : f32
      %gt3A_462 = vector.broadcast %gt3A_461 : f32 to vector<16xf32>
      %gt3A_463 = arith.cmpf ogt, %add3A_460, %gt3A_462 : vector<16xf32>
      %exp3A_464 = math.exp %add3A_460 : vector<16xf32>
      %sub3A_465 = arith.constant 1.000000e+00 : f32
      %sub3A_466 = vector.broadcast %sub3A_465 : f32 to vector<16xf32>
      %sub3A_467 = arith.subf %exp3A_464, %sub3A_466 : vector<16xf32>
      %select_n3A_468 = arith.select %gt3A_463, %add3A_460, %sub3A_467 : vector<16xi1>, vector<16xf32>
      %swap3A_469 = arith.index_cast %scan3A_82 : i32 to index
      %swap3A_470 = arith.constant 240 : index
      %swap3A_471 = tpu.vector_load %arg18[%swap3A_469, %swap3A_470] {strides = array<i32>} : memref<320x256xf32, #tpu.memory_space<vmem>>, vector<1x16xf32>,
      %swap3A_472 = vector.shape_cast %swap3A_471 : vector<1x16xf32> to vector<16xf32>
      %swap3A_473 = vector.shape_cast %select_n3A_468 : vector<16xf32> to vector<1x16xf32>
      tpu.vector_store %arg18[%swap3A_469, %swap3A_470], %swap3A_473 {strides = array<i32>} : memref<320x256xf32, #tpu.memory_space<vmem>>, vector<1x16xf32>,
      %scan3A_474 = arith.constant 0 : i32
      scf.yield %scan3A_474 : i32
    }
    %scan3A_81 = arith.constant 320 : i32
    "tpu.region"() ({
      %run_scoped3A = tpu.sem_alloc : memref<!tpu.dma_semaphore, #tpu.memory_space<semaphore_mem>>
      %dma_start3A = arith.constant 0 : i32
      %dma_start3A_82 = tpu.memref_slice %arg9[%mul3A_2, %dma_start3A] : memref<10240x256xf32, #tpu.memory_space<hbm>> -> memref<320x256xf32, #tpu.memory_space<hbm>>
      %dma_start3A_83 = arith.constant 0 : i32
      %dma_start3A_84 = tpu.memref_slice %arg9[%mul3A_2, %dma_start3A_83] : memref<10240x256xf32, #tpu.memory_space<hbm>> -> memref<320x256xf32, #tpu.memory_space<hbm>>
      tpu.enqueue_dma source(%arg18 : memref<320x256xf32, #tpu.memory_space<vmem>>) target(%dma_start3A_84 : memref<320x256xf32, #tpu.memory_space<hbm>>) target_semaphore(%run_scoped3A : memref<!tpu.dma_semaphore, #tpu.memory_space<semaphore_mem>>)
      %dma_wait3A = arith.constant 0 : i32
      %dma_wait3A_85 = tpu.memref_slice %arg9[%mul3A_2, %dma_wait3A] : memref<10240x256xf32, #tpu.memory_space<hbm>> -> memref<320x256xf32, #tpu.memory_space<hbm>>
      %dma_wait3A_86 = arith.constant 0 : i32
      %dma_wait3A_87 = tpu.memref_slice %arg9[%mul3A_2, %dma_wait3A_86] : memref<10240x256xf32, #tpu.memory_space<hbm>> -> memref<320x256xf32, #tpu.memory_space<hbm>>
      tpu.wait_dma2 semaphore(%run_scoped3A : memref<!tpu.dma_semaphore, #tpu.memory_space<semaphore_mem>>) src(%arg18 : memref<320x256xf32, #tpu.memory_space<vmem>>) dst(%dma_wait3A_87 : memref<320x256xf32, #tpu.memory_space<hbm>>)
      tpu.yield
    }) : () -> ()
    return
  }
}

module attributes {stable_mosaic.version = 14 : i64} {
  func.func @_proj_body(%arg0: i32, %arg1: memref<1000x128xf32, #tpu.memory_space<vmem>>, %arg2: memref<128x256xf32, #tpu.memory_space<vmem>>, %arg3: memref<1x256xf32, #tpu.memory_space<vmem>>, %arg4: memref<128x256xf32, #tpu.memory_space<vmem>>, %arg5: memref<1x256xf32, #tpu.memory_space<vmem>>, %arg6: memref<128x1xf32, #tpu.memory_space<vmem>>, %arg7: memref<1000x256xf32, #tpu.memory_space<vmem>>, %arg8: memref<1000x256xf32, #tpu.memory_space<vmem>>, %arg9: memref<1000x1xf32, #tpu.memory_space<vmem>>) attributes {dimension_semantics = [#tpu.dimension_semantics<arbitrary>], iteration_bounds = array<i64: 10>, scalar_prefetch = 0 : i64, scratch_operands = 0 : i64, tpu.core_type = #tpu.core_type<tc>, window_params = [{transform_indices = @transform_0, window_bounds = array<i64: 1000, 128>}, {pipeline_mode = #tpu.pipeline_mode<synchronous>, transform_indices = @transform_1, window_bounds = array<i64: 128, 256>}, {pipeline_mode = #tpu.pipeline_mode<synchronous>, transform_indices = @transform_2, window_bounds = array<i64: 1, 256>}, {pipeline_mode = #tpu.pipeline_mode<synchronous>, transform_indices = @transform_3, window_bounds = array<i64: 128, 256>}, {pipeline_mode = #tpu.pipeline_mode<synchronous>, transform_indices = @transform_4, window_bounds = array<i64: 1, 256>}, {pipeline_mode = #tpu.pipeline_mode<synchronous>, transform_indices = @transform_5, window_bounds = array<i64: 128, 1>}, {transform_indices = @transform_6, window_bounds = array<i64: 1000, 256>}, {transform_indices = @transform_7, window_bounds = array<i64: 1000, 256>}, {transform_indices = @transform_8, window_bounds = array<i64: 1000, 1>}]} {
    %get3A = arith.constant 0 : index
    %get3A_0 = arith.constant 0 : index
    %get3A_1 = vector.load %arg1[%get3A, %get3A_0] : memref<1000x128xf32, #tpu.memory_space<vmem>>, vector<1000x128xf32>
    %get3A_2 = arith.constant 0 : index
    %get3A_3 = arith.constant 0 : index
    %get3A_4 = vector.load %arg2[%get3A_2, %get3A_3] : memref<128x256xf32, #tpu.memory_space<vmem>>, vector<128x256xf32>
    %dot_general3A = arith.constant dense<0.000000e+00> : vector<1000x256xf32>
    %dot_general3A_5 = tpu.matmul %get3A_1, %get3A_4, %dot_general3A {dimension_numbers = #tpu.dot_dimension_numbers<[1], [0], [0], [1], [0, 0, 1, 1], [], []>, transpose_lhs_hint = false} : vector<1000x128xf32>, vector<128x256xf32>, vector<1000x256xf32> -> vector<1000x256xf32>
    %get3A_6 = arith.constant 0 : index
    %get3A_7 = arith.constant 0 : index
    %get3A_8 = vector.load %arg3[%get3A_6, %get3A_7] : memref<1x256xf32, #tpu.memory_space<vmem>>, vector<1x256xf32>
    %add3A = vector.broadcast %get3A_8 : vector<1x256xf32> to vector<1000x256xf32>
    %add3A_9 = arith.addf %dot_general3A_5, %add3A : vector<1000x256xf32>
    %swap3A = arith.constant 0 : index
    %swap3A_10 = arith.constant 0 : index
    %swap3A_11 = vector.load %arg7[%swap3A, %swap3A_10] : memref<1000x256xf32, #tpu.memory_space<vmem>>, vector<1000x256xf32>
    tpu.vector_store %arg7[%swap3A, %swap3A_10], %add3A_9 {strides = array<i32>} : memref<1000x256xf32, #tpu.memory_space<vmem>>, vector<1000x256xf32>,
    %get3A_12 = arith.constant 0 : index
    %get3A_13 = arith.constant 0 : index
    %get3A_14 = vector.load %arg4[%get3A_12, %get3A_13] : memref<128x256xf32, #tpu.memory_space<vmem>>, vector<128x256xf32>
    %dot_general3A_15 = arith.constant dense<0.000000e+00> : vector<1000x256xf32>
    %dot_general3A_16 = tpu.matmul %get3A_1, %get3A_14, %dot_general3A_15 {dimension_numbers = #tpu.dot_dimension_numbers<[1], [0], [0], [1], [0, 0, 1, 1], [], []>, transpose_lhs_hint = false} : vector<1000x128xf32>, vector<128x256xf32>, vector<1000x256xf32> -> vector<1000x256xf32>
    %get3A_17 = arith.constant 0 : index
    %get3A_18 = arith.constant 0 : index
    %get3A_19 = vector.load %arg5[%get3A_17, %get3A_18] : memref<1x256xf32, #tpu.memory_space<vmem>>, vector<1x256xf32>
    %add3A_20 = vector.broadcast %get3A_19 : vector<1x256xf32> to vector<1000x256xf32>
    %add3A_21 = arith.addf %dot_general3A_16, %add3A_20 : vector<1000x256xf32>
    %swap3A_22 = arith.constant 0 : index
    %swap3A_23 = arith.constant 0 : index
    %swap3A_24 = vector.load %arg8[%swap3A_22, %swap3A_23] : memref<1000x256xf32, #tpu.memory_space<vmem>>, vector<1000x256xf32>
    tpu.vector_store %arg8[%swap3A_22, %swap3A_23], %add3A_21 {strides = array<i32>} : memref<1000x256xf32, #tpu.memory_space<vmem>>, vector<1000x256xf32>,
    %reduce_sum3A = arith.constant dense<0.000000e+00> : vector<1000xf32>
    %reduce_sum3A_25 = vector.multi_reduction <add>, %get3A_1, %reduce_sum3A [1] : vector<1000x128xf32> to vector<1000xf32>
    %broadcast_in_dim3A = vector.shape_cast %reduce_sum3A_25 : vector<1000xf32> to vector<1000x1xf32>
    %div3A = arith.constant 1.280000e+02 : f32
    %div3A_26 = vector.broadcast %div3A : f32 to vector<1000x1xf32>
    %div3A_27 = arith.divf %broadcast_in_dim3A, %div3A_26 : vector<1000x1xf32>
    %swap3A_28 = arith.constant 0 : index
    %swap3A_29 = arith.constant 0 : index
    %swap3A_30 = vector.load %arg9[%swap3A_28, %swap3A_29] : memref<1000x1xf32, #tpu.memory_space<vmem>>, vector<1000x1xf32>
    tpu.vector_store %arg9[%swap3A_28, %swap3A_29], %div3A_27 {strides = array<i32>} : memref<1000x1xf32, #tpu.memory_space<vmem>>, vector<1000x1xf32>,
    return
  }
  func.func @transform_0(%arg0: i32) -> (i32, i32) {
    %c0_i32 = arith.constant 0 : i32
    %c0_i32_0 = arith.constant 0 : i32
    return %arg0, %c0_i32 : i32, i32
  }
  func.func @transform_1(%arg0: i32) -> (i32, i32) {
    %c0_i32 = arith.constant 0 : i32
    %c0_i32_0 = arith.constant 0 : i32
    %c0_i32_1 = arith.constant 0 : i32
    return %c0_i32, %c0_i32_0 : i32, i32
  }
  func.func @transform_2(%arg0: i32) -> (i32, i32) {
    %c0_i32 = arith.constant 0 : i32
    %c0_i32_0 = arith.constant 0 : i32
    %c0_i32_1 = arith.constant 0 : i32
    return %c0_i32, %c0_i32_0 : i32, i32
  }
  func.func @transform_3(%arg0: i32) -> (i32, i32) {
    %c0_i32 = arith.constant 0 : i32
    %c0_i32_0 = arith.constant 0 : i32
    %c0_i32_1 = arith.constant 0 : i32
    return %c0_i32, %c0_i32_0 : i32, i32
  }
  func.func @transform_4(%arg0: i32) -> (i32, i32) {
    %c0_i32 = arith.constant 0 : i32
    %c0_i32_0 = arith.constant 0 : i32
    %c0_i32_1 = arith.constant 0 : i32
    return %c0_i32, %c0_i32_0 : i32, i32
  }
  func.func @transform_5(%arg0: i32) -> (i32, i32) {
    %c0_i32 = arith.constant 0 : i32
    %c0_i32_0 = arith.constant 0 : i32
    %c0_i32_1 = arith.constant 0 : i32
    return %c0_i32, %c0_i32_0 : i32, i32
  }
  func.func @transform_6(%arg0: i32) -> (i32, i32) {
    %c0_i32 = arith.constant 0 : i32
    %c0_i32_0 = arith.constant 0 : i32
    return %arg0, %c0_i32 : i32, i32
  }
  func.func @transform_7(%arg0: i32) -> (i32, i32) {
    %c0_i32 = arith.constant 0 : i32
    %c0_i32_0 = arith.constant 0 : i32
    return %arg0, %c0_i32 : i32, i32
  }
  func.func @transform_8(%arg0: i32) -> (i32, i32) {
    %c0_i32 = arith.constant 0 : i32
    %c0_i32_0 = arith.constant 0 : i32
    return %arg0, %c0_i32 : i32, i32
  }
}

module attributes {stable_mosaic.version = 14 : i64} {
  func.func @_proj_body(%arg0: i32, %arg1: memref<1000x256xf32, #tpu.memory_space<vmem>>, %arg2: memref<256x256xf32, #tpu.memory_space<vmem>>, %arg3: memref<1x256xf32, #tpu.memory_space<vmem>>, %arg4: memref<256x256xf32, #tpu.memory_space<vmem>>, %arg5: memref<1x256xf32, #tpu.memory_space<vmem>>, %arg6: memref<256x1xf32, #tpu.memory_space<vmem>>, %arg7: memref<1000x256xf32, #tpu.memory_space<vmem>>, %arg8: memref<1000x256xf32, #tpu.memory_space<vmem>>, %arg9: memref<1000x1xf32, #tpu.memory_space<vmem>>) attributes {dimension_semantics = [#tpu.dimension_semantics<arbitrary>], iteration_bounds = array<i64: 10>, scalar_prefetch = 0 : i64, scratch_operands = 0 : i64, tpu.core_type = #tpu.core_type<tc>, window_params = [{transform_indices = @transform_0, window_bounds = array<i64: 1000, 256>}, {pipeline_mode = #tpu.pipeline_mode<synchronous>, transform_indices = @transform_1, window_bounds = array<i64: 256, 256>}, {pipeline_mode = #tpu.pipeline_mode<synchronous>, transform_indices = @transform_2, window_bounds = array<i64: 1, 256>}, {pipeline_mode = #tpu.pipeline_mode<synchronous>, transform_indices = @transform_3, window_bounds = array<i64: 256, 256>}, {pipeline_mode = #tpu.pipeline_mode<synchronous>, transform_indices = @transform_4, window_bounds = array<i64: 1, 256>}, {pipeline_mode = #tpu.pipeline_mode<synchronous>, transform_indices = @transform_5, window_bounds = array<i64: 256, 1>}, {transform_indices = @transform_6, window_bounds = array<i64: 1000, 256>}, {transform_indices = @transform_7, window_bounds = array<i64: 1000, 256>}, {transform_indices = @transform_8, window_bounds = array<i64: 1000, 1>}]} {
    %get3A = arith.constant 0 : index
    %get3A_0 = arith.constant 0 : index
    %get3A_1 = vector.load %arg1[%get3A, %get3A_0] : memref<1000x256xf32, #tpu.memory_space<vmem>>, vector<1000x256xf32>
    %get3A_2 = arith.constant 0 : index
    %get3A_3 = arith.constant 0 : index
    %get3A_4 = vector.load %arg2[%get3A_2, %get3A_3] : memref<256x256xf32, #tpu.memory_space<vmem>>, vector<256x256xf32>
    %dot_general3A = arith.constant dense<0.000000e+00> : vector<1000x256xf32>
    %dot_general3A_5 = tpu.matmul %get3A_1, %get3A_4, %dot_general3A {dimension_numbers = #tpu.dot_dimension_numbers<[1], [0], [0], [1], [0, 0, 1, 1], [], []>, transpose_lhs_hint = false} : vector<1000x256xf32>, vector<256x256xf32>, vector<1000x256xf32> -> vector<1000x256xf32>
    %get3A_6 = arith.constant 0 : index
    %get3A_7 = arith.constant 0 : index
    %get3A_8 = vector.load %arg3[%get3A_6, %get3A_7] : memref<1x256xf32, #tpu.memory_space<vmem>>, vector<1x256xf32>
    %add3A = vector.broadcast %get3A_8 : vector<1x256xf32> to vector<1000x256xf32>
    %add3A_9 = arith.addf %dot_general3A_5, %add3A : vector<1000x256xf32>
    %swap3A = arith.constant 0 : index
    %swap3A_10 = arith.constant 0 : index
    %swap3A_11 = vector.load %arg7[%swap3A, %swap3A_10] : memref<1000x256xf32, #tpu.memory_space<vmem>>, vector<1000x256xf32>
    tpu.vector_store %arg7[%swap3A, %swap3A_10], %add3A_9 {strides = array<i32>} : memref<1000x256xf32, #tpu.memory_space<vmem>>, vector<1000x256xf32>,
    %get3A_12 = arith.constant 0 : index
    %get3A_13 = arith.constant 0 : index
    %get3A_14 = vector.load %arg4[%get3A_12, %get3A_13] : memref<256x256xf32, #tpu.memory_space<vmem>>, vector<256x256xf32>
    %dot_general3A_15 = arith.constant dense<0.000000e+00> : vector<1000x256xf32>
    %dot_general3A_16 = tpu.matmul %get3A_1, %get3A_14, %dot_general3A_15 {dimension_numbers = #tpu.dot_dimension_numbers<[1], [0], [0], [1], [0, 0, 1, 1], [], []>, transpose_lhs_hint = false} : vector<1000x256xf32>, vector<256x256xf32>, vector<1000x256xf32> -> vector<1000x256xf32>
    %get3A_17 = arith.constant 0 : index
    %get3A_18 = arith.constant 0 : index
    %get3A_19 = vector.load %arg5[%get3A_17, %get3A_18] : memref<1x256xf32, #tpu.memory_space<vmem>>, vector<1x256xf32>
    %add3A_20 = vector.broadcast %get3A_19 : vector<1x256xf32> to vector<1000x256xf32>
    %add3A_21 = arith.addf %dot_general3A_16, %add3A_20 : vector<1000x256xf32>
    %swap3A_22 = arith.constant 0 : index
    %swap3A_23 = arith.constant 0 : index
    %swap3A_24 = vector.load %arg8[%swap3A_22, %swap3A_23] : memref<1000x256xf32, #tpu.memory_space<vmem>>, vector<1000x256xf32>
    tpu.vector_store %arg8[%swap3A_22, %swap3A_23], %add3A_21 {strides = array<i32>} : memref<1000x256xf32, #tpu.memory_space<vmem>>, vector<1000x256xf32>,
    %get3A_25 = arith.constant 0 : index
    %get3A_26 = arith.constant 0 : index
    %get3A_27 = vector.load %arg6[%get3A_25, %get3A_26] : memref<256x1xf32, #tpu.memory_space<vmem>>, vector<256x1xf32>
    %dot_general3A_28 = arith.constant dense<0.000000e+00> : vector<1000x1xf32>
    %dot_general3A_29 = tpu.matmul %get3A_1, %get3A_27, %dot_general3A_28 {dimension_numbers = #tpu.dot_dimension_numbers<[1], [0], [0], [1], [0, 0, 1, 1], [], []>, transpose_lhs_hint = false} : vector<1000x256xf32>, vector<256x1xf32>, vector<1000x1xf32> -> vector<1000x1xf32>
    %swap3A_30 = arith.constant 0 : index
    %swap3A_31 = arith.constant 0 : index
    %swap3A_32 = vector.load %arg9[%swap3A_30, %swap3A_31] : memref<1000x1xf32, #tpu.memory_space<vmem>>, vector<1000x1xf32>
    tpu.vector_store %arg9[%swap3A_30, %swap3A_31], %dot_general3A_29 {strides = array<i32>} : memref<1000x1xf32, #tpu.memory_space<vmem>>, vector<1000x1xf32>,
    return
  }
  func.func @transform_0(%arg0: i32) -> (i32, i32) {
    %c0_i32 = arith.constant 0 : i32
    %c0_i32_0 = arith.constant 0 : i32
    return %arg0, %c0_i32 : i32, i32
  }
  func.func @transform_1(%arg0: i32) -> (i32, i32) {
    %c0_i32 = arith.constant 0 : i32
    %c0_i32_0 = arith.constant 0 : i32
    %c0_i32_1 = arith.constant 0 : i32
    return %c0_i32, %c0_i32_0 : i32, i32
  }
  func.func @transform_2(%arg0: i32) -> (i32, i32) {
    %c0_i32 = arith.constant 0 : i32
    %c0_i32_0 = arith.constant 0 : i32
    %c0_i32_1 = arith.constant 0 : i32
    return %c0_i32, %c0_i32_0 : i32, i32
  }
  func.func @transform_3(%arg0: i32) -> (i32, i32) {
    %c0_i32 = arith.constant 0 : i32
    %c0_i32_0 = arith.constant 0 : i32
    %c0_i32_1 = arith.constant 0 : i32
    return %c0_i32, %c0_i32_0 : i32, i32
  }
  func.func @transform_4(%arg0: i32) -> (i32, i32) {
    %c0_i32 = arith.constant 0 : i32
    %c0_i32_0 = arith.constant 0 : i32
    %c0_i32_1 = arith.constant 0 : i32
    return %c0_i32, %c0_i32_0 : i32, i32
  }
  func.func @transform_5(%arg0: i32) -> (i32, i32) {
    %c0_i32 = arith.constant 0 : i32
    %c0_i32_0 = arith.constant 0 : i32
    %c0_i32_1 = arith.constant 0 : i32
    return %c0_i32, %c0_i32_0 : i32, i32
  }
  func.func @transform_6(%arg0: i32) -> (i32, i32) {
    %c0_i32 = arith.constant 0 : i32
    %c0_i32_0 = arith.constant 0 : i32
    return %arg0, %c0_i32 : i32, i32
  }
  func.func @transform_7(%arg0: i32) -> (i32, i32) {
    %c0_i32 = arith.constant 0 : i32
    %c0_i32_0 = arith.constant 0 : i32
    return %arg0, %c0_i32 : i32, i32
  }
  func.func @transform_8(%arg0: i32) -> (i32, i32) {
    %c0_i32 = arith.constant 0 : i32
    %c0_i32_0 = arith.constant 0 : i32
    return %arg0, %c0_i32 : i32, i32
  }
}

module attributes {stable_mosaic.version = 14 : i64} {
  func.func @_pool_body(%arg0: i32, %arg1: memref<1000x256xf32, #tpu.memory_space<vmem>>, %arg2: memref<256x1xf32, #tpu.memory_space<vmem>>, %arg3: memref<1000x1xf32, #tpu.memory_space<vmem>>) attributes {dimension_semantics = [#tpu.dimension_semantics<arbitrary>], iteration_bounds = array<i64: 10>, scalar_prefetch = 0 : i64, scratch_operands = 0 : i64, tpu.core_type = #tpu.core_type<tc>, window_params = [{transform_indices = @transform_0, window_bounds = array<i64: 1000, 256>}, {pipeline_mode = #tpu.pipeline_mode<synchronous>, transform_indices = @transform_1, window_bounds = array<i64: 256, 1>}, {transform_indices = @transform_2, window_bounds = array<i64: 1000, 1>}]} {
    %get3A = arith.constant 0 : index
    %get3A_0 = arith.constant 0 : index
    %get3A_1 = vector.load %arg1[%get3A, %get3A_0] : memref<1000x256xf32, #tpu.memory_space<vmem>>, vector<1000x256xf32>
    %get3A_2 = arith.constant 0 : index
    %get3A_3 = arith.constant 0 : index
    %get3A_4 = vector.load %arg2[%get3A_2, %get3A_3] : memref<256x1xf32, #tpu.memory_space<vmem>>, vector<256x1xf32>
    %dot_general3A = arith.constant dense<0.000000e+00> : vector<1000x1xf32>
    %dot_general3A_5 = tpu.matmul %get3A_1, %get3A_4, %dot_general3A {dimension_numbers = #tpu.dot_dimension_numbers<[1], [0], [0], [1], [0, 0, 1, 1], [], []>, transpose_lhs_hint = false} : vector<1000x256xf32>, vector<256x1xf32>, vector<1000x1xf32> -> vector<1000x1xf32>
    %swap3A = arith.constant 0 : index
    %swap3A_6 = arith.constant 0 : index
    %swap3A_7 = vector.load %arg3[%swap3A, %swap3A_6] : memref<1000x1xf32, #tpu.memory_space<vmem>>, vector<1000x1xf32>
    tpu.vector_store %arg3[%swap3A, %swap3A_6], %dot_general3A_5 {strides = array<i32>} : memref<1000x1xf32, #tpu.memory_space<vmem>>, vector<1000x1xf32>,
    return
  }
  func.func @transform_0(%arg0: i32) -> (i32, i32) {
    %c0_i32 = arith.constant 0 : i32
    %c0_i32_0 = arith.constant 0 : i32
    return %arg0, %c0_i32 : i32, i32
  }
  func.func @transform_1(%arg0: i32) -> (i32, i32) {
    %c0_i32 = arith.constant 0 : i32
    %c0_i32_0 = arith.constant 0 : i32
    %c0_i32_1 = arith.constant 0 : i32
    return %c0_i32, %c0_i32_0 : i32, i32
  }
  func.func @transform_2(%arg0: i32) -> (i32, i32) {
    %c0_i32 = arith.constant 0 : i32
    %c0_i32_0 = arith.constant 0 : i32
    return %arg0, %c0_i32 : i32, i32
  }
}

module attributes {stable_mosaic.version = 14 : i64} {
  func.func @_head_body(%arg0: i32, %arg1: memref<1x1x10000xf32, #tpu.memory_space<vmem>>, %arg2: memref<1x10000xf32, #tpu.memory_space<vmem>>, %arg3: memref<1x10000xf32, #tpu.memory_space<vmem>>, %arg4: memref<1x10000x256xf32, #tpu.memory_space<vmem>>, %arg5: memref<1x256xf32, #tpu.memory_space<vmem>>, %arg6: memref<256x2xf32, #tpu.memory_space<vmem>>, %arg7: memref<1x2xf32, #tpu.memory_space<vmem>>, %arg8: memref<1x1x10000xf32, #tpu.memory_space<vmem>>, %arg9: memref<1x2xf32, #tpu.memory_space<vmem>>, %arg10: memref<1x256xf32, #tpu.memory_space<vmem>>) attributes {dimension_semantics = [#tpu.dimension_semantics<arbitrary>], iteration_bounds = array<i64: 3>, scalar_prefetch = 0 : i64, scratch_operands = 1 : i64, tpu.core_type = #tpu.core_type<tc>, window_params = [{transform_indices = @transform_0, window_bounds = array<i64: 1, 1, 10000>}, {pipeline_mode = #tpu.pipeline_mode<synchronous>, transform_indices = @transform_1, window_bounds = array<i64: 1, 10000>}, {pipeline_mode = #tpu.pipeline_mode<synchronous>, transform_indices = @transform_2, window_bounds = array<i64: 1, 10000>}, {transform_indices = @transform_3, window_bounds = array<i64: 1, 10000, 256>}, {pipeline_mode = #tpu.pipeline_mode<synchronous>, transform_indices = @transform_4, window_bounds = array<i64: 1, 256>}, {pipeline_mode = #tpu.pipeline_mode<synchronous>, transform_indices = @transform_5, window_bounds = array<i64: 256, 2>}, {pipeline_mode = #tpu.pipeline_mode<synchronous>, transform_indices = @transform_6, window_bounds = array<i64: 1, 2>}, {transform_indices = @transform_7, window_bounds = array<i64: 1, 1, 10000>}, {pipeline_mode = #tpu.pipeline_mode<synchronous>, transform_indices = @transform_8, window_bounds = array<i64: 1, 2>}]} {
    %get3A = arith.constant 0 : index
    %get3A_0 = arith.constant 0 : index
    %get3A_1 = arith.constant 0 : index
    %get3A_2 = vector.load %arg1[%get3A, %get3A_0, %get3A_1] : memref<1x1x10000xf32, #tpu.memory_space<vmem>>, vector<1x1x10000xf32>
    %reshape3A = vector.shape_cast %get3A_2 : vector<1x1x10000xf32> to vector<1x10000xf32>
    %reduce_sum3A = vector.shape_cast %reshape3A : vector<1x10000xf32> to vector<1x1x10000xf32>
    %reduce_sum3A_3 = arith.constant dense<0.000000e+00> : vector<1xf32>
    %reduce_sum3A_4 = vector.multi_reduction <add>, %reduce_sum3A, %reduce_sum3A_3 [1, 2] : vector<1x1x10000xf32> to vector<1xf32>
    %reduce_sum3A_5 = vector.shape_cast %reduce_sum3A_4 : vector<1xf32> to vector<1x1x1xf32>
    %reduce_sum3A_6 = vector.extract %reduce_sum3A_5[0, 0, 0] : f32 from vector<1x1x1xf32>
    %div3A = arith.constant 1.000000e+04 : f32
    %div3A_7 = arith.divf %reduce_sum3A_6, %div3A : f32
    %sub3A = vector.broadcast %div3A_7 : f32 to vector<1x10000xf32>
    %sub3A_8 = arith.subf %reshape3A, %sub3A : vector<1x10000xf32>
    %integer_pow3A = arith.mulf %sub3A_8, %sub3A_8 : vector<1x10000xf32>
    %reduce_sum3A_9 = vector.shape_cast %integer_pow3A : vector<1x10000xf32> to vector<1x1x10000xf32>
    %reduce_sum3A_10 = arith.constant dense<0.000000e+00> : vector<1xf32>
    %reduce_sum3A_11 = vector.multi_reduction <add>, %reduce_sum3A_9, %reduce_sum3A_10 [1, 2] : vector<1x1x10000xf32> to vector<1xf32>
    %reduce_sum3A_12 = vector.shape_cast %reduce_sum3A_11 : vector<1xf32> to vector<1x1x1xf32>
    %reduce_sum3A_13 = vector.extract %reduce_sum3A_12[0, 0, 0] : f32 from vector<1x1x1xf32>
    %div3A_14 = arith.constant 1.000000e+04 : f32
    %div3A_15 = arith.divf %reduce_sum3A_13, %div3A_14 : f32
    %sub3A_16 = vector.broadcast %div3A_7 : f32 to vector<1x10000xf32>
    %sub3A_17 = arith.subf %reshape3A, %sub3A_16 : vector<1x10000xf32>
    %add3A = arith.constant 9.99999974E-6 : f32
    %add3A_18 = arith.addf %div3A_15, %add3A : f32
    %sqrt3A = math.sqrt %add3A_18 : f32
    %div3A_19 = vector.broadcast %sqrt3A : f32 to vector<1x10000xf32>
    %div3A_20 = arith.divf %sub3A_17, %div3A_19 : vector<1x10000xf32>
    %get3A_21 = arith.constant 0 : index
    %get3A_22 = arith.constant 0 : index
    %get3A_23 = vector.load %arg2[%get3A_21, %get3A_22] : memref<1x10000xf32, #tpu.memory_space<vmem>>, vector<1x10000xf32>
    %mul3A = arith.mulf %div3A_20, %get3A_23 : vector<1x10000xf32>
    %get3A_24 = arith.constant 0 : index
    %get3A_25 = arith.constant 0 : index
    %get3A_26 = vector.load %arg3[%get3A_24, %get3A_25] : memref<1x10000xf32, #tpu.memory_space<vmem>>, vector<1x10000xf32>
    %add3A_27 = arith.addf %mul3A, %get3A_26 : vector<1x10000xf32>
    %reshape3A_28 = vector.shape_cast %add3A_27 : vector<1x10000xf32> to vector<1x1x10000xf32>
    %swap3A = arith.constant 0 : index
    %swap3A_29 = arith.constant 0 : index
    %swap3A_30 = arith.constant 0 : index
    %swap3A_31 = vector.load %arg8[%swap3A, %swap3A_29, %swap3A_30] : memref<1x1x10000xf32, #tpu.memory_space<vmem>>, vector<1x1x10000xf32>
    tpu.vector_store %arg8[%swap3A, %swap3A_29, %swap3A_30], %reshape3A_28 {strides = array<i32>} : memref<1x1x10000xf32, #tpu.memory_space<vmem>>, vector<1x1x10000xf32>,
    %get3A_32 = arith.constant 0 : index
    %get3A_33 = arith.constant 0 : index
    %get3A_34 = arith.constant 0 : index
    %get3A_35 = vector.load %arg4[%get3A_32, %get3A_33, %get3A_34] : memref<1x10000x256xf32, #tpu.memory_space<vmem>>, vector<1x10000x256xf32>
    %reshape3A_36 = vector.shape_cast %get3A_35 : vector<1x10000x256xf32> to vector<10000x256xf32>
    %dot_general3A = arith.constant dense<0.000000e+00> : vector<1x256xf32>
    %dot_general3A_37 = tpu.matmul %add3A_27, %reshape3A_36, %dot_general3A {dimension_numbers = #tpu.dot_dimension_numbers<[1], [0], [0], [1], [0, 0, 1, 1], [], []>, transpose_lhs_hint = false} : vector<1x10000xf32>, vector<10000x256xf32>, vector<1x256xf32> -> vector<1x256xf32>
    %eq3A = arith.constant 0 : i32
    %eq3A_38 = arith.cmpi eq, %arg0, %eq3A : i32
    %convert_element_type3A = arith.extui %eq3A_38 : i1 to i32
    %cond3A = arith.constant 0 : i32
    %cond3A_39 = arith.cmpi ne, %convert_element_type3A, %cond3A : i32
    scf.if %cond3A_39 {
      %swap3A_49 = arith.constant 0 : index
      %swap3A_50 = arith.constant 0 : index
      %swap3A_51 = vector.load %arg10[%swap3A_49, %swap3A_50] : memref<1x256xf32, #tpu.memory_space<vmem>>, vector<1x256xf32>
      tpu.vector_store %arg10[%swap3A_49, %swap3A_50], %dot_general3A_37 {strides = array<i32>} : memref<1x256xf32, #tpu.memory_space<vmem>>, vector<1x256xf32>,
    } else {
    }
    %gt3A = arith.constant 0 : i32
    %gt3A_40 = arith.cmpi sgt, %arg0, %gt3A : i32
    %convert_element_type3A_41 = arith.extui %gt3A_40 : i1 to i32
    %cond3A_42 = arith.constant 0 : i32
    %cond3A_43 = arith.cmpi ne, %convert_element_type3A_41, %cond3A_42 : i32
    scf.if %cond3A_43 {
      %get3A_49 = arith.constant 0 : index
      %get3A_50 = arith.constant 0 : index
      %get3A_51 = vector.load %arg10[%get3A_49, %get3A_50] : memref<1x256xf32, #tpu.memory_space<vmem>>, vector<1x256xf32>
      %add3A_52 = arith.addf %get3A_51, %dot_general3A_37 : vector<1x256xf32>
      %swap3A_53 = arith.constant 0 : index
      %swap3A_54 = arith.constant 0 : index
      %swap3A_55 = vector.load %arg10[%swap3A_53, %swap3A_54] : memref<1x256xf32, #tpu.memory_space<vmem>>, vector<1x256xf32>
      tpu.vector_store %arg10[%swap3A_53, %swap3A_54], %add3A_52 {strides = array<i32>} : memref<1x256xf32, #tpu.memory_space<vmem>>, vector<1x256xf32>,
    } else {
    }
    %eq3A_44 = arith.constant 2 : i32
    %eq3A_45 = arith.cmpi eq, %arg0, %eq3A_44 : i32
    %convert_element_type3A_46 = arith.extui %eq3A_45 : i1 to i32
    %cond3A_47 = arith.constant 0 : i32
    %cond3A_48 = arith.cmpi ne, %convert_element_type3A_46, %cond3A_47 : i32
    scf.if %cond3A_48 {
      %get3A_49 = arith.constant 0 : index
      %get3A_50 = arith.constant 0 : index
      %get3A_51 = vector.load %arg10[%get3A_49, %get3A_50] : memref<1x256xf32, #tpu.memory_space<vmem>>, vector<1x256xf32>
      %get3A_52 = arith.constant 0 : index
      %get3A_53 = arith.constant 0 : index
      %get3A_54 = vector.load %arg5[%get3A_52, %get3A_53] : memref<1x256xf32, #tpu.memory_space<vmem>>, vector<1x256xf32>
      %add3A_55 = arith.addf %get3A_51, %get3A_54 : vector<1x256xf32>
      %max3A = arith.constant 0.000000e+00 : f32
      %max3A_56 = vector.broadcast %max3A : f32 to vector<1x256xf32>
      %max3A_57 = arith.maximumf %add3A_55, %max3A_56 : vector<1x256xf32>
      %get3A_58 = arith.constant 0 : index
      %get3A_59 = arith.constant 0 : index
      %get3A_60 = vector.load %arg6[%get3A_58, %get3A_59] : memref<256x2xf32, #tpu.memory_space<vmem>>, vector<256x2xf32>
      %dot_general3A_61 = arith.constant dense<0.000000e+00> : vector<1x2xf32>
      %dot_general3A_62 = tpu.matmul %max3A_57, %get3A_60, %dot_general3A_61 {dimension_numbers = #tpu.dot_dimension_numbers<[1], [0], [0], [1], [0, 0, 1, 1], [], []>, transpose_lhs_hint = false} : vector<1x256xf32>, vector<256x2xf32>, vector<1x2xf32> -> vector<1x2xf32>
      %get3A_63 = arith.constant 0 : index
      %get3A_64 = arith.constant 0 : index
      %get3A_65 = vector.load %arg7[%get3A_63, %get3A_64] : memref<1x2xf32, #tpu.memory_space<vmem>>, vector<1x2xf32>
      %add3A_66 = arith.addf %dot_general3A_62, %get3A_65 : vector<1x2xf32>
      %swap3A_67 = arith.constant 0 : index
      %swap3A_68 = arith.constant 0 : index
      %swap3A_69 = vector.load %arg9[%swap3A_67, %swap3A_68] : memref<1x2xf32, #tpu.memory_space<vmem>>, vector<1x2xf32>
      tpu.vector_store %arg9[%swap3A_67, %swap3A_68], %add3A_66 {strides = array<i32>} : memref<1x2xf32, #tpu.memory_space<vmem>>, vector<1x2xf32>,
    } else {
    }
    return
  }
  func.func @transform_0(%arg0: i32) -> (i32, i32, i32) {
    %c0_i32 = arith.constant 0 : i32
    %c0_i32_0 = arith.constant 0 : i32
    %c0_i32_1 = arith.constant 0 : i32
    return %arg0, %c0_i32, %c0_i32_0 : i32, i32, i32
  }
  func.func @transform_1(%arg0: i32) -> (i32, i32) {
    %c0_i32 = arith.constant 0 : i32
    %c0_i32_0 = arith.constant 0 : i32
    %c0_i32_1 = arith.constant 0 : i32
    return %c0_i32, %c0_i32_0 : i32, i32
  }
  func.func @transform_2(%arg0: i32) -> (i32, i32) {
    %c0_i32 = arith.constant 0 : i32
    %c0_i32_0 = arith.constant 0 : i32
    %c0_i32_1 = arith.constant 0 : i32
    return %c0_i32, %c0_i32_0 : i32, i32
  }
  func.func @transform_3(%arg0: i32) -> (i32, i32, i32) {
    %c0_i32 = arith.constant 0 : i32
    %c0_i32_0 = arith.constant 0 : i32
    %c0_i32_1 = arith.constant 0 : i32
    return %arg0, %c0_i32, %c0_i32_0 : i32, i32, i32
  }
  func.func @transform_4(%arg0: i32) -> (i32, i32) {
    %c0_i32 = arith.constant 0 : i32
    %c0_i32_0 = arith.constant 0 : i32
    %c0_i32_1 = arith.constant 0 : i32
    return %c0_i32, %c0_i32_0 : i32, i32
  }
  func.func @transform_5(%arg0: i32) -> (i32, i32) {
    %c0_i32 = arith.constant 0 : i32
    %c0_i32_0 = arith.constant 0 : i32
    %c0_i32_1 = arith.constant 0 : i32
    return %c0_i32, %c0_i32_0 : i32, i32
  }
  func.func @transform_6(%arg0: i32) -> (i32, i32) {
    %c0_i32 = arith.constant 0 : i32
    %c0_i32_0 = arith.constant 0 : i32
    %c0_i32_1 = arith.constant 0 : i32
    return %c0_i32, %c0_i32_0 : i32, i32
  }
  func.func @transform_7(%arg0: i32) -> (i32, i32, i32) {
    %c0_i32 = arith.constant 0 : i32
    %c0_i32_0 = arith.constant 0 : i32
    %c0_i32_1 = arith.constant 0 : i32
    return %arg0, %c0_i32, %c0_i32_0 : i32, i32, i32
  }
  func.func @transform_8(%arg0: i32) -> (i32, i32) {
    %c0_i32 = arith.constant 0 : i32
    %c0_i32_0 = arith.constant 0 : i32
    %c0_i32_1 = arith.constant 0 : i32
    return %c0_i32, %c0_i32_0 : i32, i32
  }
}

</mosaic_0001>

<sc_bundles>
// kernel: gather_offload_async_start.1
scs
__scs_entry_jumppad:
0x0: {  	(pc) =	sbr.rel $0x88, $3  }
0x1: {  	(tag) =	ssettag $0x0;
	lr =	simm.s32 $0x1  }
0x2: {  	[smem:$0x3F89] =	sst lr;
	_ =	strace $0xD0000000  }
0x3: {  	_ = 	snop  }
0x4: {  	_ = 	snop  }
0x5: {  	_ = 	snop  }
0x6: {  	_ = 	snop  }
0x7: {  	_ = 	snop  }
__scs_overlays_trampoline_lowered:
0x8: {  	[smem:$0x3F98] =	sst s0  }
0x9: {  	[smem:$0x3F99] =	sst s1  }
0xa: {  	[smem:$0x3F9A] =	sst s2  }
0xb: {  	[smem:$0x3F9B] =	sst s3  }
0xc: {  	[smem:$0x3F9C] =	sst s4  }
0xd: {  	[smem:$0x3F9D] =	sst s5  }
0xe: {  	[smem:$0x3F9E] =	sst s6  }
0xf: {  	[smem:$0x3F9F] =	sst s7  }
0x10: {  	[smem:$0x3FA0] =	sst s8  }
0x11: {  	[smem:$0x3FA1] =	sst s9;
	s0 =	simm.s32 @!p0 $0x0  }
0x12: {  	s1 =	sld [smem:$0x3F87];
	s0 =	simm.s32 @p0 $0x1  }
0x13: {  	[smem:$0x3FA2] =	sst s0;
	s0 =	simm.s32 @!p1 $0x0  }
0x14: {  	s2 =	sld [smem:$0x3F86];
	s0 =	simm.s32 @p1 $0x1  }
0x15: {  	[smem:$0x3FA3] =	sst s0;
	s0 =	simm.s32 @!p2 $0x0  }
0x16: {  	s3 =	sld [smem:$0x3FDB];
	s0 =	simm.s32 @p2 $0x1  }
0x17: {  	s4 =	simm.s32 $0x1BF5;
	[smem:$0x3FA5] =	sst s0  }
0x18: {  	s0 =	sld [smem:$0x3F88];
	_ =	swait.ge [sflag:s4], $0x0  }
0x19: {  	s7 =	sld [smem:$0x3F89]  }
0x1a: {  	s8 =	sadd.s32 $0xFFFFE003, lr  }
0x1b: {  	s9 =	sadd.s32 $0xFFFFFEF7, lr;
	s5 =	simm.s32 $0xFFFFFFFF;
	p2 =	slt.u32 s8, $0xFFFFF086  }
0x1c: {  	p1 =	slt.u32 s9, $0xF7A;
	s5 =	simm.s32 @!p2 $0x0  }
0x1d: {  	s5 =	simm.s32 @p1 $0x1;
	p0 =	seq.s32 s7, s2  }
0x1e: {  	s7 =	smul.u32 @!p0 $0xF7A, s2;
	p2 =	seq.s32 @!p0 s5, $0x0  }
0x1f: {  	s9 =	smul.u32 $0xF7A, s1;
	s8 =	simm.s32 @!p0 $0x1BF5;
	p2 =	por !p2, p0  }
0x20: {  	[sflag:s8] =	ssyncset.s32 @!p0 $0xFFFFF086;
	s6 =	sadd.s32 @!p0 s3, s7;
	s7 =	simm.s32 @!p0 $0x108  }
0x21: {  	s3 =	sadd.s32 s3, s9;
	s6 =	sadd.s32 @!p0 $0x88, s6;
	s7 =	simm.s32 @p2 $0x1082  }
0x22: {  	[simem:s7], [sflag:s8] =	dma.local @!p0 [hbm:s6], $0xF7A  }
0x23: {  	s9 =	sor.u32 $0xD0000000, s2;
	s6 =	simm.s32 $0x108;
	_ =	swait.ge @!p0 [sflag:s8], $0x0  }
0x24: {  	s3 =	sadd.s32 $0x88, s3;
	s6 =	simm.s32 @!p1 $0x1082;
	[sflag:s4] =	ssyncset.s32 $0xFFFFF086  }
0x25: {  	[simem:s6], [sflag:s4] =	dma.local [hbm:s3], $0xF7A  }
0x26: {  	[smem:$0x3F89] =	sst s1;
	(tag) =	ssettag s2;
	_ =	strace s9  }
0x27: {  	s1 =	sld [smem:$0x3F99]  }
0x28: {  	s2 =	sld [smem:$0x3F9A]  }
0x29: {  	s4 =	sld [smem:$0x3F9C]  }
0x2a: {  	p0 =	seq.s32 s5, $0x0;
	s5 =	sld [smem:$0x3F9D]  }
0x2b: {  	s6 =	sld [smem:$0x3F9E]  }
0x2c: {  	s7 =	sld [smem:$0x3F9F]  }
0x2d: {  	s3 =	simm.s32 $0x108;
	s8 =	sld [smem:$0x3FA0]  }
0x2e: {  	s3 =	simm.s32 @!p0 $0x1082;
	s9 =	sld [smem:$0x3FA1]  }
0x2f: {  	lr =	sadd.s32 s0, s3;
	s0 =	sld [smem:$0x3F98]  }
0x30: {  	s3 =	sld [smem:$0x3F9B]  }
0x31: {  	[smem:$0x3FA4] =	sst s10  }
0x32: {  	s10 =	sld [smem:$0x3FA2];
	_ =	sdelay $0x3  }
0x33: {  	p0 =	seq.s32 s10, $0x1;
	s10 =	sld [smem:$0x3FA4];
	_ =	sdelay $0x3  }
0x34: {  	[smem:$0x3FA4] =	sst s10  }
0x35: {  	s10 =	sld [smem:$0x3FA3];
	_ =	sdelay $0x3  }
0x36: {  	p1 =	seq.s32 s10, $0x1;
	s10 =	sld [smem:$0x3FA4];
	_ =	sdelay $0x3  }
0x37: {  	[smem:$0x3FA4] =	sst s10  }
0x38: {  	s10 =	sld [smem:$0x3FA5]  }
0x39: {  	_ = 	snop;
	(pc) =	sbr.ind lr, $3  }
0x3a: {  	_ = 	snop  }
0x3b: {  	_ = 	snop  }
0x3c: {  	p2 =	seq.s32 s10, $0x1;
	s10 =	sld [smem:$0x3FA4]  }
0x3d: {  	_ =	shalt  }
0x3e: {  	_ =	shalt  }
0x3f: {  	_ =	shalt  }
0x40: {  	_ =	shalt  }
0x41: {  	_ =	shalt  }
0x42: {  	_ =	shalt  }
0x43: {  	_ =	shalt  }
0x44: {  	_ =	shalt  }
0x45: {  	_ =	shalt  }
0x46: {  	_ =	shalt  }
0x47: {  	_ =	shalt  }
0x48: {  	_ =	shalt  }
0x49: {  	_ =	shalt  }
0x4a: {  	_ =	shalt  }
0x4b: {  	_ =	shalt  }
0x4c: {  	_ =	shalt  }
0x4d: {  	_ =	shalt  }
0x4e: {  	_ =	shalt  }
0x4f: {  	_ =	shalt  }
0x50: {  	_ =	shalt  }
0x51: {  	_ =	shalt  }
0x52: {  	_ =	shalt  }
0x53: {  	_ =	shalt  }
0x54: {  	_ =	shalt  }
0x55: {  	_ =	shalt  }
0x56: {  	_ =	shalt  }
0x57: {  	_ =	shalt  }
0x58: {  	_ =	shalt  }
0x59: {  	_ =	shalt  }
0x5a: {  	_ =	shalt  }
0x5b: {  	_ =	shalt  }
0x5c: {  	_ =	shalt  }
0x5d: {  	_ =	shalt  }
0x5e: {  	_ =	shalt  }
0x5f: {  	_ =	shalt  }
0x60: {  	_ =	shalt  }
0x61: {  	_ =	shalt  }
0x62: {  	_ =	shalt  }
0x63: {  	_ =	shalt  }
0x64: {  	_ =	shalt  }
0x65: {  	_ =	shalt  }
0x66: {  	_ =	shalt  }
0x67: {  	_ =	shalt  }
0x68: {  	_ =	shalt  }
0x69: {  	_ =	shalt  }
0x6a: {  	_ =	shalt  }
0x6b: {  	_ =	shalt  }
0x6c: {  	_ =	shalt  }
0x6d: {  	_ =	shalt  }
0x6e: {  	_ =	shalt  }
0x6f: {  	_ =	shalt  }
0x70: {  	_ =	shalt  }
0x71: {  	_ =	shalt  }
0x72: {  	_ =	shalt  }
0x73: {  	_ =	shalt  }
0x74: {  	_ =	shalt  }
0x75: {  	_ =	shalt  }
0x76: {  	_ =	shalt  }
0x77: {  	_ =	shalt  }
0x78: {  	_ =	shalt  }
0x79: {  	_ =	shalt  }
0x7a: {  	_ =	shalt  }
0x7b: {  	_ =	shalt  }
0x7c: {  	_ =	shalt  }
0x7d: {  	_ =	shalt  }
0x7e: {  	_ =	shalt  }
0x7f: {  	_ =	shalt  }
0x80: {  	_ =	shalt  }
0x81: {  	_ =	shalt  }
0x82: {  	_ =	shalt  }
0x83: {  	_ =	shalt  }
0x84: {  	_ =	shalt  }
0x85: {  	_ =	shalt  }
0x86: {  	_ =	shalt  }
0x87: {  	_ =	shalt  }
.Lfunc_end0:
.L_simem_size_0:
called_computation.1_lowered:
.L_overlay_start_0:
0x88: {  	s0 =	sld [smem:$0x3FD9]  }
0x89: {  	s1 =	sld [smem:$0x3FFE];
	_ =	sdelay $0x3  }
0x8a: {  	s0 =	sadd.s32 s1, s0  }
0x8b: {  	[smem:$0x3FB0] =	sst s0  }
0x8c: {  	_ = 	snop  }
0x8d: {  	(tm) =	ssettm $0x1  }
0x8e: {  	s15 =	sld [smem:$0x3FFB];
	_ =	sdelay $0x3  }
0x8f: {  	_ =	strace s15  }
0x90: {  	s0 =	sld [smem:$0x3FFC];
	_ =	sdelay $0x3  }
0x91: {  	_ =	strace s0  }
0x92: {  	s0 =	sld [smem:$0x3FFD];
	_ =	sdelay $0x3  }
0x93: {  	_ =	strace s0  }
0x94: {  	_ =	strace $0x8FFFFFFF  }
0x95: {  	s16 =	sld [smem:$0x3FDB];
	_ =	sdelay $0x1  }
0x96: {  	s17 =	simm.s32 $_scs_section_size  }
0x97: {  	s2 =	simm.s32 $_size__tile_overlayer_lowered;
	s3 =	simm.s32 $_tile_overlayer_lowered  }
0x98: {  	s20 =	simm.s32 $0x1BFF;
	s19 =	sshll.u32 s3, $0x1;
	s0 =	sadd.s32 s17, s16  }
0x99: {  	s4 =	simm.s32 $0x0;
	s18 =	sshll.u32 s2, $0x1;
	s2 =	sadd.s32 s19, s0  }
0x9a: {  	[timem:s4], [sflag:s20] =	dma.local [hbm:s2], s18  }
0x9b: {  	_ =	swait.ge [sflag:s20], s18  }
0x9c: {  	s1 =	ssub.s32 $0x0, s18;
	[sflag:s20] =	ssyncset.done $0x0  }
0x9d: {  	[sflag:s20] =	ssyncadd.s32 s1;
	_ =	sdelay $0x1  }
0x9e: {  	s21 =	simm.s32 $0x1B8B  }
0x9f: {  	_ =	swait.ge [sflag:s21], $0x1  }
0xa0: {  	[sflag:s21] =	ssyncset.done $0x0  }
0xa1: {  	s23 =	simm.s32 $0x1B8E;
	s22 =	sld [smem:$0x3FFE];
	[sflag:s21] =	ssyncadd.s32 $0xFFFFFFFF  }
0xa2: {  	s24 =	simm.s32 $execute0_lowered;
	[smem:$0x3FD2] =	sst s23  }
0xa3: {  	s2 =	sshll.u32 s24, $0x1;
	_ =	strace $0x80000049;
	[dreg:$0x1] =	wrdreg $0xFFFFFFFF  }
0xa4: {  	s25 =	simm.s32 $_size_execute0_lowered;
	s0 =	sadd.s32 s0, s2;
	[dreg:$0x0] =	wrdreg $0x0  }
0xa5: {  	s2 =	sshll.u32 s25, $0x1;
	[dreg:$0x2] =	wrdreg s0  }
0xa6: {  	[dreg:$0x3] =	wrdreg s2  }
0xa7: {  	[dreg:$0x4] =	wrdreg $0xC0  }
0xa8: {  	_ =	task [dreg:s4], $0x5FFFF  }
0xa9: {  	[dreg:$0x1] =	wrdreg $0xFFFFFFFF  }
0xaa: {  	[dreg:$0x0] =	wrdreg $0x60  }
0xab: {  	[dreg:$0x2] =	wrdreg s22  }
0xac: {  	[dreg:$0x3] =	wrdreg $0x9  }
0xad: {  	_ =	task.clear_ibuf [dreg:s4], $0x4FFFF;
	_ =	strace $0x90000049  }
0xae: {  	s26 =	simm.s32 $0x9;
	_ =	strace $0x8000004B  }
0xaf: {  	_ =	swait.ge [sflag:s26], $0x1  }
0xb0: {  	[sflag:s26] =	ssyncadd.s32 $0xFFFFFFFF  }
0xb1: {  	_ =	strace $0x9000004B  }
0xb2: {  	_ =	sfence  }
0xb3: {  	s28 =	sld [smem:$0x0];
	_ =	sdelay $0x1  }
0xb4: {  	s29 =	srdreg.scid  }
0xb5: {  	s30 =	sshll.u32 s29, $0xD;
	s31 =	sshrl.u32 s29, $0x2  }
0xb6: {  	s1 =	sand.u32 $0x1, s29;
	s2 =	sand.u32 $0x4000, s30;
	s0 =	sadd.s32 s31, s28  }
0xb7: {  	s1 =	sor.u32 s2, s1;
	s0 =	sshll.u32 s0, $0x11  }
0xb8: {  	s0 =	sor.u32 s0, s1  }
0xb9: {  	s0 =	sadd.s32 $0x8F2B, s0  }
0xba: {  	[sflag:s0] =	ssyncadd.remote.s32 $0x1  }
0xbb: {  	_ =	sfence.sel $0xFFFF  }
0xbc: {  	[dreg:$0x0] =	wrdreg $0xFFFFFFFF;
	(pc) =	sbr.abs _section_cstart, $3  }
0xbd: {  	[dreg:$0x1] =	wrdreg $0xFFFFFFFF  }
0xbe: {  	_ =	task.clear_ibuf [dreg:s4], $0x2FFFF;
	_ =	strace $0x9FFFFFFF  }
0xbf: {  	(tm) =	ssettm $0x7FFFFFFF  }
tec
execute0_lowered:
.L_overlay_start_1:
0x0: {  	(tag) =	ssettag $0x1  }
0x1: {  	s8 =	rddreg [dreg:$0x0]  }
0x2: {  	s0 =	rddreg [dreg:$0x1];
	_ =	strace $0x8000004A  }
0x3: {  	s4 =	simm.s32 $0x1;
	s1 =	stileid.u32;
	s7 =	simm.s32 $0x1  }
0x4: {  	s9 =	simm.s32 $0x1;
	s6 =	simm.s32 $0x2;
	s10 =	simm.s32 $0x3  }
0x5: {  	s13 =	simm.s32 $0x0;
	s12 =	simm.s32 $0x0;
	s2 =	sadd.s32 $0x3000, s8  }
.Ltmp0:
0x6: {  	s3 =	sadd.s32 $0x17400, s8;
	p0 =	slt.u32 s1, $0xA;
	(pc) =	sbr.rel .LBB2_1-.Ltmp0, $4  }
0x7: {  	[sflag:s4] =	ssyncpa.u1 $0x0;
	s7 =	simm.s32 @!p0 $0x0;
	p0 =	sne.s32 s1, $0x9  }
0x8: {  	s5 =	smul.u32 $0x3390, s1;
	[sflag:s6] =	ssyncpa.u1 $0x0;
	s9 =	simm.s32 @!p0 $0x0  }
0x9: {  	s8 =	sadd.s32 $0xD200, s8;
	[sflag:s10] =	ssyncpa.u1 $0x0;
	s7 =	sadd.s32 s9, s7  }
0xa: {  	vm0 =	vmmov $0xffff;
	s10 =	simm.s32 $0x0;
	s11 =	smov.u32 s5;
	s9 =	sadd.s32 $0x1, s7  }
.LBB2_4:
0xb: {  	v2 =	vnsel vm1, $0x0, v2  }
0xc: {  	vm1 =	vgt.s32 v0, $0x0;
	v2 =	vmin.u32 v2, $0x5090F  }
0xd: {  	v0 =	vnsel vm1, $0x0, v0  }
0xe: {  	v0 =	vmin.u32 v0, $0x5090F  }
0xf: {  	[tilespmem:s18], [sflag:$0x1] =	stream.indirect_vreg.gather [hbm4b:s2+s10], $0x1, v1, vm0, $0x4038;
	[tilespmem:$0xCE40] =	vst v63  }
0x10: {  	(ifvalue) =	ssetifvalue $0x7FFFFFFF  }
0x11: {  	[tilespmem:s15], [sflag:$0x1] =	stream.indirect_vreg.gather [hbm4b:s2+s10], $0x1, v2, vm0, $0x4038;
	[tilespmem:$0xCE40] =	vst v63  }
0x12: {  	s29 =	sadd.s32 $0x10, s15;
	(ifvalue) =	ssetifvalue $0x7FFFFFFF  }
0x13: {  	[tilespmem:s29], [sflag:$0x1] =	stream.indirect_vreg.gather [hbm4b:s2+s10], $0x1, v0, vm0, $0x4038;
	[tilespmem:$0xCE40] =	vst v63  }
0x14: {  	_ =	swait.ge [sflag:s4], $0x3390  }
0x15: {  	s30 =	sshrl.u32 s13, $0x3;
	[sflag:s4] =	ssyncset.done $0x0  }
0x16: {  	s31 =	sand.u32 $0x7, s13;
	s15 =	sadd.s32 s8, s30;
	[sflag:s4] =	ssyncadd.s32 $0xFFFFCC70  }
0x17: {  	[hbm4b:s15+s31] =	stream.linear.scatter [tilespmem:s14], [sflag:$0x3], $0x3390, $0x38;
	[tilespmem:$0xCE40] =	vst v63  }
.LBB2_5:
0x18: {  	s15 =	sadd.s32 $0x33900, s11  }
0x19: {  	p1 =	sgt.s32 s15, $0x5090F  }
0x1a: {  	s15 =	smov.u32 @p1 s5;
	p1 =	sne.s32 s12, s9  }
.Ltmp1:
0x1b: {  	p0 =	slt.u32 s12, $0x2;
	(pc) =	sbr.rel @!p1 .LBB2_6-.Ltmp1, $4  }
0x1c: {  	s14 =	simm.s32 @!p0 $0x3  }
0x1d: {  	_ =	swait.ge @!p0 [sflag:s14], $0x3390  }
0x1e: {  	s16 =	sadd.s32 $0x1, s12;
	s13 =	smov.u32 s11;
	[sflag:s14] =	ssyncset.done @!p0 $0x0  }
0x1f: {  	s12 =	smov.u32 s16;
	s11 =	smov.u32 s15;
	[sflag:s14] =	ssyncadd.s32 @!p0 $0xFFFFCC70  }
.LBB2_1:
0x20: {  	p0 =	sge.u32 s12, s7  }
0x21: {  	s14 =	sxor.u32 @!p0 $0x1, s12  }
0x22: {  	s14 =	smul.u32 @!p0 $0xCE40, s14  }
0x23: {  	s31 =	sadd.s32 $0xFFFFFFFF, s12;
	s15 =	sshrl.u32 @!p0 s11, $0x3  }
0x24: {  	s16 =	sand.u32 @!p0 $0x7, s11;
	s15 =	sadd.s32 @!p0 s3, s15;
	s14 =	sshra.s32 @!p0 s14, $0x2  }
0x25: {  	[tilespmem:s14], [sflag:$0x2] =	stream.linear.gather @!p0 [hbm4b:s15+s16], $0x3390, $0x38;
	[tilespmem:$0xCE40] =	vst v63  }
0x26: {  	p0 =	sge.u32 s31, s7  }
.Ltmp2:
0x27: {  	_ = 	snop;
	(pc) =	sbr.rel @p0 .LBB2_5-.Ltmp2, $1  }
0x28: {  	_ =	sdelay $0x3  }
0x29: {  	s14 =	sand.u32 $0x1, s12  }
0x2a: {  	_ =	swait.ge [sflag:s6], $0x3390;
	p0 =	seq.s32 s14, $0x1;
	s14 =	simm.s32 $0x3390  }
0x2b: {  	[sflag:s6] =	ssyncset.done $0x0;
	s14 =	simm.s32 @!p0 $0x0  }
0x2c: {  	[sflag:s6] =	ssyncadd.s32 $0xFFFFCC70;
	(ifvalue) =	ssetifvalue $0x7FFFFFFF;
	v0 =	vld.msk [tilespmem:s14+$0x0 ss:$0x1], $0xffff;
	_ =	sdelay $0x4  }
0x2d: {  	s15 =	sadd.s32 $0x10, s14;
	vm1 =	vgt.s32 v0, $0x0  }
0x2e: {  	v2 =	vld.msk [tilespmem:s15+$0x0 ss:$0x1], $0xffff;
	v1 =	vnsel vm1, $0x0, v0  }
0x2f: {  	v1 =	vmin.u32 v1, $0x5090F;
	_ =	sdelay $0x2  }
0x30: {  	s17 =	simm.s32 $0x20;
	s14 =	sadd.s32 $0x6720, s14;
	s16 =	sadd.s32 $0x10, s15  }
0x31: {  	s15 =	sadd.s32 $0x10, s14;
	s18 =	smov.u32 s14;
	v0 =	vld.msk [tilespmem:s16+$0x0 ss:$0x1], $0xffff;
	vm1 =	vgt.s32 v2, $0x0;
	(ifvalue) =	ssetifvalue $0x7FFFFFFF  }
.LBB2_3:
0x32: {  	[tilespmem:s18], [sflag:$0x1] =	stream.indirect_vreg.gather [hbm4b:s2+s10], $0x1, v1, vm0, $0x4038;
	[tilespmem:$0xCE40] =	vst v63  }
0x33: {  	s17 =	sadd.s32 $0x10, s17  }
0x34: {  	v2 =	vnsel vm1, $0x0, v2;
	p0 =	slt.u32 s17, $0x3380  }
.Ltmp3:
0x35: {  	s18 =	smov.u32 s15;
	v1 =	vmin.u32 v2, $0x5090F;
	(pc) =	sbr.rel @p0 .LBB2_3-.Ltmp3, $3  }
0x36: {  	_ =	sdelay $0x1  }
0x37: {  	s16 =	sadd.s32 $0x10, s16  }
0x38: {  	vm1 =	vgt.s32 v0, $0x0;
	s15 =	sadd.s32 $0x10, s15;
	v2 =	vmov v0;
	(ifvalue) =	ssetifvalue $0x7FFFFFFF;
	v0 =	vld.msk [tilespmem:s16+$0x0 ss:$0x1], $0xffff  }
.Ltmp4:
0x39: {  	_ = 	snop;
	(pc) =	sbr.rel .LBB2_4-.Ltmp4, $1  }
0x3a: {  	_ =	sdelay $0x3  }
.LBB2_6:
0x3b: {  	_ =	sfence.sel $0x180000  }
0x3c: {  	s2 =	simm.s32 $0x2;
	[bflag:$0x0] =	sbarrier.arrive $0xFFFF  }
0x3d: {  	s30 =	simm.s32 $0x3;
	[sflag:s2] =	ssyncpa.u1 $0x1  }
0x3e: {  	s31 =	simm.s32 $0x1;
	[sflag:s30] =	ssyncpa.u1 $0x1  }
0x3f: {  	[sflag:s31] =	ssyncpa.u1 $0x1  }
0x40: {  	p0 =	sne.s32 s1, $0x0;
	_ =	strace $0x9000004A  }
0x41: {  	s0 =	sadd.s32 @!p0 $0x100000, s0;
	[bflag:$0x2] =	sbarrier.arrive $0xFFFF  }
0x42: {  	[sflag:s0] =	ssyncadd.tile.s32 @!p0 $0x1;
	_ =	shalt  }
.Lfunc_end2:
_tile_overlayer_lowered:
.L_overlay_start_2:
0x43: {  	(tag) =	ssettag $0x2  }
0x44: {  	s0 =	rddreg [dreg:$0x0];
	s2 =	stileid.u32  }
0x45: {  	s1 =	rddreg [dreg:$0x1];
	p0 =	sne.s32 s2, $0x0  }
0x46: {  	s3 =	rddreg [dreg:$0x2];
	[bflag:$0x3] =	sbarrier.arrive $0xFFFF;
	s2 =	simm.s32 @!p0 $0x1C01  }
0x47: {  	[timem:s3], [sflag:s2] =	dma.local @!p0 [hbm:s0], s1  }
0x48: {  	s0 =	simm.s32 @!p0 $0x1  }
0x49: {  	_ =	swait.ge @!p0 [sflag:s0], s1  }
0x4a: {  	s1 =	ssub.s32 @!p0 $0x0, s1;
	[sflag:s0] =	ssyncset.done @!p0 $0x0  }
0x4b: {  	[sflag:s0] =	ssyncadd.s32 @!p0 s1  }
0x4c: {  	[bflag:$0x3] =	sbarrier.arrive $0xFFFF  }
0x4d: {  	_ =	shalt  }

// kernel: gather_offload_async_start.2
scs
__scs_entry_jumppad:
0x0: {  	(pc) =	sbr.rel $0x88, $3  }
0x1: {  	(tag) =	ssettag $0x0;
	lr =	simm.s32 $0x1  }
0x2: {  	[smem:$0x3F89] =	sst lr;
	_ =	strace $0xD0000000  }
0x3: {  	_ = 	snop  }
0x4: {  	_ = 	snop  }
0x5: {  	_ = 	snop  }
0x6: {  	_ = 	snop  }
0x7: {  	_ = 	snop  }
__scs_overlays_trampoline_lowered:
0x8: {  	[smem:$0x3F98] =	sst s0  }
0x9: {  	[smem:$0x3F99] =	sst s1  }
0xa: {  	[smem:$0x3F9A] =	sst s2  }
0xb: {  	[smem:$0x3F9B] =	sst s3  }
0xc: {  	[smem:$0x3F9C] =	sst s4  }
0xd: {  	[smem:$0x3F9D] =	sst s5  }
0xe: {  	[smem:$0x3F9E] =	sst s6  }
0xf: {  	[smem:$0x3F9F] =	sst s7  }
0x10: {  	[smem:$0x3FA0] =	sst s8  }
0x11: {  	[smem:$0x3FA1] =	sst s9;
	s0 =	simm.s32 @!p0 $0x0  }
0x12: {  	s1 =	sld [smem:$0x3F87];
	s0 =	simm.s32 @p0 $0x1  }
0x13: {  	[smem:$0x3FA2] =	sst s0;
	s0 =	simm.s32 @!p1 $0x0  }
0x14: {  	s2 =	sld [smem:$0x3F86];
	s0 =	simm.s32 @p1 $0x1  }
0x15: {  	[smem:$0x3FA3] =	sst s0;
	s0 =	simm.s32 @!p2 $0x0  }
0x16: {  	s3 =	sld [smem:$0x3FDB];
	s0 =	simm.s32 @p2 $0x1  }
0x17: {  	s4 =	simm.s32 $0x1BF5;
	[smem:$0x3FA5] =	sst s0  }
0x18: {  	s0 =	sld [smem:$0x3F88];
	_ =	swait.ge [sflag:s4], $0x0  }
0x19: {  	s7 =	sld [smem:$0x3F89]  }
0x1a: {  	s8 =	sadd.s32 $0xFFFFE003, lr  }
0x1b: {  	s9 =	sadd.s32 $0xFFFFFEF7, lr;
	s5 =	simm.s32 $0xFFFFFFFF;
	p2 =	slt.u32 s8, $0xFFFFF086  }
0x1c: {  	p1 =	slt.u32 s9, $0xF7A;
	s5 =	simm.s32 @!p2 $0x0  }
0x1d: {  	s5 =	simm.s32 @p1 $0x1;
	p0 =	seq.s32 s7, s2  }
0x1e: {  	s7 =	smul.u32 @!p0 $0xF7A, s2;
	p2 =	seq.s32 @!p0 s5, $0x0  }
0x1f: {  	s9 =	smul.u32 $0xF7A, s1;
	s8 =	simm.s32 @!p0 $0x1BF5;
	p2 =	por !p2, p0  }
0x20: {  	[sflag:s8] =	ssyncset.s32 @!p0 $0xFFFFF086;
	s6 =	sadd.s32 @!p0 s3, s7;
	s7 =	simm.s32 @!p0 $0x108  }
0x21: {  	s3 =	sadd.s32 s3, s9;
	s6 =	sadd.s32 @!p0 $0x88, s6;
	s7 =	simm.s32 @p2 $0x1082  }
0x22: {  	[simem:s7], [sflag:s8] =	dma.local @!p0 [hbm:s6], $0xF7A  }
0x23: {  	s9 =	sor.u32 $0xD0000000, s2;
	s6 =	simm.s32 $0x108;
	_ =	swait.ge @!p0 [sflag:s8], $0x0  }
0x24: {  	s3 =	sadd.s32 $0x88, s3;
	s6 =	simm.s32 @!p1 $0x1082;
	[sflag:s4] =	ssyncset.s32 $0xFFFFF086  }
0x25: {  	[simem:s6], [sflag:s4] =	dma.local [hbm:s3], $0xF7A  }
0x26: {  	[smem:$0x3F89] =	sst s1;
	(tag) =	ssettag s2;
	_ =	strace s9  }
0x27: {  	s1 =	sld [smem:$0x3F99]  }
0x28: {  	s2 =	sld [smem:$0x3F9A]  }
0x29: {  	s4 =	sld [smem:$0x3F9C]  }
0x2a: {  	p0 =	seq.s32 s5, $0x0;
	s5 =	sld [smem:$0x3F9D]  }
0x2b: {  	s6 =	sld [smem:$0x3F9E]  }
0x2c: {  	s7 =	sld [smem:$0x3F9F]  }
0x2d: {  	s3 =	simm.s32 $0x108;
	s8 =	sld [smem:$0x3FA0]  }
0x2e: {  	s3 =	simm.s32 @!p0 $0x1082;
	s9 =	sld [smem:$0x3FA1]  }
0x2f: {  	lr =	sadd.s32 s0, s3;
	s0 =	sld [smem:$0x3F98]  }
0x30: {  	s3 =	sld [smem:$0x3F9B]  }
0x31: {  	[smem:$0x3FA4] =	sst s10  }
0x32: {  	s10 =	sld [smem:$0x3FA2];
	_ =	sdelay $0x3  }
0x33: {  	p0 =	seq.s32 s10, $0x1;
	s10 =	sld [smem:$0x3FA4];
	_ =	sdelay $0x3  }
0x34: {  	[smem:$0x3FA4] =	sst s10  }
0x35: {  	s10 =	sld [smem:$0x3FA3];
	_ =	sdelay $0x3  }
0x36: {  	p1 =	seq.s32 s10, $0x1;
	s10 =	sld [smem:$0x3FA4];
	_ =	sdelay $0x3  }
0x37: {  	[smem:$0x3FA4] =	sst s10  }
0x38: {  	s10 =	sld [smem:$0x3FA5]  }
0x39: {  	_ = 	snop;
	(pc) =	sbr.ind lr, $3  }
0x3a: {  	_ = 	snop  }
0x3b: {  	_ = 	snop  }
0x3c: {  	p2 =	seq.s32 s10, $0x1;
	s10 =	sld [smem:$0x3FA4]  }
0x3d: {  	_ =	shalt  }
0x3e: {  	_ =	shalt  }
0x3f: {  	_ =	shalt  }
0x40: {  	_ =	shalt  }
0x41: {  	_ =	shalt  }
0x42: {  	_ =	shalt  }
0x43: {  	_ =	shalt  }
0x44: {  	_ =	shalt  }
0x45: {  	_ =	shalt  }
0x46: {  	_ =	shalt  }
0x47: {  	_ =	shalt  }
0x48: {  	_ =	shalt  }
0x49: {  	_ =	shalt  }
0x4a: {  	_ =	shalt  }
0x4b: {  	_ =	shalt  }
0x4c: {  	_ =	shalt  }
0x4d: {  	_ =	shalt  }
0x4e: {  	_ =	shalt  }
0x4f: {  	_ =	shalt  }
0x50: {  	_ =	shalt  }
0x51: {  	_ =	shalt  }
0x52: {  	_ =	shalt  }
0x53: {  	_ =	shalt  }
0x54: {  	_ =	shalt  }
0x55: {  	_ =	shalt  }
0x56: {  	_ =	shalt  }
0x57: {  	_ =	shalt  }
0x58: {  	_ =	shalt  }
0x59: {  	_ =	shalt  }
0x5a: {  	_ =	shalt  }
0x5b: {  	_ =	shalt  }
0x5c: {  	_ =	shalt  }
0x5d: {  	_ =	shalt  }
0x5e: {  	_ =	shalt  }
0x5f: {  	_ =	shalt  }
0x60: {  	_ =	shalt  }
0x61: {  	_ =	shalt  }
0x62: {  	_ =	shalt  }
0x63: {  	_ =	shalt  }
0x64: {  	_ =	shalt  }
0x65: {  	_ =	shalt  }
0x66: {  	_ =	shalt  }
0x67: {  	_ =	shalt  }
0x68: {  	_ =	shalt  }
0x69: {  	_ =	shalt  }
0x6a: {  	_ =	shalt  }
0x6b: {  	_ =	shalt  }
0x6c: {  	_ =	shalt  }
0x6d: {  	_ =	shalt  }
0x6e: {  	_ =	shalt  }
0x6f: {  	_ =	shalt  }
0x70: {  	_ =	shalt  }
0x71: {  	_ =	shalt  }
0x72: {  	_ =	shalt  }
0x73: {  	_ =	shalt  }
0x74: {  	_ =	shalt  }
0x75: {  	_ =	shalt  }
0x76: {  	_ =	shalt  }
0x77: {  	_ =	shalt  }
0x78: {  	_ =	shalt  }
0x79: {  	_ =	shalt  }
0x7a: {  	_ =	shalt  }
0x7b: {  	_ =	shalt  }
0x7c: {  	_ =	shalt  }
0x7d: {  	_ =	shalt  }
0x7e: {  	_ =	shalt  }
0x7f: {  	_ =	shalt  }
0x80: {  	_ =	shalt  }
0x81: {  	_ =	shalt  }
0x82: {  	_ =	shalt  }
0x83: {  	_ =	shalt  }
0x84: {  	_ =	shalt  }
0x85: {  	_ =	shalt  }
0x86: {  	_ =	shalt  }
0x87: {  	_ =	shalt  }
.Lfunc_end0:
.L_simem_size_0:
called_computation.2_lowered:
.L_overlay_start_0:
0x88: {  	s0 =	sld [smem:$0x3FD9]  }
0x89: {  	s1 =	sld [smem:$0x3FFE];
	_ =	sdelay $0x3  }
0x8a: {  	s0 =	sadd.s32 s1, s0  }
0x8b: {  	[smem:$0x3FB0] =	sst s0  }
0x8c: {  	_ = 	snop  }
0x8d: {  	(tm) =	ssettm $0x1  }
0x8e: {  	s15 =	sld [smem:$0x3FFB];
	_ =	sdelay $0x3  }
0x8f: {  	_ =	strace s15  }
0x90: {  	s0 =	sld [smem:$0x3FFC];
	_ =	sdelay $0x3  }
0x91: {  	_ =	strace s0  }
0x92: {  	s0 =	sld [smem:$0x3FFD];
	_ =	sdelay $0x3  }
0x93: {  	_ =	strace s0  }
0x94: {  	_ =	strace $0x8FFFFFFF  }
0x95: {  	s16 =	sld [smem:$0x3FDB];
	_ =	sdelay $0x1  }
0x96: {  	s17 =	simm.s32 $_scs_section_size  }
0x97: {  	s2 =	simm.s32 $_size__tile_overlayer_lowered;
	s3 =	simm.s32 $_tile_overlayer_lowered  }
0x98: {  	s20 =	simm.s32 $0x1BFF;
	s19 =	sshll.u32 s3, $0x1;
	s0 =	sadd.s32 s17, s16  }
0x99: {  	s4 =	simm.s32 $0x0;
	s18 =	sshll.u32 s2, $0x1;
	s2 =	sadd.s32 s19, s0  }
0x9a: {  	[timem:s4], [sflag:s20] =	dma.local [hbm:s2], s18  }
0x9b: {  	_ =	swait.ge [sflag:s20], s18  }
0x9c: {  	s1 =	ssub.s32 $0x0, s18;
	[sflag:s20] =	ssyncset.done $0x0  }
0x9d: {  	[sflag:s20] =	ssyncadd.s32 s1;
	_ =	sdelay $0x1  }
0x9e: {  	s21 =	simm.s32 $0x1B8B  }
0x9f: {  	_ =	swait.ge [sflag:s21], $0x1  }
0xa0: {  	[sflag:s21] =	ssyncset.done $0x0  }
0xa1: {  	s23 =	simm.s32 $0x1B8E;
	s22 =	sld [smem:$0x3FFE];
	[sflag:s21] =	ssyncadd.s32 $0xFFFFFFFF  }
0xa2: {  	s24 =	simm.s32 $execute0_lowered;
	[smem:$0x3FD2] =	sst s23  }
0xa3: {  	s2 =	sshll.u32 s24, $0x1;
	_ =	strace $0x80000046;
	[dreg:$0x1] =	wrdreg $0xFFFFFFFF  }
0xa4: {  	s25 =	simm.s32 $_size_execute0_lowered;
	s0 =	sadd.s32 s0, s2;
	[dreg:$0x0] =	wrdreg $0x0  }
0xa5: {  	s2 =	sshll.u32 s25, $0x1;
	[dreg:$0x2] =	wrdreg s0  }
0xa6: {  	[dreg:$0x3] =	wrdreg s2  }
0xa7: {  	[dreg:$0x4] =	wrdreg $0xC0  }
0xa8: {  	_ =	task [dreg:s4], $0x5FFFF  }
0xa9: {  	[dreg:$0x1] =	wrdreg $0xFFFFFFFF  }
0xaa: {  	[dreg:$0x0] =	wrdreg $0x60  }
0xab: {  	[dreg:$0x2] =	wrdreg s22  }
0xac: {  	[dreg:$0x3] =	wrdreg $0x9  }
0xad: {  	_ =	task.clear_ibuf [dreg:s4], $0x4FFFF;
	_ =	strace $0x90000046  }
0xae: {  	s26 =	simm.s32 $0x9;
	_ =	strace $0x80000048  }
0xaf: {  	_ =	swait.ge [sflag:s26], $0x1  }
0xb0: {  	[sflag:s26] =	ssyncadd.s32 $0xFFFFFFFF  }
0xb1: {  	_ =	strace $0x90000048  }
0xb2: {  	_ =	sfence  }
0xb3: {  	s28 =	sld [smem:$0x0];
	_ =	sdelay $0x1  }
0xb4: {  	s29 =	srdreg.scid  }
0xb5: {  	s30 =	sshll.u32 s29, $0xD;
	s31 =	sshrl.u32 s29, $0x2  }
0xb6: {  	s1 =	sand.u32 $0x1, s29;
	s2 =	sand.u32 $0x4000, s30;
	s0 =	sadd.s32 s31, s28  }
0xb7: {  	s1 =	sor.u32 s2, s1;
	s0 =	sshll.u32 s0, $0x11  }
0xb8: {  	s0 =	sor.u32 s0, s1  }
0xb9: {  	s0 =	sadd.s32 $0x8F2B, s0  }
0xba: {  	[sflag:s0] =	ssyncadd.remote.s32 $0x1  }
0xbb: {  	_ =	sfence.sel $0xFFFF  }
0xbc: {  	[dreg:$0x0] =	wrdreg $0xFFFFFFFF;
	(pc) =	sbr.abs _section_cstart, $3  }
0xbd: {  	[dreg:$0x1] =	wrdreg $0xFFFFFFFF  }
0xbe: {  	_ =	task.clear_ibuf [dreg:s4], $0x2FFFF;
	_ =	strace $0x9FFFFFFF  }
0xbf: {  	(tm) =	ssettm $0x7FFFFFFF  }
tec
execute0_lowered:
.L_overlay_start_1:
0x0: {  	(tag) =	ssettag $0x1  }
0x1: {  	s8 =	rddreg [dreg:$0x0]  }
0x2: {  	s0 =	rddreg [dreg:$0x1];
	_ =	strace $0x80000047  }
0x3: {  	s4 =	simm.s32 $0x1;
	s1 =	stileid.u32;
	s7 =	simm.s32 $0x1  }
0x4: {  	s9 =	simm.s32 $0x1;
	s6 =	simm.s32 $0x2;
	s10 =	simm.s32 $0x3  }
0x5: {  	s13 =	simm.s32 $0x0;
	s12 =	simm.s32 $0x0;
	s2 =	sadd.s32 $0xD200, s8  }
.Ltmp0:
0x6: {  	s3 =	sadd.s32 $0x17400, s8;
	p0 =	slt.u32 s1, $0xA;
	(pc) =	sbr.rel .LBB2_1-.Ltmp0, $4  }
0x7: {  	[sflag:s4] =	ssyncpa.u1 $0x0;
	s7 =	simm.s32 @!p0 $0x0;
	p0 =	sne.s32 s1, $0x9  }
0x8: {  	s5 =	smul.u32 $0x3390, s1;
	[sflag:s6] =	ssyncpa.u1 $0x0;
	s9 =	simm.s32 @!p0 $0x0  }
0x9: {  	s8 =	sadd.s32 $0x21600, s8;
	[sflag:s10] =	ssyncpa.u1 $0x0;
	s7 =	sadd.s32 s9, s7  }
0xa: {  	vm0 =	vmmov $0xffff;
	s10 =	simm.s32 $0x0;
	s11 =	smov.u32 s5;
	s9 =	sadd.s32 $0x1, s7  }
.LBB2_4:
0xb: {  	v2 =	vnsel vm1, $0x0, v2  }
0xc: {  	vm1 =	vgt.s32 v0, $0x0;
	v2 =	vmin.u32 v2, $0x5090F  }
0xd: {  	v0 =	vnsel vm1, $0x0, v0  }
0xe: {  	v0 =	vmin.u32 v0, $0x5090F  }
0xf: {  	[tilespmem:s18], [sflag:$0x1] =	stream.indirect_vreg.gather [hbm4b:s2+s10], $0x1, v1, vm0, $0x4038;
	[tilespmem:$0xCE40] =	vst v63  }
0x10: {  	(ifvalue) =	ssetifvalue $0x7FFFFFFF  }
0x11: {  	[tilespmem:s15], [sflag:$0x1] =	stream.indirect_vreg.gather [hbm4b:s2+s10], $0x1, v2, vm0, $0x4038;
	[tilespmem:$0xCE40] =	vst v63  }
0x12: {  	s29 =	sadd.s32 $0x10, s15;
	(ifvalue) =	ssetifvalue $0x7FFFFFFF  }
0x13: {  	[tilespmem:s29], [sflag:$0x1] =	stream.indirect_vreg.gather [hbm4b:s2+s10], $0x1, v0, vm0, $0x4038;
	[tilespmem:$0xCE40] =	vst v63  }
0x14: {  	_ =	swait.ge [sflag:s4], $0x3390  }
0x15: {  	s30 =	sshrl.u32 s13, $0x3;
	[sflag:s4] =	ssyncset.done $0x0  }
0x16: {  	s31 =	sand.u32 $0x7, s13;
	s15 =	sadd.s32 s8, s30;
	[sflag:s4] =	ssyncadd.s32 $0xFFFFCC70  }
0x17: {  	[hbm4b:s15+s31] =	stream.linear.scatter [tilespmem:s14], [sflag:$0x3], $0x3390, $0x38;
	[tilespmem:$0xCE40] =	vst v63  }
.LBB2_5:
0x18: {  	s15 =	sadd.s32 $0x33900, s11  }
0x19: {  	p1 =	sgt.s32 s15, $0x5090F  }
0x1a: {  	s15 =	smov.u32 @p1 s5;
	p1 =	sne.s32 s12, s9  }
.Ltmp1:
0x1b: {  	p0 =	slt.u32 s12, $0x2;
	(pc) =	sbr.rel @!p1 .LBB2_6-.Ltmp1, $4  }
0x1c: {  	s14 =	simm.s32 @!p0 $0x3  }
0x1d: {  	_ =	swait.ge @!p0 [sflag:s14], $0x3390  }
0x1e: {  	s16 =	sadd.s32 $0x1, s12;
	s13 =	smov.u32 s11;
	[sflag:s14] =	ssyncset.done @!p0 $0x0  }
0x1f: {  	s12 =	smov.u32 s16;
	s11 =	smov.u32 s15;
	[sflag:s14] =	ssyncadd.s32 @!p0 $0xFFFFCC70  }
.LBB2_1:
0x20: {  	p0 =	sge.u32 s12, s7  }
0x21: {  	s14 =	sxor.u32 @!p0 $0x1, s12  }
0x22: {  	s14 =	smul.u32 @!p0 $0xCE40, s14  }
0x23: {  	s31 =	sadd.s32 $0xFFFFFFFF, s12;
	s15 =	sshrl.u32 @!p0 s11, $0x3  }
0x24: {  	s16 =	sand.u32 @!p0 $0x7, s11;
	s15 =	sadd.s32 @!p0 s3, s15;
	s14 =	sshra.s32 @!p0 s14, $0x2  }
0x25: {  	[tilespmem:s14], [sflag:$0x2] =	stream.linear.gather @!p0 [hbm4b:s15+s16], $0x3390, $0x38;
	[tilespmem:$0xCE40] =	vst v63  }
0x26: {  	p0 =	sge.u32 s31, s7  }
.Ltmp2:
0x27: {  	_ = 	snop;
	(pc) =	sbr.rel @p0 .LBB2_5-.Ltmp2, $1  }
0x28: {  	_ =	sdelay $0x3  }
0x29: {  	s14 =	sand.u32 $0x1, s12  }
0x2a: {  	_ =	swait.ge [sflag:s6], $0x3390;
	p0 =	seq.s32 s14, $0x1;
	s14 =	simm.s32 $0x3390  }
0x2b: {  	[sflag:s6] =	ssyncset.done $0x0;
	s14 =	simm.s32 @!p0 $0x0  }
0x2c: {  	[sflag:s6] =	ssyncadd.s32 $0xFFFFCC70;
	(ifvalue) =	ssetifvalue $0x7FFFFFFF;
	v0 =	vld.msk [tilespmem:s14+$0x0 ss:$0x1], $0xffff;
	_ =	sdelay $0x4  }
0x2d: {  	s15 =	sadd.s32 $0x10, s14;
	vm1 =	vgt.s32 v0, $0x0  }
0x2e: {  	v2 =	vld.msk [tilespmem:s15+$0x0 ss:$0x1], $0xffff;
	v1 =	vnsel vm1, $0x0, v0  }
0x2f: {  	v1 =	vmin.u32 v1, $0x5090F;
	_ =	sdelay $0x2  }
0x30: {  	s17 =	simm.s32 $0x20;
	s14 =	sadd.s32 $0x6720, s14;
	s16 =	sadd.s32 $0x10, s15  }
0x31: {  	s15 =	sadd.s32 $0x10, s14;
	s18 =	smov.u32 s14;
	v0 =	vld.msk [tilespmem:s16+$0x0 ss:$0x1], $0xffff;
	vm1 =	vgt.s32 v2, $0x0;
	(ifvalue) =	ssetifvalue $0x7FFFFFFF  }
.LBB2_3:
0x32: {  	[tilespmem:s18], [sflag:$0x1] =	stream.indirect_vreg.gather [hbm4b:s2+s10], $0x1, v1, vm0, $0x4038;
	[tilespmem:$0xCE40] =	vst v63  }
0x33: {  	s17 =	sadd.s32 $0x10, s17  }
0x34: {  	v2 =	vnsel vm1, $0x0, v2;
	p0 =	slt.u32 s17, $0x3380  }
.Ltmp3:
0x35: {  	s18 =	smov.u32 s15;
	v1 =	vmin.u32 v2, $0x5090F;
	(pc) =	sbr.rel @p0 .LBB2_3-.Ltmp3, $3  }
0x36: {  	_ =	sdelay $0x1  }
0x37: {  	s16 =	sadd.s32 $0x10, s16  }
0x38: {  	vm1 =	vgt.s32 v0, $0x0;
	s15 =	sadd.s32 $0x10, s15;
	v2 =	vmov v0;
	(ifvalue) =	ssetifvalue $0x7FFFFFFF;
	v0 =	vld.msk [tilespmem:s16+$0x0 ss:$0x1], $0xffff  }
.Ltmp4:
0x39: {  	_ = 	snop;
	(pc) =	sbr.rel .LBB2_4-.Ltmp4, $1  }
0x3a: {  	_ =	sdelay $0x3  }
.LBB2_6:
0x3b: {  	_ =	sfence.sel $0x180000  }
0x3c: {  	s2 =	simm.s32 $0x2;
	[bflag:$0x0] =	sbarrier.arrive $0xFFFF  }
0x3d: {  	s30 =	simm.s32 $0x3;
	[sflag:s2] =	ssyncpa.u1 $0x1  }
0x3e: {  	s31 =	simm.s32 $0x1;
	[sflag:s30] =	ssyncpa.u1 $0x1  }
0x3f: {  	[sflag:s31] =	ssyncpa.u1 $0x1  }
0x40: {  	p0 =	sne.s32 s1, $0x0;
	_ =	strace $0x90000047  }
0x41: {  	s0 =	sadd.s32 @!p0 $0x100000, s0;
	[bflag:$0x2] =	sbarrier.arrive $0xFFFF  }
0x42: {  	[sflag:s0] =	ssyncadd.tile.s32 @!p0 $0x1;
	_ =	shalt  }
.Lfunc_end2:
_tile_overlayer_lowered:
.L_overlay_start_2:
0x43: {  	(tag) =	ssettag $0x2  }
0x44: {  	s0 =	rddreg [dreg:$0x0];
	s2 =	stileid.u32  }
0x45: {  	s1 =	rddreg [dreg:$0x1];
	p0 =	sne.s32 s2, $0x0  }
0x46: {  	s3 =	rddreg [dreg:$0x2];
	[bflag:$0x3] =	sbarrier.arrive $0xFFFF;
	s2 =	simm.s32 @!p0 $0x1C01  }
0x47: {  	[timem:s3], [sflag:s2] =	dma.local @!p0 [hbm:s0], s1  }
0x48: {  	s0 =	simm.s32 @!p0 $0x1  }
0x49: {  	_ =	swait.ge @!p0 [sflag:s0], s1  }
0x4a: {  	s1 =	ssub.s32 @!p0 $0x0, s1;
	[sflag:s0] =	ssyncset.done @!p0 $0x0  }
0x4b: {  	[sflag:s0] =	ssyncadd.s32 @!p0 s1  }
0x4c: {  	[bflag:$0x3] =	sbarrier.arrive $0xFFFF  }
0x4d: {  	_ =	shalt  }

// kernel: gather_offload_async_start
scs
__scs_entry_jumppad:
0x0: {  	(pc) =	sbr.rel $0x88, $3  }
0x1: {  	(tag) =	ssettag $0x0;
	lr =	simm.s32 $0x1  }
0x2: {  	[smem:$0x3F89] =	sst lr;
	_ =	strace $0xD0000000  }
0x3: {  	_ = 	snop  }
0x4: {  	_ = 	snop  }
0x5: {  	_ = 	snop  }
0x6: {  	_ = 	snop  }
0x7: {  	_ = 	snop  }
__scs_overlays_trampoline_lowered:
0x8: {  	[smem:$0x3F98] =	sst s0  }
0x9: {  	[smem:$0x3F99] =	sst s1  }
0xa: {  	[smem:$0x3F9A] =	sst s2  }
0xb: {  	[smem:$0x3F9B] =	sst s3  }
0xc: {  	[smem:$0x3F9C] =	sst s4  }
0xd: {  	[smem:$0x3F9D] =	sst s5  }
0xe: {  	[smem:$0x3F9E] =	sst s6  }
0xf: {  	[smem:$0x3F9F] =	sst s7  }
0x10: {  	[smem:$0x3FA0] =	sst s8  }
0x11: {  	[smem:$0x3FA1] =	sst s9;
	s0 =	simm.s32 @!p0 $0x0  }
0x12: {  	s1 =	sld [smem:$0x3F87];
	s0 =	simm.s32 @p0 $0x1  }
0x13: {  	[smem:$0x3FA2] =	sst s0;
	s0 =	simm.s32 @!p1 $0x0  }
0x14: {  	s2 =	sld [smem:$0x3F86];
	s0 =	simm.s32 @p1 $0x1  }
0x15: {  	[smem:$0x3FA3] =	sst s0;
	s0 =	simm.s32 @!p2 $0x0  }
0x16: {  	s3 =	sld [smem:$0x3FDB];
	s0 =	simm.s32 @p2 $0x1  }
0x17: {  	s4 =	simm.s32 $0x1BF5;
	[smem:$0x3FA5] =	sst s0  }
0x18: {  	s0 =	sld [smem:$0x3F88];
	_ =	swait.ge [sflag:s4], $0x0  }
0x19: {  	s7 =	sld [smem:$0x3F89]  }
0x1a: {  	s8 =	sadd.s32 $0xFFFFE003, lr  }
0x1b: {  	s9 =	sadd.s32 $0xFFFFFEF7, lr;
	s5 =	simm.s32 $0xFFFFFFFF;
	p2 =	slt.u32 s8, $0xFFFFF086  }
0x1c: {  	p1 =	slt.u32 s9, $0xF7A;
	s5 =	simm.s32 @!p2 $0x0  }
0x1d: {  	s5 =	simm.s32 @p1 $0x1;
	p0 =	seq.s32 s7, s2  }
0x1e: {  	s7 =	smul.u32 @!p0 $0xF7A, s2;
	p2 =	seq.s32 @!p0 s5, $0x0  }
0x1f: {  	s9 =	smul.u32 $0xF7A, s1;
	s8 =	simm.s32 @!p0 $0x1BF5;
	p2 =	por !p2, p0  }
0x20: {  	[sflag:s8] =	ssyncset.s32 @!p0 $0xFFFFF086;
	s6 =	sadd.s32 @!p0 s3, s7;
	s7 =	simm.s32 @!p0 $0x108  }
0x21: {  	s3 =	sadd.s32 s3, s9;
	s6 =	sadd.s32 @!p0 $0x88, s6;
	s7 =	simm.s32 @p2 $0x1082  }
0x22: {  	[simem:s7], [sflag:s8] =	dma.local @!p0 [hbm:s6], $0xF7A  }
0x23: {  	s9 =	sor.u32 $0xD0000000, s2;
	s6 =	simm.s32 $0x108;
	_ =	swait.ge @!p0 [sflag:s8], $0x0  }
0x24: {  	s3 =	sadd.s32 $0x88, s3;
	s6 =	simm.s32 @!p1 $0x1082;
	[sflag:s4] =	ssyncset.s32 $0xFFFFF086  }
0x25: {  	[simem:s6], [sflag:s4] =	dma.local [hbm:s3], $0xF7A  }
0x26: {  	[smem:$0x3F89] =	sst s1;
	(tag) =	ssettag s2;
	_ =	strace s9  }
0x27: {  	s1 =	sld [smem:$0x3F99]  }
0x28: {  	s2 =	sld [smem:$0x3F9A]  }
0x29: {  	s4 =	sld [smem:$0x3F9C]  }
0x2a: {  	p0 =	seq.s32 s5, $0x0;
	s5 =	sld [smem:$0x3F9D]  }
0x2b: {  	s6 =	sld [smem:$0x3F9E]  }
0x2c: {  	s7 =	sld [smem:$0x3F9F]  }
0x2d: {  	s3 =	simm.s32 $0x108;
	s8 =	sld [smem:$0x3FA0]  }
0x2e: {  	s3 =	simm.s32 @!p0 $0x1082;
	s9 =	sld [smem:$0x3FA1]  }
0x2f: {  	lr =	sadd.s32 s0, s3;
	s0 =	sld [smem:$0x3F98]  }
0x30: {  	s3 =	sld [smem:$0x3F9B]  }
0x31: {  	[smem:$0x3FA4] =	sst s10  }
0x32: {  	s10 =	sld [smem:$0x3FA2];
	_ =	sdelay $0x3  }
0x33: {  	p0 =	seq.s32 s10, $0x1;
	s10 =	sld [smem:$0x3FA4];
	_ =	sdelay $0x3  }
0x34: {  	[smem:$0x3FA4] =	sst s10  }
0x35: {  	s10 =	sld [smem:$0x3FA3];
	_ =	sdelay $0x3  }
0x36: {  	p1 =	seq.s32 s10, $0x1;
	s10 =	sld [smem:$0x3FA4];
	_ =	sdelay $0x3  }
0x37: {  	[smem:$0x3FA4] =	sst s10  }
0x38: {  	s10 =	sld [smem:$0x3FA5]  }
0x39: {  	_ = 	snop;
	(pc) =	sbr.ind lr, $3  }
0x3a: {  	_ = 	snop  }
0x3b: {  	_ = 	snop  }
0x3c: {  	p2 =	seq.s32 s10, $0x1;
	s10 =	sld [smem:$0x3FA4]  }
0x3d: {  	_ =	shalt  }
0x3e: {  	_ =	shalt  }
0x3f: {  	_ =	shalt  }
0x40: {  	_ =	shalt  }
0x41: {  	_ =	shalt  }
0x42: {  	_ =	shalt  }
0x43: {  	_ =	shalt  }
0x44: {  	_ =	shalt  }
0x45: {  	_ =	shalt  }
0x46: {  	_ =	shalt  }
0x47: {  	_ =	shalt  }
0x48: {  	_ =	shalt  }
0x49: {  	_ =	shalt  }
0x4a: {  	_ =	shalt  }
0x4b: {  	_ =	shalt  }
0x4c: {  	_ =	shalt  }
0x4d: {  	_ =	shalt  }
0x4e: {  	_ =	shalt  }
0x4f: {  	_ =	shalt  }
0x50: {  	_ =	shalt  }
0x51: {  	_ =	shalt  }
0x52: {  	_ =	shalt  }
0x53: {  	_ =	shalt  }
0x54: {  	_ =	shalt  }
0x55: {  	_ =	shalt  }
0x56: {  	_ =	shalt  }
0x57: {  	_ =	shalt  }
0x58: {  	_ =	shalt  }
0x59: {  	_ =	shalt  }
0x5a: {  	_ =	shalt  }
0x5b: {  	_ =	shalt  }
0x5c: {  	_ =	shalt  }
0x5d: {  	_ =	shalt  }
0x5e: {  	_ =	shalt  }
0x5f: {  	_ =	shalt  }
0x60: {  	_ =	shalt  }
0x61: {  	_ =	shalt  }
0x62: {  	_ =	shalt  }
0x63: {  	_ =	shalt  }
0x64: {  	_ =	shalt  }
0x65: {  	_ =	shalt  }
0x66: {  	_ =	shalt  }
0x67: {  	_ =	shalt  }
0x68: {  	_ =	shalt  }
0x69: {  	_ =	shalt  }
0x6a: {  	_ =	shalt  }
0x6b: {  	_ =	shalt  }
0x6c: {  	_ =	shalt  }
0x6d: {  	_ =	shalt  }
0x6e: {  	_ =	shalt  }
0x6f: {  	_ =	shalt  }
0x70: {  	_ =	shalt  }
0x71: {  	_ =	shalt  }
0x72: {  	_ =	shalt  }
0x73: {  	_ =	shalt  }
0x74: {  	_ =	shalt  }
0x75: {  	_ =	shalt  }
0x76: {  	_ =	shalt  }
0x77: {  	_ =	shalt  }
0x78: {  	_ =	shalt  }
0x79: {  	_ =	shalt  }
0x7a: {  	_ =	shalt  }
0x7b: {  	_ =	shalt  }
0x7c: {  	_ =	shalt  }
0x7d: {  	_ =	shalt  }
0x7e: {  	_ =	shalt  }
0x7f: {  	_ =	shalt  }
0x80: {  	_ =	shalt  }
0x81: {  	_ =	shalt  }
0x82: {  	_ =	shalt  }
0x83: {  	_ =	shalt  }
0x84: {  	_ =	shalt  }
0x85: {  	_ =	shalt  }
0x86: {  	_ =	shalt  }
0x87: {  	_ =	shalt  }
.Lfunc_end0:
.L_simem_size_0:
called_computation_lowered:
.L_overlay_start_0:
0x88: {  	s0 =	sld [smem:$0x3FD9]  }
0x89: {  	s1 =	sld [smem:$0x3FFE];
	_ =	sdelay $0x3  }
0x8a: {  	s0 =	sadd.s32 s1, s0  }
0x8b: {  	[smem:$0x3FB0] =	sst s0  }
0x8c: {  	_ = 	snop  }
0x8d: {  	s0 =	sld [smem:$0x3FD0];
	_ =	sdelay $0x2  }
0x8e: {  	s13 =	simm.s32 $0xA;
	s2 =	simm.s32 $0x10  }
0x8f: {  	[smem:s2], [sflag:s13] =	dma.local [hbm:s0], $0x1  }
0x90: {  	_ =	swait.eq [sflag:s13], $0x1  }
0x91: {  	[sflag:s13] =	ssyncset.done $0x0  }
0x92: {  	[sflag:s13] =	ssyncadd.s32 $0xFFFFFFFF  }
0x93: {  	s14 =	sld [smem:$0x14];
	(tm) =	ssettm $0x1  }
0x94: {  	s15 =	sld [smem:$0x3FFB];
	_ =	sdelay $0x3  }
0x95: {  	_ =	strace s15  }
0x96: {  	s1 =	sld [smem:$0x3FFC];
	_ =	sdelay $0x3  }
0x97: {  	_ =	strace s1  }
0x98: {  	s1 =	sld [smem:$0x3FFD];
	_ =	sdelay $0x3  }
0x99: {  	_ =	strace s1  }
0x9a: {  	_ =	strace $0x8FFFFFFF  }
0x9b: {  	s16 =	sld [smem:$0x3FDB];
	_ =	sdelay $0x1  }
0x9c: {  	s17 =	simm.s32 $_scs_section_size  }
0x9d: {  	s3 =	simm.s32 $_size__tile_overlayer_lowered;
	s4 =	simm.s32 $_tile_overlayer_lowered  }
0x9e: {  	s20 =	simm.s32 $0x1BFF;
	s19 =	sshll.u32 s4, $0x1;
	s1 =	sadd.s32 s17, s16  }
0x9f: {  	s5 =	simm.s32 $0x0;
	s18 =	sshll.u32 s3, $0x1;
	s3 =	sadd.s32 s19, s1  }
0xa0: {  	[timem:s5], [sflag:s20] =	dma.local [hbm:s3], s18  }
0xa1: {  	_ =	swait.ge [sflag:s20], s18  }
0xa2: {  	s2 =	ssub.s32 $0x0, s18;
	[sflag:s20] =	ssyncset.done $0x0  }
0xa3: {  	[sflag:s20] =	ssyncadd.s32 s2;
	_ =	sdelay $0x1  }
0xa4: {  	s21 =	simm.s32 $0x1B8B  }
0xa5: {  	_ =	swait.ge [sflag:s21], $0x1  }
0xa6: {  	[sflag:s21] =	ssyncset.done $0x0  }
0xa7: {  	s23 =	simm.s32 $0x1B8E;
	s22 =	sld [smem:$0x3FFE];
	[sflag:s21] =	ssyncadd.s32 $0xFFFFFFFF  }
0xa8: {  	s24 =	simm.s32 $execute0_lowered;
	[smem:$0x3FD2] =	sst s23  }
0xa9: {  	s3 =	sshll.u32 s24, $0x1;
	_ =	strace $0x80000052;
	[dreg:$0x1] =	wrdreg $0xFFFFFFFF  }
0xaa: {  	s25 =	simm.s32 $_size_execute0_lowered;
	s1 =	sadd.s32 s1, s3;
	[dreg:$0x0] =	wrdreg $0x0  }
0xab: {  	s3 =	sshll.u32 s25, $0x1;
	[dreg:$0x2] =	wrdreg s1  }
0xac: {  	[dreg:$0x3] =	wrdreg s3  }
0xad: {  	[dreg:$0x4] =	wrdreg $0xC0  }
0xae: {  	_ =	task [dreg:s5], $0x5FFFF  }
0xaf: {  	[dreg:$0x1] =	wrdreg $0xFFFFFFFF  }
0xb0: {  	[dreg:$0x0] =	wrdreg $0x60  }
0xb1: {  	[dreg:$0x2] =	wrdreg s22  }
0xb2: {  	[dreg:$0x3] =	wrdreg s14  }
0xb3: {  	[dreg:$0x4] =	wrdreg $0x9  }
0xb4: {  	_ =	task.clear_ibuf [dreg:s5], $0x5FFFF;
	_ =	strace $0x90000052  }
0xb5: {  	s26 =	simm.s32 $0x9;
	_ =	strace $0x80000054  }
0xb6: {  	_ =	swait.ge [sflag:s26], $0x1  }
0xb7: {  	[sflag:s26] =	ssyncadd.s32 $0xFFFFFFFF  }
0xb8: {  	_ =	strace $0x90000054  }
0xb9: {  	_ =	sfence  }
0xba: {  	s28 =	sld [smem:$0x0];
	_ =	sdelay $0x1  }
0xbb: {  	s29 =	srdreg.scid  }
0xbc: {  	s30 =	sshll.u32 s29, $0xD;
	s31 =	sshrl.u32 s29, $0x2  }
0xbd: {  	s2 =	sand.u32 $0x4000, s30;
	s1 =	sand.u32 $0x1, s29;
	s0 =	sadd.s32 s31, s28  }
0xbe: {  	s1 =	sor.u32 s2, s1;
	s0 =	sshll.u32 s0, $0x11  }
0xbf: {  	s0 =	sor.u32 s0, s1  }
0xc0: {  	s0 =	sadd.s32 $0x8F2B, s0  }
0xc1: {  	[sflag:s0] =	ssyncadd.remote.s32 $0x1  }
0xc2: {  	_ =	sfence.sel $0xFFFF  }
0xc3: {  	[dreg:$0x0] =	wrdreg $0xFFFFFFFF;
	(pc) =	sbr.abs _section_cstart, $3  }
0xc4: {  	[dreg:$0x1] =	wrdreg $0xFFFFFFFF  }
0xc5: {  	_ =	task.clear_ibuf [dreg:s5], $0x2FFFF;
	_ =	strace $0x9FFFFFFF  }
0xc6: {  	(tm) =	ssettm $0x7FFFFFFF  }
0xc7: {  	_ =	shalt  }
tec
execute0_lowered:
.L_overlay_start_1:
0x0: {  	(tag) =	ssettag $0x1  }
0x1: {  	s6 =	rddreg [dreg:$0x0]  }
0x2: {  	s2 =	rddreg [dreg:$0x1]  }
0x3: {  	s0 =	stileid.u32;
	s1 =	rddreg [dreg:$0x2]  }
0x4: {  	_ =	strace $0x80000053;
	s7 =	simm.s32 $0x1;
	s3 =	sshll.u32 s0, $0x4  }
0x5: {  	s30 =	simm.s32 $0x2;
	s31 =	simm.s32 $0x3;
	s5 =	ssub.s32 $0x2810, s3  }
0x6: {  	s11 =	simm.s32 $0x0;
	s9 =	simm.s32 $0x0;
	s8 =	sand.u32 $0xF0, s5  }
0x7: {  	s4 =	sadd.s32 $0x21600, s6;
	[sflag:s7] =	ssyncpa.u1 $0x0;
	p0 =	sne.s32 s8, $0x0  }
0x8: {  	s6 =	sadd.s32 $0x2A00, s6;
	s5 =	sshrl.u32 s5, $0x8;
	s7 =	simm.s32 @!p0 $0x0  }
0x9: {  	[sflag:s30] =	ssyncpa.u1 $0x0;
	s10 =	smov.u32 s3;
	s5 =	sadd.s32 s7, s5  }
0xa: {  	[sflag:s31] =	ssyncpa.u1 $0x0;
	s8 =	simm.s32 $0x0;
	s7 =	sadd.s32 $0x1, s5  }
.LBB2_1:
0xb: {  	p0 =	sge.u32 s9, s5  }
0xc: {  	s31 =	sadd.s32 $0xFFFFFFFF, s9;
	s12 =	sxor.u32 @!p0 $0xFFFFFFFF, s8;
	s13 =	sshrl.u32 @!p0 s10, $0x3  }
0xd: {  	s14 =	sand.u32 @!p0 $0x7, s10;
	s12 =	sand.u32 @!p0 $0x10, s12;
	s13 =	sadd.s32 @!p0 s2, s13  }
0xe: {  	[tilespmem:s12], [sflag:$0x2] =	stream.linear.gather @!p0 [hbm4b:s13+s14], $0x10, $0x38;
	[tilespmem:$0x40] =	vst v63  }
0xf: {  	p0 =	sge.u32 s31, s5  }
0x10: {  	s12 =	simm.s32 @!p0 $0x2  }
0x11: {  	_ =	swait.ge @!p0 [sflag:s12], $0x10  }
0x12: {  	[sflag:s12] =	ssyncset.done @!p0 $0x0  }
0x13: {  	[sflag:s12] =	ssyncadd.s32 @!p0 $0xFFFFFFF0;
	s12 =	sand.u32 @!p0 $0x10, s8  }
0x14: {  	(ifvalue) =	ssetifvalue @!p0 $0x7FFFFFFF;
	v0 =	vld.msk @!p0 [tilespmem:s12+$0x0 ss:$0x1], $0xffff;
	_ =	sdelay $0x4  }
0x15: {  	vm0 =	vgt.s32 @!p0 v0, $0x0  }
0x16: {  	v0 =	vnsel @!p0 vm0, $0x0, v0  }
0x17: {  	v0 =	vmin.u32 @!p0 v0, $0x5090F;
	_ =	sdelay $0x3  }
0x18: {  	s13 =	simm.s32 @!p0 $0x0;
	s12 =	sor.u32 @!p0 $0x20, s12;
	(ifvalue) =	ssetifvalue @!p0 $0x7FFFFFFF;
	vm0 =	vmmov @!p0 $0xffff  }
0x19: {  	[tilespmem:s12], [sflag:$0x1] =	stream.indirect_vreg.gather @!p0 [hbm4b:s4+s13], $0x1, v0, vm0, $0x4038;
	[tilespmem:$0x40] =	vst v63  }
0x1a: {  	s13 =	simm.s32 @!p0 $0x1  }
0x1b: {  	_ =	swait.ge @!p0 [sflag:s13], $0x10  }
0x1c: {  	s14 =	sshrl.u32 @!p0 s11, $0x3;
	[sflag:s13] =	ssyncset.done @!p0 $0x0  }
0x1d: {  	s11 =	sand.u32 @!p0 $0x7, s11;
	[sflag:s13] =	ssyncadd.s32 @!p0 $0xFFFFFFF0;
	s13 =	sadd.s32 @!p0 s6, s14  }
0x1e: {  	[hbm4b:s13+s11] =	stream.linear.scatter @!p0 [tilespmem:s12], [sflag:$0x3], $0x10, $0x38;
	[tilespmem:$0x40] =	vst v63  }
0x1f: {  	s13 =	sadd.s32 $0x100, s10  }
0x20: {  	p1 =	sgt.s32 s13, $0x280F  }
0x21: {  	s13 =	smov.u32 @p1 s3;
	p1 =	sne.s32 s9, s7  }
.Ltmp0:
0x22: {  	p0 =	slt.u32 s9, $0x2;
	(pc) =	sbr.rel @p1 .LBB2_1-.Ltmp0, $4  }
0x23: {  	s12 =	simm.s32 @!p0 $0x3  }
0x24: {  	_ =	swait.ge @!p0 [sflag:s12], $0x10  }
0x25: {  	s8 =	sadd.s32 $0x10, s8;
	s11 =	smov.u32 s10;
	[sflag:s12] =	ssyncset.done @!p0 $0x0  }
0x26: {  	s9 =	sadd.s32 $0x1, s9;
	s10 =	smov.u32 s13;
	[sflag:s12] =	ssyncadd.s32 @!p0 $0xFFFFFFF0  }
0x27: {  	_ =	sfence.sel $0x180000  }
0x28: {  	s2 =	simm.s32 $0x2;
	[bflag:$0x0] =	sbarrier.arrive $0xFFFF  }
0x29: {  	s30 =	simm.s32 $0x3;
	[sflag:s2] =	ssyncpa.u1 $0x1  }
0x2a: {  	s31 =	simm.s32 $0x1;
	[sflag:s30] =	ssyncpa.u1 $0x1  }
0x2b: {  	[sflag:s31] =	ssyncpa.u1 $0x1  }
0x2c: {  	p0 =	sne.s32 s0, $0x0;
	_ =	strace $0x90000053  }
0x2d: {  	s0 =	sadd.s32 @!p0 $0x100000, s1;
	[bflag:$0x2] =	sbarrier.arrive $0xFFFF  }
0x2e: {  	[sflag:s0] =	ssyncadd.tile.s32 @!p0 $0x1;
	_ =	shalt  }
.Lfunc_end2:
_tile_overlayer_lowered:
.L_overlay_start_2:
0x2f: {  	(tag) =	ssettag $0x2  }
0x30: {  	s0 =	rddreg [dreg:$0x0];
	s2 =	stileid.u32  }
0x31: {  	s1 =	rddreg [dreg:$0x1];
	p0 =	sne.s32 s2, $0x0  }
0x32: {  	s3 =	rddreg [dreg:$0x2];
	[bflag:$0x3] =	sbarrier.arrive $0xFFFF;
	s2 =	simm.s32 @!p0 $0x1C01  }
0x33: {  	[timem:s3], [sflag:s2] =	dma.local @!p0 [hbm:s0], s1  }
0x34: {  	s0 =	simm.s32 @!p0 $0x1  }
0x35: {  	_ =	swait.ge @!p0 [sflag:s0], s1  }
0x36: {  	s1 =	ssub.s32 @!p0 $0x0, s1;
	[sflag:s0] =	ssyncset.done @!p0 $0x0  }
0x37: {  	[sflag:s0] =	ssyncadd.s32 @!p0 s1  }
0x38: {  	[bflag:$0x3] =	sbarrier.arrive $0xFFFF  }
0x39: {  	_ =	shalt  }

// kernel: kernel.11.cloned.1.call-start
scs
__scs_entry_jumppad:
0x0: {  	(pc) =	sbr.rel $0x88, $3  }
0x1: {  	(tag) =	ssettag $0x0;
	lr =	simm.s32 $0x1  }
0x2: {  	[smem:$0x3F89] =	sst lr;
	_ =	strace $0xD0000000  }
0x3: {  	_ = 	snop  }
0x4: {  	_ = 	snop  }
0x5: {  	_ = 	snop  }
0x6: {  	_ = 	snop  }
0x7: {  	_ = 	snop  }
__scs_overlays_trampoline_lowered:
0x8: {  	[smem:$0x3F98] =	sst s0  }
0x9: {  	[smem:$0x3F99] =	sst s1  }
0xa: {  	[smem:$0x3F9A] =	sst s2  }
0xb: {  	[smem:$0x3F9B] =	sst s3  }
0xc: {  	[smem:$0x3F9C] =	sst s4  }
0xd: {  	[smem:$0x3F9D] =	sst s5  }
0xe: {  	[smem:$0x3F9E] =	sst s6  }
0xf: {  	[smem:$0x3F9F] =	sst s7  }
0x10: {  	[smem:$0x3FA0] =	sst s8  }
0x11: {  	[smem:$0x3FA1] =	sst s9;
	s0 =	simm.s32 @!p0 $0x0  }
0x12: {  	s1 =	sld [smem:$0x3F87];
	s0 =	simm.s32 @p0 $0x1  }
0x13: {  	[smem:$0x3FA2] =	sst s0;
	s0 =	simm.s32 @!p1 $0x0  }
0x14: {  	s2 =	sld [smem:$0x3F86];
	s0 =	simm.s32 @p1 $0x1  }
0x15: {  	[smem:$0x3FA3] =	sst s0;
	s0 =	simm.s32 @!p2 $0x0  }
0x16: {  	s3 =	sld [smem:$0x3FDB];
	s0 =	simm.s32 @p2 $0x1  }
0x17: {  	s4 =	simm.s32 $0x1BF5;
	[smem:$0x3FA5] =	sst s0  }
0x18: {  	s0 =	sld [smem:$0x3F88];
	_ =	swait.ge [sflag:s4], $0x0  }
0x19: {  	s7 =	sld [smem:$0x3F89]  }
0x1a: {  	s8 =	sadd.s32 $0xFFFFE003, lr  }
0x1b: {  	s9 =	sadd.s32 $0xFFFFFEF7, lr;
	s5 =	simm.s32 $0xFFFFFFFF;
	p2 =	slt.u32 s8, $0xFFFFF086  }
0x1c: {  	p1 =	slt.u32 s9, $0xF7A;
	s5 =	simm.s32 @!p2 $0x0  }
0x1d: {  	s5 =	simm.s32 @p1 $0x1;
	p0 =	seq.s32 s7, s2  }
0x1e: {  	s7 =	smul.u32 @!p0 $0xF7A, s2;
	p2 =	seq.s32 @!p0 s5, $0x0  }
0x1f: {  	s9 =	smul.u32 $0xF7A, s1;
	s8 =	simm.s32 @!p0 $0x1BF5;
	p2 =	por !p2, p0  }
0x20: {  	[sflag:s8] =	ssyncset.s32 @!p0 $0xFFFFF086;
	s6 =	sadd.s32 @!p0 s3, s7;
	s7 =	simm.s32 @!p0 $0x108  }
0x21: {  	s3 =	sadd.s32 s3, s9;
	s6 =	sadd.s32 @!p0 $0x88, s6;
	s7 =	simm.s32 @p2 $0x1082  }
0x22: {  	[simem:s7], [sflag:s8] =	dma.local @!p0 [hbm:s6], $0xF7A  }
0x23: {  	s9 =	sor.u32 $0xD0000000, s2;
	s6 =	simm.s32 $0x108;
	_ =	swait.ge @!p0 [sflag:s8], $0x0  }
0x24: {  	s3 =	sadd.s32 $0x88, s3;
	s6 =	simm.s32 @!p1 $0x1082;
	[sflag:s4] =	ssyncset.s32 $0xFFFFF086  }
0x25: {  	[simem:s6], [sflag:s4] =	dma.local [hbm:s3], $0xF7A  }
0x26: {  	[smem:$0x3F89] =	sst s1;
	(tag) =	ssettag s2;
	_ =	strace s9  }
0x27: {  	s1 =	sld [smem:$0x3F99]  }
0x28: {  	s2 =	sld [smem:$0x3F9A]  }
0x29: {  	s4 =	sld [smem:$0x3F9C]  }
0x2a: {  	p0 =	seq.s32 s5, $0x0;
	s5 =	sld [smem:$0x3F9D]  }
0x2b: {  	s6 =	sld [smem:$0x3F9E]  }
0x2c: {  	s7 =	sld [smem:$0x3F9F]  }
0x2d: {  	s3 =	simm.s32 $0x108;
	s8 =	sld [smem:$0x3FA0]  }
0x2e: {  	s3 =	simm.s32 @!p0 $0x1082;
	s9 =	sld [smem:$0x3FA1]  }
0x2f: {  	lr =	sadd.s32 s0, s3;
	s0 =	sld [smem:$0x3F98]  }
0x30: {  	s3 =	sld [smem:$0x3F9B]  }
0x31: {  	[smem:$0x3FA4] =	sst s10  }
0x32: {  	s10 =	sld [smem:$0x3FA2];
	_ =	sdelay $0x3  }
0x33: {  	p0 =	seq.s32 s10, $0x1;
	s10 =	sld [smem:$0x3FA4];
	_ =	sdelay $0x3  }
0x34: {  	[smem:$0x3FA4] =	sst s10  }
0x35: {  	s10 =	sld [smem:$0x3FA3];
	_ =	sdelay $0x3  }
0x36: {  	p1 =	seq.s32 s10, $0x1;
	s10 =	sld [smem:$0x3FA4];
	_ =	sdelay $0x3  }
0x37: {  	[smem:$0x3FA4] =	sst s10  }
0x38: {  	s10 =	sld [smem:$0x3FA5]  }
0x39: {  	_ = 	snop;
	(pc) =	sbr.ind lr, $3  }
0x3a: {  	_ = 	snop  }
0x3b: {  	_ = 	snop  }
0x3c: {  	p2 =	seq.s32 s10, $0x1;
	s10 =	sld [smem:$0x3FA4]  }
0x3d: {  	_ =	shalt  }
0x3e: {  	_ =	shalt  }
0x3f: {  	_ =	shalt  }
0x40: {  	_ =	shalt  }
0x41: {  	_ =	shalt  }
0x42: {  	_ =	shalt  }
0x43: {  	_ =	shalt  }
0x44: {  	_ =	shalt  }
0x45: {  	_ =	shalt  }
0x46: {  	_ =	shalt  }
0x47: {  	_ =	shalt  }
0x48: {  	_ =	shalt  }
0x49: {  	_ =	shalt  }
0x4a: {  	_ =	shalt  }
0x4b: {  	_ =	shalt  }
0x4c: {  	_ =	shalt  }
0x4d: {  	_ =	shalt  }
0x4e: {  	_ =	shalt  }
0x4f: {  	_ =	shalt  }
0x50: {  	_ =	shalt  }
0x51: {  	_ =	shalt  }
0x52: {  	_ =	shalt  }
0x53: {  	_ =	shalt  }
0x54: {  	_ =	shalt  }
0x55: {  	_ =	shalt  }
0x56: {  	_ =	shalt  }
0x57: {  	_ =	shalt  }
0x58: {  	_ =	shalt  }
0x59: {  	_ =	shalt  }
0x5a: {  	_ =	shalt  }
0x5b: {  	_ =	shalt  }
0x5c: {  	_ =	shalt  }
0x5d: {  	_ =	shalt  }
0x5e: {  	_ =	shalt  }
0x5f: {  	_ =	shalt  }
0x60: {  	_ =	shalt  }
0x61: {  	_ =	shalt  }
0x62: {  	_ =	shalt  }
0x63: {  	_ =	shalt  }
0x64: {  	_ =	shalt  }
0x65: {  	_ =	shalt  }
0x66: {  	_ =	shalt  }
0x67: {  	_ =	shalt  }
0x68: {  	_ =	shalt  }
0x69: {  	_ =	shalt  }
0x6a: {  	_ =	shalt  }
0x6b: {  	_ =	shalt  }
0x6c: {  	_ =	shalt  }
0x6d: {  	_ =	shalt  }
0x6e: {  	_ =	shalt  }
0x6f: {  	_ =	shalt  }
0x70: {  	_ =	shalt  }
0x71: {  	_ =	shalt  }
0x72: {  	_ =	shalt  }
0x73: {  	_ =	shalt  }
0x74: {  	_ =	shalt  }
0x75: {  	_ =	shalt  }
0x76: {  	_ =	shalt  }
0x77: {  	_ =	shalt  }
0x78: {  	_ =	shalt  }
0x79: {  	_ =	shalt  }
0x7a: {  	_ =	shalt  }
0x7b: {  	_ =	shalt  }
0x7c: {  	_ =	shalt  }
0x7d: {  	_ =	shalt  }
0x7e: {  	_ =	shalt  }
0x7f: {  	_ =	shalt  }
0x80: {  	_ =	shalt  }
0x81: {  	_ =	shalt  }
0x82: {  	_ =	shalt  }
0x83: {  	_ =	shalt  }
0x84: {  	_ =	shalt  }
0x85: {  	_ =	shalt  }
0x86: {  	_ =	shalt  }
0x87: {  	_ =	shalt  }
.Lfunc_end0:
.L_simem_size_0:
called_computation.4_lowered:
.L_overlay_start_0:
0x88: {  	s2 =	sld [smem:$0x3FD9]  }
0x89: {  	s3 =	sld [smem:$0x3FFE];
	_ =	sdelay $0x1  }
0x8a: {  	s1 =	srdreg.scid  }
0x8b: {  	s0 =	sand.u32 $0x1, s1  }
0x8c: {  	s14 =	sshll.u32 s0, $0xA;
	s2 =	sadd.s32 s3, s2  }
0x8d: {  	s2 =	sadd.s32 s2, s14  }
0x8e: {  	[smem:$0x3FB0] =	sst s2  }
0x8f: {  	_ = 	snop  }
0x90: {  	s2 =	sld [smem:$0x3FD0];
	_ =	sdelay $0x2  }
0x91: {  	s4 =	simm.s32 $0xA;
	s5 =	simm.s32 $0x10;
	s15 =	sld [smem:$0x3FBC]  }
0x92: {  	[smem:s5], [sflag:s4] =	dma.local [hbm:s2], $0x1  }
0x93: {  	_ =	swait.eq [sflag:s4], $0x1  }
0x94: {  	[sflag:s4] =	ssyncset.done $0x0  }
0x95: {  	s16 =	sld [smem:$0x13];
	[sflag:s4] =	ssyncadd.s32 $0xFFFFFFFF  }
0x96: {  	s17 =	sld [smem:$0x14];
	(tm) =	ssettm $0x1  }
0x97: {  	s18 =	sld [smem:$0x3FFB];
	_ =	sdelay $0x3  }
0x98: {  	_ =	strace s18  }
0x99: {  	s5 =	sld [smem:$0x3FFC];
	_ =	sdelay $0x3  }
0x9a: {  	_ =	strace s5  }
0x9b: {  	s5 =	sld [smem:$0x3FFD];
	_ =	sdelay $0x3  }
0x9c: {  	_ =	strace s5  }
0x9d: {  	_ =	strace $0x8FFFFFFF  }
0x9e: {  	s19 =	sld [smem:$0x3FDB];
	_ =	sdelay $0x1  }
0x9f: {  	s6 =	simm.s32 $_scs_section_size  }
0xa0: {  	s7 =	simm.s32 $_size__tile_overlayer_lowered;
	s8 =	simm.s32 $_tile_overlayer_lowered  }
0xa1: {  	s22 =	simm.s32 $0x1BFF;
	s21 =	sshll.u32 s8, $0x1;
	s5 =	sadd.s32 s6, s19  }
0xa2: {  	s9 =	simm.s32 $0x0;
	s20 =	sshll.u32 s7, $0x1;
	s7 =	sadd.s32 s21, s5  }
0xa3: {  	[timem:s9], [sflag:s22] =	dma.local [hbm:s7], s20  }
0xa4: {  	_ =	swait.ge [sflag:s22], s20  }
0xa5: {  	s6 =	ssub.s32 $0x0, s20;
	[sflag:s22] =	ssyncset.done $0x0  }
0xa6: {  	[sflag:s22] =	ssyncadd.s32 s6;
	_ =	sdelay $0x1  }
0xa7: {  	s23 =	simm.s32 $0x1B8B  }
0xa8: {  	_ =	swait.ge [sflag:s23], $0x1  }
0xa9: {  	[sflag:s23] =	ssyncset.done $0x0  }
0xaa: {  	s25 =	simm.s32 $0x1B8E;
	s24 =	sld [smem:$0x3FFE];
	[sflag:s23] =	ssyncadd.s32 $0xFFFFFFFF  }
0xab: {  	s26 =	simm.s32 $execute0_lowered;
	[smem:$0x3FD2] =	sst s25  }
0xac: {  	s7 =	sshll.u32 s26, $0x1;
	_ =	strace $0x8000004F;
	[dreg:$0x1] =	wrdreg $0xFFFFFFFF  }
0xad: {  	s28 =	simm.s32 $_size_execute0_lowered;
	s5 =	sadd.s32 s5, s7;
	[dreg:$0x0] =	wrdreg $0x0  }
0xae: {  	s7 =	sshll.u32 s28, $0x1;
	[dreg:$0x2] =	wrdreg s5  }
0xaf: {  	[dreg:$0x3] =	wrdreg s7  }
0xb0: {  	[dreg:$0x4] =	wrdreg $0xC0  }
0xb1: {  	_ =	task [dreg:s9], $0x5FFFF  }
0xb2: {  	[dreg:$0x1] =	wrdreg $0xFFFFFFFF  }
0xb3: {  	[dreg:$0x0] =	wrdreg $0x60  }
0xb4: {  	[dreg:$0x2] =	wrdreg s24  }
0xb5: {  	[dreg:$0x3] =	wrdreg s17  }
0xb6: {  	[dreg:$0x4] =	wrdreg s16  }
0xb7: {  	[dreg:$0x5] =	wrdreg s15  }
0xb8: {  	[dreg:$0x6] =	wrdreg $0x9  }
0xb9: {  	_ =	task.clear_ibuf [dreg:s9], $0x7FFFF;
	_ =	strace $0x9000004F  }
0xba: {  	s29 =	simm.s32 $0x9;
	_ =	strace $0x80000051  }
0xbb: {  	_ =	swait.ge [sflag:s29], $0x1  }
0xbc: {  	[sflag:s29] =	ssyncadd.s32 $0xFFFFFFFF  }
0xbd: {  	_ =	strace $0x90000051  }
0xbe: {  	_ =	sfence  }
0xbf: {  	s30 =	sld [smem:$0x0];
	_ =	sdelay $0x2  }
0xc0: {  	s31 =	sshll.u32 s1, $0xD;
	s1 =	sshrl.u32 s1, $0x2  }
0xc1: {  	s3 =	sand.u32 $0x4000, s31;
	s1 =	sadd.s32 s1, s30  }
0xc2: {  	s0 =	sor.u32 s3, s0;
	s1 =	sshll.u32 s1, $0x11  }
0xc3: {  	s0 =	sor.u32 s1, s0  }
0xc4: {  	s0 =	sadd.s32 $0x8F2B, s0  }
0xc5: {  	[sflag:s0] =	ssyncadd.remote.s32 $0x1  }
0xc6: {  	_ =	sfence.sel $0xFFFF  }
0xc7: {  	[dreg:$0x0] =	wrdreg $0xFFFFFFFF;
	(pc) =	sbr.abs _section_cstart, $3  }
0xc8: {  	[dreg:$0x1] =	wrdreg $0xFFFFFFFF  }
0xc9: {  	_ =	task.clear_ibuf [dreg:s9], $0x2FFFF;
	_ =	strace $0x9FFFFFFF  }
0xca: {  	(tm) =	ssettm $0x7FFFFFFF  }
0xcb: {  	_ =	shalt  }
tec
execute0_lowered:
.L_overlay_start_1:
0x0: {  	(tag) =	ssettag $0x1  }
0x1: {  	s0 =	rddreg [dreg:$0x0];
	v0 =	vimm.s32 $0xBA98FEDC;
	v1 =	vimm.s32 $0x76543210;
	v3 =	vimm.s32 $0xFEDCBA98  }
0x2: {  	s1 =	rddreg [dreg:$0x1];
	s11 =	simm.s32 $0x0;
	s2 =	srdreg.scid;
	v4 =	vimm.s32 $0x32107654;
	v5 =	vimm.s32 $0xDCFE98BA;
	v6 =	vimm.s32 $0x54761032  }
0x3: {  	s3 =	stileid.u32;
	v7 =	vimm.s32 $0xEFCDAB89;
	v8 =	vimm.s32 $0x67452301;
	s13 =	simm.s32 $0x3;
	s16 =	simm.s32 $0x1;
	vm0 =	vmmov $0xffff  }
0x4: {  	s28 =	simm.s32 $0x4500;
	s29 =	simm.s32 $0x4D00;
	s30 =	simm.s32 $0x5500;
	vm1 =	vcmask $0x2F20;
	vm2 =	vcmask $0x1F10;
	vm3 =	vmmov $0xf  }
0x5: {  	s31 =	simm.s32 $0x5D00;
	s2 =	sand.u32 $0x1, s2;
	s3 =	sshll.u32 s3, $0x1;
	v2 =	vunpack.c.l.s4.s8 v0;
	v0 =	vimm.f32 $0.0e+00;
	v4 =	vunpack.c.l.s4.s8 v4  }
0x6: {  	s14 =	simm.s32 $0x2;
	[smem:$0x7FF] =	sst s11;
	v1 =	vunpack.c.l.s4.s8 v1;
	v5 =	vunpack.c.l.s4.s8 v5;
	v6 =	vunpack.c.l.s4.s8 v6;
	s3 =	sor.u32 s2, s3  }
0x7: {  	s5 =	sadd.s32 $0x2B800, s0;
	s6 =	sadd.s32 $0x79A00, s0;
	v3 =	vunpack.c.l.s4.s8 v3;
	s7 =	smul.u32 $0x140, s3;
	v2 =	vunpack.c.0.s8.s32 v2;
	v4 =	vunpack.c.0.s8.s32 v4  }
0x8: {  	s8 =	sadd.s32 $0x17400, s0;
	v7 =	vunpack.c.l.s4.s8 v7;
	v8 =	vunpack.c.l.s4.s8 v8;
	s2 =	ssub.s32 $0x2, s2;
	s3 =	smul.u32 $0x2800, s3;
	v5 =	vunpack.c.0.s8.s32 v5  }
0x9: {  	s9 =	sadd.s32 $0x21600, s0;
	_ =	strace $0x80000050;
	s4 =	sshrl.u32 s2, $0x1;
	v6 =	vunpack.c.0.s8.s32 v6;
	v3 =	vunpack.c.0.s8.s32 v3;
	v9 =	vcombine.low v4, v2  }
0xa: {  	s2 =	ssub.s32 s2, s4;
	s10 =	sshrl.u32 s7, $0x3;
	s0 =	sadd.s32 s3, s0;
	v2 =	vunpack.c.0.s8.s32 v7;
	v4 =	vunpack.c.0.s8.s32 v8;
	v7 =	vlaneseq.u32  }
0xb: {  	s26 =	smax.u32 s2, $0x1;
	v6 =	vcombine.low v6, v5;
	v8 =	vunpack.c.0.s8.s32 v1;
	s2 =	simm.s32 $0x6D00;
	s3 =	simm.s32 $0x7D00;
	v5 =	vshrl.u32 v7, $0x3  }
0xc: {  	s1 =	sadd.s32 s1, s10;
	s0 =	sadd.s32 $0xEEE00, s0;
	[dreg:$0x7] =	wrdreg s26;
	v1 =	vand.u32 $0x7, v7;
	v10 =	vcombine.low v4, v2;
	v2 =	vmul.u32 $0x8, v5  }
0xd: {  	s26 =	simm.s32 $0x3D00;
	s10 =	simm.s32 $0x0;
	[dreg:$0x5] =	wrdreg s1;
	v4 =	vand.u32 $0xF, v3;
	v3 =	vor.u32 $0x8, v7;
	v5 =	vand.u32 $0xF, v9  }
0xe: {  	[dreg:$0x6] =	wrdreg s0;
	s0 =	simm.s32 $0x6500;
	v6 =	vand.u32 $0xF, v6;
	s1 =	simm.s32 $0x7500;
	v4 =	vcombine.low v4, v8;
	v7 =	vand.u32 $0xF, v10  }
.LBB2_1:
0xf: {  	[dreg:$0x8] =	wrdreg s10  }
0x10: {  	s4 =	rddreg [dreg:$0x5]  }
0x11: {  	[tilespmem:s11], [sflag:$0x3] =	stream.linear.gather [hbm4b:s4+s11], $0x150, $0x38;
	[tilespmem:$0x1D900] =	vst v63  }
0x12: {  	_ =	swait.ge [sflag:s13], $0x150  }
0x13: {  	[sflag:s13] =	ssyncset.done $0x0  }
0x14: {  	[sflag:s13] =	ssyncadd.s32 $0xFFFFFEB0  }
0x15: {  	s21 =	simm.s32 $0x180;
	s20 =	rddreg [dreg:$0x2]  }
0x16: {  	[tilespmem:s21], [sflag:$0x3] =	stream.linear.gather [hbm4b:s20+s11], $0x100, $0x38;
	[tilespmem:$0x1D900] =	vst v63  }
0x17: {  	_ =	swait.ge [sflag:s13], $0x100  }
0x18: {  	[sflag:s13] =	ssyncset.done $0x0  }
0x19: {  	[sflag:s13] =	ssyncadd.s32 $0xFFFFFF00  }
0x1a: {  	s23 =	simm.s32 $0x280;
	s22 =	rddreg [dreg:$0x3]  }
0x1b: {  	[tilespmem:s23], [sflag:$0x3] =	stream.linear.gather [hbm4b:s22+s11], $0x100, $0x38;
	[tilespmem:$0x1D900] =	vst v63  }
0x1c: {  	_ =	swait.ge [sflag:s13], $0x100  }
0x1d: {  	s24 =	sand.u32 $0x1F800, s11;
	s25 =	sand.u32 $0x380, s11;
	[sflag:s13] =	ssyncset.done $0x0  }
0x1e: {  	s4 =	sor.u32 s25, s24;
	[sflag:s13] =	ssyncadd.s32 $0xFFFFFF00  }
0x1f: {  	[tilespmem:s4+$0x8510] =	vst v0  }
0x20: {  	[tilespmem:s4+$0x8520] =	vst v0  }
0x21: {  	[tilespmem:s4+$0x8530] =	vst v0  }
0x22: {  	[tilespmem:s4+$0x8540] =	vst v0  }
0x23: {  	[tilespmem:s4+$0x8550] =	vst v0  }
0x24: {  	[tilespmem:s4+$0x8560] =	vst v0  }
0x25: {  	[tilespmem:s4+$0x8570] =	vst v0  }
0x26: {  	[tilespmem:s4+$0x8900] =	vst v0  }
0x27: {  	[tilespmem:s4+$0x8910] =	vst v0  }
0x28: {  	[tilespmem:s4+$0x8920] =	vst v0  }
0x29: {  	[tilespmem:s4+$0x8930] =	vst v0  }
0x2a: {  	[tilespmem:s4+$0x8940] =	vst v0  }
0x2b: {  	[tilespmem:s4+$0x8950] =	vst v0  }
0x2c: {  	[tilespmem:s4+$0x8960] =	vst v0  }
0x2d: {  	s10 =	simm.s32 $0x1C500;
	s12 =	simm.s32 $0x100;
	s11 =	simm.s32 $0x80;
	[tilespmem:s4+$0x8970] =	vst v0  }
.LBB2_2:
0x2e: {  	s15 =	sand.u32 $0x1F800, s12;
	s17 =	sand.u32 $0x380, s11;
	p0 =	sne.s32 s12, $0x13F00;
	[tilespmem:s4+$0x8500] =	vst v0  }
0x2f: {  	s4 =	sor.u32 s17, s15;
	[tilespmem:s10+$0x0] =	vst v0  }
0x30: {  	[tilespmem:s4+$0x8510] =	vst v0  }
0x31: {  	[tilespmem:s4+$0x8520] =	vst v0  }
0x32: {  	[tilespmem:s4+$0x8530] =	vst v0  }
0x33: {  	[tilespmem:s4+$0x8540] =	vst v0  }
0x34: {  	[tilespmem:s4+$0x8550] =	vst v0  }
0x35: {  	[tilespmem:s4+$0x8560] =	vst v0  }
0x36: {  	[tilespmem:s4+$0x8570] =	vst v0  }
0x37: {  	[tilespmem:s4+$0x8900] =	vst v0  }
0x38: {  	[tilespmem:s4+$0x8910] =	vst v0  }
0x39: {  	[tilespmem:s4+$0x8920] =	vst v0  }
.Ltmp0:
0x3a: {  	[tilespmem:s4+$0x8930] =	vst v0;
	(pc) =	sbr.rel @p0 .LBB2_2-.Ltmp0, $4  }
0x3b: {  	[tilespmem:s4+$0x8940] =	vst v0  }
0x3c: {  	[tilespmem:s4+$0x8950] =	vst v0  }
0x3d: {  	[tilespmem:s4+$0x8960] =	vst v0  }
0x3e: {  	s11 =	sadd.s32 $0x80, s11;
	s12 =	sadd.s32 $0x100, s12;
	s10 =	sadd.s32 $0x10, s10;
	[tilespmem:s4+$0x8970] =	vst v0  }
0x3f: {  	[tilespmem:s4+$0x8500] =	vst v0  }
0x40: {  	[tilespmem:s10+$0x0] =	vst v0  }
0x41: {  	v8 =	vld [tilespmem:$0x0];
	_ =	sdelay $0x4  }
0x42: {  	(v2sf) =	vpush v8, $0x0;
	_ =	sdelay $0x1  }
0x43: {  	v8 =	vld [tilespmem:$0x140];
	_ =	sdelay $0x4  }
0x44: {  	(v2sf) =	vpush v8, $0x0;
	_ =	sdelay $0x7  }
0x45: {  	s10 =	spop (v2sf)  }
0x46: {  	s22 =	sand.u32 $0x3F, s10  }
0x47: {  	s11 =	sshra.s32 s10, $0x1F;
	p0 =	slt.s32 s10, $0x1;
	p1 =	sne.s32 s22, $0x0  }
0x48: {  	s23 =	sshrl.u32 s11, $0x1A;
	p0 =	por !p0, !p1  }
0x49: {  	s11 =	simm.s32 $0x1;
	s4 =	sadd.s32 s23, s10;
	p0 =	por !p0, !p0  }
0x4a: {  	s4 =	sshra.s32 s4, $0x6;
	s11 =	simm.s32 @!p0 $0x0  }
0x4b: {  	s11 =	ssub.s32 s4, s11  }
0x4c: {  	s12 =	spop (v2sf);
	s20 =	sshll.u32 s11, $0x6  }
0x4d: {  	s24 =	ssub.s32 s12, s20  }
0x4e: {  	s4 =	sadd.s32 $0x3F, s24  }
0x4f: {  	s15 =	sand.u32 $0x3F, s4  }
0x50: {  	s17 =	sshra.s32 s4, $0x1F;
	p5 =	slt.s32 s4, $0x1;
	p6 =	sne.s32 s15, $0x0  }
0x51: {  	s25 =	sshrl.u32 s17, $0x1A;
	p0 =	por !p5, !p6  }
0x52: {  	s15 =	simm.s32 $0x1;
	s4 =	sadd.s32 s25, s4;
	p0 =	por !p0, !p0  }
0x53: {  	s4 =	sshra.s32 s4, $0x6;
	s15 =	simm.s32 @!p0 $0x0  }
0x54: {  	s15 =	ssub.s32 s4, s15  }
0x55: {  	p0 =	slt.s32 s15, $0x1  }
.Ltmp1:
0x56: {  	_ = 	snop;
	(pc) =	sbr.rel @!p0 .LBB2_4-.Ltmp1, $2  }
0x57: {  	_ =	sdelay $0x2  }
0x58: {  	s18 =	simm.s32 $0x0;
	s17 =	simm.s32 $0x0  }
.LBB2_9:
0x59: {  	s4 =	simm.s32 $0x0;
	s10 =	simm.s32 $0x1C500;
	s11 =	simm.s32 $0x0  }
.LBB2_10:
0x5a: {  	v8 =	vld [tilespmem:s10+$0x0];
	_ =	sdelay $0x4  }
0x5b: {  	v8 =	vadd.f32 $1.000000020e-16, v8;
	_ =	sdelay $0x1  }
0x5c: {  	v9 =	vbroadcast v8, $0x0;
	_ =	sdelay $0x1  }
0x5d: {  	(erf) = vrcp.f32 v9;
	_ =	sdelay $0x2  }
0x5e: {  	s12 =	sand.u32 $0x1F800, s11;
	s15 =	sand.u32 $0x380, s4  }
0x5f: {  	s12 =	sor.u32 s15, s12  }
0x60: {  	v41 =	vld [tilespmem:s12+$0x8500];
	_ =	sdelay $0x1  }
0x61: {  	v10 =	vld [tilespmem:$0x280];
	_ =	sdelay $0x1  }
0x62: {  	v11 =	vpop (erf)  }
0x63: {  	v9 =	vmul.f32 v11, v41;
	_ =	sdelay $0x1  }
0x64: {  	v9 =	vadd.f32 v9, v10;
	_ =	sdelay $0x1  }
0x65: {  	v10 =	vmul.f32 $1.442695020e+00, v9;
	_ =	sdelay $0x1  }
0x66: {  	(erf) = vpow2.f32 v10;
	_ =	sdelay $0x8  }
0x67: {  	v10 =	vpop (erf)  }
0x68: {  	v10 =	vadd.f32 $-1.000000000e+00, v10  }
0x69: {  	vm4 =	vgt.f32 v9, $0.0e+00  }
0x6a: {  	v42 =	vld [tilespmem:s12+$0x8510];
	v9 =	vsel vm4, v9, v10  }
0x6b: {  	[tilespmem:s12+$0x8500] =	vst v9  }
0x6c: {  	v9 =	vld [tilespmem:$0x290];
	_ =	sdelay $0x2  }
0x6d: {  	v10 =	vmul.f32 v42, v11;
	_ =	sdelay $0x1  }
0x6e: {  	v9 =	vadd.f32 v9, v10;
	_ =	sdelay $0x1  }
0x6f: {  	v10 =	vmul.f32 $1.442695020e+00, v9;
	_ =	sdelay $0x1  }
0x70: {  	(erf) = vpow2.f32 v10;
	_ =	sdelay $0x8  }
0x71: {  	v10 =	vpop (erf)  }
0x72: {  	v10 =	vadd.f32 $-1.000000000e+00, v10  }
0x73: {  	vm4 =	vgt.f32 v9, $0.0e+00  }
0x74: {  	v43 =	vld [tilespmem:s12+$0x8520];
	v9 =	vsel vm4, v9, v10  }
0x75: {  	[tilespmem:s12+$0x8510] =	vst v9  }
0x76: {  	v9 =	vld [tilespmem:$0x2A0];
	_ =	sdelay $0x2  }
0x77: {  	v10 =	vmul.f32 v43, v11;
	_ =	sdelay $0x1  }
0x78: {  	v9 =	vadd.f32 v9, v10;
	_ =	sdelay $0x1  }
0x79: {  	v10 =	vmul.f32 $1.442695020e+00, v9;
	_ =	sdelay $0x1  }
0x7a: {  	(erf) = vpow2.f32 v10;
	_ =	sdelay $0x8  }
0x7b: {  	v10 =	vpop (erf)  }
0x7c: {  	v10 =	vadd.f32 $-1.000000000e+00, v10  }
0x7d: {  	vm4 =	vgt.f32 v9, $0.0e+00  }
0x7e: {  	v44 =	vld [tilespmem:s12+$0x8530];
	v9 =	vsel vm4, v9, v10  }
0x7f: {  	[tilespmem:s12+$0x8520] =	vst v9  }
0x80: {  	v9 =	vld [tilespmem:$0x2B0];
	_ =	sdelay $0x2  }
0x81: {  	v10 =	vmul.f32 v44, v11;
	_ =	sdelay $0x1  }
0x82: {  	v9 =	vadd.f32 v9, v10;
	_ =	sdelay $0x1  }
0x83: {  	v10 =	vmul.f32 $1.442695020e+00, v9;
	_ =	sdelay $0x1  }
0x84: {  	(erf) = vpow2.f32 v10;
	_ =	sdelay $0x4  }
0x85: {  	v45 =	vbroadcast v8, $0x4;
	_ =	sdelay $0x1  }
0x86: {  	(erf) = vrcp.f32 v45;
	_ =	sdelay $0x1  }
0x87: {  	v46 =	vpop (erf)  }
0x88: {  	v10 =	vadd.f32 $-1.000000000e+00, v46  }
0x89: {  	vm4 =	vgt.f32 v9, $0.0e+00  }
0x8a: {  	v47 =	vld [tilespmem:s12+$0x8540];
	v9 =	vsel vm4, v9, v10  }
0x8b: {  	[tilespmem:s12+$0x8530] =	vst v9  }
0x8c: {  	v9 =	vld [tilespmem:$0x2C0];
	_ =	sdelay $0x1  }
0x8d: {  	v48 =	vpop (erf)  }
0x8e: {  	v10 =	vmul.f32 v47, v48;
	_ =	sdelay $0x1  }
0x8f: {  	v9 =	vadd.f32 v9, v10;
	_ =	sdelay $0x1  }
0x90: {  	v10 =	vmul.f32 $1.442695020e+00, v9;
	_ =	sdelay $0x1  }
0x91: {  	(erf) = vpow2.f32 v10;
	_ =	sdelay $0x8  }
0x92: {  	v10 =	vpop (erf)  }
0x93: {  	v10 =	vadd.f32 $-1.000000000e+00, v10  }
0x94: {  	vm4 =	vgt.f32 v9, $0.0e+00  }
0x95: {  	v49 =	vld [tilespmem:s12+$0x8550];
	v9 =	vsel vm4, v9, v10  }
0x96: {  	[tilespmem:s12+$0x8540] =	vst v9  }
0x97: {  	v9 =	vld [tilespmem:$0x2D0];
	_ =	sdelay $0x2  }
0x98: {  	v10 =	vmul.f32 v49, v48;
	_ =	sdelay $0x1  }
0x99: {  	v9 =	vadd.f32 v9, v10;
	_ =	sdelay $0x1  }
0x9a: {  	v10 =	vmul.f32 $1.442695020e+00, v9;
	_ =	sdelay $0x1  }
0x9b: {  	(erf) = vpow2.f32 v10;
	_ =	sdelay $0x8  }
0x9c: {  	v10 =	vpop (erf)  }
0x9d: {  	v10 =	vadd.f32 $-1.000000000e+00, v10  }
0x9e: {  	vm4 =	vgt.f32 v9, $0.0e+00  }
0x9f: {  	v50 =	vld [tilespmem:s12+$0x8560];
	v9 =	vsel vm4, v9, v10  }
0xa0: {  	[tilespmem:s12+$0x8550] =	vst v9  }
0xa1: {  	v9 =	vld [tilespmem:$0x2E0];
	_ =	sdelay $0x2  }
0xa2: {  	v10 =	vmul.f32 v50, v48;
	_ =	sdelay $0x1  }
0xa3: {  	v9 =	vadd.f32 v9, v10;
	_ =	sdelay $0x1  }
0xa4: {  	v10 =	vmul.f32 $1.442695020e+00, v9;
	_ =	sdelay $0x1  }
0xa5: {  	(erf) = vpow2.f32 v10;
	_ =	sdelay $0x8  }
0xa6: {  	v10 =	vpop (erf)  }
0xa7: {  	v10 =	vadd.f32 $-1.000000000e+00, v10  }
0xa8: {  	vm4 =	vgt.f32 v9, $0.0e+00  }
0xa9: {  	v51 =	vld [tilespmem:s12+$0x8570];
	v9 =	vsel vm4, v9, v10  }
0xaa: {  	[tilespmem:s12+$0x8560] =	vst v9  }
0xab: {  	v9 =	vld [tilespmem:$0x2F0];
	_ =	sdelay $0x2  }
0xac: {  	v10 =	vmul.f32 v51, v48;
	_ =	sdelay $0x1  }
0xad: {  	v9 =	vadd.f32 v9, v10;
	_ =	sdelay $0x1  }
0xae: {  	v10 =	vmul.f32 $1.442695020e+00, v9;
	_ =	sdelay $0x1  }
0xaf: {  	(erf) = vpow2.f32 v10;
	_ =	sdelay $0x4  }
0xb0: {  	v52 =	vbroadcast v8, $0x8;
	_ =	sdelay $0x1  }
0xb1: {  	(erf) = vrcp.f32 v52;
	_ =	sdelay $0x1  }
0xb2: {  	v53 =	vpop (erf)  }
0xb3: {  	v10 =	vadd.f32 $-1.000000000e+00, v53  }
0xb4: {  	vm4 =	vgt.f32 v9, $0.0e+00  }
0xb5: {  	v54 =	vld [tilespmem:s12+$0x8900];
	v9 =	vsel vm4, v9, v10  }
0xb6: {  	[tilespmem:s12+$0x8570] =	vst v9  }
0xb7: {  	v9 =	vld [tilespmem:$0x300];
	_ =	sdelay $0x1  }
0xb8: {  	v55 =	vpop (erf)  }
0xb9: {  	v10 =	vmul.f32 v54, v55;
	_ =	sdelay $0x1  }
0xba: {  	v9 =	vadd.f32 v9, v10;
	_ =	sdelay $0x1  }
0xbb: {  	v10 =	vmul.f32 $1.442695020e+00, v9;
	_ =	sdelay $0x1  }
0xbc: {  	(erf) = vpow2.f32 v10;
	_ =	sdelay $0x8  }
0xbd: {  	v10 =	vpop (erf)  }
0xbe: {  	v10 =	vadd.f32 $-1.000000000e+00, v10  }
0xbf: {  	vm4 =	vgt.f32 v9, $0.0e+00  }
0xc0: {  	v56 =	vld [tilespmem:s12+$0x8910];
	v9 =	vsel vm4, v9, v10  }
0xc1: {  	[tilespmem:s12+$0x8900] =	vst v9  }
0xc2: {  	v9 =	vld [tilespmem:$0x310];
	_ =	sdelay $0x2  }
0xc3: {  	v10 =	vmul.f32 v56, v55;
	_ =	sdelay $0x1  }
0xc4: {  	v9 =	vadd.f32 v9, v10;
	_ =	sdelay $0x1  }
0xc5: {  	v10 =	vmul.f32 $1.442695020e+00, v9;
	_ =	sdelay $0x1  }
0xc6: {  	(erf) = vpow2.f32 v10;
	_ =	sdelay $0x8  }
0xc7: {  	v10 =	vpop (erf)  }
0xc8: {  	v10 =	vadd.f32 $-1.000000000e+00, v10  }
0xc9: {  	vm4 =	vgt.f32 v9, $0.0e+00  }
0xca: {  	v57 =	vld [tilespmem:s12+$0x8920];
	v9 =	vsel vm4, v9, v10  }
0xcb: {  	[tilespmem:s12+$0x8910] =	vst v9  }
0xcc: {  	v9 =	vld [tilespmem:$0x320];
	_ =	sdelay $0x2  }
0xcd: {  	v10 =	vmul.f32 v57, v55;
	_ =	sdelay $0x1  }
0xce: {  	v9 =	vadd.f32 v9, v10;
	_ =	sdelay $0x1  }
0xcf: {  	v10 =	vmul.f32 $1.442695020e+00, v9;
	_ =	sdelay $0x1  }
0xd0: {  	(erf) = vpow2.f32 v10;
	_ =	sdelay $0x8  }
0xd1: {  	v10 =	vpop (erf)  }
0xd2: {  	v10 =	vadd.f32 $-1.000000000e+00, v10  }
0xd3: {  	vm4 =	vgt.f32 v9, $0.0e+00  }
0xd4: {  	v58 =	vld [tilespmem:s12+$0x8930];
	v9 =	vsel vm4, v9, v10  }
0xd5: {  	[tilespmem:s12+$0x8920] =	vst v9  }
0xd6: {  	v9 =	vld [tilespmem:$0x330];
	_ =	sdelay $0x2  }
0xd7: {  	v10 =	vmul.f32 v58, v55;
	_ =	sdelay $0x1  }
0xd8: {  	v9 =	vadd.f32 v9, v10;
	_ =	sdelay $0x1  }
0xd9: {  	v10 =	vmul.f32 $1.442695020e+00, v9;
	_ =	sdelay $0x1  }
0xda: {  	(erf) = vpow2.f32 v10;
	_ =	sdelay $0x4  }
0xdb: {  	v8 =	vbroadcast v8, $0xC;
	_ =	sdelay $0x1  }
0xdc: {  	(erf) = vrcp.f32 v8;
	_ =	sdelay $0x1  }
0xdd: {  	v8 =	vpop (erf)  }
0xde: {  	v8 =	vadd.f32 $-1.000000000e+00, v8  }
0xdf: {  	vm4 =	vgt.f32 v9, $0.0e+00  }
0xe0: {  	v59 =	vld [tilespmem:s12+$0x8940];
	v8 =	vsel vm4, v9, v8  }
0xe1: {  	[tilespmem:s12+$0x8930] =	vst v8  }
0xe2: {  	v8 =	vld [tilespmem:$0x340];
	_ =	sdelay $0x1  }
0xe3: {  	v60 =	vpop (erf)  }
0xe4: {  	v9 =	vmul.f32 v59, v60;
	_ =	sdelay $0x1  }
0xe5: {  	v8 =	vadd.f32 v8, v9;
	_ =	sdelay $0x1  }
0xe6: {  	v9 =	vmul.f32 $1.442695020e+00, v8;
	_ =	sdelay $0x1  }
0xe7: {  	(erf) = vpow2.f32 v9;
	_ =	sdelay $0x8  }
0xe8: {  	v9 =	vpop (erf)  }
0xe9: {  	v9 =	vadd.f32 $-1.000000000e+00, v9  }
0xea: {  	vm4 =	vgt.f32 v8, $0.0e+00  }
0xeb: {  	v61 =	vld [tilespmem:s12+$0x8950];
	v8 =	vsel vm4, v8, v9  }
0xec: {  	[tilespmem:s12+$0x8940] =	vst v8  }
0xed: {  	v8 =	vld [tilespmem:$0x350];
	_ =	sdelay $0x2  }
0xee: {  	v9 =	vmul.f32 v61, v60;
	_ =	sdelay $0x1  }
0xef: {  	v8 =	vadd.f32 v8, v9;
	_ =	sdelay $0x1  }
0xf0: {  	v9 =	vmul.f32 $1.442695020e+00, v8;
	_ =	sdelay $0x1  }
0xf1: {  	(erf) = vpow2.f32 v9;
	_ =	sdelay $0x8  }
0xf2: {  	v9 =	vpop (erf)  }
0xf3: {  	v9 =	vadd.f32 $-1.000000000e+00, v9  }
0xf4: {  	vm4 =	vgt.f32 v8, $0.0e+00  }
0xf5: {  	v62 =	vld [tilespmem:s12+$0x8960];
	v8 =	vsel vm4, v8, v9  }
0xf6: {  	[tilespmem:s12+$0x8950] =	vst v8  }
0xf7: {  	v8 =	vld [tilespmem:$0x360];
	_ =	sdelay $0x2  }
0xf8: {  	v9 =	vmul.f32 v62, v60;
	_ =	sdelay $0x1  }
0xf9: {  	v8 =	vadd.f32 v8, v9;
	_ =	sdelay $0x1  }
0xfa: {  	v9 =	vmul.f32 $1.442695020e+00, v8;
	_ =	sdelay $0x1  }
0xfb: {  	(erf) = vpow2.f32 v9;
	_ =	sdelay $0x8  }
0xfc: {  	v9 =	vpop (erf)  }
0xfd: {  	v9 =	vadd.f32 $-1.000000000e+00, v9  }
0xfe: {  	vm4 =	vgt.f32 v8, $0.0e+00  }
0xff: {  	v63 =	vld [tilespmem:s12+$0x8970];
	v8 =	vsel vm4, v8, v9  }
0x100: {  	[tilespmem:s12+$0x8960] =	vst v8  }
0x101: {  	v8 =	vld [tilespmem:$0x370];
	_ =	sdelay $0x2  }
0x102: {  	v9 =	vmul.f32 v63, v60;
	_ =	sdelay $0x1  }
0x103: {  	v8 =	vadd.f32 v8, v9;
	_ =	sdelay $0x1  }
0x104: {  	v9 =	vmul.f32 $1.442695020e+00, v8;
	_ =	sdelay $0x1  }
0x105: {  	(erf) = vpow2.f32 v9;
	_ =	sdelay $0x7  }
0x106: {  	p0 =	sne.s32 s11, $0x13F00  }
.Ltmp2:
0x107: {  	v9 =	vpop (erf);
	(pc) =	sbr.rel @p0 .LBB2_10-.Ltmp2, $4  }
0x108: {  	v9 =	vadd.f32 $-1.000000000e+00, v9  }
0x109: {  	vm4 =	vgt.f32 v8, $0.0e+00  }
0x10a: {  	v8 =	vsel vm4, v8, v9  }
0x10b: {  	s4 =	sadd.s32 $0x80, s4;
	s10 =	sadd.s32 $0x10, s10;
	s11 =	sadd.s32 $0x100, s11;
	[tilespmem:s12+$0x8970] =	vst v8  }
0x10c: {  	s11 =	simm.s32 $0x0;
	s4 =	rddreg [dreg:$0x6];
	s10 =	simm.s32 $0x8500  }
0x10d: {  	[hbm4b:s4+s11] =	stream.linear.scatter [tilespmem:s10], [sflag:$0x3], $0x14000, $0x38;
	[tilespmem:$0x1D900] =	vst v63  }
0x10e: {  	_ =	swait.ge [sflag:s13], $0x14000  }
0x10f: {  	s24 =	rddreg [dreg:$0x8]  }
0x110: {  	s25 =	rddreg [dreg:$0x7];
	s10 =	sadd.s32 $0x1, s24  }
0x111: {  	p0 =	sne.s32 s10, s25  }
.Ltmp3:
0x112: {  	_ = 	snop;
	(pc) =	sbr.rel @p0 .LBB2_1-.Ltmp3, $4  }
.Ltmp4:
0x113: {  	_ = 	snop;
	(pc) =	sbr.rel @!p0 .LBB2_12-.Ltmp4, $4  }
0x114: {  	_ = 	snop  }
0x115: {  	[sflag:s13] =	ssyncset.done $0x0  }
0x116: {  	[sflag:s13] =	ssyncadd.s32 $0xFFFEC000  }
0x117: {  	_ = 	snop  }
.LBB2_8:
0x118: {  	s18 =	sadd.s32 $0x1, s18  }
0x119: {  	p0 =	sne.s32 s18, s15  }
.Ltmp5:
0x11a: {  	_ = 	snop;
	(pc) =	sbr.rel @!p0 .LBB2_9-.Ltmp5, $2  }
0x11b: {  	_ =	sdelay $0x2  }
0x11c: {  	s20 =	sadd.s32 $0x40, s20  }
.LBB2_4:
0x11d: {  	s4 =	sadd.s32 s11, s18  }
0x11e: {  	s4 =	sshll.u32 s4, $0x3  }
0x11f: {  	s4 =	sand.u32 $0x1FFFFFF8, s4  }
0x120: {  	s21 =	simm.s32 $0x380;
	s19 =	sadd.s32 s8, s4  }
0x121: {  	[tilespmem:s21], [sflag:$0x3] =	stream.linear.gather [hbm4b:s19+s17], $0x40, $0x38;
	[tilespmem:$0x1D900] =	vst v63  }
0x122: {  	_ =	swait.ge [sflag:s13], $0x40  }
0x123: {  	[sflag:s13] =	ssyncset.done $0x0  }
0x124: {  	s23 =	simm.s32 $0x400;
	s4 =	sadd.s32 s9, s4;
	[sflag:s13] =	ssyncadd.s32 $0xFFFFFFC0  }
0x125: {  	[tilespmem:s23], [sflag:$0x3] =	stream.linear.gather [hbm4b:s4+s17], $0x40, $0x38;
	[tilespmem:$0x1D900] =	vst v63  }
0x126: {  	_ =	swait.ge [sflag:s13], $0x40  }
0x127: {  	[sflag:s13] =	ssyncset.done $0x0  }
0x128: {  	s19 =	simm.s32 $0x480;
	[sflag:s13] =	ssyncadd.s32 $0xFFFFFFC0  }
0x129: {  	[tilespmem:s19], [sflag:$0x3] =	stream.linear.gather [hbm4b:s4+s17], $0x40, $0x38;
	[tilespmem:$0x1D900] =	vst v63  }
0x12a: {  	_ =	swait.ge [sflag:s13], $0x40  }
0x12b: {  	[sflag:s13] =	ssyncset.done $0x0  }
0x12c: {  	[sflag:s13] =	ssyncadd.s32 $0xFFFFFFC0  }
0x12d: {  	v8 =	vld [tilespmem:$0x380];
	_ =	sdelay $0x4  }
0x12e: {  	v9 =	vshll.u32 v8, $0x1  }
0x12f: {  	v8 =	vand.u32 $0x7, v8;
	v9 =	vand.u32 $0xFFFFFFF0, v9  }
0x130: {  	v8 =	vor.u32 v8, v9  }
0x131: {  	v9 =	vperm.xlane v8, v1;
	_ =	sdelay $0x1  }
0x132: {  	v8 =	vperm.xlane v8, v3;
	v9 =	vadd.s32 v2, v9;
	_ =	sdelay $0x1  }
0x133: {  	v8 =	vadd.s32 v2, v8;
	_ =	sdelay $0x1  }
0x134: {  	s24 =	simm.s32 $0x500  }
0x135: {  	[tilespmem:s24], [sflag:$0x1] =	stream.indirect_vreg.gather [hbm4b:s5+s17], $0x80, v9, vm0, $0xb8;
	[tilespmem:$0x1D900] =	vst v63  }
0x136: {  	s25 =	simm.s32 $0xD00  }
0x137: {  	[tilespmem:s25], [sflag:$0x1] =	stream.indirect_vreg.gather [hbm4b:s5+s17], $0x80, v8, vm0, $0xb8;
	[tilespmem:$0x1D900] =	vst v63  }
0x138: {  	v8 =	vld [tilespmem:$0x390];
	_ =	sdelay $0x4  }
0x139: {  	v57 =	vshll.u32 v8, $0x1  }
0x13a: {  	v8 =	vand.u32 $0x7, v8;
	v9 =	vand.u32 $0xFFFFFFF0, v57  }
0x13b: {  	v8 =	vor.u32 v8, v9  }
0x13c: {  	v9 =	vperm.xlane v8, v1;
	_ =	sdelay $0x1  }
0x13d: {  	v8 =	vperm.xlane v8, v3;
	v9 =	vadd.s32 v2, v9;
	_ =	sdelay $0x1  }
0x13e: {  	v8 =	vadd.s32 v2, v8;
	_ =	sdelay $0x1  }
0x13f: {  	s21 =	simm.s32 $0x1500  }
0x140: {  	[tilespmem:s21], [sflag:$0x1] =	stream.indirect_vreg.gather [hbm4b:s5+s17], $0x80, v9, vm0, $0xb8;
	[tilespmem:$0x1D900] =	vst v63  }
0x141: {  	s22 =	simm.s32 $0x1D00  }
0x142: {  	[tilespmem:s22], [sflag:$0x1] =	stream.indirect_vreg.gather [hbm4b:s5+s17], $0x80, v8, vm0, $0xb8;
	[tilespmem:$0x1D900] =	vst v63  }
0x143: {  	v8 =	vld [tilespmem:$0x3A0];
	_ =	sdelay $0x4  }
0x144: {  	v58 =	vshll.u32 v8, $0x1  }
0x145: {  	v8 =	vand.u32 $0x7, v8;
	v9 =	vand.u32 $0xFFFFFFF0, v58  }
0x146: {  	v8 =	vor.u32 v8, v9  }
0x147: {  	v9 =	vperm.xlane v8, v1;
	_ =	sdelay $0x1  }
0x148: {  	v8 =	vperm.xlane v8, v3;
	v9 =	vadd.s32 v2, v9;
	_ =	sdelay $0x1  }
0x149: {  	v8 =	vadd.s32 v2, v8;
	_ =	sdelay $0x1  }
0x14a: {  	s23 =	simm.s32 $0x2500  }
0x14b: {  	[tilespmem:s23], [sflag:$0x1] =	stream.indirect_vreg.gather [hbm4b:s5+s17], $0x80, v9, vm0, $0xb8;
	[tilespmem:$0x1D900] =	vst v63  }
0x14c: {  	s24 =	simm.s32 $0x2D00  }
0x14d: {  	[tilespmem:s24], [sflag:$0x1] =	stream.indirect_vreg.gather [hbm4b:s5+s17], $0x80, v8, vm0, $0xb8;
	[tilespmem:$0x1D900] =	vst v63  }
0x14e: {  	v8 =	vld [tilespmem:$0x3B0];
	_ =	sdelay $0x4  }
0x14f: {  	v59 =	vshll.u32 v8, $0x1  }
0x150: {  	v8 =	vand.u32 $0x7, v8;
	v9 =	vand.u32 $0xFFFFFFF0, v59  }
0x151: {  	v8 =	vor.u32 v8, v9  }
0x152: {  	v9 =	vperm.xlane v8, v1;
	_ =	sdelay $0x1  }
0x153: {  	v8 =	vperm.xlane v8, v3;
	v9 =	vadd.s32 v2, v9;
	_ =	sdelay $0x1  }
0x154: {  	v8 =	vadd.s32 v2, v8;
	_ =	sdelay $0x1  }
0x155: {  	s25 =	simm.s32 $0x3500  }
0x156: {  	[tilespmem:s25], [sflag:$0x1] =	stream.indirect_vreg.gather [hbm4b:s5+s17], $0x80, v9, vm0, $0xb8;
	[tilespmem:$0x1D900] =	vst v63  }
0x157: {  	_ = 	snop  }
0x158: {  	[tilespmem:s26], [sflag:$0x1] =	stream.indirect_vreg.gather [hbm4b:s5+s17], $0x80, v8, vm0, $0xb8;
	[tilespmem:$0x1D900] =	vst v63  }
0x159: {  	v8 =	vld [tilespmem:$0x400];
	_ =	sdelay $0x4  }
0x15a: {  	v60 =	vshll.u32 v8, $0x1  }
0x15b: {  	v8 =	vand.u32 $0x7, v8;
	v9 =	vand.u32 $0xFFFFFFF0, v60  }
0x15c: {  	v8 =	vor.u32 v8, v9  }
0x15d: {  	v9 =	vperm.xlane v8, v1;
	_ =	sdelay $0x1  }
0x15e: {  	v8 =	vperm.xlane v8, v3;
	v9 =	vadd.s32 v2, v9;
	_ =	sdelay $0x1  }
0x15f: {  	v8 =	vadd.s32 v2, v8;
	_ =	sdelay $0x2  }
0x160: {  	[tilespmem:s28], [sflag:$0x2] =	stream.indirect_vreg.gather [hbm4b:s6+s17], $0x80, v9, vm0, $0xb8;
	[tilespmem:$0x1D900] =	vst v63  }
0x161: {  	_ = 	snop  }
0x162: {  	[tilespmem:s29], [sflag:$0x2] =	stream.indirect_vreg.gather [hbm4b:s6+s17], $0x80, v8, vm0, $0xb8;
	[tilespmem:$0x1D900] =	vst v63  }
0x163: {  	v8 =	vld [tilespmem:$0x410];
	_ =	sdelay $0x4  }
0x164: {  	v61 =	vshll.u32 v8, $0x1  }
0x165: {  	v8 =	vand.u32 $0x7, v8;
	v9 =	vand.u32 $0xFFFFFFF0, v61  }
0x166: {  	v8 =	vor.u32 v8, v9  }
0x167: {  	v9 =	vperm.xlane v8, v1;
	_ =	sdelay $0x1  }
0x168: {  	v8 =	vperm.xlane v8, v3;
	v9 =	vadd.s32 v2, v9;
	_ =	sdelay $0x1  }
0x169: {  	v8 =	vadd.s32 v2, v8;
	_ =	sdelay $0x2  }
0x16a: {  	[tilespmem:s30], [sflag:$0x2] =	stream.indirect_vreg.gather [hbm4b:s6+s17], $0x80, v9, vm0, $0xb8;
	[tilespmem:$0x1D900] =	vst v63  }
0x16b: {  	_ = 	snop  }
0x16c: {  	[tilespmem:s31], [sflag:$0x2] =	stream.indirect_vreg.gather [hbm4b:s6+s17], $0x80, v8, vm0, $0xb8;
	[tilespmem:$0x1D900] =	vst v63  }
0x16d: {  	v8 =	vld [tilespmem:$0x420];
	_ =	sdelay $0x4  }
0x16e: {  	v62 =	vshll.u32 v8, $0x1  }
0x16f: {  	v8 =	vand.u32 $0x7, v8;
	v9 =	vand.u32 $0xFFFFFFF0, v62  }
0x170: {  	v8 =	vor.u32 v8, v9  }
0x171: {  	v9 =	vperm.xlane v8, v1;
	_ =	sdelay $0x1  }
0x172: {  	v8 =	vperm.xlane v8, v3;
	v9 =	vadd.s32 v2, v9;
	_ =	sdelay $0x1  }
0x173: {  	v8 =	vadd.s32 v2, v8;
	_ =	sdelay $0x2  }
0x174: {  	[tilespmem:s0], [sflag:$0x2] =	stream.indirect_vreg.gather [hbm4b:s6+s17], $0x80, v9, vm0, $0xb8;
	[tilespmem:$0x1D900] =	vst v63  }
0x175: {  	_ = 	snop  }
0x176: {  	[tilespmem:s2], [sflag:$0x2] =	stream.indirect_vreg.gather [hbm4b:s6+s17], $0x80, v8, vm0, $0xb8;
	[tilespmem:$0x1D900] =	vst v63  }
0x177: {  	v8 =	vld [tilespmem:$0x430];
	_ =	sdelay $0x4  }
0x178: {  	v63 =	vshll.u32 v8, $0x1  }
0x179: {  	v8 =	vand.u32 $0x7, v8;
	v9 =	vand.u32 $0xFFFFFFF0, v63  }
0x17a: {  	v8 =	vor.u32 v8, v9  }
0x17b: {  	v9 =	vperm.xlane v8, v1;
	_ =	sdelay $0x1  }
0x17c: {  	v8 =	vperm.xlane v8, v3;
	v9 =	vadd.s32 v2, v9;
	_ =	sdelay $0x1  }
0x17d: {  	v8 =	vadd.s32 v2, v8;
	_ =	sdelay $0x2  }
0x17e: {  	[tilespmem:s1], [sflag:$0x2] =	stream.indirect_vreg.gather [hbm4b:s6+s17], $0x80, v9, vm0, $0xb8;
	[tilespmem:$0x1D900] =	vst v63  }
0x17f: {  	_ = 	snop  }
0x180: {  	[tilespmem:s3], [sflag:$0x2] =	stream.indirect_vreg.gather [hbm4b:s6+s17], $0x80, v8, vm0, $0xb8;
	[tilespmem:$0x1D900] =	vst v63  }
0x181: {  	_ =	swait.ge [sflag:s16], $0x4000  }
.Ltmp6:
0x182: {  	[sflag:s16] =	ssyncset.done $0x0;
	(pc) =	sbr.rel .LBB2_5-.Ltmp6, $4  }
0x183: {  	[sflag:s16] =	ssyncadd.s32 $0xFFFFC000  }
0x184: {  	_ =	swait.ge [sflag:s14], $0x4000  }
0x185: {  	s4 =	smov.u32 s20;
	[sflag:s14] =	ssyncset.done $0x0  }
0x186: {  	s21 =	simm.s32 $0x0;
	s22 =	simm.s32 $0x0;
	[sflag:s14] =	ssyncadd.s32 $0xFFFFC000  }
.LBB2_7:
0x187: {  	s22 =	sadd.s32 $0x100, s22  }
0x188: {  	p0 =	sne.s32 s22, $0x4000  }
.Ltmp7:
0x189: {  	_ = 	snop;
	(pc) =	sbr.rel @!p0 .LBB2_8-.Ltmp7, $2  }
0x18a: {  	_ =	sdelay $0x2  }
0x18b: {  	s21 =	sadd.s32 $0x80, s21;
	s19 =	sadd.s32 $0x1, s19;
	s4 =	sadd.s32 $0x1, s4  }
.LBB2_5:
0x18c: {  	p0 =	slt.s32 s4, s10  }
0x18d: {  	p1 =	sge.s32 @!p0 s4, s12  }
0x18e: {  	p0 =	por p0, p1  }
.Ltmp8:
0x18f: {  	_ = 	snop;
	(pc) =	sbr.rel @p0 .LBB2_7-.Ltmp8, $1  }
0x190: {  	_ =	sdelay $0x3  }
0x191: {  	v24 =	vld [tilespmem:$0x180]  }
0x192: {  	v26 =	vld [tilespmem:$0x190]  }
0x193: {  	s23 =	sand.u32 $0x3800, s22;
	s24 =	sand.u32 $0x380, s21;
	v28 =	vld [tilespmem:$0x1A0]  }
0x194: {  	v30 =	vld [tilespmem:$0x1B0];
	s23 =	sor.u32 s24, s23  }
0x195: {  	v22 =	vld [tilespmem:s23+$0x500]  }
0x196: {  	v21 =	vld [tilespmem:s23+$0x510]  }
0x197: {  	v20 =	vld [tilespmem:s23+$0x520]  }
0x198: {  	v19 =	vld [tilespmem:s23+$0x530]  }
0x199: {  	v18 =	vld [tilespmem:s23+$0x540]  }
0x19a: {  	v17 =	vld [tilespmem:s23+$0x550]  }
0x19b: {  	v16 =	vld [tilespmem:s23+$0x560]  }
0x19c: {  	v15 =	vld [tilespmem:s23+$0x570]  }
0x19d: {  	v14 =	vld [tilespmem:s23+$0x900]  }
0x19e: {  	v12 =	vld [tilespmem:s23+$0x920]  }
0x19f: {  	v23 =	vld [tilespmem:s23+$0x4500]  }
0x1a0: {  	v25 =	vld [tilespmem:s23+$0x4510]  }
0x1a1: {  	v27 =	vld [tilespmem:s23+$0x4520]  }
0x1a2: {  	v29 =	vld [tilespmem:s23+$0x4530]  }
0x1a3: {  	v32 =	vld [tilespmem:s23+$0x4540]  }
0x1a4: {  	v34 =	vld [tilespmem:s23+$0x4550]  }
0x1a5: {  	v35 =	vld [tilespmem:s23+$0x4560]  }
0x1a6: {  	v52 =	vld [tilespmem:s23+$0x4570]  }
0x1a7: {  	v37 =	vld [tilespmem:s23+$0x4900];
	v23 =	vadd.f32 v23, v22  }
0x1a8: {  	v38 =	vld [tilespmem:s23+$0x4920];
	v25 =	vadd.f32 v25, v21;
	v27 =	vadd.f32 v27, v20  }
0x1a9: {  	v33 =	vld [tilespmem:$0x1C0];
	v29 =	vadd.f32 v29, v19;
	v49 =	vadd.f32 v32, v18  }
0x1aa: {  	v48 =	vld [tilespmem:$0x1D0];
	v34 =	vadd.f32 v34, v17;
	v53 =	vadd.f32 v35, v16;
	v31 =	vmul.f32 $2.000000030e-01, v23  }
0x1ab: {  	v50 =	vld [tilespmem:$0x1E0];
	v32 =	vadd.f32 v52, v15;
	v46 =	vmul.f32 $2.000000030e-01, v25;
	v47 =	vmul.f32 $2.000000030e-01, v27  }
0x1ac: {  	v13 =	vld [tilespmem:s23+$0x910];
	v60 =	vadd.f32 v37, v14;
	v51 =	vmul.f32 $2.000000030e-01, v29;
	v36 =	vmul.f32 $2.000000030e-01, v49  }
0x1ad: {  	v11 =	vld [tilespmem:s23+$0x930];
	v38 =	vadd.f32 v38, v12;
	v56 =	vmul.f32 $2.000000030e-01, v34;
	v58 =	vmul.f32 $2.000000030e-01, v53  }
0x1ae: {  	v63 =	vld [tilespmem:s23+$0x4930];
	vm4 =	vge.f32 v23, $0.0e+00;
	v62 =	vmul.f32 $2.000000030e-01, v32;
	v39 =	vmul.f32 $2.000000030e-01, v60  }
0x1af: {  	v57 =	vld [tilespmem:s23+$0x4910];
	v44 =	vmul.f32 $2.000000030e-01, v38;
	v23 =	vsel vm4, v23, v31;
	vm4 =	vge.f32 v25, $0.0e+00  }
0x1b0: {  	v54 =	vld [tilespmem:$0x1F0];
	v24 =	vmul.f32 v23, v24;
	v25 =	vsel vm4, v25, v46;
	vm4 =	vge.f32 v27, $0.0e+00  }
0x1b1: {  	v10 =	vld [tilespmem:s23+$0x940];
	v25 =	vmul.f32 v25, v26;
	v23 =	vsel vm4, v27, v47;
	vm4 =	vge.f32 v29, $0.0e+00  }
0x1b2: {  	v40 =	vld [tilespmem:s23+$0x4940];
	v28 =	vmul.f32 v23, v28;
	v23 =	vsel vm4, v29, v51;
	vm4 =	vge.f32 v49, $0.0e+00  }
0x1b3: {  	v59 =	vld [tilespmem:$0x200];
	v46 =	vadd.f32 v63, v11;
	v30 =	vmul.f32 v23, v30;
	v55 =	vsel vm4, v49, v36  }
0x1b4: {  	v9 =	vld [tilespmem:s23+$0x950];
	vm4 =	vge.f32 v34, $0.0e+00;
	v36 =	vadd.f32 v57, v13;
	v24 =	vadd.f32 v25, v24  }
0x1b5: {  	v45 =	vld [tilespmem:s23+$0x4950];
	v33 =	vmul.f32 v55, v33;
	v26 =	vsel vm4, v34, v56;
	vm4 =	vge.f32 v53, $0.0e+00  }
0x1b6: {  	v8 =	vld [tilespmem:s23+$0x960];
	v26 =	vmul.f32 v26, v48;
	v23 =	vsel vm4, v53, v58;
	vm4 =	vge.f32 v32, $0.0e+00  }
0x1b7: {  	v49 =	vld [tilespmem:s23+$0x4960];
	v43 =	vmul.f32 $2.000000030e-01, v36;
	v48 =	vadd.f32 v40, v10;
	v28 =	vadd.f32 v30, v28  }
0x1b8: {  	v61 =	vld [tilespmem:$0x210];
	v27 =	vmul.f32 v23, v50;
	v32 =	vsel vm4, v32, v62;
	vm4 =	vge.f32 v60, $0.0e+00  }
0x1b9: {  	v41 =	vld [tilespmem:$0x220];
	v50 =	vmul.f32 $2.000000030e-01, v46;
	v32 =	vmul.f32 v32, v54;
	v29 =	vsel vm4, v60, v39  }
0x1ba: {  	v47 =	vld [tilespmem:$0x230];
	vm4 =	vge.f32 v36, $0.0e+00;
	v52 =	vmul.f32 $2.000000030e-01, v48;
	v39 =	vadd.f32 v45, v9  }
0x1bb: {  	v53 =	vld [tilespmem:s23+$0x4970];
	v24 =	vadd.f32 v28, v24;
	v26 =	vadd.f32 v26, v33;
	v29 =	vmul.f32 v29, v59  }
0x1bc: {  	v23 =	vld [tilespmem:s23+$0x970];
	v35 =	vsel vm4, v36, v43;
	vm4 =	vge.f32 v38, $0.0e+00;
	v56 =	vadd.f32 v49, v8  }
0x1bd: {  	v51 =	vld [tilespmem:$0x240];
	v31 =	vmul.f32 v35, v61;
	v34 =	vsel vm4, v38, v44;
	vm4 =	vge.f32 v46, $0.0e+00  }
0x1be: {  	v54 =	vld [tilespmem:$0x250];
	v55 =	vmul.f32 $2.000000030e-01, v39;
	v57 =	vperm.xlane v24, v4;
	v27 =	vadd.f32 v32, v27  }
0x1bf: {  	v34 =	vmul.f32 v34, v41;
	v36 =	vsel vm4, v46, v50;
	vm4 =	vge.f32 v48, $0.0e+00  }
0x1c0: {  	v59 =	vmul.f32 $2.000000030e-01, v56;
	v36 =	vmul.f32 v36, v47;
	v25 =	vsel vm4, v48, v52  }
0x1c1: {  	v58 =	vld [tilespmem:$0x260];
	vm4 =	vge.f32 v39, $0.0e+00;
	v30 =	vadd.f32 v53, v23;
	v24 =	vadd.f32 v57, v24  }
0x1c2: {  	v60 =	vld [tilespmem:$0x270];
	v26 =	vadd.f32 v27, v26;
	v25 =	vmul.f32 v25, v51;
	v28 =	vsel vm4, v39, v55  }
0x1c3: {  	v61 =	vld [tilespmem:s19+$0x0];
	v29 =	vadd.f32 v31, v29;
	v28 =	vmul.f32 v28, v54;
	v62 =	vmul.f32 $2.000000030e-01, v30  }
0x1c4: {  	vm4 =	vge.f32 v56, $0.0e+00;
	v63 =	vperm.xlane v24, v5;
	v40 =	vperm.xlane v26, v4  }
0x1c5: {  	v33 =	vsel vm4, v56, v59;
	vm4 =	vge.f32 v30, $0.0e+00;
	v41 =	vadd.f32 v36, v34  }
0x1c6: {  	v30 =	vsel vm4, v30, v62;
	v24 =	vadd.f32 v63, v24;
	v26 =	vadd.f32 v40, v26  }
0x1c7: {  	v32 =	vmul.f32 v33, v58;
	v29 =	vadd.f32 v41, v29;
	v30 =	vmul.f32 v30, v60  }
0x1c8: {  	(v2sf) =	vpush v61, $0x0;
	v42 =	vperm.xlane v24, v6;
	v43 =	vperm.xlane v26, v5  }
0x1c9: {  	v25 =	vadd.f32 v28, v25;
	v44 =	vperm.xlane v29, v4;
	v45 =	vadd.f32 v30, v32  }
0x1ca: {  	v24 =	vadd.f32 v42, v24;
	v26 =	vadd.f32 v43, v26  }
0x1cb: {  	v46 =	vadd.f32 v44, v29;
	v25 =	vadd.f32 v45, v25  }
0x1cc: {  	v47 =	vperm.xlane v24, v7;
	v48 =	vperm.xlane v26, v6  }
0x1cd: {  	v49 =	vperm.xlane v46, v5;
	v50 =	vperm.xlane v25, v4  }
0x1ce: {  	v24 =	vadd.f32 v47, v24;
	v26 =	vadd.f32 v48, v26  }
0x1cf: {  	v27 =	vadd.f32 v49, v46;
	v25 =	vadd.f32 v50, v25  }
0x1d0: {  	v24 =	vmul.f32 $1.442695020e+00, v24;
	v51 =	vperm.xlane v26, v7  }
0x1d1: {  	v52 =	vperm.xlane v27, v6;
	v53 =	vperm.xlane v25, v5  }
0x1d2: {  	v26 =	vadd.f32 v51, v26  }
0x1d3: {  	(erf) = vpow2.f32 v24;
	v54 =	vadd.f32 v52, v27;
	v25 =	vadd.f32 v53, v25  }
0x1d4: {  	v26 =	vmul.f32 $1.442695020e+00, v26  }
0x1d5: {  	v27 =	vperm.xlane v54, v7;
	v55 =	vperm.xlane v25, v6;
	_ =	sdelay $0x1  }
0x1d6: {  	(erf) = vpow2.f32 v26;
	v24 =	vadd.f32 v27, v54;
	v25 =	vadd.f32 v55, v25;
	_ =	sdelay $0x1  }
0x1d7: {  	v24 =	vmul.f32 $1.442695020e+00, v24;
	v56 =	vperm.xlane v25, v7  }
0x1d8: {  	s23 =	spop (v2sf)  }
0x1d9: {  	s24 =	ssub.s32 s23, s7;
	(erf) = vpow2.f32 v24;
	v57 =	vadd.f32 v56, v25  }
0x1da: {  	s23 =	sshll.u32 s23, $0x7;
	s25 =	sshll.u32 s24, $0x8;
	v58 =	vpop (erf)  }
0x1db: {  	s23 =	sand.u32 $0x380, s23;
	s25 =	sand.u32 $0xFFFFF800, s25;
	v22 =	vmul.f32 v58, v22;
	v24 =	vmul.f32 $1.442695020e+00, v57  }
0x1dc: {  	s23 =	sor.u32 s23, s25;
	v21 =	vmul.f32 v58, v21  }
0x1dd: {  	v20 =	vmul.f32 v58, v20;
	[tilespmem:s23+$0x8500] =	vst.add.f32.msk $0xffff, v22;
	(erf) = vpow2.f32 v24  }
0x1de: {  	v19 =	vmul.f32 v58, v19;
	[tilespmem:s23+$0x8510] =	vst.add.f32.msk $0xffff, v21;
	v59 =	vpop (erf)  }
0x1df: {  	[tilespmem:s23+$0x8520] =	vst.add.f32.msk $0xffff, v20;
	v18 =	vmul.f32 v59, v18  }
0x1e0: {  	[tilespmem:s23+$0x8530] =	vst.add.f32.msk $0xffff, v19;
	v17 =	vmul.f32 v59, v17  }
0x1e1: {  	v16 =	vmul.f32 v59, v16;
	[tilespmem:s23+$0x8540] =	vst.add.f32.msk $0xffff, v18  }
0x1e2: {  	v15 =	vmul.f32 v59, v15;
	[tilespmem:s23+$0x8550] =	vst.add.f32.msk $0xffff, v17;
	v60 =	vpop (erf)  }
0x1e3: {  	[tilespmem:s23+$0x8560] =	vst.add.f32.msk $0xffff, v16;
	v14 =	vmul.f32 v60, v14  }
0x1e4: {  	[tilespmem:s23+$0x8570] =	vst.add.f32.msk $0xffff, v15;
	v13 =	vmul.f32 v60, v13  }
0x1e5: {  	v12 =	vmul.f32 v60, v12;
	[tilespmem:s23+$0x8900] =	vst.add.f32.msk $0xffff, v14  }
0x1e6: {  	v11 =	vmul.f32 v60, v11;
	[tilespmem:s23+$0x8910] =	vst.add.f32.msk $0xffff, v13;
	v61 =	vpop (erf)  }
0x1e7: {  	[tilespmem:s23+$0x8920] =	vst.add.f32.msk $0xffff, v12;
	v10 =	vmul.f32 v61, v10  }
0x1e8: {  	[tilespmem:s23+$0x8930] =	vst.add.f32.msk $0xffff, v11;
	v9 =	vmul.f32 v61, v9  }
.Ltmp9:
0x1e9: {  	v8 =	vmul.f32 v61, v8;
	[tilespmem:s23+$0x8940] =	vst.add.f32.msk $0xffff, v10;
	(pc) =	sbr.rel .LBB2_7-.Ltmp9, $4  }
0x1ea: {  	v62 =	vmul.f32 v61, v23;
	v63 =	vsel vm1, v60, v61;
	[tilespmem:s23+$0x8950] =	vst.add.f32.msk $0xffff, v9  }
0x1eb: {  	s24 =	sshll.u32 s24, $0x6;
	[tilespmem:s23+$0x8960] =	vst.add.f32.msk $0xffff, v8;
	v8 =	vsel vm2, v59, v63  }
0x1ec: {  	s25 =	sshra.s32 s24, $0x2;
	[tilespmem:s23+$0x8970] =	vst.add.f32.msk $0xffff, v62;
	v8 =	vsel vm3, v58, v8  }
0x1ed: {  	[tilespmem:s25+$0x1C500] =	vst.add.f32.msk $0xffff, v8  }
.LBB2_12:
0x1ee: {  	_ =	sfence.sel $0x180000  }
0x1ef: {  	[bflag:$0x0] =	sbarrier.arrive $0xFFFF  }
0x1f0: {  	_ =	strace $0x90000050  }
0x1f1: {  	s0 =	stileid.u32;
	[bflag:$0x2] =	sbarrier.arrive $0xFFFF  }
0x1f2: {  	p0 =	sne.s32 s0, $0x0;
	s0 =	rddreg [dreg:$0x4]  }
0x1f3: {  	s0 =	sadd.s32 @!p0 $0x100000, s0  }
0x1f4: {  	[sflag:s0] =	ssyncadd.tile.s32 @!p0 $0x1;
	_ =	shalt  }
.Lfunc_end2:
_tile_overlayer_lowered:
.L_overlay_start_2:
0x1f5: {  	(tag) =	ssettag $0x2  }
0x1f6: {  	s0 =	rddreg [dreg:$0x0];
	s2 =	stileid.u32  }
0x1f7: {  	s1 =	rddreg [dreg:$0x1];
	p0 =	sne.s32 s2, $0x0  }
0x1f8: {  	s3 =	rddreg [dreg:$0x2];
	[bflag:$0x3] =	sbarrier.arrive $0xFFFF;
	s2 =	simm.s32 @!p0 $0x1C03  }
0x1f9: {  	[timem:s3], [sflag:s2] =	dma.local @!p0 [hbm:s0], s1  }
0x1fa: {  	s0 =	simm.s32 @!p0 $0x3  }
0x1fb: {  	_ =	swait.ge @!p0 [sflag:s0], s1  }
0x1fc: {  	s1 =	ssub.s32 @!p0 $0x0, s1;
	[sflag:s0] =	ssyncset.done @!p0 $0x0  }
0x1fd: {  	[sflag:s0] =	ssyncadd.s32 @!p0 s1  }
0x1fe: {  	[bflag:$0x3] =	sbarrier.arrive $0xFFFF  }
0x1ff: {  	_ =	shalt  }

// kernel: kernel.8.cloned.1.call-start
scs
__scs_entry_jumppad:
0x0: {  	(pc) =	sbr.rel $0x88, $3  }
0x1: {  	(tag) =	ssettag $0x0;
	lr =	simm.s32 $0x1  }
0x2: {  	[smem:$0x3F89] =	sst lr;
	_ =	strace $0xD0000000  }
0x3: {  	_ = 	snop  }
0x4: {  	_ = 	snop  }
0x5: {  	_ = 	snop  }
0x6: {  	_ = 	snop  }
0x7: {  	_ = 	snop  }
__scs_overlays_trampoline_lowered:
0x8: {  	[smem:$0x3F98] =	sst s0  }
0x9: {  	[smem:$0x3F99] =	sst s1  }
0xa: {  	[smem:$0x3F9A] =	sst s2  }
0xb: {  	[smem:$0x3F9B] =	sst s3  }
0xc: {  	[smem:$0x3F9C] =	sst s4  }
0xd: {  	[smem:$0x3F9D] =	sst s5  }
0xe: {  	[smem:$0x3F9E] =	sst s6  }
0xf: {  	[smem:$0x3F9F] =	sst s7  }
0x10: {  	[smem:$0x3FA0] =	sst s8  }
0x11: {  	[smem:$0x3FA1] =	sst s9;
	s0 =	simm.s32 @!p0 $0x0  }
0x12: {  	s1 =	sld [smem:$0x3F87];
	s0 =	simm.s32 @p0 $0x1  }
0x13: {  	[smem:$0x3FA2] =	sst s0;
	s0 =	simm.s32 @!p1 $0x0  }
0x14: {  	s2 =	sld [smem:$0x3F86];
	s0 =	simm.s32 @p1 $0x1  }
0x15: {  	[smem:$0x3FA3] =	sst s0;
	s0 =	simm.s32 @!p2 $0x0  }
0x16: {  	s3 =	sld [smem:$0x3FDB];
	s0 =	simm.s32 @p2 $0x1  }
0x17: {  	s4 =	simm.s32 $0x1BF5;
	[smem:$0x3FA5] =	sst s0  }
0x18: {  	s0 =	sld [smem:$0x3F88];
	_ =	swait.ge [sflag:s4], $0x0  }
0x19: {  	s7 =	sld [smem:$0x3F89]  }
0x1a: {  	s8 =	sadd.s32 $0xFFFFE003, lr  }
0x1b: {  	s9 =	sadd.s32 $0xFFFFFEF7, lr;
	s5 =	simm.s32 $0xFFFFFFFF;
	p2 =	slt.u32 s8, $0xFFFFF086  }
0x1c: {  	p1 =	slt.u32 s9, $0xF7A;
	s5 =	simm.s32 @!p2 $0x0  }
0x1d: {  	s5 =	simm.s32 @p1 $0x1;
	p0 =	seq.s32 s7, s2  }
0x1e: {  	s7 =	smul.u32 @!p0 $0xF7A, s2;
	p2 =	seq.s32 @!p0 s5, $0x0  }
0x1f: {  	s9 =	smul.u32 $0xF7A, s1;
	s8 =	simm.s32 @!p0 $0x1BF5;
	p2 =	por !p2, p0  }
0x20: {  	[sflag:s8] =	ssyncset.s32 @!p0 $0xFFFFF086;
	s6 =	sadd.s32 @!p0 s3, s7;
	s7 =	simm.s32 @!p0 $0x108  }
0x21: {  	s3 =	sadd.s32 s3, s9;
	s6 =	sadd.s32 @!p0 $0x88, s6;
	s7 =	simm.s32 @p2 $0x1082  }
0x22: {  	[simem:s7], [sflag:s8] =	dma.local @!p0 [hbm:s6], $0xF7A  }
0x23: {  	s9 =	sor.u32 $0xD0000000, s2;
	s6 =	simm.s32 $0x108;
	_ =	swait.ge @!p0 [sflag:s8], $0x0  }
0x24: {  	s3 =	sadd.s32 $0x88, s3;
	s6 =	simm.s32 @!p1 $0x1082;
	[sflag:s4] =	ssyncset.s32 $0xFFFFF086  }
0x25: {  	[simem:s6], [sflag:s4] =	dma.local [hbm:s3], $0xF7A  }
0x26: {  	[smem:$0x3F89] =	sst s1;
	(tag) =	ssettag s2;
	_ =	strace s9  }
0x27: {  	s1 =	sld [smem:$0x3F99]  }
0x28: {  	s2 =	sld [smem:$0x3F9A]  }
0x29: {  	s4 =	sld [smem:$0x3F9C]  }
0x2a: {  	p0 =	seq.s32 s5, $0x0;
	s5 =	sld [smem:$0x3F9D]  }
0x2b: {  	s6 =	sld [smem:$0x3F9E]  }
0x2c: {  	s7 =	sld [smem:$0x3F9F]  }
0x2d: {  	s3 =	simm.s32 $0x108;
	s8 =	sld [smem:$0x3FA0]  }
0x2e: {  	s3 =	simm.s32 @!p0 $0x1082;
	s9 =	sld [smem:$0x3FA1]  }
0x2f: {  	lr =	sadd.s32 s0, s3;
	s0 =	sld [smem:$0x3F98]  }
0x30: {  	s3 =	sld [smem:$0x3F9B]  }
0x31: {  	[smem:$0x3FA4] =	sst s10  }
0x32: {  	s10 =	sld [smem:$0x3FA2];
	_ =	sdelay $0x3  }
0x33: {  	p0 =	seq.s32 s10, $0x1;
	s10 =	sld [smem:$0x3FA4];
	_ =	sdelay $0x3  }
0x34: {  	[smem:$0x3FA4] =	sst s10  }
0x35: {  	s10 =	sld [smem:$0x3FA3];
	_ =	sdelay $0x3  }
0x36: {  	p1 =	seq.s32 s10, $0x1;
	s10 =	sld [smem:$0x3FA4];
	_ =	sdelay $0x3  }
0x37: {  	[smem:$0x3FA4] =	sst s10  }
0x38: {  	s10 =	sld [smem:$0x3FA5]  }
0x39: {  	_ = 	snop;
	(pc) =	sbr.ind lr, $3  }
0x3a: {  	_ = 	snop  }
0x3b: {  	_ = 	snop  }
0x3c: {  	p2 =	seq.s32 s10, $0x1;
	s10 =	sld [smem:$0x3FA4]  }
0x3d: {  	_ =	shalt  }
0x3e: {  	_ =	shalt  }
0x3f: {  	_ =	shalt  }
0x40: {  	_ =	shalt  }
0x41: {  	_ =	shalt  }
0x42: {  	_ =	shalt  }
0x43: {  	_ =	shalt  }
0x44: {  	_ =	shalt  }
0x45: {  	_ =	shalt  }
0x46: {  	_ =	shalt  }
0x47: {  	_ =	shalt  }
0x48: {  	_ =	shalt  }
0x49: {  	_ =	shalt  }
0x4a: {  	_ =	shalt  }
0x4b: {  	_ =	shalt  }
0x4c: {  	_ =	shalt  }
0x4d: {  	_ =	shalt  }
0x4e: {  	_ =	shalt  }
0x4f: {  	_ =	shalt  }
0x50: {  	_ =	shalt  }
0x51: {  	_ =	shalt  }
0x52: {  	_ =	shalt  }
0x53: {  	_ =	shalt  }
0x54: {  	_ =	shalt  }
0x55: {  	_ =	shalt  }
0x56: {  	_ =	shalt  }
0x57: {  	_ =	shalt  }
0x58: {  	_ =	shalt  }
0x59: {  	_ =	shalt  }
0x5a: {  	_ =	shalt  }
0x5b: {  	_ =	shalt  }
0x5c: {  	_ =	shalt  }
0x5d: {  	_ =	shalt  }
0x5e: {  	_ =	shalt  }
0x5f: {  	_ =	shalt  }
0x60: {  	_ =	shalt  }
0x61: {  	_ =	shalt  }
0x62: {  	_ =	shalt  }
0x63: {  	_ =	shalt  }
0x64: {  	_ =	shalt  }
0x65: {  	_ =	shalt  }
0x66: {  	_ =	shalt  }
0x67: {  	_ =	shalt  }
0x68: {  	_ =	shalt  }
0x69: {  	_ =	shalt  }
0x6a: {  	_ =	shalt  }
0x6b: {  	_ =	shalt  }
0x6c: {  	_ =	shalt  }
0x6d: {  	_ =	shalt  }
0x6e: {  	_ =	shalt  }
0x6f: {  	_ =	shalt  }
0x70: {  	_ =	shalt  }
0x71: {  	_ =	shalt  }
0x72: {  	_ =	shalt  }
0x73: {  	_ =	shalt  }
0x74: {  	_ =	shalt  }
0x75: {  	_ =	shalt  }
0x76: {  	_ =	shalt  }
0x77: {  	_ =	shalt  }
0x78: {  	_ =	shalt  }
0x79: {  	_ =	shalt  }
0x7a: {  	_ =	shalt  }
0x7b: {  	_ =	shalt  }
0x7c: {  	_ =	shalt  }
0x7d: {  	_ =	shalt  }
0x7e: {  	_ =	shalt  }
0x7f: {  	_ =	shalt  }
0x80: {  	_ =	shalt  }
0x81: {  	_ =	shalt  }
0x82: {  	_ =	shalt  }
0x83: {  	_ =	shalt  }
0x84: {  	_ =	shalt  }
0x85: {  	_ =	shalt  }
0x86: {  	_ =	shalt  }
0x87: {  	_ =	shalt  }
.Lfunc_end0:
.L_simem_size_0:
called_computation.3_lowered:
.L_overlay_start_0:
0x88: {  	s2 =	sld [smem:$0x3FD9]  }
0x89: {  	s3 =	sld [smem:$0x3FFE];
	_ =	sdelay $0x1  }
0x8a: {  	s1 =	srdreg.scid  }
0x8b: {  	s0 =	sand.u32 $0x1, s1  }
0x8c: {  	s14 =	sshll.u32 s0, $0xA;
	s2 =	sadd.s32 s3, s2  }
0x8d: {  	s2 =	sadd.s32 s2, s14  }
0x8e: {  	[smem:$0x3FB0] =	sst s2  }
0x8f: {  	_ = 	snop  }
0x90: {  	s2 =	sld [smem:$0x3FD0];
	_ =	sdelay $0x2  }
0x91: {  	s4 =	simm.s32 $0xA;
	s5 =	simm.s32 $0x10;
	s15 =	sld [smem:$0x3FC2]  }
0x92: {  	[smem:s5], [sflag:s4] =	dma.local [hbm:s2], $0x1  }
0x93: {  	_ =	swait.eq [sflag:s4], $0x1  }
0x94: {  	[sflag:s4] =	ssyncset.done $0x0  }
0x95: {  	s16 =	sld [smem:$0x12];
	[sflag:s4] =	ssyncadd.s32 $0xFFFFFFFF  }
0x96: {  	s17 =	sld [smem:$0x14];
	(tm) =	ssettm $0x1  }
0x97: {  	s18 =	sld [smem:$0x3FFB];
	_ =	sdelay $0x3  }
0x98: {  	_ =	strace s18  }
0x99: {  	s5 =	sld [smem:$0x3FFC];
	_ =	sdelay $0x3  }
0x9a: {  	_ =	strace s5  }
0x9b: {  	s5 =	sld [smem:$0x3FFD];
	_ =	sdelay $0x3  }
0x9c: {  	_ =	strace s5  }
0x9d: {  	_ =	strace $0x8FFFFFFF  }
0x9e: {  	s19 =	sld [smem:$0x3FDB];
	_ =	sdelay $0x1  }
0x9f: {  	s6 =	simm.s32 $_scs_section_size  }
0xa0: {  	s7 =	simm.s32 $_size__tile_overlayer_lowered;
	s8 =	simm.s32 $_tile_overlayer_lowered  }
0xa1: {  	s22 =	simm.s32 $0x1BFF;
	s21 =	sshll.u32 s8, $0x1;
	s5 =	sadd.s32 s6, s19  }
0xa2: {  	s9 =	simm.s32 $0x0;
	s20 =	sshll.u32 s7, $0x1;
	s7 =	sadd.s32 s21, s5  }
0xa3: {  	[timem:s9], [sflag:s22] =	dma.local [hbm:s7], s20  }
0xa4: {  	_ =	swait.ge [sflag:s22], s20  }
0xa5: {  	s6 =	ssub.s32 $0x0, s20;
	[sflag:s22] =	ssyncset.done $0x0  }
0xa6: {  	[sflag:s22] =	ssyncadd.s32 s6;
	_ =	sdelay $0x1  }
0xa7: {  	s23 =	simm.s32 $0x1B8B  }
0xa8: {  	_ =	swait.ge [sflag:s23], $0x1  }
0xa9: {  	[sflag:s23] =	ssyncset.done $0x0  }
0xaa: {  	s25 =	simm.s32 $0x1B8E;
	s24 =	sld [smem:$0x3FFE];
	[sflag:s23] =	ssyncadd.s32 $0xFFFFFFFF  }
0xab: {  	s26 =	simm.s32 $execute0_lowered;
	[smem:$0x3FD2] =	sst s25  }
0xac: {  	s7 =	sshll.u32 s26, $0x1;
	_ =	strace $0x8000004C;
	[dreg:$0x1] =	wrdreg $0xFFFFFFFF  }
0xad: {  	s28 =	simm.s32 $_size_execute0_lowered;
	s5 =	sadd.s32 s5, s7;
	[dreg:$0x0] =	wrdreg $0x0  }
0xae: {  	s7 =	sshll.u32 s28, $0x1;
	[dreg:$0x2] =	wrdreg s5  }
0xaf: {  	[dreg:$0x3] =	wrdreg s7  }
0xb0: {  	[dreg:$0x4] =	wrdreg $0xC0  }
0xb1: {  	_ =	task [dreg:s9], $0x5FFFF  }
0xb2: {  	[dreg:$0x1] =	wrdreg $0xFFFFFFFF  }
0xb3: {  	[dreg:$0x0] =	wrdreg $0x60  }
0xb4: {  	[dreg:$0x2] =	wrdreg s24  }
0xb5: {  	[dreg:$0x3] =	wrdreg s17  }
0xb6: {  	[dreg:$0x4] =	wrdreg s16  }
0xb7: {  	[dreg:$0x5] =	wrdreg s15  }
0xb8: {  	[dreg:$0x6] =	wrdreg $0x9  }
0xb9: {  	_ =	task.clear_ibuf [dreg:s9], $0x7FFFF;
	_ =	strace $0x9000004C  }
0xba: {  	s29 =	simm.s32 $0x9;
	_ =	strace $0x8000004E  }
0xbb: {  	_ =	swait.ge [sflag:s29], $0x1  }
0xbc: {  	[sflag:s29] =	ssyncadd.s32 $0xFFFFFFFF  }
0xbd: {  	_ =	strace $0x9000004E  }
0xbe: {  	_ =	sfence  }
0xbf: {  	s30 =	sld [smem:$0x0];
	_ =	sdelay $0x2  }
0xc0: {  	s31 =	sshll.u32 s1, $0xD;
	s1 =	sshrl.u32 s1, $0x2  }
0xc1: {  	s3 =	sand.u32 $0x4000, s31;
	s1 =	sadd.s32 s1, s30  }
0xc2: {  	s0 =	sor.u32 s3, s0;
	s1 =	sshll.u32 s1, $0x11  }
0xc3: {  	s0 =	sor.u32 s1, s0  }
0xc4: {  	s0 =	sadd.s32 $0x8F2B, s0  }
0xc5: {  	[sflag:s0] =	ssyncadd.remote.s32 $0x1  }
0xc6: {  	_ =	sfence.sel $0xFFFF  }
0xc7: {  	[dreg:$0x0] =	wrdreg $0xFFFFFFFF;
	(pc) =	sbr.abs _section_cstart, $3  }
0xc8: {  	[dreg:$0x1] =	wrdreg $0xFFFFFFFF  }
0xc9: {  	_ =	task.clear_ibuf [dreg:s9], $0x2FFFF;
	_ =	strace $0x9FFFFFFF  }
0xca: {  	(tm) =	ssettm $0x7FFFFFFF  }
0xcb: {  	_ =	shalt  }
tec
execute0_lowered:
.L_overlay_start_1:
0x0: {  	(tag) =	ssettag $0x1  }
0x1: {  	s0 =	rddreg [dreg:$0x0];
	v0 =	vimm.s32 $0xBA98FEDC;
	v1 =	vimm.s32 $0x76543210;
	v3 =	vimm.s32 $0xFEDCBA98  }
0x2: {  	s1 =	rddreg [dreg:$0x1];
	s11 =	simm.s32 $0x0;
	s2 =	srdreg.scid;
	v4 =	vimm.s32 $0x32107654;
	v5 =	vimm.s32 $0xDCFE98BA;
	v6 =	vimm.s32 $0x54761032  }
0x3: {  	s3 =	stileid.u32;
	v7 =	vimm.s32 $0xEFCDAB89;
	v8 =	vimm.s32 $0x67452301;
	s13 =	simm.s32 $0x3;
	s16 =	simm.s32 $0x1;
	vm0 =	vmmov $0xffff  }
0x4: {  	s28 =	simm.s32 $0x4500;
	s29 =	simm.s32 $0x4D00;
	s30 =	simm.s32 $0x5500;
	vm1 =	vcmask $0x2F20;
	vm2 =	vcmask $0x1F10;
	vm3 =	vmmov $0xf  }
0x5: {  	s31 =	simm.s32 $0x5D00;
	s2 =	sand.u32 $0x1, s2;
	s3 =	sshll.u32 s3, $0x1;
	v2 =	vunpack.c.l.s4.s8 v0;
	v0 =	vimm.f32 $0.0e+00;
	v4 =	vunpack.c.l.s4.s8 v4  }
0x6: {  	s14 =	simm.s32 $0x2;
	[smem:$0x7FF] =	sst s11;
	v1 =	vunpack.c.l.s4.s8 v1;
	v5 =	vunpack.c.l.s4.s8 v5;
	v6 =	vunpack.c.l.s4.s8 v6;
	s3 =	sor.u32 s2, s3  }
0x7: {  	s5 =	sadd.s32 $0x79A00, s0;
	s6 =	sadd.s32 $0x2B800, s0;
	v3 =	vunpack.c.l.s4.s8 v3;
	s7 =	smul.u32 $0x140, s3;
	v2 =	vunpack.c.0.s8.s32 v2;
	v4 =	vunpack.c.0.s8.s32 v4  }
0x8: {  	s8 =	sadd.s32 $0x17400, s0;
	v7 =	vunpack.c.l.s4.s8 v7;
	v8 =	vunpack.c.l.s4.s8 v8;
	s2 =	ssub.s32 $0x2, s2;
	s3 =	smul.u32 $0x2800, s3;
	v5 =	vunpack.c.0.s8.s32 v5  }
0x9: {  	s9 =	sadd.s32 $0x21600, s0;
	_ =	strace $0x8000004D;
	s4 =	sshrl.u32 s2, $0x1;
	v6 =	vunpack.c.0.s8.s32 v6;
	v3 =	vunpack.c.0.s8.s32 v3;
	v9 =	vcombine.low v4, v2  }
0xa: {  	s2 =	ssub.s32 s2, s4;
	s10 =	sshrl.u32 s7, $0x3;
	s0 =	sadd.s32 s3, s0;
	v2 =	vunpack.c.0.s8.s32 v7;
	v4 =	vunpack.c.0.s8.s32 v8;
	v7 =	vlaneseq.u32  }
0xb: {  	s26 =	smax.u32 s2, $0x1;
	v6 =	vcombine.low v6, v5;
	v8 =	vunpack.c.0.s8.s32 v1;
	s2 =	simm.s32 $0x6D00;
	s3 =	simm.s32 $0x7D00;
	v5 =	vshrl.u32 v7, $0x3  }
0xc: {  	s1 =	sadd.s32 s1, s10;
	s0 =	sadd.s32 $0xEEE00, s0;
	[dreg:$0x7] =	wrdreg s26;
	v1 =	vand.u32 $0x7, v7;
	v10 =	vcombine.low v4, v2;
	v2 =	vmul.u32 $0x8, v5  }
0xd: {  	s26 =	simm.s32 $0x3D00;
	s10 =	simm.s32 $0x0;
	[dreg:$0x5] =	wrdreg s1;
	v4 =	vand.u32 $0xF, v3;
	v3 =	vor.u32 $0x8, v7;
	v5 =	vand.u32 $0xF, v9  }
0xe: {  	[dreg:$0x6] =	wrdreg s0;
	s0 =	simm.s32 $0x6500;
	v6 =	vand.u32 $0xF, v6;
	s1 =	simm.s32 $0x7500;
	v4 =	vcombine.low v4, v8;
	v7 =	vand.u32 $0xF, v10  }
.LBB2_1:
0xf: {  	[dreg:$0x8] =	wrdreg s10  }
0x10: {  	s4 =	rddreg [dreg:$0x5]  }
0x11: {  	[tilespmem:s11], [sflag:$0x3] =	stream.linear.gather [hbm4b:s4+s11], $0x150, $0x38;
	[tilespmem:$0x1D900] =	vst v63  }
0x12: {  	_ =	swait.ge [sflag:s13], $0x150  }
0x13: {  	[sflag:s13] =	ssyncset.done $0x0  }
0x14: {  	[sflag:s13] =	ssyncadd.s32 $0xFFFFFEB0  }
0x15: {  	s21 =	simm.s32 $0x180;
	s20 =	rddreg [dreg:$0x2]  }
0x16: {  	[tilespmem:s21], [sflag:$0x3] =	stream.linear.gather [hbm4b:s20+s11], $0x100, $0x38;
	[tilespmem:$0x1D900] =	vst v63  }
0x17: {  	_ =	swait.ge [sflag:s13], $0x100  }
0x18: {  	[sflag:s13] =	ssyncset.done $0x0  }
0x19: {  	[sflag:s13] =	ssyncadd.s32 $0xFFFFFF00  }
0x1a: {  	s23 =	simm.s32 $0x280;
	s22 =	rddreg [dreg:$0x3]  }
0x1b: {  	[tilespmem:s23], [sflag:$0x3] =	stream.linear.gather [hbm4b:s22+s11], $0x100, $0x38;
	[tilespmem:$0x1D900] =	vst v63  }
0x1c: {  	_ =	swait.ge [sflag:s13], $0x100  }
0x1d: {  	s24 =	sand.u32 $0x1F800, s11;
	s25 =	sand.u32 $0x380, s11;
	[sflag:s13] =	ssyncset.done $0x0  }
0x1e: {  	s4 =	sor.u32 s25, s24;
	[sflag:s13] =	ssyncadd.s32 $0xFFFFFF00  }
0x1f: {  	[tilespmem:s4+$0x8510] =	vst v0  }
0x20: {  	[tilespmem:s4+$0x8520] =	vst v0  }
0x21: {  	[tilespmem:s4+$0x8530] =	vst v0  }
0x22: {  	[tilespmem:s4+$0x8540] =	vst v0  }
0x23: {  	[tilespmem:s4+$0x8550] =	vst v0  }
0x24: {  	[tilespmem:s4+$0x8560] =	vst v0  }
0x25: {  	[tilespmem:s4+$0x8570] =	vst v0  }
0x26: {  	[tilespmem:s4+$0x8900] =	vst v0  }
0x27: {  	[tilespmem:s4+$0x8910] =	vst v0  }
0x28: {  	[tilespmem:s4+$0x8920] =	vst v0  }
0x29: {  	[tilespmem:s4+$0x8930] =	vst v0  }
0x2a: {  	[tilespmem:s4+$0x8940] =	vst v0  }
0x2b: {  	[tilespmem:s4+$0x8950] =	vst v0  }
0x2c: {  	[tilespmem:s4+$0x8960] =	vst v0  }
0x2d: {  	s10 =	simm.s32 $0x1C500;
	s12 =	simm.s32 $0x100;
	s11 =	simm.s32 $0x80;
	[tilespmem:s4+$0x8970] =	vst v0  }
.LBB2_2:
0x2e: {  	s15 =	sand.u32 $0x1F800, s12;
	s17 =	sand.u32 $0x380, s11;
	p0 =	sne.s32 s12, $0x13F00;
	[tilespmem:s4+$0x8500] =	vst v0  }
0x2f: {  	s4 =	sor.u32 s17, s15;
	[tilespmem:s10+$0x0] =	vst v0  }
0x30: {  	[tilespmem:s4+$0x8510] =	vst v0  }
0x31: {  	[tilespmem:s4+$0x8520] =	vst v0  }
0x32: {  	[tilespmem:s4+$0x8530] =	vst v0  }
0x33: {  	[tilespmem:s4+$0x8540] =	vst v0  }
0x34: {  	[tilespmem:s4+$0x8550] =	vst v0  }
0x35: {  	[tilespmem:s4+$0x8560] =	vst v0  }
0x36: {  	[tilespmem:s4+$0x8570] =	vst v0  }
0x37: {  	[tilespmem:s4+$0x8900] =	vst v0  }
0x38: {  	[tilespmem:s4+$0x8910] =	vst v0  }
0x39: {  	[tilespmem:s4+$0x8920] =	vst v0  }
.Ltmp0:
0x3a: {  	[tilespmem:s4+$0x8930] =	vst v0;
	(pc) =	sbr.rel @p0 .LBB2_2-.Ltmp0, $4  }
0x3b: {  	[tilespmem:s4+$0x8940] =	vst v0  }
0x3c: {  	[tilespmem:s4+$0x8950] =	vst v0  }
0x3d: {  	[tilespmem:s4+$0x8960] =	vst v0  }
0x3e: {  	s11 =	sadd.s32 $0x80, s11;
	s12 =	sadd.s32 $0x100, s12;
	s10 =	sadd.s32 $0x10, s10;
	[tilespmem:s4+$0x8970] =	vst v0  }
0x3f: {  	[tilespmem:s4+$0x8500] =	vst v0  }
0x40: {  	[tilespmem:s10+$0x0] =	vst v0  }
0x41: {  	v8 =	vld [tilespmem:$0x0];
	_ =	sdelay $0x4  }
0x42: {  	(v2sf) =	vpush v8, $0x0;
	_ =	sdelay $0x1  }
0x43: {  	v8 =	vld [tilespmem:$0x140];
	_ =	sdelay $0x4  }
0x44: {  	(v2sf) =	vpush v8, $0x0;
	_ =	sdelay $0x7  }
0x45: {  	s10 =	spop (v2sf)  }
0x46: {  	s22 =	sand.u32 $0x3F, s10  }
0x47: {  	s11 =	sshra.s32 s10, $0x1F;
	p0 =	slt.s32 s10, $0x1;
	p1 =	sne.s32 s22, $0x0  }
0x48: {  	s23 =	sshrl.u32 s11, $0x1A;
	p0 =	por !p0, !p1  }
0x49: {  	s11 =	simm.s32 $0x1;
	s4 =	sadd.s32 s23, s10;
	p0 =	por !p0, !p0  }
0x4a: {  	s4 =	sshra.s32 s4, $0x6;
	s11 =	simm.s32 @!p0 $0x0  }
0x4b: {  	s11 =	ssub.s32 s4, s11  }
0x4c: {  	s12 =	spop (v2sf);
	s20 =	sshll.u32 s11, $0x6  }
0x4d: {  	s24 =	ssub.s32 s12, s20  }
0x4e: {  	s4 =	sadd.s32 $0x3F, s24  }
0x4f: {  	s15 =	sand.u32 $0x3F, s4  }
0x50: {  	s17 =	sshra.s32 s4, $0x1F;
	p5 =	slt.s32 s4, $0x1;
	p6 =	sne.s32 s15, $0x0  }
0x51: {  	s25 =	sshrl.u32 s17, $0x1A;
	p0 =	por !p5, !p6  }
0x52: {  	s15 =	simm.s32 $0x1;
	s4 =	sadd.s32 s25, s4;
	p0 =	por !p0, !p0  }
0x53: {  	s4 =	sshra.s32 s4, $0x6;
	s15 =	simm.s32 @!p0 $0x0  }
0x54: {  	s15 =	ssub.s32 s4, s15  }
0x55: {  	p0 =	slt.s32 s15, $0x1  }
.Ltmp1:
0x56: {  	_ = 	snop;
	(pc) =	sbr.rel @!p0 .LBB2_4-.Ltmp1, $2  }
0x57: {  	_ =	sdelay $0x2  }
0x58: {  	s18 =	simm.s32 $0x0;
	s17 =	simm.s32 $0x0  }
.LBB2_9:
0x59: {  	s4 =	simm.s32 $0x0;
	s10 =	simm.s32 $0x1C500;
	s11 =	simm.s32 $0x0  }
.LBB2_10:
0x5a: {  	v8 =	vld [tilespmem:s10+$0x0];
	_ =	sdelay $0x4  }
0x5b: {  	v8 =	vadd.f32 $1.000000020e-16, v8;
	_ =	sdelay $0x1  }
0x5c: {  	v9 =	vbroadcast v8, $0x0;
	_ =	sdelay $0x1  }
0x5d: {  	(erf) = vrcp.f32 v9;
	_ =	sdelay $0x2  }
0x5e: {  	s12 =	sand.u32 $0x1F800, s11;
	s15 =	sand.u32 $0x380, s4  }
0x5f: {  	s12 =	sor.u32 s15, s12  }
0x60: {  	v41 =	vld [tilespmem:s12+$0x8500];
	_ =	sdelay $0x1  }
0x61: {  	v10 =	vld [tilespmem:$0x280];
	_ =	sdelay $0x1  }
0x62: {  	v11 =	vpop (erf)  }
0x63: {  	v9 =	vmul.f32 v11, v41;
	_ =	sdelay $0x1  }
0x64: {  	v9 =	vadd.f32 v9, v10;
	_ =	sdelay $0x1  }
0x65: {  	v10 =	vmul.f32 $1.442695020e+00, v9;
	_ =	sdelay $0x1  }
0x66: {  	(erf) = vpow2.f32 v10;
	_ =	sdelay $0x8  }
0x67: {  	v10 =	vpop (erf)  }
0x68: {  	v10 =	vadd.f32 $-1.000000000e+00, v10  }
0x69: {  	vm4 =	vgt.f32 v9, $0.0e+00  }
0x6a: {  	v42 =	vld [tilespmem:s12+$0x8510];
	v9 =	vsel vm4, v9, v10  }
0x6b: {  	[tilespmem:s12+$0x8500] =	vst v9  }
0x6c: {  	v9 =	vld [tilespmem:$0x290];
	_ =	sdelay $0x2  }
0x6d: {  	v10 =	vmul.f32 v42, v11;
	_ =	sdelay $0x1  }
0x6e: {  	v9 =	vadd.f32 v9, v10;
	_ =	sdelay $0x1  }
0x6f: {  	v10 =	vmul.f32 $1.442695020e+00, v9;
	_ =	sdelay $0x1  }
0x70: {  	(erf) = vpow2.f32 v10;
	_ =	sdelay $0x8  }
0x71: {  	v10 =	vpop (erf)  }
0x72: {  	v10 =	vadd.f32 $-1.000000000e+00, v10  }
0x73: {  	vm4 =	vgt.f32 v9, $0.0e+00  }
0x74: {  	v43 =	vld [tilespmem:s12+$0x8520];
	v9 =	vsel vm4, v9, v10  }
0x75: {  	[tilespmem:s12+$0x8510] =	vst v9  }
0x76: {  	v9 =	vld [tilespmem:$0x2A0];
	_ =	sdelay $0x2  }
0x77: {  	v10 =	vmul.f32 v43, v11;
	_ =	sdelay $0x1  }
0x78: {  	v9 =	vadd.f32 v9, v10;
	_ =	sdelay $0x1  }
0x79: {  	v10 =	vmul.f32 $1.442695020e+00, v9;
	_ =	sdelay $0x1  }
0x7a: {  	(erf) = vpow2.f32 v10;
	_ =	sdelay $0x8  }
0x7b: {  	v10 =	vpop (erf)  }
0x7c: {  	v10 =	vadd.f32 $-1.000000000e+00, v10  }
0x7d: {  	vm4 =	vgt.f32 v9, $0.0e+00  }
0x7e: {  	v44 =	vld [tilespmem:s12+$0x8530];
	v9 =	vsel vm4, v9, v10  }
0x7f: {  	[tilespmem:s12+$0x8520] =	vst v9  }
0x80: {  	v9 =	vld [tilespmem:$0x2B0];
	_ =	sdelay $0x2  }
0x81: {  	v10 =	vmul.f32 v44, v11;
	_ =	sdelay $0x1  }
0x82: {  	v9 =	vadd.f32 v9, v10;
	_ =	sdelay $0x1  }
0x83: {  	v10 =	vmul.f32 $1.442695020e+00, v9;
	_ =	sdelay $0x1  }
0x84: {  	(erf) = vpow2.f32 v10;
	_ =	sdelay $0x4  }
0x85: {  	v45 =	vbroadcast v8, $0x4;
	_ =	sdelay $0x1  }
0x86: {  	(erf) = vrcp.f32 v45;
	_ =	sdelay $0x1  }
0x87: {  	v46 =	vpop (erf)  }
0x88: {  	v10 =	vadd.f32 $-1.000000000e+00, v46  }
0x89: {  	vm4 =	vgt.f32 v9, $0.0e+00  }
0x8a: {  	v47 =	vld [tilespmem:s12+$0x8540];
	v9 =	vsel vm4, v9, v10  }
0x8b: {  	[tilespmem:s12+$0x8530] =	vst v9  }
0x8c: {  	v9 =	vld [tilespmem:$0x2C0];
	_ =	sdelay $0x1  }
0x8d: {  	v48 =	vpop (erf)  }
0x8e: {  	v10 =	vmul.f32 v47, v48;
	_ =	sdelay $0x1  }
0x8f: {  	v9 =	vadd.f32 v9, v10;
	_ =	sdelay $0x1  }
0x90: {  	v10 =	vmul.f32 $1.442695020e+00, v9;
	_ =	sdelay $0x1  }
0x91: {  	(erf) = vpow2.f32 v10;
	_ =	sdelay $0x8  }
0x92: {  	v10 =	vpop (erf)  }
0x93: {  	v10 =	vadd.f32 $-1.000000000e+00, v10  }
0x94: {  	vm4 =	vgt.f32 v9, $0.0e+00  }
0x95: {  	v49 =	vld [tilespmem:s12+$0x8550];
	v9 =	vsel vm4, v9, v10  }
0x96: {  	[tilespmem:s12+$0x8540] =	vst v9  }
0x97: {  	v9 =	vld [tilespmem:$0x2D0];
	_ =	sdelay $0x2  }
0x98: {  	v10 =	vmul.f32 v49, v48;
	_ =	sdelay $0x1  }
0x99: {  	v9 =	vadd.f32 v9, v10;
	_ =	sdelay $0x1  }
0x9a: {  	v10 =	vmul.f32 $1.442695020e+00, v9;
	_ =	sdelay $0x1  }
0x9b: {  	(erf) = vpow2.f32 v10;
	_ =	sdelay $0x8  }
0x9c: {  	v10 =	vpop (erf)  }
0x9d: {  	v10 =	vadd.f32 $-1.000000000e+00, v10  }
0x9e: {  	vm4 =	vgt.f32 v9, $0.0e+00  }
0x9f: {  	v50 =	vld [tilespmem:s12+$0x8560];
	v9 =	vsel vm4, v9, v10  }
0xa0: {  	[tilespmem:s12+$0x8550] =	vst v9  }
0xa1: {  	v9 =	vld [tilespmem:$0x2E0];
	_ =	sdelay $0x2  }
0xa2: {  	v10 =	vmul.f32 v50, v48;
	_ =	sdelay $0x1  }
0xa3: {  	v9 =	vadd.f32 v9, v10;
	_ =	sdelay $0x1  }
0xa4: {  	v10 =	vmul.f32 $1.442695020e+00, v9;
	_ =	sdelay $0x1  }
0xa5: {  	(erf) = vpow2.f32 v10;
	_ =	sdelay $0x8  }
0xa6: {  	v10 =	vpop (erf)  }
0xa7: {  	v10 =	vadd.f32 $-1.000000000e+00, v10  }
0xa8: {  	vm4 =	vgt.f32 v9, $0.0e+00  }
0xa9: {  	v51 =	vld [tilespmem:s12+$0x8570];
	v9 =	vsel vm4, v9, v10  }
0xaa: {  	[tilespmem:s12+$0x8560] =	vst v9  }
0xab: {  	v9 =	vld [tilespmem:$0x2F0];
	_ =	sdelay $0x2  }
0xac: {  	v10 =	vmul.f32 v51, v48;
	_ =	sdelay $0x1  }
0xad: {  	v9 =	vadd.f32 v9, v10;
	_ =	sdelay $0x1  }
0xae: {  	v10 =	vmul.f32 $1.442695020e+00, v9;
	_ =	sdelay $0x1  }
0xaf: {  	(erf) = vpow2.f32 v10;
	_ =	sdelay $0x4  }
0xb0: {  	v52 =	vbroadcast v8, $0x8;
	_ =	sdelay $0x1  }
0xb1: {  	(erf) = vrcp.f32 v52;
	_ =	sdelay $0x1  }
0xb2: {  	v53 =	vpop (erf)  }
0xb3: {  	v10 =	vadd.f32 $-1.000000000e+00, v53  }
0xb4: {  	vm4 =	vgt.f32 v9, $0.0e+00  }
0xb5: {  	v54 =	vld [tilespmem:s12+$0x8900];
	v9 =	vsel vm4, v9, v10  }
0xb6: {  	[tilespmem:s12+$0x8570] =	vst v9  }
0xb7: {  	v9 =	vld [tilespmem:$0x300];
	_ =	sdelay $0x1  }
0xb8: {  	v55 =	vpop (erf)  }
0xb9: {  	v10 =	vmul.f32 v54, v55;
	_ =	sdelay $0x1  }
0xba: {  	v9 =	vadd.f32 v9, v10;
	_ =	sdelay $0x1  }
0xbb: {  	v10 =	vmul.f32 $1.442695020e+00, v9;
	_ =	sdelay $0x1  }
0xbc: {  	(erf) = vpow2.f32 v10;
	_ =	sdelay $0x8  }
0xbd: {  	v10 =	vpop (erf)  }
0xbe: {  	v10 =	vadd.f32 $-1.000000000e+00, v10  }
0xbf: {  	vm4 =	vgt.f32 v9, $0.0e+00  }
0xc0: {  	v56 =	vld [tilespmem:s12+$0x8910];
	v9 =	vsel vm4, v9, v10  }
0xc1: {  	[tilespmem:s12+$0x8900] =	vst v9  }
0xc2: {  	v9 =	vld [tilespmem:$0x310];
	_ =	sdelay $0x2  }
0xc3: {  	v10 =	vmul.f32 v56, v55;
	_ =	sdelay $0x1  }
0xc4: {  	v9 =	vadd.f32 v9, v10;
	_ =	sdelay $0x1  }
0xc5: {  	v10 =	vmul.f32 $1.442695020e+00, v9;
	_ =	sdelay $0x1  }
0xc6: {  	(erf) = vpow2.f32 v10;
	_ =	sdelay $0x8  }
0xc7: {  	v10 =	vpop (erf)  }
0xc8: {  	v10 =	vadd.f32 $-1.000000000e+00, v10  }
0xc9: {  	vm4 =	vgt.f32 v9, $0.0e+00  }
0xca: {  	v57 =	vld [tilespmem:s12+$0x8920];
	v9 =	vsel vm4, v9, v10  }
0xcb: {  	[tilespmem:s12+$0x8910] =	vst v9  }
0xcc: {  	v9 =	vld [tilespmem:$0x320];
	_ =	sdelay $0x2  }
0xcd: {  	v10 =	vmul.f32 v57, v55;
	_ =	sdelay $0x1  }
0xce: {  	v9 =	vadd.f32 v9, v10;
	_ =	sdelay $0x1  }
0xcf: {  	v10 =	vmul.f32 $1.442695020e+00, v9;
	_ =	sdelay $0x1  }
0xd0: {  	(erf) = vpow2.f32 v10;
	_ =	sdelay $0x8  }
0xd1: {  	v10 =	vpop (erf)  }
0xd2: {  	v10 =	vadd.f32 $-1.000000000e+00, v10  }
0xd3: {  	vm4 =	vgt.f32 v9, $0.0e+00  }
0xd4: {  	v58 =	vld [tilespmem:s12+$0x8930];
	v9 =	vsel vm4, v9, v10  }
0xd5: {  	[tilespmem:s12+$0x8920] =	vst v9  }
0xd6: {  	v9 =	vld [tilespmem:$0x330];
	_ =	sdelay $0x2  }
0xd7: {  	v10 =	vmul.f32 v58, v55;
	_ =	sdelay $0x1  }
0xd8: {  	v9 =	vadd.f32 v9, v10;
	_ =	sdelay $0x1  }
0xd9: {  	v10 =	vmul.f32 $1.442695020e+00, v9;
	_ =	sdelay $0x1  }
0xda: {  	(erf) = vpow2.f32 v10;
	_ =	sdelay $0x4  }
0xdb: {  	v8 =	vbroadcast v8, $0xC;
	_ =	sdelay $0x1  }
0xdc: {  	(erf) = vrcp.f32 v8;
	_ =	sdelay $0x1  }
0xdd: {  	v8 =	vpop (erf)  }
0xde: {  	v8 =	vadd.f32 $-1.000000000e+00, v8  }
0xdf: {  	vm4 =	vgt.f32 v9, $0.0e+00  }
0xe0: {  	v59 =	vld [tilespmem:s12+$0x8940];
	v8 =	vsel vm4, v9, v8  }
0xe1: {  	[tilespmem:s12+$0x8930] =	vst v8  }
0xe2: {  	v8 =	vld [tilespmem:$0x340];
	_ =	sdelay $0x1  }
0xe3: {  	v60 =	vpop (erf)  }
0xe4: {  	v9 =	vmul.f32 v59, v60;
	_ =	sdelay $0x1  }
0xe5: {  	v8 =	vadd.f32 v8, v9;
	_ =	sdelay $0x1  }
0xe6: {  	v9 =	vmul.f32 $1.442695020e+00, v8;
	_ =	sdelay $0x1  }
0xe7: {  	(erf) = vpow2.f32 v9;
	_ =	sdelay $0x8  }
0xe8: {  	v9 =	vpop (erf)  }
0xe9: {  	v9 =	vadd.f32 $-1.000000000e+00, v9  }
0xea: {  	vm4 =	vgt.f32 v8, $0.0e+00  }
0xeb: {  	v61 =	vld [tilespmem:s12+$0x8950];
	v8 =	vsel vm4, v8, v9  }
0xec: {  	[tilespmem:s12+$0x8940] =	vst v8  }
0xed: {  	v8 =	vld [tilespmem:$0x350];
	_ =	sdelay $0x2  }
0xee: {  	v9 =	vmul.f32 v61, v60;
	_ =	sdelay $0x1  }
0xef: {  	v8 =	vadd.f32 v8, v9;
	_ =	sdelay $0x1  }
0xf0: {  	v9 =	vmul.f32 $1.442695020e+00, v8;
	_ =	sdelay $0x1  }
0xf1: {  	(erf) = vpow2.f32 v9;
	_ =	sdelay $0x8  }
0xf2: {  	v9 =	vpop (erf)  }
0xf3: {  	v9 =	vadd.f32 $-1.000000000e+00, v9  }
0xf4: {  	vm4 =	vgt.f32 v8, $0.0e+00  }
0xf5: {  	v62 =	vld [tilespmem:s12+$0x8960];
	v8 =	vsel vm4, v8, v9  }
0xf6: {  	[tilespmem:s12+$0x8950] =	vst v8  }
0xf7: {  	v8 =	vld [tilespmem:$0x360];
	_ =	sdelay $0x2  }
0xf8: {  	v9 =	vmul.f32 v62, v60;
	_ =	sdelay $0x1  }
0xf9: {  	v8 =	vadd.f32 v8, v9;
	_ =	sdelay $0x1  }
0xfa: {  	v9 =	vmul.f32 $1.442695020e+00, v8;
	_ =	sdelay $0x1  }
0xfb: {  	(erf) = vpow2.f32 v9;
	_ =	sdelay $0x8  }
0xfc: {  	v9 =	vpop (erf)  }
0xfd: {  	v9 =	vadd.f32 $-1.000000000e+00, v9  }
0xfe: {  	vm4 =	vgt.f32 v8, $0.0e+00  }
0xff: {  	v63 =	vld [tilespmem:s12+$0x8970];
	v8 =	vsel vm4, v8, v9  }
0x100: {  	[tilespmem:s12+$0x8960] =	vst v8  }
0x101: {  	v8 =	vld [tilespmem:$0x370];
	_ =	sdelay $0x2  }
0x102: {  	v9 =	vmul.f32 v63, v60;
	_ =	sdelay $0x1  }
0x103: {  	v8 =	vadd.f32 v8, v9;
	_ =	sdelay $0x1  }
0x104: {  	v9 =	vmul.f32 $1.442695020e+00, v8;
	_ =	sdelay $0x1  }
0x105: {  	(erf) = vpow2.f32 v9;
	_ =	sdelay $0x7  }
0x106: {  	p0 =	sne.s32 s11, $0x13F00  }
.Ltmp2:
0x107: {  	v9 =	vpop (erf);
	(pc) =	sbr.rel @p0 .LBB2_10-.Ltmp2, $4  }
0x108: {  	v9 =	vadd.f32 $-1.000000000e+00, v9  }
0x109: {  	vm4 =	vgt.f32 v8, $0.0e+00  }
0x10a: {  	v8 =	vsel vm4, v8, v9  }
0x10b: {  	s4 =	sadd.s32 $0x80, s4;
	s10 =	sadd.s32 $0x10, s10;
	s11 =	sadd.s32 $0x100, s11;
	[tilespmem:s12+$0x8970] =	vst v8  }
0x10c: {  	s11 =	simm.s32 $0x0;
	s4 =	rddreg [dreg:$0x6];
	s10 =	simm.s32 $0x8500  }
0x10d: {  	[hbm4b:s4+s11] =	stream.linear.scatter [tilespmem:s10], [sflag:$0x3], $0x14000, $0x38;
	[tilespmem:$0x1D900] =	vst v63  }
0x10e: {  	_ =	swait.ge [sflag:s13], $0x14000  }
0x10f: {  	s24 =	rddreg [dreg:$0x8]  }
0x110: {  	s25 =	rddreg [dreg:$0x7];
	s10 =	sadd.s32 $0x1, s24  }
0x111: {  	p0 =	sne.s32 s10, s25  }
.Ltmp3:
0x112: {  	_ = 	snop;
	(pc) =	sbr.rel @p0 .LBB2_1-.Ltmp3, $4  }
.Ltmp4:
0x113: {  	_ = 	snop;
	(pc) =	sbr.rel @!p0 .LBB2_12-.Ltmp4, $4  }
0x114: {  	_ = 	snop  }
0x115: {  	[sflag:s13] =	ssyncset.done $0x0  }
0x116: {  	[sflag:s13] =	ssyncadd.s32 $0xFFFEC000  }
0x117: {  	_ = 	snop  }
.LBB2_8:
0x118: {  	s18 =	sadd.s32 $0x1, s18  }
0x119: {  	p0 =	sne.s32 s18, s15  }
.Ltmp5:
0x11a: {  	_ = 	snop;
	(pc) =	sbr.rel @!p0 .LBB2_9-.Ltmp5, $2  }
0x11b: {  	_ =	sdelay $0x2  }
0x11c: {  	s20 =	sadd.s32 $0x40, s20  }
.LBB2_4:
0x11d: {  	s4 =	sadd.s32 s11, s18  }
0x11e: {  	s4 =	sshll.u32 s4, $0x3  }
0x11f: {  	s4 =	sand.u32 $0x1FFFFFF8, s4  }
0x120: {  	s21 =	simm.s32 $0x380;
	s19 =	sadd.s32 s8, s4  }
0x121: {  	[tilespmem:s21], [sflag:$0x3] =	stream.linear.gather [hbm4b:s19+s17], $0x40, $0x38;
	[tilespmem:$0x1D900] =	vst v63  }
0x122: {  	_ =	swait.ge [sflag:s13], $0x40  }
0x123: {  	[sflag:s13] =	ssyncset.done $0x0  }
0x124: {  	s23 =	simm.s32 $0x400;
	s4 =	sadd.s32 s9, s4;
	[sflag:s13] =	ssyncadd.s32 $0xFFFFFFC0  }
0x125: {  	[tilespmem:s23], [sflag:$0x3] =	stream.linear.gather [hbm4b:s4+s17], $0x40, $0x38;
	[tilespmem:$0x1D900] =	vst v63  }
0x126: {  	_ =	swait.ge [sflag:s13], $0x40  }
0x127: {  	[sflag:s13] =	ssyncset.done $0x0  }
0x128: {  	s19 =	simm.s32 $0x480;
	[sflag:s13] =	ssyncadd.s32 $0xFFFFFFC0  }
0x129: {  	[tilespmem:s19], [sflag:$0x3] =	stream.linear.gather [hbm4b:s4+s17], $0x40, $0x38;
	[tilespmem:$0x1D900] =	vst v63  }
0x12a: {  	_ =	swait.ge [sflag:s13], $0x40  }
0x12b: {  	[sflag:s13] =	ssyncset.done $0x0  }
0x12c: {  	[sflag:s13] =	ssyncadd.s32 $0xFFFFFFC0  }
0x12d: {  	v8 =	vld [tilespmem:$0x380];
	_ =	sdelay $0x4  }
0x12e: {  	v9 =	vshll.u32 v8, $0x1  }
0x12f: {  	v8 =	vand.u32 $0x7, v8;
	v9 =	vand.u32 $0xFFFFFFF0, v9  }
0x130: {  	v8 =	vor.u32 v8, v9  }
0x131: {  	v9 =	vperm.xlane v8, v1;
	_ =	sdelay $0x1  }
0x132: {  	v8 =	vperm.xlane v8, v3;
	v9 =	vadd.s32 v2, v9;
	_ =	sdelay $0x1  }
0x133: {  	v8 =	vadd.s32 v2, v8;
	_ =	sdelay $0x1  }
0x134: {  	s24 =	simm.s32 $0x500  }
0x135: {  	[tilespmem:s24], [sflag:$0x1] =	stream.indirect_vreg.gather [hbm4b:s5+s17], $0x80, v9, vm0, $0xb8;
	[tilespmem:$0x1D900] =	vst v63  }
0x136: {  	s25 =	simm.s32 $0xD00  }
0x137: {  	[tilespmem:s25], [sflag:$0x1] =	stream.indirect_vreg.gather [hbm4b:s5+s17], $0x80, v8, vm0, $0xb8;
	[tilespmem:$0x1D900] =	vst v63  }
0x138: {  	v8 =	vld [tilespmem:$0x390];
	_ =	sdelay $0x4  }
0x139: {  	v57 =	vshll.u32 v8, $0x1  }
0x13a: {  	v8 =	vand.u32 $0x7, v8;
	v9 =	vand.u32 $0xFFFFFFF0, v57  }
0x13b: {  	v8 =	vor.u32 v8, v9  }
0x13c: {  	v9 =	vperm.xlane v8, v1;
	_ =	sdelay $0x1  }
0x13d: {  	v8 =	vperm.xlane v8, v3;
	v9 =	vadd.s32 v2, v9;
	_ =	sdelay $0x1  }
0x13e: {  	v8 =	vadd.s32 v2, v8;
	_ =	sdelay $0x1  }
0x13f: {  	s21 =	simm.s32 $0x1500  }
0x140: {  	[tilespmem:s21], [sflag:$0x1] =	stream.indirect_vreg.gather [hbm4b:s5+s17], $0x80, v9, vm0, $0xb8;
	[tilespmem:$0x1D900] =	vst v63  }
0x141: {  	s22 =	simm.s32 $0x1D00  }
0x142: {  	[tilespmem:s22], [sflag:$0x1] =	stream.indirect_vreg.gather [hbm4b:s5+s17], $0x80, v8, vm0, $0xb8;
	[tilespmem:$0x1D900] =	vst v63  }
0x143: {  	v8 =	vld [tilespmem:$0x3A0];
	_ =	sdelay $0x4  }
0x144: {  	v58 =	vshll.u32 v8, $0x1  }
0x145: {  	v8 =	vand.u32 $0x7, v8;
	v9 =	vand.u32 $0xFFFFFFF0, v58  }
0x146: {  	v8 =	vor.u32 v8, v9  }
0x147: {  	v9 =	vperm.xlane v8, v1;
	_ =	sdelay $0x1  }
0x148: {  	v8 =	vperm.xlane v8, v3;
	v9 =	vadd.s32 v2, v9;
	_ =	sdelay $0x1  }
0x149: {  	v8 =	vadd.s32 v2, v8;
	_ =	sdelay $0x1  }
0x14a: {  	s23 =	simm.s32 $0x2500  }
0x14b: {  	[tilespmem:s23], [sflag:$0x1] =	stream.indirect_vreg.gather [hbm4b:s5+s17], $0x80, v9, vm0, $0xb8;
	[tilespmem:$0x1D900] =	vst v63  }
0x14c: {  	s24 =	simm.s32 $0x2D00  }
0x14d: {  	[tilespmem:s24], [sflag:$0x1] =	stream.indirect_vreg.gather [hbm4b:s5+s17], $0x80, v8, vm0, $0xb8;
	[tilespmem:$0x1D900] =	vst v63  }
0x14e: {  	v8 =	vld [tilespmem:$0x3B0];
	_ =	sdelay $0x4  }
0x14f: {  	v59 =	vshll.u32 v8, $0x1  }
0x150: {  	v8 =	vand.u32 $0x7, v8;
	v9 =	vand.u32 $0xFFFFFFF0, v59  }
0x151: {  	v8 =	vor.u32 v8, v9  }
0x152: {  	v9 =	vperm.xlane v8, v1;
	_ =	sdelay $0x1  }
0x153: {  	v8 =	vperm.xlane v8, v3;
	v9 =	vadd.s32 v2, v9;
	_ =	sdelay $0x1  }
0x154: {  	v8 =	vadd.s32 v2, v8;
	_ =	sdelay $0x1  }
0x155: {  	s25 =	simm.s32 $0x3500  }
0x156: {  	[tilespmem:s25], [sflag:$0x1] =	stream.indirect_vreg.gather [hbm4b:s5+s17], $0x80, v9, vm0, $0xb8;
	[tilespmem:$0x1D900] =	vst v63  }
0x157: {  	_ = 	snop  }
0x158: {  	[tilespmem:s26], [sflag:$0x1] =	stream.indirect_vreg.gather [hbm4b:s5+s17], $0x80, v8, vm0, $0xb8;
	[tilespmem:$0x1D900] =	vst v63  }
0x159: {  	v8 =	vld [tilespmem:$0x400];
	_ =	sdelay $0x4  }
0x15a: {  	v60 =	vshll.u32 v8, $0x1  }
0x15b: {  	v8 =	vand.u32 $0x7, v8;
	v9 =	vand.u32 $0xFFFFFFF0, v60  }
0x15c: {  	v8 =	vor.u32 v8, v9  }
0x15d: {  	v9 =	vperm.xlane v8, v1;
	_ =	sdelay $0x1  }
0x15e: {  	v8 =	vperm.xlane v8, v3;
	v9 =	vadd.s32 v2, v9;
	_ =	sdelay $0x1  }
0x15f: {  	v8 =	vadd.s32 v2, v8;
	_ =	sdelay $0x2  }
0x160: {  	[tilespmem:s28], [sflag:$0x2] =	stream.indirect_vreg.gather [hbm4b:s6+s17], $0x80, v9, vm0, $0xb8;
	[tilespmem:$0x1D900] =	vst v63  }
0x161: {  	_ = 	snop  }
0x162: {  	[tilespmem:s29], [sflag:$0x2] =	stream.indirect_vreg.gather [hbm4b:s6+s17], $0x80, v8, vm0, $0xb8;
	[tilespmem:$0x1D900] =	vst v63  }
0x163: {  	v8 =	vld [tilespmem:$0x410];
	_ =	sdelay $0x4  }
0x164: {  	v61 =	vshll.u32 v8, $0x1  }
0x165: {  	v8 =	vand.u32 $0x7, v8;
	v9 =	vand.u32 $0xFFFFFFF0, v61  }
0x166: {  	v8 =	vor.u32 v8, v9  }
0x167: {  	v9 =	vperm.xlane v8, v1;
	_ =	sdelay $0x1  }
0x168: {  	v8 =	vperm.xlane v8, v3;
	v9 =	vadd.s32 v2, v9;
	_ =	sdelay $0x1  }
0x169: {  	v8 =	vadd.s32 v2, v8;
	_ =	sdelay $0x2  }
0x16a: {  	[tilespmem:s30], [sflag:$0x2] =	stream.indirect_vreg.gather [hbm4b:s6+s17], $0x80, v9, vm0, $0xb8;
	[tilespmem:$0x1D900] =	vst v63  }
0x16b: {  	_ = 	snop  }
0x16c: {  	[tilespmem:s31], [sflag:$0x2] =	stream.indirect_vreg.gather [hbm4b:s6+s17], $0x80, v8, vm0, $0xb8;
	[tilespmem:$0x1D900] =	vst v63  }
0x16d: {  	v8 =	vld [tilespmem:$0x420];
	_ =	sdelay $0x4  }
0x16e: {  	v62 =	vshll.u32 v8, $0x1  }
0x16f: {  	v8 =	vand.u32 $0x7, v8;
	v9 =	vand.u32 $0xFFFFFFF0, v62  }
0x170: {  	v8 =	vor.u32 v8, v9  }
0x171: {  	v9 =	vperm.xlane v8, v1;
	_ =	sdelay $0x1  }
0x172: {  	v8 =	vperm.xlane v8, v3;
	v9 =	vadd.s32 v2, v9;
	_ =	sdelay $0x1  }
0x173: {  	v8 =	vadd.s32 v2, v8;
	_ =	sdelay $0x2  }
0x174: {  	[tilespmem:s0], [sflag:$0x2] =	stream.indirect_vreg.gather [hbm4b:s6+s17], $0x80, v9, vm0, $0xb8;
	[tilespmem:$0x1D900] =	vst v63  }
0x175: {  	_ = 	snop  }
0x176: {  	[tilespmem:s2], [sflag:$0x2] =	stream.indirect_vreg.gather [hbm4b:s6+s17], $0x80, v8, vm0, $0xb8;
	[tilespmem:$0x1D900] =	vst v63  }
0x177: {  	v8 =	vld [tilespmem:$0x430];
	_ =	sdelay $0x4  }
0x178: {  	v63 =	vshll.u32 v8, $0x1  }
0x179: {  	v8 =	vand.u32 $0x7, v8;
	v9 =	vand.u32 $0xFFFFFFF0, v63  }
0x17a: {  	v8 =	vor.u32 v8, v9  }
0x17b: {  	v9 =	vperm.xlane v8, v1;
	_ =	sdelay $0x1  }
0x17c: {  	v8 =	vperm.xlane v8, v3;
	v9 =	vadd.s32 v2, v9;
	_ =	sdelay $0x1  }
0x17d: {  	v8 =	vadd.s32 v2, v8;
	_ =	sdelay $0x2  }
0x17e: {  	[tilespmem:s1], [sflag:$0x2] =	stream.indirect_vreg.gather [hbm4b:s6+s17], $0x80, v9, vm0, $0xb8;
	[tilespmem:$0x1D900] =	vst v63  }
0x17f: {  	_ = 	snop  }
0x180: {  	[tilespmem:s3], [sflag:$0x2] =	stream.indirect_vreg.gather [hbm4b:s6+s17], $0x80, v8, vm0, $0xb8;
	[tilespmem:$0x1D900] =	vst v63  }
0x181: {  	_ =	swait.ge [sflag:s16], $0x4000  }
.Ltmp6:
0x182: {  	[sflag:s16] =	ssyncset.done $0x0;
	(pc) =	sbr.rel .LBB2_5-.Ltmp6, $4  }
0x183: {  	[sflag:s16] =	ssyncadd.s32 $0xFFFFC000  }
0x184: {  	_ =	swait.ge [sflag:s14], $0x4000  }
0x185: {  	s4 =	smov.u32 s20;
	[sflag:s14] =	ssyncset.done $0x0  }
0x186: {  	s21 =	simm.s32 $0x0;
	s22 =	simm.s32 $0x0;
	[sflag:s14] =	ssyncadd.s32 $0xFFFFC000  }
.LBB2_7:
0x187: {  	s22 =	sadd.s32 $0x100, s22  }
0x188: {  	p0 =	sne.s32 s22, $0x4000  }
.Ltmp7:
0x189: {  	_ = 	snop;
	(pc) =	sbr.rel @!p0 .LBB2_8-.Ltmp7, $2  }
0x18a: {  	_ =	sdelay $0x2  }
0x18b: {  	s21 =	sadd.s32 $0x80, s21;
	s19 =	sadd.s32 $0x1, s19;
	s4 =	sadd.s32 $0x1, s4  }
.LBB2_5:
0x18c: {  	p0 =	slt.s32 s4, s10  }
0x18d: {  	p1 =	sge.s32 @!p0 s4, s12  }
0x18e: {  	p0 =	por p0, p1  }
.Ltmp8:
0x18f: {  	_ = 	snop;
	(pc) =	sbr.rel @p0 .LBB2_7-.Ltmp8, $1  }
0x190: {  	_ =	sdelay $0x3  }
0x191: {  	v24 =	vld [tilespmem:$0x180]  }
0x192: {  	v26 =	vld [tilespmem:$0x190]  }
0x193: {  	s23 =	sand.u32 $0x3800, s22;
	s24 =	sand.u32 $0x380, s21;
	v28 =	vld [tilespmem:$0x1A0]  }
0x194: {  	v30 =	vld [tilespmem:$0x1B0];
	s23 =	sor.u32 s24, s23  }
0x195: {  	v22 =	vld [tilespmem:s23+$0x500]  }
0x196: {  	v21 =	vld [tilespmem:s23+$0x510]  }
0x197: {  	v20 =	vld [tilespmem:s23+$0x520]  }
0x198: {  	v19 =	vld [tilespmem:s23+$0x530]  }
0x199: {  	v18 =	vld [tilespmem:s23+$0x540]  }
0x19a: {  	v17 =	vld [tilespmem:s23+$0x550]  }
0x19b: {  	v16 =	vld [tilespmem:s23+$0x560]  }
0x19c: {  	v15 =	vld [tilespmem:s23+$0x570]  }
0x19d: {  	v14 =	vld [tilespmem:s23+$0x900]  }
0x19e: {  	v12 =	vld [tilespmem:s23+$0x920]  }
0x19f: {  	v23 =	vld [tilespmem:s23+$0x4500]  }
0x1a0: {  	v25 =	vld [tilespmem:s23+$0x4510]  }
0x1a1: {  	v27 =	vld [tilespmem:s23+$0x4520]  }
0x1a2: {  	v29 =	vld [tilespmem:s23+$0x4530]  }
0x1a3: {  	v32 =	vld [tilespmem:s23+$0x4540]  }
0x1a4: {  	v34 =	vld [tilespmem:s23+$0x4550]  }
0x1a5: {  	v35 =	vld [tilespmem:s23+$0x4560]  }
0x1a6: {  	v52 =	vld [tilespmem:s23+$0x4570]  }
0x1a7: {  	v37 =	vld [tilespmem:s23+$0x4900];
	v23 =	vadd.f32 v23, v22  }
0x1a8: {  	v38 =	vld [tilespmem:s23+$0x4920];
	v25 =	vadd.f32 v25, v21;
	v27 =	vadd.f32 v27, v20  }
0x1a9: {  	v33 =	vld [tilespmem:$0x1C0];
	v29 =	vadd.f32 v29, v19;
	v49 =	vadd.f32 v32, v18  }
0x1aa: {  	v48 =	vld [tilespmem:$0x1D0];
	v34 =	vadd.f32 v34, v17;
	v53 =	vadd.f32 v35, v16;
	v31 =	vmul.f32 $2.000000030e-01, v23  }
0x1ab: {  	v50 =	vld [tilespmem:$0x1E0];
	v32 =	vadd.f32 v52, v15;
	v46 =	vmul.f32 $2.000000030e-01, v25;
	v47 =	vmul.f32 $2.000000030e-01, v27  }
0x1ac: {  	v13 =	vld [tilespmem:s23+$0x910];
	v60 =	vadd.f32 v37, v14;
	v51 =	vmul.f32 $2.000000030e-01, v29;
	v36 =	vmul.f32 $2.000000030e-01, v49  }
0x1ad: {  	v11 =	vld [tilespmem:s23+$0x930];
	v38 =	vadd.f32 v38, v12;
	v56 =	vmul.f32 $2.000000030e-01, v34;
	v58 =	vmul.f32 $2.000000030e-01, v53  }
0x1ae: {  	v63 =	vld [tilespmem:s23+$0x4930];
	vm4 =	vge.f32 v23, $0.0e+00;
	v62 =	vmul.f32 $2.000000030e-01, v32;
	v39 =	vmul.f32 $2.000000030e-01, v60  }
0x1af: {  	v57 =	vld [tilespmem:s23+$0x4910];
	v44 =	vmul.f32 $2.000000030e-01, v38;
	v23 =	vsel vm4, v23, v31;
	vm4 =	vge.f32 v25, $0.0e+00  }
0x1b0: {  	v54 =	vld [tilespmem:$0x1F0];
	v24 =	vmul.f32 v23, v24;
	v25 =	vsel vm4, v25, v46;
	vm4 =	vge.f32 v27, $0.0e+00  }
0x1b1: {  	v10 =	vld [tilespmem:s23+$0x940];
	v25 =	vmul.f32 v25, v26;
	v23 =	vsel vm4, v27, v47;
	vm4 =	vge.f32 v29, $0.0e+00  }
0x1b2: {  	v40 =	vld [tilespmem:s23+$0x4940];
	v28 =	vmul.f32 v23, v28;
	v23 =	vsel vm4, v29, v51;
	vm4 =	vge.f32 v49, $0.0e+00  }
0x1b3: {  	v59 =	vld [tilespmem:$0x200];
	v46 =	vadd.f32 v63, v11;
	v30 =	vmul.f32 v23, v30;
	v55 =	vsel vm4, v49, v36  }
0x1b4: {  	v9 =	vld [tilespmem:s23+$0x950];
	vm4 =	vge.f32 v34, $0.0e+00;
	v36 =	vadd.f32 v57, v13;
	v24 =	vadd.f32 v25, v24  }
0x1b5: {  	v45 =	vld [tilespmem:s23+$0x4950];
	v33 =	vmul.f32 v55, v33;
	v26 =	vsel vm4, v34, v56;
	vm4 =	vge.f32 v53, $0.0e+00  }
0x1b6: {  	v8 =	vld [tilespmem:s23+$0x960];
	v26 =	vmul.f32 v26, v48;
	v23 =	vsel vm4, v53, v58;
	vm4 =	vge.f32 v32, $0.0e+00  }
0x1b7: {  	v49 =	vld [tilespmem:s23+$0x4960];
	v43 =	vmul.f32 $2.000000030e-01, v36;
	v48 =	vadd.f32 v40, v10;
	v28 =	vadd.f32 v30, v28  }
0x1b8: {  	v61 =	vld [tilespmem:$0x210];
	v27 =	vmul.f32 v23, v50;
	v32 =	vsel vm4, v32, v62;
	vm4 =	vge.f32 v60, $0.0e+00  }
0x1b9: {  	v41 =	vld [tilespmem:$0x220];
	v50 =	vmul.f32 $2.000000030e-01, v46;
	v32 =	vmul.f32 v32, v54;
	v29 =	vsel vm4, v60, v39  }
0x1ba: {  	v47 =	vld [tilespmem:$0x230];
	vm4 =	vge.f32 v36, $0.0e+00;
	v52 =	vmul.f32 $2.000000030e-01, v48;
	v39 =	vadd.f32 v45, v9  }
0x1bb: {  	v53 =	vld [tilespmem:s23+$0x4970];
	v24 =	vadd.f32 v28, v24;
	v26 =	vadd.f32 v26, v33;
	v29 =	vmul.f32 v29, v59  }
0x1bc: {  	v23 =	vld [tilespmem:s23+$0x970];
	v35 =	vsel vm4, v36, v43;
	vm4 =	vge.f32 v38, $0.0e+00;
	v56 =	vadd.f32 v49, v8  }
0x1bd: {  	v51 =	vld [tilespmem:$0x240];
	v31 =	vmul.f32 v35, v61;
	v34 =	vsel vm4, v38, v44;
	vm4 =	vge.f32 v46, $0.0e+00  }
0x1be: {  	v54 =	vld [tilespmem:$0x250];
	v55 =	vmul.f32 $2.000000030e-01, v39;
	v57 =	vperm.xlane v24, v4;
	v27 =	vadd.f32 v32, v27  }
0x1bf: {  	v34 =	vmul.f32 v34, v41;
	v36 =	vsel vm4, v46, v50;
	vm4 =	vge.f32 v48, $0.0e+00  }
0x1c0: {  	v59 =	vmul.f32 $2.000000030e-01, v56;
	v36 =	vmul.f32 v36, v47;
	v25 =	vsel vm4, v48, v52  }
0x1c1: {  	v58 =	vld [tilespmem:$0x260];
	vm4 =	vge.f32 v39, $0.0e+00;
	v30 =	vadd.f32 v53, v23;
	v24 =	vadd.f32 v57, v24  }
0x1c2: {  	v60 =	vld [tilespmem:$0x270];
	v26 =	vadd.f32 v27, v26;
	v25 =	vmul.f32 v25, v51;
	v28 =	vsel vm4, v39, v55  }
0x1c3: {  	v61 =	vld [tilespmem:s19+$0x0];
	v29 =	vadd.f32 v31, v29;
	v28 =	vmul.f32 v28, v54;
	v62 =	vmul.f32 $2.000000030e-01, v30  }
0x1c4: {  	vm4 =	vge.f32 v56, $0.0e+00;
	v63 =	vperm.xlane v24, v5;
	v40 =	vperm.xlane v26, v4  }
0x1c5: {  	v33 =	vsel vm4, v56, v59;
	vm4 =	vge.f32 v30, $0.0e+00;
	v41 =	vadd.f32 v36, v34  }
0x1c6: {  	v30 =	vsel vm4, v30, v62;
	v24 =	vadd.f32 v63, v24;
	v26 =	vadd.f32 v40, v26  }
0x1c7: {  	v32 =	vmul.f32 v33, v58;
	v29 =	vadd.f32 v41, v29;
	v30 =	vmul.f32 v30, v60  }
0x1c8: {  	(v2sf) =	vpush v61, $0x0;
	v42 =	vperm.xlane v24, v6;
	v43 =	vperm.xlane v26, v5  }
0x1c9: {  	v25 =	vadd.f32 v28, v25;
	v44 =	vperm.xlane v29, v4;
	v45 =	vadd.f32 v30, v32  }
0x1ca: {  	v24 =	vadd.f32 v42, v24;
	v26 =	vadd.f32 v43, v26  }
0x1cb: {  	v46 =	vadd.f32 v44, v29;
	v25 =	vadd.f32 v45, v25  }
0x1cc: {  	v47 =	vperm.xlane v24, v7;
	v48 =	vperm.xlane v26, v6  }
0x1cd: {  	v49 =	vperm.xlane v46, v5;
	v50 =	vperm.xlane v25, v4  }
0x1ce: {  	v24 =	vadd.f32 v47, v24;
	v26 =	vadd.f32 v48, v26  }
0x1cf: {  	v27 =	vadd.f32 v49, v46;
	v25 =	vadd.f32 v50, v25  }
0x1d0: {  	v24 =	vmul.f32 $1.442695020e+00, v24;
	v51 =	vperm.xlane v26, v7  }
0x1d1: {  	v52 =	vperm.xlane v27, v6;
	v53 =	vperm.xlane v25, v5  }
0x1d2: {  	v26 =	vadd.f32 v51, v26  }
0x1d3: {  	(erf) = vpow2.f32 v24;
	v54 =	vadd.f32 v52, v27;
	v25 =	vadd.f32 v53, v25  }
0x1d4: {  	v26 =	vmul.f32 $1.442695020e+00, v26  }
0x1d5: {  	v27 =	vperm.xlane v54, v7;
	v55 =	vperm.xlane v25, v6;
	_ =	sdelay $0x1  }
0x1d6: {  	(erf) = vpow2.f32 v26;
	v24 =	vadd.f32 v27, v54;
	v25 =	vadd.f32 v55, v25;
	_ =	sdelay $0x1  }
0x1d7: {  	v24 =	vmul.f32 $1.442695020e+00, v24;
	v56 =	vperm.xlane v25, v7  }
0x1d8: {  	s23 =	spop (v2sf)  }
0x1d9: {  	s24 =	ssub.s32 s23, s7;
	(erf) = vpow2.f32 v24;
	v57 =	vadd.f32 v56, v25  }
0x1da: {  	s23 =	sshll.u32 s23, $0x7;
	s25 =	sshll.u32 s24, $0x8;
	v58 =	vpop (erf)  }
0x1db: {  	s23 =	sand.u32 $0x380, s23;
	s25 =	sand.u32 $0xFFFFF800, s25;
	v22 =	vmul.f32 v58, v22;
	v24 =	vmul.f32 $1.442695020e+00, v57  }
0x1dc: {  	s23 =	sor.u32 s23, s25;
	v21 =	vmul.f32 v58, v21  }
0x1dd: {  	v20 =	vmul.f32 v58, v20;
	[tilespmem:s23+$0x8500] =	vst.add.f32.msk $0xffff, v22;
	(erf) = vpow2.f32 v24  }
0x1de: {  	v19 =	vmul.f32 v58, v19;
	[tilespmem:s23+$0x8510] =	vst.add.f32.msk $0xffff, v21;
	v59 =	vpop (erf)  }
0x1df: {  	[tilespmem:s23+$0x8520] =	vst.add.f32.msk $0xffff, v20;
	v18 =	vmul.f32 v59, v18  }
0x1e0: {  	[tilespmem:s23+$0x8530] =	vst.add.f32.msk $0xffff, v19;
	v17 =	vmul.f32 v59, v17  }
0x1e1: {  	v16 =	vmul.f32 v59, v16;
	[tilespmem:s23+$0x8540] =	vst.add.f32.msk $0xffff, v18  }
0x1e2: {  	v15 =	vmul.f32 v59, v15;
	[tilespmem:s23+$0x8550] =	vst.add.f32.msk $0xffff, v17;
	v60 =	vpop (erf)  }
0x1e3: {  	[tilespmem:s23+$0x8560] =	vst.add.f32.msk $0xffff, v16;
	v14 =	vmul.f32 v60, v14  }
0x1e4: {  	[tilespmem:s23+$0x8570] =	vst.add.f32.msk $0xffff, v15;
	v13 =	vmul.f32 v60, v13  }
0x1e5: {  	v12 =	vmul.f32 v60, v12;
	[tilespmem:s23+$0x8900] =	vst.add.f32.msk $0xffff, v14  }
0x1e6: {  	v11 =	vmul.f32 v60, v11;
	[tilespmem:s23+$0x8910] =	vst.add.f32.msk $0xffff, v13;
	v61 =	vpop (erf)  }
0x1e7: {  	[tilespmem:s23+$0x8920] =	vst.add.f32.msk $0xffff, v12;
	v10 =	vmul.f32 v61, v10  }
0x1e8: {  	[tilespmem:s23+$0x8930] =	vst.add.f32.msk $0xffff, v11;
	v9 =	vmul.f32 v61, v9  }
.Ltmp9:
0x1e9: {  	v8 =	vmul.f32 v61, v8;
	[tilespmem:s23+$0x8940] =	vst.add.f32.msk $0xffff, v10;
	(pc) =	sbr.rel .LBB2_7-.Ltmp9, $4  }
0x1ea: {  	v62 =	vmul.f32 v61, v23;
	v63 =	vsel vm1, v60, v61;
	[tilespmem:s23+$0x8950] =	vst.add.f32.msk $0xffff, v9  }
0x1eb: {  	s24 =	sshll.u32 s24, $0x6;
	[tilespmem:s23+$0x8960] =	vst.add.f32.msk $0xffff, v8;
	v8 =	vsel vm2, v59, v63  }
0x1ec: {  	s25 =	sshra.s32 s24, $0x2;
	[tilespmem:s23+$0x8970] =	vst.add.f32.msk $0xffff, v62;
	v8 =	vsel vm3, v58, v8  }
0x1ed: {  	[tilespmem:s25+$0x1C500] =	vst.add.f32.msk $0xffff, v8  }
.LBB2_12:
0x1ee: {  	_ =	sfence.sel $0x180000  }
0x1ef: {  	[bflag:$0x0] =	sbarrier.arrive $0xFFFF  }
0x1f0: {  	_ =	strace $0x9000004D  }
0x1f1: {  	s0 =	stileid.u32;
	[bflag:$0x2] =	sbarrier.arrive $0xFFFF  }
0x1f2: {  	p0 =	sne.s32 s0, $0x0;
	s0 =	rddreg [dreg:$0x4]  }
0x1f3: {  	s0 =	sadd.s32 @!p0 $0x100000, s0  }
0x1f4: {  	[sflag:s0] =	ssyncadd.tile.s32 @!p0 $0x1;
	_ =	shalt  }
.Lfunc_end2:
_tile_overlayer_lowered:
.L_overlay_start_2:
0x1f5: {  	(tag) =	ssettag $0x2  }
0x1f6: {  	s0 =	rddreg [dreg:$0x0];
	s2 =	stileid.u32  }
0x1f7: {  	s1 =	rddreg [dreg:$0x1];
	p0 =	sne.s32 s2, $0x0  }
0x1f8: {  	s3 =	rddreg [dreg:$0x2];
	[bflag:$0x3] =	sbarrier.arrive $0xFFFF;
	s2 =	simm.s32 @!p0 $0x1C03  }
0x1f9: {  	[timem:s3], [sflag:s2] =	dma.local @!p0 [hbm:s0], s1  }
0x1fa: {  	s0 =	simm.s32 @!p0 $0x3  }
0x1fb: {  	_ =	swait.ge @!p0 [sflag:s0], s1  }
0x1fc: {  	s1 =	ssub.s32 @!p0 $0x0, s1;
	[sflag:s0] =	ssyncset.done @!p0 $0x0  }
0x1fd: {  	[sflag:s0] =	ssyncadd.s32 @!p0 s1  }
0x1fe: {  	[bflag:$0x3] =	sbarrier.arrive $0xFFFF  }
0x1ff: {  	_ =	shalt  }

</sc_bundles>
